<compile_context>
chip_gen: v7x
topology: tpu7x:2x2x1
jax: 0.10.2.dev20260603
libtpu: 0.0.44.dev20260713+nightly
codegen_flags: <defaults>
</compile_context>

<pallas_src>
import functools

import numpy as np

import jax
import jax.numpy as jnp
from jax import lax
from jax.experimental import pallas as pl
from jax.experimental.pallas import tpu as pltpu
from jax.experimental.pallas import tpu_sc as plsc

N_NODES = 10000
N_PAD = 10240
ROWS_PER_TILE = N_PAD // 16
N_EDGES = 320000
CHUNK = 128
CH_PER_W = 80
N_WORKERS = 32
D = 128
CH_MAIN = 2496
E_MAIN = CH_MAIN * CHUNK
CH_TAIL = (N_EDGES - E_MAIN) // CHUNK

_mesh = plsc.VectorSubcoreMesh(core_axis_name="c", subcore_axis_name="s")


def _zero_vmem_2d(ref, n_rows):
    z = jnp.zeros((16,), jnp.float32)

    def body(r, _):
        for k in range(8):
            ref[r, pl.ds(k * 16, 16)] = z
        return 0

    lax.fori_loop(0, n_rows, body, 0)


@functools.partial(
    pl.kernel,
    out_type=(
        jax.ShapeDtypeStruct((N_PAD,), jnp.float32),
        jax.ShapeDtypeStruct((N_PAD,), jnp.float32),
    ),
    mesh=_mesh,
    scratch_types=[
        pltpu.VMEM((CH_PER_W, CHUNK), jnp.int32),
        pltpu.VMEM((CHUNK,), jnp.float32),
        pltpu.VMEM((ROWS_PER_TILE,), jnp.float32),
        pltpu.VMEM_SHARED((N_PAD,), jnp.float32),
        pltpu.SemaphoreType.DMA,
    ],
)
def _hist(dst_hbm, dstt_hbm, out0_hbm, out1_hbm, dst_v, ones_v, zb_v,
          hist_sh, sem):
    c = lax.axis_index("c")
    s = lax.axis_index("s")
    w = c * 16 + s
    last = w == N_WORKERS - 1
    n_ch = jnp.where(last, 16 + CH_TAIL, CH_PER_W)

    one = jnp.ones((16,), jnp.float32)
    zero = jnp.zeros((16,), jnp.float32)
    for k in range(8):
        ones_v[pl.ds(k * 16, 16)] = one

    def zb_body(i, _):
        zb_v[pl.ds(i * 16, 16)] = zero
        return 0

    lax.fori_loop(0, ROWS_PER_TILE // 16, zb_body, 0)
    pltpu.sync_copy(zb_v, hist_sh.at[pl.ds(s * ROWS_PER_TILE, ROWS_PER_TILE)])
    plsc.subcore_barrier()

    @pl.when(jnp.logical_not(last))
    def _():
        pltpu.sync_copy(dst_hbm.at[pl.ds(w * CH_PER_W, CH_PER_W)], dst_v)

    @pl.when(last)
    def _():
        pltpu.sync_copy(
            dst_hbm.at[pl.ds(CH_MAIN - 16, 16)], dst_v.at[pl.ds(0, 16)]
        )
        pltpu.sync_copy(dstt_hbm, dst_v.at[pl.ds(16, CH_TAIL)])

    def body(j, _):
        pltpu.async_copy(ones_v, hist_sh.at[dst_v.at[j]], sem, add=True)

        @pl.when(j >= 8)
        def _():
            pltpu.make_async_copy(ones_v, hist_sh.at[dst_v.at[0]], sem).wait()

        return 0

    lax.fori_loop(0, n_ch, body, 0)
    for _ in range(8):
        pltpu.make_async_copy(ones_v, hist_sh.at[dst_v.at[0]], sem).wait()
    plsc.subcore_barrier()

    @pl.when(c == 0)
    def _():
        pltpu.sync_copy(
            hist_sh.at[pl.ds(s * ROWS_PER_TILE, ROWS_PER_TILE)],
            out0_hbm.at[pl.ds(s * ROWS_PER_TILE, ROWS_PER_TILE)],
        )

    @pl.when(c == 1)
    def _():
        pltpu.sync_copy(
            hist_sh.at[pl.ds(s * ROWS_PER_TILE, ROWS_PER_TILE)],
            out1_hbm.at[pl.ds(s * ROWS_PER_TILE, ROWS_PER_TILE)],
        )


@functools.partial(
    pl.kernel,
    out_type=(
        jax.ShapeDtypeStruct((N_PAD, D), jnp.float32),
        jax.ShapeDtypeStruct((N_PAD, D), jnp.float32),
    ),
    mesh=_mesh,
    scratch_types=[
        pltpu.VMEM((CH_PER_W // 2, CHUNK), jnp.int32),
        pltpu.VMEM((CH_PER_W // 2, CHUNK), jnp.int32),
        pltpu.VMEM((CHUNK, D), jnp.float32),
        pltpu.VMEM((CHUNK, D), jnp.float32),
        pltpu.VMEM_SHARED((N_PAD, D), jnp.float32),
        pltpu.SemaphoreType.DMA,
        pltpu.SemaphoreType.DMA,
    ],
)
def _agg(y_hbm, src_hbm, dst_hbm, srct_hbm, dstt_hbm, out0_hbm, out1_hbm,
         src_v, dst_v, rows_a, rows_b, acc_sh, gsem_a, gsem_b):
    c = lax.axis_index("c")
    s = lax.axis_index("s")
    w = c * 16 + s
    last = w == N_WORKERS - 1
    half_n = CH_PER_W // 2

    _zero_vmem_2d(rows_a, CHUNK)
    for i in range(ROWS_PER_TILE // CHUNK):
        pltpu.sync_copy(
            rows_a, acc_sh.at[pl.ds(s * ROWS_PER_TILE + i * CHUNK, CHUNK)]
        )
    plsc.subcore_barrier()

    def _gwait(rows, gsem):
        pltpu.make_async_copy(y_hbm.at[src_v.at[0]], rows, gsem).wait()

    for half in range(2):
        base = w * CH_PER_W + half * half_n
        if half == 0:
            n_pairs = jnp.where(last, (16 + CH_TAIL) // 2, half_n // 2)
            active = w >= 0

            @pl.when(jnp.logical_not(last))
            def _():
                pltpu.sync_copy(src_hbm.at[pl.ds(base, half_n)], src_v)
                pltpu.sync_copy(dst_hbm.at[pl.ds(base, half_n)], dst_v)

            @pl.when(last)
            def _():
                pltpu.sync_copy(
                    src_hbm.at[pl.ds(CH_MAIN - 16, 16)],
                    src_v.at[pl.ds(0, 16)],
                )
                pltpu.sync_copy(
                    dst_hbm.at[pl.ds(CH_MAIN - 16, 16)],
                    dst_v.at[pl.ds(0, 16)],
                )
                pltpu.sync_copy(srct_hbm, src_v.at[pl.ds(16, CH_TAIL)])
                pltpu.sync_copy(dstt_hbm, dst_v.at[pl.ds(16, CH_TAIL)])
        else:
            n_pairs = jnp.where(last, 0, half_n // 2)
            active = jnp.logical_not(last)

            @pl.when(active)
            def _():
                pltpu.sync_copy(src_hbm.at[pl.ds(base, half_n)], src_v)
                pltpu.sync_copy(dst_hbm.at[pl.ds(base, half_n)], dst_v)

        @pl.when(active)
        def _():
            pltpu.async_copy(y_hbm.at[src_v.at[0]], rows_a, gsem_a)
            pltpu.async_copy(y_hbm.at[src_v.at[1]], rows_b, gsem_b)

        def body(p, _):
            j = 2 * p
            _gwait(rows_a, gsem_a)
            pltpu.sync_copy(rows_a, acc_sh.at[dst_v.at[j]], add=True)

            @pl.when(p + 1 < n_pairs)
            def _():
                pltpu.async_copy(y_hbm.at[src_v.at[j + 2]], rows_a, gsem_a)

            _gwait(rows_b, gsem_b)
            pltpu.sync_copy(rows_b, acc_sh.at[dst_v.at[j + 1]], add=True)

            @pl.when(p + 1 < n_pairs)
            def _():
                pltpu.async_copy(y_hbm.at[src_v.at[j + 3]], rows_b, gsem_b)

            return 0

        lax.fori_loop(0, n_pairs, body, 0)
    plsc.subcore_barrier()

    @pl.when(c == 0)
    def _():
        pltpu.sync_copy(
            acc_sh.at[pl.ds(s * ROWS_PER_TILE, ROWS_PER_TILE)],
            out0_hbm.at[pl.ds(s * ROWS_PER_TILE, ROWS_PER_TILE)],
        )

    @pl.when(c == 1)
    def _():
        pltpu.sync_copy(
            acc_sh.at[pl.ds(s * ROWS_PER_TILE, ROWS_PER_TILE)],
            out1_hbm.at[pl.ds(s * ROWS_PER_TILE, ROWS_PER_TILE)],
        )


_R = 2000


def _mm_first_body(x_ref, w_ref, d0_ref, d1_ref, o_ref):
    deg = 1.0 + d0_ref[...] + d1_ref[...]
    dis = lax.rsqrt(deg)
    y = jnp.dot(x_ref[...], w_ref[...], preferred_element_type=jnp.float32)
    o_ref[...] = y * dis


def _mm_first(x, w, d0, d1):
    return pl.pallas_call(
        _mm_first_body,
        grid=(N_NODES // _R,),
        in_specs=[
            pl.BlockSpec((_R, D), lambda i: (i, 0)),
            pl.BlockSpec((D, D), lambda i: (0, 0)),
            pl.BlockSpec((_R, 1), lambda i: (i, 0)),
            pl.BlockSpec((_R, 1), lambda i: (i, 0)),
        ],
        out_specs=pl.BlockSpec((_R, D), lambda i: (i, 0)),
        out_shape=jax.ShapeDtypeStruct((N_NODES, D), jnp.float32),
    )(x, w, d0, d1)


def _mm_mid_body(a0_ref, a1_ref, y_ref, d0_ref, d1_ref, b_ref, w_ref, o_ref):
    deg = 1.0 + d0_ref[...] + d1_ref[...]
    dis = lax.rsqrt(deg)
    h = (a0_ref[...] + a1_ref[...] + y_ref[...]) * dis + b_ref[...]
    h = jnp.maximum(h, 0.0)
    o_ref[...] = (
        jnp.dot(h, w_ref[...], preferred_element_type=jnp.float32) * dis
    )


def _mm_mid(a0, a1, y, d0, d1, b, w):
    return pl.pallas_call(
        _mm_mid_body,
        grid=(N_NODES // _R,),
        in_specs=[
            pl.BlockSpec((_R, D), lambda i: (i, 0)),
            pl.BlockSpec((_R, D), lambda i: (i, 0)),
            pl.BlockSpec((_R, D), lambda i: (i, 0)),
            pl.BlockSpec((_R, 1), lambda i: (i, 0)),
            pl.BlockSpec((_R, 1), lambda i: (i, 0)),
            pl.BlockSpec((1, D), lambda i: (0, 0)),
            pl.BlockSpec((D, D), lambda i: (0, 0)),
        ],
        out_specs=pl.BlockSpec((_R, D), lambda i: (i, 0)),
        out_shape=jax.ShapeDtypeStruct((N_NODES, D), jnp.float32),
    )(a0, a1, y, d0, d1, b, w)


def _final_body(a0_ref, a1_ref, y_ref, d0_ref, d1_ref, b_ref, o_ref):
    deg = 1.0 + d0_ref[...] + d1_ref[...]
    dis = lax.rsqrt(deg)
    h = (a0_ref[...] + a1_ref[...] + y_ref[...]) * dis + b_ref[...]
    o_ref[...] = jnp.maximum(h, 0.0)


def _final(a0, a1, y, d0, d1, b):
    return pl.pallas_call(
        _final_body,
        grid=(N_NODES // _R,),
        in_specs=[
            pl.BlockSpec((_R, D), lambda i: (i, 0)),
            pl.BlockSpec((_R, D), lambda i: (i, 0)),
            pl.BlockSpec((_R, D), lambda i: (i, 0)),
            pl.BlockSpec((_R, 1), lambda i: (i, 0)),
            pl.BlockSpec((_R, 1), lambda i: (i, 0)),
            pl.BlockSpec((1, D), lambda i: (0, 0)),
        ],
        out_specs=pl.BlockSpec((_R, D), lambda i: (i, 0)),
        out_shape=jax.ShapeDtypeStruct((N_NODES, D), jnp.float32),
    )(a0, a1, y, d0, d1, b)


def kernel(mesh_node_features, edge_index, W1, b1, W2, b2, W3, b3):
    ei = edge_index.astype(jnp.int32)
    src_m = ei[0, :E_MAIN].reshape(CH_MAIN, CHUNK)
    dst_m = ei[1, :E_MAIN].reshape(CH_MAIN, CHUNK)
    src_t = ei[0, E_MAIN:].reshape(CH_TAIL, CHUNK)
    dst_t = ei[1, E_MAIN:].reshape(CH_TAIL, CHUNK)

    h0, h1 = _hist(dst_m, dst_t)
    d0 = h0.reshape(N_PAD, 1)
    d1 = h1.reshape(N_PAD, 1)

    y1 = _mm_first(mesh_node_features, W1, d0, d1)
    a0, a1 = _agg(y1, src_m, dst_m, src_t, dst_t)
    b1r = b1.reshape(1, D)
    b2r = b2.reshape(1, D)
    b3r = b3.reshape(1, D)
    y2 = _mm_mid(a0, a1, y1, d0, d1, b1r, W2)
    a0, a1 = _agg(y2, src_m, dst_m, src_t, dst_t)
    y3 = _mm_mid(a0, a1, y2, d0, d1, b2r, W3)
    a0, a1 = _agg(y3, src_m, dst_m, src_t, dst_t)
    return _final(a0, a1, y3, d0, d1, b3r)

# --- scband reference (transcript-rebuilt; emitter-appended) ---
"""Pipeline reference for scband-simple-processor-21354577395753 (READ-ONLY COPY).

The authoritative reference and input builder live on the scoring server;
editing this copy changes nothing except your own understanding.
"""

import jax, jax.numpy as jnp
import numpy as np

N_NODES = 10000
N_EDGES = 320000
D_IN = 128
D_HID = 128
D_OUT = 128


def setup_inputs(seed: int = 0) -> dict:
    key = jax.random.key(seed)
    ks = jax.random.split(key, 8)
    x = jax.random.normal(ks[0], (N_NODES, D_IN), dtype=jnp.float32)
    edge_index = jax.random.randint(ks[1], (2, N_EDGES), 0, N_NODES, dtype=jnp.int32)
    s1 = 1.0 / np.sqrt(D_IN)
    s2 = 1.0 / np.sqrt(D_HID)
    W1 = jax.random.normal(ks[2], (D_IN, D_HID), dtype=jnp.float32) * s1
    b1 = jnp.zeros((D_HID,), dtype=jnp.float32)
    W2 = jax.random.normal(ks[3], (D_HID, D_HID), dtype=jnp.float32) * s2
    b2 = jnp.zeros((D_HID,), dtype=jnp.float32)
    W3 = jax.random.normal(ks[4], (D_HID, D_OUT), dtype=jnp.float32) * s2
    b3 = jnp.zeros((D_OUT,), dtype=jnp.float32)
    return {"mesh_node_features": x, "edge_index": edge_index,
            "W1": W1, "b1": b1, "W2": W2, "b2": b2, "W3": W3, "b3": b3}


def _gcn_norm(edge_index, n_nodes):
    # add self loops (GCNConv default) and compute symmetric normalization
    loop = jnp.arange(n_nodes, dtype=edge_index.dtype)
    src = jnp.concatenate([edge_index[0], loop])
    dst = jnp.concatenate([edge_index[1], loop])
    deg = jnp.zeros((n_nodes,), dtype=jnp.float32).at[dst].add(1.0)
    deg_inv_sqrt = jnp.where(deg > 0, deg ** -0.5, 0.0)
    norm = deg_inv_sqrt[src] * deg_inv_sqrt[dst]
    return src, dst, norm


def _gcn_conv(x, src, dst, norm, W, b, n_nodes):
    # GCNConv: linear transform, then normalized scatter-add aggregation, then bias
    h = x @ W
    msg = h[src] * norm[:, None]
    out = jnp.zeros((n_nodes, h.shape[1]), dtype=h.dtype).at[dst].add(msg)
    return out + b


def reference(mesh_node_features, edge_index, W1, b1, W2, b2, W3, b3):
    n_nodes = mesh_node_features.shape[0]
    src, dst, norm = _gcn_norm(edge_index, n_nodes)
    h = mesh_node_features
    for (W, b) in ((W1, b1), (W2, b2), (W3, b3)):
        h = _gcn_conv(h, src, dst, norm, W, b, n_nodes)
        h = jax.nn.relu(h)
    return h

if __name__ == "__main__":
    import jax
    _d = setup_inputs()
    print(jax.jit(kernel)(*tuple(_d.values())))

</pallas_src>

<mosaic_0001>
#map = affine_map<(d0, d1) -> (0, 0)>
#map1 = affine_map<(d0, d1) -> (0)>
module attributes {stable_mosaic.version = 14 : i64} {
  func.func @_hist(%arg0: i32, %arg1: i32, %arg2: memref<2496x128xi32, #tpu.memory_space<hbm>>, %arg3: memref<4x128xi32, #tpu.memory_space<hbm>>, %arg4: memref<10240xf32, #tpu.memory_space<hbm>>, %arg5: memref<10240xf32, #tpu.memory_space<hbm>>, %arg6: memref<80x128xi32, #tpu.memory_space<vmem>>, %arg7: memref<128xf32, #tpu.memory_space<vmem>>, %arg8: memref<640xf32, #tpu.memory_space<vmem>>, %arg9: memref<10240xf32, #tpu.memory_space<vmem_shared>>, %arg10: memref<!tpu.dma_semaphore, #tpu.memory_space<semaphore_mem>>) attributes {dimension_semantics = [#tpu.dimension_semantics<core_parallel>, #tpu.dimension_semantics<subcore_parallel>], iteration_bounds = array<i64: 2, 16>, scalar_prefetch = 0 : i64, scratch_operands = 5 : i64, tpu.core_type = #tpu.core_type<sc_vector_subcore>, window_params = [{transform_indices = #map}, {transform_indices = #map}, {transform_indices = #map1}, {transform_indices = #map1}]} {
    %mul3A = arith.constant 16 : i32
    %mul3A_0 = arith.muli %arg0, %mul3A : i32
    %add3A = arith.addi %mul3A_0, %arg1 : i32
    %eq3A = arith.constant 31 : i32
    %eq3A_1 = arith.cmpi eq, %add3A, %eq3A : i32
    %jit3A = arith.constant 20 : i32
    %jit3A_2 = arith.constant 80 : i32
    %select_n3A = arith.select %eq3A_1, %jit3A, %jit3A_2 : i32
    %broadcast_in_dim3A = arith.constant 1.000000e+00 : f32
    %broadcast_in_dim3A_3 = vector.broadcast %broadcast_in_dim3A : f32 to vector<16xf32>
    %broadcast_in_dim3A_4 = arith.constant 0.000000e+00 : f32
    %broadcast_in_dim3A_5 = vector.broadcast %broadcast_in_dim3A_4 : f32 to vector<16xf32>
    %swap3A = arith.constant 0 : index
    %swap3A_6 = tpu.vector_load %arg7[%swap3A] {strides = array<i32>} : memref<128xf32, #tpu.memory_space<vmem>>, vector<16xf32>,
    %swap3A_7 = vector.shape_cast %swap3A_6 : vector<16xf32> to vector<16xf32>
    %swap3A_8 = vector.shape_cast %broadcast_in_dim3A_3 : vector<16xf32> to vector<16xf32>
    tpu.vector_store %arg7[%swap3A], %swap3A_8 {strides = array<i32>} : memref<128xf32, #tpu.memory_space<vmem>>, vector<16xf32>,
    %swap3A_9 = arith.constant 16 : index
    %swap3A_10 = tpu.vector_load %arg7[%swap3A_9] {strides = array<i32>} : memref<128xf32, #tpu.memory_space<vmem>>, vector<16xf32>,
    %swap3A_11 = vector.shape_cast %swap3A_10 : vector<16xf32> to vector<16xf32>
    %swap3A_12 = vector.shape_cast %broadcast_in_dim3A_3 : vector<16xf32> to vector<16xf32>
    tpu.vector_store %arg7[%swap3A_9], %swap3A_12 {strides = array<i32>} : memref<128xf32, #tpu.memory_space<vmem>>, vector<16xf32>,
    %swap3A_13 = arith.constant 32 : index
    %swap3A_14 = tpu.vector_load %arg7[%swap3A_13] {strides = array<i32>} : memref<128xf32, #tpu.memory_space<vmem>>, vector<16xf32>,
    %swap3A_15 = vector.shape_cast %swap3A_14 : vector<16xf32> to vector<16xf32>
    %swap3A_16 = vector.shape_cast %broadcast_in_dim3A_3 : vector<16xf32> to vector<16xf32>
    tpu.vector_store %arg7[%swap3A_13], %swap3A_16 {strides = array<i32>} : memref<128xf32, #tpu.memory_space<vmem>>, vector<16xf32>,
    %swap3A_17 = arith.constant 48 : index
    %swap3A_18 = tpu.vector_load %arg7[%swap3A_17] {strides = array<i32>} : memref<128xf32, #tpu.memory_space<vmem>>, vector<16xf32>,
    %swap3A_19 = vector.shape_cast %swap3A_18 : vector<16xf32> to vector<16xf32>
    %swap3A_20 = vector.shape_cast %broadcast_in_dim3A_3 : vector<16xf32> to vector<16xf32>
    tpu.vector_store %arg7[%swap3A_17], %swap3A_20 {strides = array<i32>} : memref<128xf32, #tpu.memory_space<vmem>>, vector<16xf32>,
    %swap3A_21 = arith.constant 64 : index
    %swap3A_22 = tpu.vector_load %arg7[%swap3A_21] {strides = array<i32>} : memref<128xf32, #tpu.memory_space<vmem>>, vector<16xf32>,
    %swap3A_23 = vector.shape_cast %swap3A_22 : vector<16xf32> to vector<16xf32>
    %swap3A_24 = vector.shape_cast %broadcast_in_dim3A_3 : vector<16xf32> to vector<16xf32>
    tpu.vector_store %arg7[%swap3A_21], %swap3A_24 {strides = array<i32>} : memref<128xf32, #tpu.memory_space<vmem>>, vector<16xf32>,
    %swap3A_25 = arith.constant 80 : index
    %swap3A_26 = tpu.vector_load %arg7[%swap3A_25] {strides = array<i32>} : memref<128xf32, #tpu.memory_space<vmem>>, vector<16xf32>,
    %swap3A_27 = vector.shape_cast %swap3A_26 : vector<16xf32> to vector<16xf32>
    %swap3A_28 = vector.shape_cast %broadcast_in_dim3A_3 : vector<16xf32> to vector<16xf32>
    tpu.vector_store %arg7[%swap3A_25], %swap3A_28 {strides = array<i32>} : memref<128xf32, #tpu.memory_space<vmem>>, vector<16xf32>,
    %swap3A_29 = arith.constant 96 : index
    %swap3A_30 = tpu.vector_load %arg7[%swap3A_29] {strides = array<i32>} : memref<128xf32, #tpu.memory_space<vmem>>, vector<16xf32>,
    %swap3A_31 = vector.shape_cast %swap3A_30 : vector<16xf32> to vector<16xf32>
    %swap3A_32 = vector.shape_cast %broadcast_in_dim3A_3 : vector<16xf32> to vector<16xf32>
    tpu.vector_store %arg7[%swap3A_29], %swap3A_32 {strides = array<i32>} : memref<128xf32, #tpu.memory_space<vmem>>, vector<16xf32>,
    %swap3A_33 = arith.constant 112 : index
    %swap3A_34 = tpu.vector_load %arg7[%swap3A_33] {strides = array<i32>} : memref<128xf32, #tpu.memory_space<vmem>>, vector<16xf32>,
    %swap3A_35 = vector.shape_cast %swap3A_34 : vector<16xf32> to vector<16xf32>
    %swap3A_36 = vector.shape_cast %broadcast_in_dim3A_3 : vector<16xf32> to vector<16xf32>
    tpu.vector_store %arg7[%swap3A_33], %swap3A_36 {strides = array<i32>} : memref<128xf32, #tpu.memory_space<vmem>>, vector<16xf32>,
    %scan3A = arith.constant 0 : i32
    %scan3A_37 = arith.constant 0 : i32
    %scan3A_38 = arith.constant 40 : i32
    %scan3A_39 = arith.addi %scan3A_37, %scan3A_38 : i32
    %scan3A_40 = arith.constant 1 : i32
    %scan3A_41 = scf.for %scan3A_119 = %scan3A_37 to %scan3A_39 step %scan3A_40 iter_args(%scan3A_120 = %scan3A) -> (i32)  : i32 {
      %mul3A_121 = arith.constant 16 : i32
      %mul3A_122 = arith.muli %scan3A_119, %mul3A_121 : i32
      %swap3A_123 = arith.index_cast %mul3A_122 : i32 to index
      %swap3A_124 = tpu.vector_load %arg8[%swap3A_123] {strides = array<i32>} : memref<640xf32, #tpu.memory_space<vmem>>, vector<16xf32>,
      %swap3A_125 = vector.shape_cast %swap3A_124 : vector<16xf32> to vector<16xf32>
      %swap3A_126 = vector.shape_cast %broadcast_in_dim3A_5 : vector<16xf32> to vector<16xf32>
      tpu.vector_store %arg8[%swap3A_123], %swap3A_126 {strides = array<i32>} : memref<640xf32, #tpu.memory_space<vmem>>, vector<16xf32>,
      %scan3A_127 = arith.constant 0 : i32
      scf.yield %scan3A_127 : i32
    }
    %scan3A_42 = arith.constant 40 : i32
    %mul3A_43 = arith.constant 640 : i32
    %mul3A_44 = arith.muli %arg1, %mul3A_43 : i32
    "tpu.region"() ({
      %run_scoped3A = tpu.sem_alloc : memref<!tpu.dma_semaphore, #tpu.memory_space<semaphore_mem>>
      %dma_start3A = tpu.memref_slice %arg9[%mul3A_44] : memref<10240xf32, #tpu.memory_space<vmem_shared>> -> memref<640xf32, #tpu.memory_space<vmem_shared>>
      %dma_start3A_119 = tpu.memref_slice %arg9[%mul3A_44] : memref<10240xf32, #tpu.memory_space<vmem_shared>> -> memref<640xf32, #tpu.memory_space<vmem_shared>>
      tpu.enqueue_dma source(%arg8 : memref<640xf32, #tpu.memory_space<vmem>>) target(%dma_start3A_119 : memref<640xf32, #tpu.memory_space<vmem_shared>>) target_semaphore(%run_scoped3A : memref<!tpu.dma_semaphore, #tpu.memory_space<semaphore_mem>>)
      %dma_wait3A_120 = tpu.memref_slice %arg9[%mul3A_44] : memref<10240xf32, #tpu.memory_space<vmem_shared>> -> memref<640xf32, #tpu.memory_space<vmem_shared>>
      %dma_wait3A_121 = tpu.memref_slice %arg9[%mul3A_44] : memref<10240xf32, #tpu.memory_space<vmem_shared>> -> memref<640xf32, #tpu.memory_space<vmem_shared>>
      tpu.wait_dma2 semaphore(%run_scoped3A : memref<!tpu.dma_semaphore, #tpu.memory_space<semaphore_mem>>) src(%arg8 : memref<640xf32, #tpu.memory_space<vmem>>) dst(%dma_wait3A_121 : memref<640xf32, #tpu.memory_space<vmem_shared>>)
      tpu.yield
    }) : () -> ()
    %barrier3A = arith.constant 0 : index
    tpu.barrier barrier_id(%barrier3A)
    %not3A = arith.constant true
    %not3A_45 = arith.xori %eq3A_1, %not3A : i1
    %convert_element_type3A = arith.extui %not3A_45 : i1 to i32
    %cond3A = arith.constant 0 : i32
    %cond3A_46 = arith.cmpi ne, %convert_element_type3A, %cond3A : i32
    scf.if %cond3A_46 {
      %mul3A_119 = arith.constant 80 : i32
      %mul3A_120 = arith.muli %add3A, %mul3A_119 : i32
      "tpu.region"() ({
        %run_scoped3A = tpu.sem_alloc : memref<!tpu.dma_semaphore, #tpu.memory_space<semaphore_mem>>
        %dma_start3A = arith.constant 0 : i32
        %dma_start3A_121 = tpu.memref_slice %arg2[%mul3A_120, %dma_start3A] : memref<2496x128xi32, #tpu.memory_space<hbm>> -> memref<80x128xi32, #tpu.memory_space<hbm>>
        %dma_start3A_122 = arith.constant 0 : i32
        %dma_start3A_123 = tpu.memref_slice %arg2[%mul3A_120, %dma_start3A_122] : memref<2496x128xi32, #tpu.memory_space<hbm>> -> memref<80x128xi32, #tpu.memory_space<hbm>>
        tpu.enqueue_dma source(%dma_start3A_123 : memref<80x128xi32, #tpu.memory_space<hbm>>) target(%arg6 : memref<80x128xi32, #tpu.memory_space<vmem>>) target_semaphore(%run_scoped3A : memref<!tpu.dma_semaphore, #tpu.memory_space<semaphore_mem>>)
        %dma_wait3A_124 = arith.constant 0 : i32
        %dma_wait3A_125 = tpu.memref_slice %arg2[%mul3A_120, %dma_wait3A_124] : memref<2496x128xi32, #tpu.memory_space<hbm>> -> memref<80x128xi32, #tpu.memory_space<hbm>>
        %dma_wait3A_126 = arith.constant 0 : i32
        %dma_wait3A_127 = tpu.memref_slice %arg2[%mul3A_120, %dma_wait3A_126] : memref<2496x128xi32, #tpu.memory_space<hbm>> -> memref<80x128xi32, #tpu.memory_space<hbm>>
        tpu.wait_dma2 semaphore(%run_scoped3A : memref<!tpu.dma_semaphore, #tpu.memory_space<semaphore_mem>>) src(%dma_wait3A_127 : memref<80x128xi32, #tpu.memory_space<hbm>>) dst(%arg6 : memref<80x128xi32, #tpu.memory_space<vmem>>)
        tpu.yield
      }) : () -> ()
    } else {
    }
    %convert_element_type3A_47 = arith.extui %eq3A_1 : i1 to i32
    %cond3A_48 = arith.constant 0 : i32
    %cond3A_49 = arith.cmpi ne, %convert_element_type3A_47, %cond3A_48 : i32
    scf.if %cond3A_49 {
      "tpu.region"() ({
        %run_scoped3A = tpu.sem_alloc : memref<!tpu.dma_semaphore, #tpu.memory_space<semaphore_mem>>
        %dma_start3A = arith.constant 0 : i32
        %dma_start3A_119 = arith.constant 0 : i32
        %dma_start3A_120 = tpu.memref_slice %arg6[%dma_start3A, %dma_start3A_119] : memref<80x128xi32, #tpu.memory_space<vmem>> -> memref<16x128xi32, #tpu.memory_space<vmem>>
        %dma_start3A_121 = arith.constant 2480 : i32
        %dma_start3A_122 = arith.constant 0 : i32
        %dma_start3A_123 = tpu.memref_slice %arg2[%dma_start3A_121, %dma_start3A_122] : memref<2496x128xi32, #tpu.memory_space<hbm>> -> memref<16x128xi32, #tpu.memory_space<hbm>>
        %dma_start3A_124 = arith.constant 0 : i32
        %dma_start3A_125 = arith.constant 0 : i32
        %dma_start3A_126 = tpu.memref_slice %arg6[%dma_start3A_124, %dma_start3A_125] : memref<80x128xi32, #tpu.memory_space<vmem>> -> memref<16x128xi32, #tpu.memory_space<vmem>>
        %dma_start3A_127 = arith.constant 2480 : i32
        %dma_start3A_128 = arith.constant 0 : i32
        %dma_start3A_129 = tpu.memref_slice %arg2[%dma_start3A_127, %dma_start3A_128] : memref<2496x128xi32, #tpu.memory_space<hbm>> -> memref<16x128xi32, #tpu.memory_space<hbm>>
        tpu.enqueue_dma source(%dma_start3A_129 : memref<16x128xi32, #tpu.memory_space<hbm>>) target(%dma_start3A_126 : memref<16x128xi32, #tpu.memory_space<vmem>>) target_semaphore(%run_scoped3A : memref<!tpu.dma_semaphore, #tpu.memory_space<semaphore_mem>>)
        %dma_wait3A_130 = arith.constant 0 : i32
        %dma_wait3A_131 = arith.constant 0 : i32
        %dma_wait3A_132 = tpu.memref_slice %arg6[%dma_wait3A_130, %dma_wait3A_131] : memref<80x128xi32, #tpu.memory_space<vmem>> -> memref<16x128xi32, #tpu.memory_space<vmem>>
        %dma_wait3A_133 = arith.constant 2480 : i32
        %dma_wait3A_134 = arith.constant 0 : i32
        %dma_wait3A_135 = tpu.memref_slice %arg2[%dma_wait3A_133, %dma_wait3A_134] : memref<2496x128xi32, #tpu.memory_space<hbm>> -> memref<16x128xi32, #tpu.memory_space<hbm>>
        %dma_wait3A_136 = arith.constant 0 : i32
        %dma_wait3A_137 = arith.constant 0 : i32
        %dma_wait3A_138 = tpu.memref_slice %arg6[%dma_wait3A_136, %dma_wait3A_137] : memref<80x128xi32, #tpu.memory_space<vmem>> -> memref<16x128xi32, #tpu.memory_space<vmem>>
        %dma_wait3A_139 = arith.constant 2480 : i32
        %dma_wait3A_140 = arith.constant 0 : i32
        %dma_wait3A_141 = tpu.memref_slice %arg2[%dma_wait3A_139, %dma_wait3A_140] : memref<2496x128xi32, #tpu.memory_space<hbm>> -> memref<16x128xi32, #tpu.memory_space<hbm>>
        tpu.wait_dma2 semaphore(%run_scoped3A : memref<!tpu.dma_semaphore, #tpu.memory_space<semaphore_mem>>) src(%dma_wait3A_141 : memref<16x128xi32, #tpu.memory_space<hbm>>) dst(%dma_wait3A_138 : memref<16x128xi32, #tpu.memory_space<vmem>>)
        tpu.yield
      }) : () -> ()
      "tpu.region"() ({
        %run_scoped3A = tpu.sem_alloc : memref<!tpu.dma_semaphore, #tpu.memory_space<semaphore_mem>>
        %dma_start3A = arith.constant 16 : i32
        %dma_start3A_119 = arith.constant 0 : i32
        %dma_start3A_120 = tpu.memref_slice %arg6[%dma_start3A, %dma_start3A_119] : memref<80x128xi32, #tpu.memory_space<vmem>> -> memref<4x128xi32, #tpu.memory_space<vmem>>
        %dma_start3A_121 = arith.constant 16 : i32
        %dma_start3A_122 = arith.constant 0 : i32
        %dma_start3A_123 = tpu.memref_slice %arg6[%dma_start3A_121, %dma_start3A_122] : memref<80x128xi32, #tpu.memory_space<vmem>> -> memref<4x128xi32, #tpu.memory_space<vmem>>
        tpu.enqueue_dma source(%arg3 : memref<4x128xi32, #tpu.memory_space<hbm>>) target(%dma_start3A_123 : memref<4x128xi32, #tpu.memory_space<vmem>>) target_semaphore(%run_scoped3A : memref<!tpu.dma_semaphore, #tpu.memory_space<semaphore_mem>>)
        %dma_wait3A_124 = arith.constant 16 : i32
        %dma_wait3A_125 = arith.constant 0 : i32
        %dma_wait3A_126 = tpu.memref_slice %arg6[%dma_wait3A_124, %dma_wait3A_125] : memref<80x128xi32, #tpu.memory_space<vmem>> -> memref<4x128xi32, #tpu.memory_space<vmem>>
        %dma_wait3A_127 = arith.constant 16 : i32
        %dma_wait3A_128 = arith.constant 0 : i32
        %dma_wait3A_129 = tpu.memref_slice %arg6[%dma_wait3A_127, %dma_wait3A_128] : memref<80x128xi32, #tpu.memory_space<vmem>> -> memref<4x128xi32, #tpu.memory_space<vmem>>
        tpu.wait_dma2 semaphore(%run_scoped3A : memref<!tpu.dma_semaphore, #tpu.memory_space<semaphore_mem>>) src(%arg3 : memref<4x128xi32, #tpu.memory_space<hbm>>) dst(%dma_wait3A_129 : memref<4x128xi32, #tpu.memory_space<vmem>>)
        tpu.yield
      }) : () -> ()
    } else {
    }
    %while3A = arith.constant 0 : i32
    %while3A_50 = arith.constant 0 : i32
    %while3A_51 = arith.subi %select_n3A, %while3A : i32
    %while3A_52 = arith.addi %while3A, %while3A_51 : i32
    %while3A_53 = arith.constant 1 : i32
    %while3A_54 = arith.divsi %while3A_51, %while3A_53 : i32
    %while3A_55 = arith.muli %while3A_54, %while3A_53 : i32
    %while3A_56 = arith.addi %while3A, %while3A_55 : i32
    %while3A_57 = arith.constant 1 : i32
    %while3A_58 = scf.for %while3A_119 = %while3A to %while3A_56 step %while3A_57 iter_args(%while3A_120 = %while3A_50) -> (i32)  : i32 {
      %dma_start3A = arith.constant 0 : i32
      %dma_start3A_121 = tpu.memref_slice %arg6[%while3A_119, %dma_start3A] : memref<80x128xi32, #tpu.memory_space<vmem>> -> memref<1x128xi32, #tpu.memory_space<vmem>>
      %dma_start3A_122 = tpu.memref_squeeze %dma_start3A_121 : memref<1x128xi32, #tpu.memory_space<vmem>> -> memref<128xi32, #tpu.memory_space<vmem>>
      %dma_start3A_123 = arith.constant 0 : i32
      %dma_start3A_124 = tpu.memref_slice %arg9[%dma_start3A_123] : memref<10240xf32, #tpu.memory_space<vmem_shared>> -> memref<10240xf32, #tpu.memory_space<vmem_shared>>
      tpu.enqueue_indirect_dma source(%arg7 : memref<128xf32, #tpu.memory_space<vmem>>) target(%dma_start3A_124 : memref<10240xf32, #tpu.memory_space<vmem_shared>>) offsets(%dma_start3A_122 : memref<128xi32, #tpu.memory_space<vmem>>) semaphore(%arg10 : memref<!tpu.dma_semaphore, #tpu.memory_space<semaphore_mem>>) {add = true}
      %ge3A = arith.constant 8 : i32
      %ge3A_125 = arith.cmpi sge, %while3A_119, %ge3A : i32
      %convert_element_type3A_126 = arith.extui %ge3A_125 : i1 to i32
      %cond3A_127 = arith.constant 0 : i32
      %cond3A_128 = arith.cmpi ne, %convert_element_type3A_126, %cond3A_127 : i32
      scf.if %cond3A_128 {
        %dma_wait3A_130 = arith.constant 0 : i32
        %dma_wait3A_131 = arith.constant 0 : i32
        %dma_wait3A_132 = tpu.memref_slice %arg6[%dma_wait3A_130, %dma_wait3A_131] : memref<80x128xi32, #tpu.memory_space<vmem>> -> memref<1x128xi32, #tpu.memory_space<vmem>>
        %dma_wait3A_133 = tpu.memref_squeeze %dma_wait3A_132 : memref<1x128xi32, #tpu.memory_space<vmem>> -> memref<128xi32, #tpu.memory_space<vmem>>
        %dma_wait3A_134 = arith.constant 0 : i32
        %dma_wait3A_135 = tpu.memref_slice %arg9[%dma_wait3A_134] : memref<10240xf32, #tpu.memory_space<vmem_shared>> -> memref<10240xf32, #tpu.memory_space<vmem_shared>>
        tpu.wait_indirect_dma semaphore(%arg10 : memref<!tpu.dma_semaphore, #tpu.memory_space<semaphore_mem>>) src(%arg7 : memref<128xf32, #tpu.memory_space<vmem>>) dst(%dma_wait3A_135 : memref<10240xf32, #tpu.memory_space<vmem_shared>>)
      } else {
      }
      %while3A_129 = arith.constant 0 : i32
      scf.yield %while3A_129 : i32
    }
    %while3A_59 = arith.constant 1 : i32
    %while3A_60 = scf.for %while3A_119 = %while3A_56 to %while3A_52 step %while3A_59 iter_args(%while3A_120 = %while3A_58) -> (i32)  : i32 {
      %dma_start3A = arith.constant 0 : i32
      %dma_start3A_121 = tpu.memref_slice %arg6[%while3A_119, %dma_start3A] : memref<80x128xi32, #tpu.memory_space<vmem>> -> memref<1x128xi32, #tpu.memory_space<vmem>>
      %dma_start3A_122 = tpu.memref_squeeze %dma_start3A_121 : memref<1x128xi32, #tpu.memory_space<vmem>> -> memref<128xi32, #tpu.memory_space<vmem>>
      %dma_start3A_123 = arith.constant 0 : i32
      %dma_start3A_124 = tpu.memref_slice %arg9[%dma_start3A_123] : memref<10240xf32, #tpu.memory_space<vmem_shared>> -> memref<10240xf32, #tpu.memory_space<vmem_shared>>
      tpu.enqueue_indirect_dma source(%arg7 : memref<128xf32, #tpu.memory_space<vmem>>) target(%dma_start3A_124 : memref<10240xf32, #tpu.memory_space<vmem_shared>>) offsets(%dma_start3A_122 : memref<128xi32, #tpu.memory_space<vmem>>) semaphore(%arg10 : memref<!tpu.dma_semaphore, #tpu.memory_space<semaphore_mem>>) {add = true}
      %ge3A = arith.constant 8 : i32
      %ge3A_125 = arith.cmpi sge, %while3A_119, %ge3A : i32
      %convert_element_type3A_126 = arith.extui %ge3A_125 : i1 to i32
      %cond3A_127 = arith.constant 0 : i32
      %cond3A_128 = arith.cmpi ne, %convert_element_type3A_126, %cond3A_127 : i32
      scf.if %cond3A_128 {
        %dma_wait3A_130 = arith.constant 0 : i32
        %dma_wait3A_131 = arith.constant 0 : i32
        %dma_wait3A_132 = tpu.memref_slice %arg6[%dma_wait3A_130, %dma_wait3A_131] : memref<80x128xi32, #tpu.memory_space<vmem>> -> memref<1x128xi32, #tpu.memory_space<vmem>>
        %dma_wait3A_133 = tpu.memref_squeeze %dma_wait3A_132 : memref<1x128xi32, #tpu.memory_space<vmem>> -> memref<128xi32, #tpu.memory_space<vmem>>
        %dma_wait3A_134 = arith.constant 0 : i32
        %dma_wait3A_135 = tpu.memref_slice %arg9[%dma_wait3A_134] : memref<10240xf32, #tpu.memory_space<vmem_shared>> -> memref<10240xf32, #tpu.memory_space<vmem_shared>>
        tpu.wait_indirect_dma semaphore(%arg10 : memref<!tpu.dma_semaphore, #tpu.memory_space<semaphore_mem>>) src(%arg7 : memref<128xf32, #tpu.memory_space<vmem>>) dst(%dma_wait3A_135 : memref<10240xf32, #tpu.memory_space<vmem_shared>>)
      } else {
      }
      %while3A_129 = arith.constant 0 : i32
      scf.yield %while3A_129 : i32
    }
    %dma_wait3A = arith.constant 0 : i32
    %dma_wait3A_61 = arith.constant 0 : i32
    %dma_wait3A_62 = tpu.memref_slice %arg6[%dma_wait3A, %dma_wait3A_61] : memref<80x128xi32, #tpu.memory_space<vmem>> -> memref<1x128xi32, #tpu.memory_space<vmem>>
    %dma_wait3A_63 = tpu.memref_squeeze %dma_wait3A_62 : memref<1x128xi32, #tpu.memory_space<vmem>> -> memref<128xi32, #tpu.memory_space<vmem>>
    %dma_wait3A_64 = arith.constant 0 : i32
    %dma_wait3A_65 = tpu.memref_slice %arg9[%dma_wait3A_64] : memref<10240xf32, #tpu.memory_space<vmem_shared>> -> memref<10240xf32, #tpu.memory_space<vmem_shared>>
    tpu.wait_indirect_dma semaphore(%arg10 : memref<!tpu.dma_semaphore, #tpu.memory_space<semaphore_mem>>) src(%arg7 : memref<128xf32, #tpu.memory_space<vmem>>) dst(%dma_wait3A_65 : memref<10240xf32, #tpu.memory_space<vmem_shared>>)
    %dma_wait3A_66 = arith.constant 0 : i32
    %dma_wait3A_67 = arith.constant 0 : i32
    %dma_wait3A_68 = tpu.memref_slice %arg6[%dma_wait3A_66, %dma_wait3A_67] : memref<80x128xi32, #tpu.memory_space<vmem>> -> memref<1x128xi32, #tpu.memory_space<vmem>>
    %dma_wait3A_69 = tpu.memref_squeeze %dma_wait3A_68 : memref<1x128xi32, #tpu.memory_space<vmem>> -> memref<128xi32, #tpu.memory_space<vmem>>
    %dma_wait3A_70 = arith.constant 0 : i32
    %dma_wait3A_71 = tpu.memref_slice %arg9[%dma_wait3A_70] : memref<10240xf32, #tpu.memory_space<vmem_shared>> -> memref<10240xf32, #tpu.memory_space<vmem_shared>>
    tpu.wait_indirect_dma semaphore(%arg10 : memref<!tpu.dma_semaphore, #tpu.memory_space<semaphore_mem>>) src(%arg7 : memref<128xf32, #tpu.memory_space<vmem>>) dst(%dma_wait3A_71 : memref<10240xf32, #tpu.memory_space<vmem_shared>>)
    %dma_wait3A_72 = arith.constant 0 : i32
    %dma_wait3A_73 = arith.constant 0 : i32
    %dma_wait3A_74 = tpu.memref_slice %arg6[%dma_wait3A_72, %dma_wait3A_73] : memref<80x128xi32, #tpu.memory_space<vmem>> -> memref<1x128xi32, #tpu.memory_space<vmem>>
    %dma_wait3A_75 = tpu.memref_squeeze %dma_wait3A_74 : memref<1x128xi32, #tpu.memory_space<vmem>> -> memref<128xi32, #tpu.memory_space<vmem>>
    %dma_wait3A_76 = arith.constant 0 : i32
    %dma_wait3A_77 = tpu.memref_slice %arg9[%dma_wait3A_76] : memref<10240xf32, #tpu.memory_space<vmem_shared>> -> memref<10240xf32, #tpu.memory_space<vmem_shared>>
    tpu.wait_indirect_dma semaphore(%arg10 : memref<!tpu.dma_semaphore, #tpu.memory_space<semaphore_mem>>) src(%arg7 : memref<128xf32, #tpu.memory_space<vmem>>) dst(%dma_wait3A_77 : memref<10240xf32, #tpu.memory_space<vmem_shared>>)
    %dma_wait3A_78 = arith.constant 0 : i32
    %dma_wait3A_79 = arith.constant 0 : i32
    %dma_wait3A_80 = tpu.memref_slice %arg6[%dma_wait3A_78, %dma_wait3A_79] : memref<80x128xi32, #tpu.memory_space<vmem>> -> memref<1x128xi32, #tpu.memory_space<vmem>>
    %dma_wait3A_81 = tpu.memref_squeeze %dma_wait3A_80 : memref<1x128xi32, #tpu.memory_space<vmem>> -> memref<128xi32, #tpu.memory_space<vmem>>
    %dma_wait3A_82 = arith.constant 0 : i32
    %dma_wait3A_83 = tpu.memref_slice %arg9[%dma_wait3A_82] : memref<10240xf32, #tpu.memory_space<vmem_shared>> -> memref<10240xf32, #tpu.memory_space<vmem_shared>>
    tpu.wait_indirect_dma semaphore(%arg10 : memref<!tpu.dma_semaphore, #tpu.memory_space<semaphore_mem>>) src(%arg7 : memref<128xf32, #tpu.memory_space<vmem>>) dst(%dma_wait3A_83 : memref<10240xf32, #tpu.memory_space<vmem_shared>>)
    %dma_wait3A_84 = arith.constant 0 : i32
    %dma_wait3A_85 = arith.constant 0 : i32
    %dma_wait3A_86 = tpu.memref_slice %arg6[%dma_wait3A_84, %dma_wait3A_85] : memref<80x128xi32, #tpu.memory_space<vmem>> -> memref<1x128xi32, #tpu.memory_space<vmem>>
    %dma_wait3A_87 = tpu.memref_squeeze %dma_wait3A_86 : memref<1x128xi32, #tpu.memory_space<vmem>> -> memref<128xi32, #tpu.memory_space<vmem>>
    %dma_wait3A_88 = arith.constant 0 : i32
    %dma_wait3A_89 = tpu.memref_slice %arg9[%dma_wait3A_88] : memref<10240xf32, #tpu.memory_space<vmem_shared>> -> memref<10240xf32, #tpu.memory_space<vmem_shared>>
    tpu.wait_indirect_dma semaphore(%arg10 : memref<!tpu.dma_semaphore, #tpu.memory_space<semaphore_mem>>) src(%arg7 : memref<128xf32, #tpu.memory_space<vmem>>) dst(%dma_wait3A_89 : memref<10240xf32, #tpu.memory_space<vmem_shared>>)
    %dma_wait3A_90 = arith.constant 0 : i32
    %dma_wait3A_91 = arith.constant 0 : i32
    %dma_wait3A_92 = tpu.memref_slice %arg6[%dma_wait3A_90, %dma_wait3A_91] : memref<80x128xi32, #tpu.memory_space<vmem>> -> memref<1x128xi32, #tpu.memory_space<vmem>>
    %dma_wait3A_93 = tpu.memref_squeeze %dma_wait3A_92 : memref<1x128xi32, #tpu.memory_space<vmem>> -> memref<128xi32, #tpu.memory_space<vmem>>
    %dma_wait3A_94 = arith.constant 0 : i32
    %dma_wait3A_95 = tpu.memref_slice %arg9[%dma_wait3A_94] : memref<10240xf32, #tpu.memory_space<vmem_shared>> -> memref<10240xf32, #tpu.memory_space<vmem_shared>>
    tpu.wait_indirect_dma semaphore(%arg10 : memref<!tpu.dma_semaphore, #tpu.memory_space<semaphore_mem>>) src(%arg7 : memref<128xf32, #tpu.memory_space<vmem>>) dst(%dma_wait3A_95 : memref<10240xf32, #tpu.memory_space<vmem_shared>>)
    %dma_wait3A_96 = arith.constant 0 : i32
    %dma_wait3A_97 = arith.constant 0 : i32
    %dma_wait3A_98 = tpu.memref_slice %arg6[%dma_wait3A_96, %dma_wait3A_97] : memref<80x128xi32, #tpu.memory_space<vmem>> -> memref<1x128xi32, #tpu.memory_space<vmem>>
    %dma_wait3A_99 = tpu.memref_squeeze %dma_wait3A_98 : memref<1x128xi32, #tpu.memory_space<vmem>> -> memref<128xi32, #tpu.memory_space<vmem>>
    %dma_wait3A_100 = arith.constant 0 : i32
    %dma_wait3A_101 = tpu.memref_slice %arg9[%dma_wait3A_100] : memref<10240xf32, #tpu.memory_space<vmem_shared>> -> memref<10240xf32, #tpu.memory_space<vmem_shared>>
    tpu.wait_indirect_dma semaphore(%arg10 : memref<!tpu.dma_semaphore, #tpu.memory_space<semaphore_mem>>) src(%arg7 : memref<128xf32, #tpu.memory_space<vmem>>) dst(%dma_wait3A_101 : memref<10240xf32, #tpu.memory_space<vmem_shared>>)
    %dma_wait3A_102 = arith.constant 0 : i32
    %dma_wait3A_103 = arith.constant 0 : i32
    %dma_wait3A_104 = tpu.memref_slice %arg6[%dma_wait3A_102, %dma_wait3A_103] : memref<80x128xi32, #tpu.memory_space<vmem>> -> memref<1x128xi32, #tpu.memory_space<vmem>>
    %dma_wait3A_105 = tpu.memref_squeeze %dma_wait3A_104 : memref<1x128xi32, #tpu.memory_space<vmem>> -> memref<128xi32, #tpu.memory_space<vmem>>
    %dma_wait3A_106 = arith.constant 0 : i32
    %dma_wait3A_107 = tpu.memref_slice %arg9[%dma_wait3A_106] : memref<10240xf32, #tpu.memory_space<vmem_shared>> -> memref<10240xf32, #tpu.memory_space<vmem_shared>>
    tpu.wait_indirect_dma semaphore(%arg10 : memref<!tpu.dma_semaphore, #tpu.memory_space<semaphore_mem>>) src(%arg7 : memref<128xf32, #tpu.memory_space<vmem>>) dst(%dma_wait3A_107 : memref<10240xf32, #tpu.memory_space<vmem_shared>>)
    %barrier3A_108 = arith.constant 0 : index
    tpu.barrier barrier_id(%barrier3A_108)
    %eq3A_109 = arith.constant 0 : i32
    %eq3A_110 = arith.cmpi eq, %arg0, %eq3A_109 : i32
    %convert_element_type3A_111 = arith.extui %eq3A_110 : i1 to i32
    %cond3A_112 = arith.constant 0 : i32
    %cond3A_113 = arith.cmpi ne, %convert_element_type3A_111, %cond3A_112 : i32
    scf.if %cond3A_113 {
      %mul3A_119 = arith.constant 640 : i32
      %mul3A_120 = arith.muli %arg1, %mul3A_119 : i32
      %mul3A_121 = arith.constant 640 : i32
      %mul3A_122 = arith.muli %arg1, %mul3A_121 : i32
      "tpu.region"() ({
        %run_scoped3A = tpu.sem_alloc : memref<!tpu.dma_semaphore, #tpu.memory_space<semaphore_mem>>
        %dma_start3A = tpu.memref_slice %arg4[%mul3A_122] : memref<10240xf32, #tpu.memory_space<hbm>> -> memref<640xf32, #tpu.memory_space<hbm>>
        %dma_start3A_123 = tpu.memref_slice %arg9[%mul3A_120] : memref<10240xf32, #tpu.memory_space<vmem_shared>> -> memref<640xf32, #tpu.memory_space<vmem_shared>>
        tpu.enqueue_dma source(%dma_start3A_123 : memref<640xf32, #tpu.memory_space<vmem_shared>>) target(%dma_start3A : memref<640xf32, #tpu.memory_space<hbm>>) target_semaphore(%run_scoped3A : memref<!tpu.dma_semaphore, #tpu.memory_space<semaphore_mem>>)
        %dma_wait3A_124 = tpu.memref_slice %arg4[%mul3A_122] : memref<10240xf32, #tpu.memory_space<hbm>> -> memref<640xf32, #tpu.memory_space<hbm>>
        %dma_wait3A_125 = tpu.memref_slice %arg9[%mul3A_120] : memref<10240xf32, #tpu.memory_space<vmem_shared>> -> memref<640xf32, #tpu.memory_space<vmem_shared>>
        tpu.wait_dma2 semaphore(%run_scoped3A : memref<!tpu.dma_semaphore, #tpu.memory_space<semaphore_mem>>) src(%dma_wait3A_125 : memref<640xf32, #tpu.memory_space<vmem_shared>>) dst(%dma_wait3A_124 : memref<640xf32, #tpu.memory_space<hbm>>)
        tpu.yield
      }) : () -> ()
    } else {
    }
    %eq3A_114 = arith.constant 1 : i32
    %eq3A_115 = arith.cmpi eq, %arg0, %eq3A_114 : i32
    %convert_element_type3A_116 = arith.extui %eq3A_115 : i1 to i32
    %cond3A_117 = arith.constant 0 : i32
    %cond3A_118 = arith.cmpi ne, %convert_element_type3A_116, %cond3A_117 : i32
    scf.if %cond3A_118 {
      %mul3A_119 = arith.constant 640 : i32
      %mul3A_120 = arith.muli %arg1, %mul3A_119 : i32
      %mul3A_121 = arith.constant 640 : i32
      %mul3A_122 = arith.muli %arg1, %mul3A_121 : i32
      "tpu.region"() ({
        %run_scoped3A = tpu.sem_alloc : memref<!tpu.dma_semaphore, #tpu.memory_space<semaphore_mem>>
        %dma_start3A = tpu.memref_slice %arg5[%mul3A_122] : memref<10240xf32, #tpu.memory_space<hbm>> -> memref<640xf32, #tpu.memory_space<hbm>>
        %dma_start3A_123 = tpu.memref_slice %arg9[%mul3A_120] : memref<10240xf32, #tpu.memory_space<vmem_shared>> -> memref<640xf32, #tpu.memory_space<vmem_shared>>
        tpu.enqueue_dma source(%dma_start3A_123 : memref<640xf32, #tpu.memory_space<vmem_shared>>) target(%dma_start3A : memref<640xf32, #tpu.memory_space<hbm>>) target_semaphore(%run_scoped3A : memref<!tpu.dma_semaphore, #tpu.memory_space<semaphore_mem>>)
        %dma_wait3A_124 = tpu.memref_slice %arg5[%mul3A_122] : memref<10240xf32, #tpu.memory_space<hbm>> -> memref<640xf32, #tpu.memory_space<hbm>>
        %dma_wait3A_125 = tpu.memref_slice %arg9[%mul3A_120] : memref<10240xf32, #tpu.memory_space<vmem_shared>> -> memref<640xf32, #tpu.memory_space<vmem_shared>>
        tpu.wait_dma2 semaphore(%run_scoped3A : memref<!tpu.dma_semaphore, #tpu.memory_space<semaphore_mem>>) src(%dma_wait3A_125 : memref<640xf32, #tpu.memory_space<vmem_shared>>) dst(%dma_wait3A_124 : memref<640xf32, #tpu.memory_space<hbm>>)
        tpu.yield
      }) : () -> ()
    } else {
    }
    return
  }
}

#map = affine_map<(d0, d1) -> (0, 0)>
module attributes {stable_mosaic.version = 14 : i64} {
  func.func @_agg(%arg0: i32, %arg1: i32, %arg2: memref<10000x128xf32, #tpu.memory_space<hbm>>, %arg3: memref<2496x128xi32, #tpu.memory_space<hbm>>, %arg4: memref<2496x128xi32, #tpu.memory_space<hbm>>, %arg5: memref<4x128xi32, #tpu.memory_space<hbm>>, %arg6: memref<4x128xi32, #tpu.memory_space<hbm>>, %arg7: memref<10240x128xf32, #tpu.memory_space<hbm>>, %arg8: memref<10240x128xf32, #tpu.memory_space<hbm>>, %arg9: memref<40x128xi32, #tpu.memory_space<vmem>>, %arg10: memref<40x128xi32, #tpu.memory_space<vmem>>, %arg11: memref<128x128xf32, #tpu.memory_space<vmem>>, %arg12: memref<128x128xf32, #tpu.memory_space<vmem>>, %arg13: memref<10240x128xf32, #tpu.memory_space<vmem_shared>>, %arg14: memref<!tpu.dma_semaphore, #tpu.memory_space<semaphore_mem>>, %arg15: memref<!tpu.dma_semaphore, #tpu.memory_space<semaphore_mem>>) attributes {dimension_semantics = [#tpu.dimension_semantics<core_parallel>, #tpu.dimension_semantics<subcore_parallel>], iteration_bounds = array<i64: 2, 16>, scalar_prefetch = 0 : i64, scratch_operands = 7 : i64, tpu.core_type = #tpu.core_type<sc_vector_subcore>, window_params = [{transform_indices = #map}, {transform_indices = #map}, {transform_indices = #map}, {transform_indices = #map}, {transform_indices = #map}, {transform_indices = #map}, {transform_indices = #map}]} {
    %mul3A = arith.constant 16 : i32
    %mul3A_0 = arith.muli %arg0, %mul3A : i32
    %add3A = arith.addi %mul3A_0, %arg1 : i32
    %eq3A = arith.constant 31 : i32
    %eq3A_1 = arith.cmpi eq, %add3A, %eq3A : i32
    %broadcast_in_dim3A = arith.constant 0.000000e+00 : f32
    %broadcast_in_dim3A_2 = vector.broadcast %broadcast_in_dim3A : f32 to vector<16xf32>
    %scan3A = arith.constant 0 : i32
    %scan3A_3 = arith.constant 0 : i32
    %scan3A_4 = arith.constant 128 : i32
    %scan3A_5 = arith.addi %scan3A_3, %scan3A_4 : i32
    %scan3A_6 = arith.constant 1 : i32
    %scan3A_7 = scf.for %scan3A_92 = %scan3A_3 to %scan3A_5 step %scan3A_6 iter_args(%scan3A_93 = %scan3A) -> (i32)  : i32 {
      %swap3A = arith.index_cast %scan3A_92 : i32 to index
      %swap3A_94 = arith.constant 0 : index
      %swap3A_95 = tpu.vector_load %arg11[%swap3A, %swap3A_94] {strides = array<i32>} : memref<128x128xf32, #tpu.memory_space<vmem>>, vector<1x16xf32>,
      %swap3A_96 = vector.shape_cast %swap3A_95 : vector<1x16xf32> to vector<16xf32>
      %swap3A_97 = vector.shape_cast %broadcast_in_dim3A_2 : vector<16xf32> to vector<1x16xf32>
      tpu.vector_store %arg11[%swap3A, %swap3A_94], %swap3A_97 {strides = array<i32>} : memref<128x128xf32, #tpu.memory_space<vmem>>, vector<1x16xf32>,
      %swap3A_98 = arith.index_cast %scan3A_92 : i32 to index
      %swap3A_99 = arith.constant 16 : index
      %swap3A_100 = tpu.vector_load %arg11[%swap3A_98, %swap3A_99] {strides = array<i32>} : memref<128x128xf32, #tpu.memory_space<vmem>>, vector<1x16xf32>,
      %swap3A_101 = vector.shape_cast %swap3A_100 : vector<1x16xf32> to vector<16xf32>
      %swap3A_102 = vector.shape_cast %broadcast_in_dim3A_2 : vector<16xf32> to vector<1x16xf32>
      tpu.vector_store %arg11[%swap3A_98, %swap3A_99], %swap3A_102 {strides = array<i32>} : memref<128x128xf32, #tpu.memory_space<vmem>>, vector<1x16xf32>,
      %swap3A_103 = arith.index_cast %scan3A_92 : i32 to index
      %swap3A_104 = arith.constant 32 : index
      %swap3A_105 = tpu.vector_load %arg11[%swap3A_103, %swap3A_104] {strides = array<i32>} : memref<128x128xf32, #tpu.memory_space<vmem>>, vector<1x16xf32>,
      %swap3A_106 = vector.shape_cast %swap3A_105 : vector<1x16xf32> to vector<16xf32>
      %swap3A_107 = vector.shape_cast %broadcast_in_dim3A_2 : vector<16xf32> to vector<1x16xf32>
      tpu.vector_store %arg11[%swap3A_103, %swap3A_104], %swap3A_107 {strides = array<i32>} : memref<128x128xf32, #tpu.memory_space<vmem>>, vector<1x16xf32>,
      %swap3A_108 = arith.index_cast %scan3A_92 : i32 to index
      %swap3A_109 = arith.constant 48 : index
      %swap3A_110 = tpu.vector_load %arg11[%swap3A_108, %swap3A_109] {strides = array<i32>} : memref<128x128xf32, #tpu.memory_space<vmem>>, vector<1x16xf32>,
      %swap3A_111 = vector.shape_cast %swap3A_110 : vector<1x16xf32> to vector<16xf32>
      %swap3A_112 = vector.shape_cast %broadcast_in_dim3A_2 : vector<16xf32> to vector<1x16xf32>
      tpu.vector_store %arg11[%swap3A_108, %swap3A_109], %swap3A_112 {strides = array<i32>} : memref<128x128xf32, #tpu.memory_space<vmem>>, vector<1x16xf32>,
      %swap3A_113 = arith.index_cast %scan3A_92 : i32 to index
      %swap3A_114 = arith.constant 64 : index
      %swap3A_115 = tpu.vector_load %arg11[%swap3A_113, %swap3A_114] {strides = array<i32>} : memref<128x128xf32, #tpu.memory_space<vmem>>, vector<1x16xf32>,
      %swap3A_116 = vector.shape_cast %swap3A_115 : vector<1x16xf32> to vector<16xf32>
      %swap3A_117 = vector.shape_cast %broadcast_in_dim3A_2 : vector<16xf32> to vector<1x16xf32>
      tpu.vector_store %arg11[%swap3A_113, %swap3A_114], %swap3A_117 {strides = array<i32>} : memref<128x128xf32, #tpu.memory_space<vmem>>, vector<1x16xf32>,
      %swap3A_118 = arith.index_cast %scan3A_92 : i32 to index
      %swap3A_119 = arith.constant 80 : index
      %swap3A_120 = tpu.vector_load %arg11[%swap3A_118, %swap3A_119] {strides = array<i32>} : memref<128x128xf32, #tpu.memory_space<vmem>>, vector<1x16xf32>,
      %swap3A_121 = vector.shape_cast %swap3A_120 : vector<1x16xf32> to vector<16xf32>
      %swap3A_122 = vector.shape_cast %broadcast_in_dim3A_2 : vector<16xf32> to vector<1x16xf32>
      tpu.vector_store %arg11[%swap3A_118, %swap3A_119], %swap3A_122 {strides = array<i32>} : memref<128x128xf32, #tpu.memory_space<vmem>>, vector<1x16xf32>,
      %swap3A_123 = arith.index_cast %scan3A_92 : i32 to index
      %swap3A_124 = arith.constant 96 : index
      %swap3A_125 = tpu.vector_load %arg11[%swap3A_123, %swap3A_124] {strides = array<i32>} : memref<128x128xf32, #tpu.memory_space<vmem>>, vector<1x16xf32>,
      %swap3A_126 = vector.shape_cast %swap3A_125 : vector<1x16xf32> to vector<16xf32>
      %swap3A_127 = vector.shape_cast %broadcast_in_dim3A_2 : vector<16xf32> to vector<1x16xf32>
      tpu.vector_store %arg11[%swap3A_123, %swap3A_124], %swap3A_127 {strides = array<i32>} : memref<128x128xf32, #tpu.memory_space<vmem>>, vector<1x16xf32>,
      %swap3A_128 = arith.index_cast %scan3A_92 : i32 to index
      %swap3A_129 = arith.constant 112 : index
      %swap3A_130 = tpu.vector_load %arg11[%swap3A_128, %swap3A_129] {strides = array<i32>} : memref<128x128xf32, #tpu.memory_space<vmem>>, vector<1x16xf32>,
      %swap3A_131 = vector.shape_cast %swap3A_130 : vector<1x16xf32> to vector<16xf32>
      %swap3A_132 = vector.shape_cast %broadcast_in_dim3A_2 : vector<16xf32> to vector<1x16xf32>
      tpu.vector_store %arg11[%swap3A_128, %swap3A_129], %swap3A_132 {strides = array<i32>} : memref<128x128xf32, #tpu.memory_space<vmem>>, vector<1x16xf32>,
      %scan3A_133 = arith.constant 0 : i32
      scf.yield %scan3A_133 : i32
    }
    %scan3A_8 = arith.constant 128 : i32
    %mul3A_9 = arith.constant 640 : i32
    %mul3A_10 = arith.muli %arg1, %mul3A_9 : i32
    %add3A_11 = arith.constant 0 : i32
    %add3A_12 = arith.addi %mul3A_10, %add3A_11 : i32
    "tpu.region"() ({
      %run_scoped3A = tpu.sem_alloc : memref<!tpu.dma_semaphore, #tpu.memory_space<semaphore_mem>>
      %dma_start3A = arith.constant 0 : i32
      %dma_start3A_92 = tpu.memref_slice %arg13[%add3A_12, %dma_start3A] : memref<10240x128xf32, #tpu.memory_space<vmem_shared>> -> memref<128x128xf32, #tpu.memory_space<vmem_shared>>
      %dma_start3A_93 = arith.constant 0 : i32
      %dma_start3A_94 = tpu.memref_slice %arg13[%add3A_12, %dma_start3A_93] : memref<10240x128xf32, #tpu.memory_space<vmem_shared>> -> memref<128x128xf32, #tpu.memory_space<vmem_shared>>
      tpu.enqueue_dma source(%arg11 : memref<128x128xf32, #tpu.memory_space<vmem>>) target(%dma_start3A_94 : memref<128x128xf32, #tpu.memory_space<vmem_shared>>) target_semaphore(%run_scoped3A : memref<!tpu.dma_semaphore, #tpu.memory_space<semaphore_mem>>)
      %dma_wait3A = arith.constant 0 : i32
      %dma_wait3A_95 = tpu.memref_slice %arg13[%add3A_12, %dma_wait3A] : memref<10240x128xf32, #tpu.memory_space<vmem_shared>> -> memref<128x128xf32, #tpu.memory_space<vmem_shared>>
      %dma_wait3A_96 = arith.constant 0 : i32
      %dma_wait3A_97 = tpu.memref_slice %arg13[%add3A_12, %dma_wait3A_96] : memref<10240x128xf32, #tpu.memory_space<vmem_shared>> -> memref<128x128xf32, #tpu.memory_space<vmem_shared>>
      tpu.wait_dma2 semaphore(%run_scoped3A : memref<!tpu.dma_semaphore, #tpu.memory_space<semaphore_mem>>) src(%arg11 : memref<128x128xf32, #tpu.memory_space<vmem>>) dst(%dma_wait3A_97 : memref<128x128xf32, #tpu.memory_space<vmem_shared>>)
      tpu.yield
    }) : () -> ()
    %mul3A_13 = arith.constant 640 : i32
    %mul3A_14 = arith.muli %arg1, %mul3A_13 : i32
    %add3A_15 = arith.constant 128 : i32
    %add3A_16 = arith.addi %mul3A_14, %add3A_15 : i32
    "tpu.region"() ({
      %run_scoped3A = tpu.sem_alloc : memref<!tpu.dma_semaphore, #tpu.memory_space<semaphore_mem>>
      %dma_start3A = arith.constant 0 : i32
      %dma_start3A_92 = tpu.memref_slice %arg13[%add3A_16, %dma_start3A] : memref<10240x128xf32, #tpu.memory_space<vmem_shared>> -> memref<128x128xf32, #tpu.memory_space<vmem_shared>>
      %dma_start3A_93 = arith.constant 0 : i32
      %dma_start3A_94 = tpu.memref_slice %arg13[%add3A_16, %dma_start3A_93] : memref<10240x128xf32, #tpu.memory_space<vmem_shared>> -> memref<128x128xf32, #tpu.memory_space<vmem_shared>>
      tpu.enqueue_dma source(%arg11 : memref<128x128xf32, #tpu.memory_space<vmem>>) target(%dma_start3A_94 : memref<128x128xf32, #tpu.memory_space<vmem_shared>>) target_semaphore(%run_scoped3A : memref<!tpu.dma_semaphore, #tpu.memory_space<semaphore_mem>>)
      %dma_wait3A = arith.constant 0 : i32
      %dma_wait3A_95 = tpu.memref_slice %arg13[%add3A_16, %dma_wait3A] : memref<10240x128xf32, #tpu.memory_space<vmem_shared>> -> memref<128x128xf32, #tpu.memory_space<vmem_shared>>
      %dma_wait3A_96 = arith.constant 0 : i32
      %dma_wait3A_97 = tpu.memref_slice %arg13[%add3A_16, %dma_wait3A_96] : memref<10240x128xf32, #tpu.memory_space<vmem_shared>> -> memref<128x128xf32, #tpu.memory_space<vmem_shared>>
      tpu.wait_dma2 semaphore(%run_scoped3A : memref<!tpu.dma_semaphore, #tpu.memory_space<semaphore_mem>>) src(%arg11 : memref<128x128xf32, #tpu.memory_space<vmem>>) dst(%dma_wait3A_97 : memref<128x128xf32, #tpu.memory_space<vmem_shared>>)
      tpu.yield
    }) : () -> ()
    %mul3A_17 = arith.constant 640 : i32
    %mul3A_18 = arith.muli %arg1, %mul3A_17 : i32
    %add3A_19 = arith.constant 256 : i32
    %add3A_20 = arith.addi %mul3A_18, %add3A_19 : i32
    "tpu.region"() ({
      %run_scoped3A = tpu.sem_alloc : memref<!tpu.dma_semaphore, #tpu.memory_space<semaphore_mem>>
      %dma_start3A = arith.constant 0 : i32
      %dma_start3A_92 = tpu.memref_slice %arg13[%add3A_20, %dma_start3A] : memref<10240x128xf32, #tpu.memory_space<vmem_shared>> -> memref<128x128xf32, #tpu.memory_space<vmem_shared>>
      %dma_start3A_93 = arith.constant 0 : i32
      %dma_start3A_94 = tpu.memref_slice %arg13[%add3A_20, %dma_start3A_93] : memref<10240x128xf32, #tpu.memory_space<vmem_shared>> -> memref<128x128xf32, #tpu.memory_space<vmem_shared>>
      tpu.enqueue_dma source(%arg11 : memref<128x128xf32, #tpu.memory_space<vmem>>) target(%dma_start3A_94 : memref<128x128xf32, #tpu.memory_space<vmem_shared>>) target_semaphore(%run_scoped3A : memref<!tpu.dma_semaphore, #tpu.memory_space<semaphore_mem>>)
      %dma_wait3A = arith.constant 0 : i32
      %dma_wait3A_95 = tpu.memref_slice %arg13[%add3A_20, %dma_wait3A] : memref<10240x128xf32, #tpu.memory_space<vmem_shared>> -> memref<128x128xf32, #tpu.memory_space<vmem_shared>>
      %dma_wait3A_96 = arith.constant 0 : i32
      %dma_wait3A_97 = tpu.memref_slice %arg13[%add3A_20, %dma_wait3A_96] : memref<10240x128xf32, #tpu.memory_space<vmem_shared>> -> memref<128x128xf32, #tpu.memory_space<vmem_shared>>
      tpu.wait_dma2 semaphore(%run_scoped3A : memref<!tpu.dma_semaphore, #tpu.memory_space<semaphore_mem>>) src(%arg11 : memref<128x128xf32, #tpu.memory_space<vmem>>) dst(%dma_wait3A_97 : memref<128x128xf32, #tpu.memory_space<vmem_shared>>)
      tpu.yield
    }) : () -> ()
    %mul3A_21 = arith.constant 640 : i32
    %mul3A_22 = arith.muli %arg1, %mul3A_21 : i32
    %add3A_23 = arith.constant 384 : i32
    %add3A_24 = arith.addi %mul3A_22, %add3A_23 : i32
    "tpu.region"() ({
      %run_scoped3A = tpu.sem_alloc : memref<!tpu.dma_semaphore, #tpu.memory_space<semaphore_mem>>
      %dma_start3A = arith.constant 0 : i32
      %dma_start3A_92 = tpu.memref_slice %arg13[%add3A_24, %dma_start3A] : memref<10240x128xf32, #tpu.memory_space<vmem_shared>> -> memref<128x128xf32, #tpu.memory_space<vmem_shared>>
      %dma_start3A_93 = arith.constant 0 : i32
      %dma_start3A_94 = tpu.memref_slice %arg13[%add3A_24, %dma_start3A_93] : memref<10240x128xf32, #tpu.memory_space<vmem_shared>> -> memref<128x128xf32, #tpu.memory_space<vmem_shared>>
      tpu.enqueue_dma source(%arg11 : memref<128x128xf32, #tpu.memory_space<vmem>>) target(%dma_start3A_94 : memref<128x128xf32, #tpu.memory_space<vmem_shared>>) target_semaphore(%run_scoped3A : memref<!tpu.dma_semaphore, #tpu.memory_space<semaphore_mem>>)
      %dma_wait3A = arith.constant 0 : i32
      %dma_wait3A_95 = tpu.memref_slice %arg13[%add3A_24, %dma_wait3A] : memref<10240x128xf32, #tpu.memory_space<vmem_shared>> -> memref<128x128xf32, #tpu.memory_space<vmem_shared>>
      %dma_wait3A_96 = arith.constant 0 : i32
      %dma_wait3A_97 = tpu.memref_slice %arg13[%add3A_24, %dma_wait3A_96] : memref<10240x128xf32, #tpu.memory_space<vmem_shared>> -> memref<128x128xf32, #tpu.memory_space<vmem_shared>>
      tpu.wait_dma2 semaphore(%run_scoped3A : memref<!tpu.dma_semaphore, #tpu.memory_space<semaphore_mem>>) src(%arg11 : memref<128x128xf32, #tpu.memory_space<vmem>>) dst(%dma_wait3A_97 : memref<128x128xf32, #tpu.memory_space<vmem_shared>>)
      tpu.yield
    }) : () -> ()
    %mul3A_25 = arith.constant 640 : i32
    %mul3A_26 = arith.muli %arg1, %mul3A_25 : i32
    %add3A_27 = arith.constant 512 : i32
    %add3A_28 = arith.addi %mul3A_26, %add3A_27 : i32
    "tpu.region"() ({
      %run_scoped3A = tpu.sem_alloc : memref<!tpu.dma_semaphore, #tpu.memory_space<semaphore_mem>>
      %dma_start3A = arith.constant 0 : i32
      %dma_start3A_92 = tpu.memref_slice %arg13[%add3A_28, %dma_start3A] : memref<10240x128xf32, #tpu.memory_space<vmem_shared>> -> memref<128x128xf32, #tpu.memory_space<vmem_shared>>
      %dma_start3A_93 = arith.constant 0 : i32
      %dma_start3A_94 = tpu.memref_slice %arg13[%add3A_28, %dma_start3A_93] : memref<10240x128xf32, #tpu.memory_space<vmem_shared>> -> memref<128x128xf32, #tpu.memory_space<vmem_shared>>
      tpu.enqueue_dma source(%arg11 : memref<128x128xf32, #tpu.memory_space<vmem>>) target(%dma_start3A_94 : memref<128x128xf32, #tpu.memory_space<vmem_shared>>) target_semaphore(%run_scoped3A : memref<!tpu.dma_semaphore, #tpu.memory_space<semaphore_mem>>)
      %dma_wait3A = arith.constant 0 : i32
      %dma_wait3A_95 = tpu.memref_slice %arg13[%add3A_28, %dma_wait3A] : memref<10240x128xf32, #tpu.memory_space<vmem_shared>> -> memref<128x128xf32, #tpu.memory_space<vmem_shared>>
      %dma_wait3A_96 = arith.constant 0 : i32
      %dma_wait3A_97 = tpu.memref_slice %arg13[%add3A_28, %dma_wait3A_96] : memref<10240x128xf32, #tpu.memory_space<vmem_shared>> -> memref<128x128xf32, #tpu.memory_space<vmem_shared>>
      tpu.wait_dma2 semaphore(%run_scoped3A : memref<!tpu.dma_semaphore, #tpu.memory_space<semaphore_mem>>) src(%arg11 : memref<128x128xf32, #tpu.memory_space<vmem>>) dst(%dma_wait3A_97 : memref<128x128xf32, #tpu.memory_space<vmem_shared>>)
      tpu.yield
    }) : () -> ()
    %barrier3A = arith.constant 0 : index
    tpu.barrier barrier_id(%barrier3A)
    %mul3A_29 = arith.constant 80 : i32
    %mul3A_30 = arith.muli %add3A, %mul3A_29 : i32
    %add3A_31 = arith.constant 0 : i32
    %add3A_32 = arith.addi %mul3A_30, %add3A_31 : i32
    %jit3A = arith.constant 10 : i32
    %jit3A_33 = arith.constant 20 : i32
    %select_n3A = arith.select %eq3A_1, %jit3A, %jit3A_33 : i32
    %ge3A = arith.constant 0 : i32
    %ge3A_34 = arith.cmpi sge, %add3A, %ge3A : i32
    %not3A = arith.constant true
    %not3A_35 = arith.xori %eq3A_1, %not3A : i1
    %convert_element_type3A = arith.extui %not3A_35 : i1 to i32
    %cond3A = arith.constant 0 : i32
    %cond3A_36 = arith.cmpi ne, %convert_element_type3A, %cond3A : i32
    scf.if %cond3A_36 {
      "tpu.region"() ({
        %run_scoped3A = tpu.sem_alloc : memref<!tpu.dma_semaphore, #tpu.memory_space<semaphore_mem>>
        %dma_start3A = arith.constant 0 : i32
        %dma_start3A_92 = tpu.memref_slice %arg3[%add3A_32, %dma_start3A] : memref<2496x128xi32, #tpu.memory_space<hbm>> -> memref<40x128xi32, #tpu.memory_space<hbm>>
        %dma_start3A_93 = arith.constant 0 : i32
        %dma_start3A_94 = tpu.memref_slice %arg3[%add3A_32, %dma_start3A_93] : memref<2496x128xi32, #tpu.memory_space<hbm>> -> memref<40x128xi32, #tpu.memory_space<hbm>>
        tpu.enqueue_dma source(%dma_start3A_94 : memref<40x128xi32, #tpu.memory_space<hbm>>) target(%arg9 : memref<40x128xi32, #tpu.memory_space<vmem>>) target_semaphore(%run_scoped3A : memref<!tpu.dma_semaphore, #tpu.memory_space<semaphore_mem>>)
        %dma_wait3A = arith.constant 0 : i32
        %dma_wait3A_95 = tpu.memref_slice %arg3[%add3A_32, %dma_wait3A] : memref<2496x128xi32, #tpu.memory_space<hbm>> -> memref<40x128xi32, #tpu.memory_space<hbm>>
        %dma_wait3A_96 = arith.constant 0 : i32
        %dma_wait3A_97 = tpu.memref_slice %arg3[%add3A_32, %dma_wait3A_96] : memref<2496x128xi32, #tpu.memory_space<hbm>> -> memref<40x128xi32, #tpu.memory_space<hbm>>
        tpu.wait_dma2 semaphore(%run_scoped3A : memref<!tpu.dma_semaphore, #tpu.memory_space<semaphore_mem>>) src(%dma_wait3A_97 : memref<40x128xi32, #tpu.memory_space<hbm>>) dst(%arg9 : memref<40x128xi32, #tpu.memory_space<vmem>>)
        tpu.yield
      }) : () -> ()
      "tpu.region"() ({
        %run_scoped3A = tpu.sem_alloc : memref<!tpu.dma_semaphore, #tpu.memory_space<semaphore_mem>>
        %dma_start3A = arith.constant 0 : i32
        %dma_start3A_92 = tpu.memref_slice %arg4[%add3A_32, %dma_start3A] : memref<2496x128xi32, #tpu.memory_space<hbm>> -> memref<40x128xi32, #tpu.memory_space<hbm>>
        %dma_start3A_93 = arith.constant 0 : i32
        %dma_start3A_94 = tpu.memref_slice %arg4[%add3A_32, %dma_start3A_93] : memref<2496x128xi32, #tpu.memory_space<hbm>> -> memref<40x128xi32, #tpu.memory_space<hbm>>
        tpu.enqueue_dma source(%dma_start3A_94 : memref<40x128xi32, #tpu.memory_space<hbm>>) target(%arg10 : memref<40x128xi32, #tpu.memory_space<vmem>>) target_semaphore(%run_scoped3A : memref<!tpu.dma_semaphore, #tpu.memory_space<semaphore_mem>>)
        %dma_wait3A = arith.constant 0 : i32
        %dma_wait3A_95 = tpu.memref_slice %arg4[%add3A_32, %dma_wait3A] : memref<2496x128xi32, #tpu.memory_space<hbm>> -> memref<40x128xi32, #tpu.memory_space<hbm>>
        %dma_wait3A_96 = arith.constant 0 : i32
        %dma_wait3A_97 = tpu.memref_slice %arg4[%add3A_32, %dma_wait3A_96] : memref<2496x128xi32, #tpu.memory_space<hbm>> -> memref<40x128xi32, #tpu.memory_space<hbm>>
        tpu.wait_dma2 semaphore(%run_scoped3A : memref<!tpu.dma_semaphore, #tpu.memory_space<semaphore_mem>>) src(%dma_wait3A_97 : memref<40x128xi32, #tpu.memory_space<hbm>>) dst(%arg10 : memref<40x128xi32, #tpu.memory_space<vmem>>)
        tpu.yield
      }) : () -> ()
    } else {
    }
    %convert_element_type3A_37 = arith.extui %eq3A_1 : i1 to i32
    %cond3A_38 = arith.constant 0 : i32
    %cond3A_39 = arith.cmpi ne, %convert_element_type3A_37, %cond3A_38 : i32
    scf.if %cond3A_39 {
      "tpu.region"() ({
        %run_scoped3A = tpu.sem_alloc : memref<!tpu.dma_semaphore, #tpu.memory_space<semaphore_mem>>
        %dma_start3A = arith.constant 0 : i32
        %dma_start3A_92 = arith.constant 0 : i32
        %dma_start3A_93 = tpu.memref_slice %arg9[%dma_start3A, %dma_start3A_92] : memref<40x128xi32, #tpu.memory_space<vmem>> -> memref<16x128xi32, #tpu.memory_space<vmem>>
        %dma_start3A_94 = arith.constant 2480 : i32
        %dma_start3A_95 = arith.constant 0 : i32
        %dma_start3A_96 = tpu.memref_slice %arg3[%dma_start3A_94, %dma_start3A_95] : memref<2496x128xi32, #tpu.memory_space<hbm>> -> memref<16x128xi32, #tpu.memory_space<hbm>>
        %dma_start3A_97 = arith.constant 0 : i32
        %dma_start3A_98 = arith.constant 0 : i32
        %dma_start3A_99 = tpu.memref_slice %arg9[%dma_start3A_97, %dma_start3A_98] : memref<40x128xi32, #tpu.memory_space<vmem>> -> memref<16x128xi32, #tpu.memory_space<vmem>>
        %dma_start3A_100 = arith.constant 2480 : i32
        %dma_start3A_101 = arith.constant 0 : i32
        %dma_start3A_102 = tpu.memref_slice %arg3[%dma_start3A_100, %dma_start3A_101] : memref<2496x128xi32, #tpu.memory_space<hbm>> -> memref<16x128xi32, #tpu.memory_space<hbm>>
        tpu.enqueue_dma source(%dma_start3A_102 : memref<16x128xi32, #tpu.memory_space<hbm>>) target(%dma_start3A_99 : memref<16x128xi32, #tpu.memory_space<vmem>>) target_semaphore(%run_scoped3A : memref<!tpu.dma_semaphore, #tpu.memory_space<semaphore_mem>>)
        %dma_wait3A = arith.constant 0 : i32
        %dma_wait3A_103 = arith.constant 0 : i32
        %dma_wait3A_104 = tpu.memref_slice %arg9[%dma_wait3A, %dma_wait3A_103] : memref<40x128xi32, #tpu.memory_space<vmem>> -> memref<16x128xi32, #tpu.memory_space<vmem>>
        %dma_wait3A_105 = arith.constant 2480 : i32
        %dma_wait3A_106 = arith.constant 0 : i32
        %dma_wait3A_107 = tpu.memref_slice %arg3[%dma_wait3A_105, %dma_wait3A_106] : memref<2496x128xi32, #tpu.memory_space<hbm>> -> memref<16x128xi32, #tpu.memory_space<hbm>>
        %dma_wait3A_108 = arith.constant 0 : i32
        %dma_wait3A_109 = arith.constant 0 : i32
        %dma_wait3A_110 = tpu.memref_slice %arg9[%dma_wait3A_108, %dma_wait3A_109] : memref<40x128xi32, #tpu.memory_space<vmem>> -> memref<16x128xi32, #tpu.memory_space<vmem>>
        %dma_wait3A_111 = arith.constant 2480 : i32
        %dma_wait3A_112 = arith.constant 0 : i32
        %dma_wait3A_113 = tpu.memref_slice %arg3[%dma_wait3A_111, %dma_wait3A_112] : memref<2496x128xi32, #tpu.memory_space<hbm>> -> memref<16x128xi32, #tpu.memory_space<hbm>>
        tpu.wait_dma2 semaphore(%run_scoped3A : memref<!tpu.dma_semaphore, #tpu.memory_space<semaphore_mem>>) src(%dma_wait3A_113 : memref<16x128xi32, #tpu.memory_space<hbm>>) dst(%dma_wait3A_110 : memref<16x128xi32, #tpu.memory_space<vmem>>)
        tpu.yield
      }) : () -> ()
      "tpu.region"() ({
        %run_scoped3A = tpu.sem_alloc : memref<!tpu.dma_semaphore, #tpu.memory_space<semaphore_mem>>
        %dma_start3A = arith.constant 0 : i32
        %dma_start3A_92 = arith.constant 0 : i32
        %dma_start3A_93 = tpu.memref_slice %arg10[%dma_start3A, %dma_start3A_92] : memref<40x128xi32, #tpu.memory_space<vmem>> -> memref<16x128xi32, #tpu.memory_space<vmem>>
        %dma_start3A_94 = arith.constant 2480 : i32
        %dma_start3A_95 = arith.constant 0 : i32
        %dma_start3A_96 = tpu.memref_slice %arg4[%dma_start3A_94, %dma_start3A_95] : memref<2496x128xi32, #tpu.memory_space<hbm>> -> memref<16x128xi32, #tpu.memory_space<hbm>>
        %dma_start3A_97 = arith.constant 0 : i32
        %dma_start3A_98 = arith.constant 0 : i32
        %dma_start3A_99 = tpu.memref_slice %arg10[%dma_start3A_97, %dma_start3A_98] : memref<40x128xi32, #tpu.memory_space<vmem>> -> memref<16x128xi32, #tpu.memory_space<vmem>>
        %dma_start3A_100 = arith.constant 2480 : i32
        %dma_start3A_101 = arith.constant 0 : i32
        %dma_start3A_102 = tpu.memref_slice %arg4[%dma_start3A_100, %dma_start3A_101] : memref<2496x128xi32, #tpu.memory_space<hbm>> -> memref<16x128xi32, #tpu.memory_space<hbm>>
        tpu.enqueue_dma source(%dma_start3A_102 : memref<16x128xi32, #tpu.memory_space<hbm>>) target(%dma_start3A_99 : memref<16x128xi32, #tpu.memory_space<vmem>>) target_semaphore(%run_scoped3A : memref<!tpu.dma_semaphore, #tpu.memory_space<semaphore_mem>>)
        %dma_wait3A = arith.constant 0 : i32
        %dma_wait3A_103 = arith.constant 0 : i32
        %dma_wait3A_104 = tpu.memref_slice %arg10[%dma_wait3A, %dma_wait3A_103] : memref<40x128xi32, #tpu.memory_space<vmem>> -> memref<16x128xi32, #tpu.memory_space<vmem>>
        %dma_wait3A_105 = arith.constant 2480 : i32
        %dma_wait3A_106 = arith.constant 0 : i32
        %dma_wait3A_107 = tpu.memref_slice %arg4[%dma_wait3A_105, %dma_wait3A_106] : memref<2496x128xi32, #tpu.memory_space<hbm>> -> memref<16x128xi32, #tpu.memory_space<hbm>>
        %dma_wait3A_108 = arith.constant 0 : i32
        %dma_wait3A_109 = arith.constant 0 : i32
        %dma_wait3A_110 = tpu.memref_slice %arg10[%dma_wait3A_108, %dma_wait3A_109] : memref<40x128xi32, #tpu.memory_space<vmem>> -> memref<16x128xi32, #tpu.memory_space<vmem>>
        %dma_wait3A_111 = arith.constant 2480 : i32
        %dma_wait3A_112 = arith.constant 0 : i32
        %dma_wait3A_113 = tpu.memref_slice %arg4[%dma_wait3A_111, %dma_wait3A_112] : memref<2496x128xi32, #tpu.memory_space<hbm>> -> memref<16x128xi32, #tpu.memory_space<hbm>>
        tpu.wait_dma2 semaphore(%run_scoped3A : memref<!tpu.dma_semaphore, #tpu.memory_space<semaphore_mem>>) src(%dma_wait3A_113 : memref<16x128xi32, #tpu.memory_space<hbm>>) dst(%dma_wait3A_110 : memref<16x128xi32, #tpu.memory_space<vmem>>)
        tpu.yield
      }) : () -> ()
      "tpu.region"() ({
        %run_scoped3A = tpu.sem_alloc : memref<!tpu.dma_semaphore, #tpu.memory_space<semaphore_mem>>
        %dma_start3A = arith.constant 16 : i32
        %dma_start3A_92 = arith.constant 0 : i32
        %dma_start3A_93 = tpu.memref_slice %arg9[%dma_start3A, %dma_start3A_92] : memref<40x128xi32, #tpu.memory_space<vmem>> -> memref<4x128xi32, #tpu.memory_space<vmem>>
        %dma_start3A_94 = arith.constant 16 : i32
        %dma_start3A_95 = arith.constant 0 : i32
        %dma_start3A_96 = tpu.memref_slice %arg9[%dma_start3A_94, %dma_start3A_95] : memref<40x128xi32, #tpu.memory_space<vmem>> -> memref<4x128xi32, #tpu.memory_space<vmem>>
        tpu.enqueue_dma source(%arg5 : memref<4x128xi32, #tpu.memory_space<hbm>>) target(%dma_start3A_96 : memref<4x128xi32, #tpu.memory_space<vmem>>) target_semaphore(%run_scoped3A : memref<!tpu.dma_semaphore, #tpu.memory_space<semaphore_mem>>)
        %dma_wait3A = arith.constant 16 : i32
        %dma_wait3A_97 = arith.constant 0 : i32
        %dma_wait3A_98 = tpu.memref_slice %arg9[%dma_wait3A, %dma_wait3A_97] : memref<40x128xi32, #tpu.memory_space<vmem>> -> memref<4x128xi32, #tpu.memory_space<vmem>>
        %dma_wait3A_99 = arith.constant 16 : i32
        %dma_wait3A_100 = arith.constant 0 : i32
        %dma_wait3A_101 = tpu.memref_slice %arg9[%dma_wait3A_99, %dma_wait3A_100] : memref<40x128xi32, #tpu.memory_space<vmem>> -> memref<4x128xi32, #tpu.memory_space<vmem>>
        tpu.wait_dma2 semaphore(%run_scoped3A : memref<!tpu.dma_semaphore, #tpu.memory_space<semaphore_mem>>) src(%arg5 : memref<4x128xi32, #tpu.memory_space<hbm>>) dst(%dma_wait3A_101 : memref<4x128xi32, #tpu.memory_space<vmem>>)
        tpu.yield
      }) : () -> ()
      "tpu.region"() ({
        %run_scoped3A = tpu.sem_alloc : memref<!tpu.dma_semaphore, #tpu.memory_space<semaphore_mem>>
        %dma_start3A = arith.constant 16 : i32
        %dma_start3A_92 = arith.constant 0 : i32
        %dma_start3A_93 = tpu.memref_slice %arg10[%dma_start3A, %dma_start3A_92] : memref<40x128xi32, #tpu.memory_space<vmem>> -> memref<4x128xi32, #tpu.memory_space<vmem>>
        %dma_start3A_94 = arith.constant 16 : i32
        %dma_start3A_95 = arith.constant 0 : i32
        %dma_start3A_96 = tpu.memref_slice %arg10[%dma_start3A_94, %dma_start3A_95] : memref<40x128xi32, #tpu.memory_space<vmem>> -> memref<4x128xi32, #tpu.memory_space<vmem>>
        tpu.enqueue_dma source(%arg6 : memref<4x128xi32, #tpu.memory_space<hbm>>) target(%dma_start3A_96 : memref<4x128xi32, #tpu.memory_space<vmem>>) target_semaphore(%run_scoped3A : memref<!tpu.dma_semaphore, #tpu.memory_space<semaphore_mem>>)
        %dma_wait3A = arith.constant 16 : i32
        %dma_wait3A_97 = arith.constant 0 : i32
        %dma_wait3A_98 = tpu.memref_slice %arg10[%dma_wait3A, %dma_wait3A_97] : memref<40x128xi32, #tpu.memory_space<vmem>> -> memref<4x128xi32, #tpu.memory_space<vmem>>
        %dma_wait3A_99 = arith.constant 16 : i32
        %dma_wait3A_100 = arith.constant 0 : i32
        %dma_wait3A_101 = tpu.memref_slice %arg10[%dma_wait3A_99, %dma_wait3A_100] : memref<40x128xi32, #tpu.memory_space<vmem>> -> memref<4x128xi32, #tpu.memory_space<vmem>>
        tpu.wait_dma2 semaphore(%run_scoped3A : memref<!tpu.dma_semaphore, #tpu.memory_space<semaphore_mem>>) src(%arg6 : memref<4x128xi32, #tpu.memory_space<hbm>>) dst(%dma_wait3A_101 : memref<4x128xi32, #tpu.memory_space<vmem>>)
        tpu.yield
      }) : () -> ()
    } else {
    }
    %convert_element_type3A_40 = arith.extui %ge3A_34 : i1 to i32
    %cond3A_41 = arith.constant 0 : i32
    %cond3A_42 = arith.cmpi ne, %convert_element_type3A_40, %cond3A_41 : i32
    scf.if %cond3A_42 {
      %dma_start3A = arith.constant 0 : i32
      %dma_start3A_92 = arith.constant 0 : i32
      %dma_start3A_93 = tpu.memref_slice %arg9[%dma_start3A, %dma_start3A_92] : memref<40x128xi32, #tpu.memory_space<vmem>> -> memref<1x128xi32, #tpu.memory_space<vmem>>
      %dma_start3A_94 = tpu.memref_squeeze %dma_start3A_93 : memref<1x128xi32, #tpu.memory_space<vmem>> -> memref<128xi32, #tpu.memory_space<vmem>>
      %dma_start3A_95 = arith.constant 0 : i32
      %dma_start3A_96 = arith.constant 0 : i32
      %dma_start3A_97 = tpu.memref_slice %arg2[%dma_start3A_95, %dma_start3A_96] : memref<10000x128xf32, #tpu.memory_space<hbm>> -> memref<10000x128xf32, #tpu.memory_space<hbm>>
      tpu.enqueue_indirect_dma source(%dma_start3A_97 : memref<10000x128xf32, #tpu.memory_space<hbm>>) target(%arg11 : memref<128x128xf32, #tpu.memory_space<vmem>>) offsets(%dma_start3A_94 : memref<128xi32, #tpu.memory_space<vmem>>) semaphore(%arg14 : memref<!tpu.dma_semaphore, #tpu.memory_space<semaphore_mem>>)
      %dma_start3A_98 = arith.constant 1 : i32
      %dma_start3A_99 = arith.constant 0 : i32
      %dma_start3A_100 = tpu.memref_slice %arg9[%dma_start3A_98, %dma_start3A_99] : memref<40x128xi32, #tpu.memory_space<vmem>> -> memref<1x128xi32, #tpu.memory_space<vmem>>
      %dma_start3A_101 = tpu.memref_squeeze %dma_start3A_100 : memref<1x128xi32, #tpu.memory_space<vmem>> -> memref<128xi32, #tpu.memory_space<vmem>>
      %dma_start3A_102 = arith.constant 0 : i32
      %dma_start3A_103 = arith.constant 0 : i32
      %dma_start3A_104 = tpu.memref_slice %arg2[%dma_start3A_102, %dma_start3A_103] : memref<10000x128xf32, #tpu.memory_space<hbm>> -> memref<10000x128xf32, #tpu.memory_space<hbm>>
      tpu.enqueue_indirect_dma source(%dma_start3A_104 : memref<10000x128xf32, #tpu.memory_space<hbm>>) target(%arg12 : memref<128x128xf32, #tpu.memory_space<vmem>>) offsets(%dma_start3A_101 : memref<128xi32, #tpu.memory_space<vmem>>) semaphore(%arg15 : memref<!tpu.dma_semaphore, #tpu.memory_space<semaphore_mem>>)
    } else {
    }
    %while3A = arith.constant 0 : i32
    %while3A_43 = arith.constant 0 : i32
    %while3A_44 = arith.subi %select_n3A, %while3A : i32
    %while3A_45 = arith.addi %while3A, %while3A_44 : i32
    %while3A_46 = arith.constant 1 : i32
    %while3A_47 = arith.divsi %while3A_44, %while3A_46 : i32
    %while3A_48 = arith.muli %while3A_47, %while3A_46 : i32
    %while3A_49 = arith.addi %while3A, %while3A_48 : i32
    %while3A_50 = arith.constant 1 : i32
    %while3A_51 = scf.for %while3A_92 = %while3A to %while3A_49 step %while3A_50 iter_args(%while3A_93 = %while3A_43) -> (i32)  : i32 {
      %mul3A_94 = arith.constant 2 : i32
      %mul3A_95 = arith.muli %mul3A_94, %while3A_92 : i32
      %dma_wait3A = arith.constant 0 : i32
      %dma_wait3A_96 = arith.constant 0 : i32
      %dma_wait3A_97 = tpu.memref_slice %arg9[%dma_wait3A, %dma_wait3A_96] : memref<40x128xi32, #tpu.memory_space<vmem>> -> memref<1x128xi32, #tpu.memory_space<vmem>>
      %dma_wait3A_98 = tpu.memref_squeeze %dma_wait3A_97 : memref<1x128xi32, #tpu.memory_space<vmem>> -> memref<128xi32, #tpu.memory_space<vmem>>
      %dma_wait3A_99 = arith.constant 0 : i32
      %dma_wait3A_100 = arith.constant 0 : i32
      %dma_wait3A_101 = tpu.memref_slice %arg2[%dma_wait3A_99, %dma_wait3A_100] : memref<10000x128xf32, #tpu.memory_space<hbm>> -> memref<10000x128xf32, #tpu.memory_space<hbm>>
      tpu.wait_indirect_dma semaphore(%arg14 : memref<!tpu.dma_semaphore, #tpu.memory_space<semaphore_mem>>) src(%dma_wait3A_101 : memref<10000x128xf32, #tpu.memory_space<hbm>>) dst(%arg11 : memref<128x128xf32, #tpu.memory_space<vmem>>)
      "tpu.region"() ({
        %run_scoped3A = tpu.sem_alloc : memref<!tpu.dma_semaphore, #tpu.memory_space<semaphore_mem>>
        %dma_start3A = arith.constant 0 : i32
        %dma_start3A_123 = tpu.memref_slice %arg10[%mul3A_95, %dma_start3A] : memref<40x128xi32, #tpu.memory_space<vmem>> -> memref<1x128xi32, #tpu.memory_space<vmem>>
        %dma_start3A_124 = tpu.memref_squeeze %dma_start3A_123 : memref<1x128xi32, #tpu.memory_space<vmem>> -> memref<128xi32, #tpu.memory_space<vmem>>
        %dma_start3A_125 = arith.constant 0 : i32
        %dma_start3A_126 = arith.constant 0 : i32
        %dma_start3A_127 = tpu.memref_slice %arg13[%dma_start3A_125, %dma_start3A_126] : memref<10240x128xf32, #tpu.memory_space<vmem_shared>> -> memref<10240x128xf32, #tpu.memory_space<vmem_shared>>
        tpu.enqueue_indirect_dma source(%arg11 : memref<128x128xf32, #tpu.memory_space<vmem>>) target(%dma_start3A_127 : memref<10240x128xf32, #tpu.memory_space<vmem_shared>>) offsets(%dma_start3A_124 : memref<128xi32, #tpu.memory_space<vmem>>) semaphore(%run_scoped3A : memref<!tpu.dma_semaphore, #tpu.memory_space<semaphore_mem>>) {add = true}
        %dma_wait3A_128 = arith.constant 0 : i32
        %dma_wait3A_129 = tpu.memref_slice %arg10[%mul3A_95, %dma_wait3A_128] : memref<40x128xi32, #tpu.memory_space<vmem>> -> memref<1x128xi32, #tpu.memory_space<vmem>>
        %dma_wait3A_130 = tpu.memref_squeeze %dma_wait3A_129 : memref<1x128xi32, #tpu.memory_space<vmem>> -> memref<128xi32, #tpu.memory_space<vmem>>
        %dma_wait3A_131 = arith.constant 0 : i32
        %dma_wait3A_132 = arith.constant 0 : i32
        %dma_wait3A_133 = tpu.memref_slice %arg13[%dma_wait3A_131, %dma_wait3A_132] : memref<10240x128xf32, #tpu.memory_space<vmem_shared>> -> memref<10240x128xf32, #tpu.memory_space<vmem_shared>>
        tpu.wait_indirect_dma semaphore(%run_scoped3A : memref<!tpu.dma_semaphore, #tpu.memory_space<semaphore_mem>>) src(%arg11 : memref<128x128xf32, #tpu.memory_space<vmem>>) dst(%dma_wait3A_133 : memref<10240x128xf32, #tpu.memory_space<vmem_shared>>)
        tpu.yield
      }) : () -> ()
      %add3A_102 = arith.constant 1 : i32
      %add3A_103 = arith.addi %while3A_92, %add3A_102 : i32
      %lt3A = arith.cmpi slt, %add3A_103, %select_n3A : i32
      %convert_element_type3A_104 = arith.extui %lt3A : i1 to i32
      %cond3A_105 = arith.constant 0 : i32
      %cond3A_106 = arith.cmpi ne, %convert_element_type3A_104, %cond3A_105 : i32
      scf.if %cond3A_106 {
        %add3A_123 = arith.constant 2 : i32
        %add3A_124 = arith.addi %mul3A_95, %add3A_123 : i32
        %dma_start3A = arith.constant 0 : i32
        %dma_start3A_125 = tpu.memref_slice %arg9[%add3A_124, %dma_start3A] : memref<40x128xi32, #tpu.memory_space<vmem>> -> memref<1x128xi32, #tpu.memory_space<vmem>>
        %dma_start3A_126 = tpu.memref_squeeze %dma_start3A_125 : memref<1x128xi32, #tpu.memory_space<vmem>> -> memref<128xi32, #tpu.memory_space<vmem>>
        %dma_start3A_127 = arith.constant 0 : i32
        %dma_start3A_128 = arith.constant 0 : i32
        %dma_start3A_129 = tpu.memref_slice %arg2[%dma_start3A_127, %dma_start3A_128] : memref<10000x128xf32, #tpu.memory_space<hbm>> -> memref<10000x128xf32, #tpu.memory_space<hbm>>
        tpu.enqueue_indirect_dma source(%dma_start3A_129 : memref<10000x128xf32, #tpu.memory_space<hbm>>) target(%arg11 : memref<128x128xf32, #tpu.memory_space<vmem>>) offsets(%dma_start3A_126 : memref<128xi32, #tpu.memory_space<vmem>>) semaphore(%arg14 : memref<!tpu.dma_semaphore, #tpu.memory_space<semaphore_mem>>)
      } else {
      }
      %dma_wait3A_107 = arith.constant 0 : i32
      %dma_wait3A_108 = arith.constant 0 : i32
      %dma_wait3A_109 = tpu.memref_slice %arg9[%dma_wait3A_107, %dma_wait3A_108] : memref<40x128xi32, #tpu.memory_space<vmem>> -> memref<1x128xi32, #tpu.memory_space<vmem>>
      %dma_wait3A_110 = tpu.memref_squeeze %dma_wait3A_109 : memref<1x128xi32, #tpu.memory_space<vmem>> -> memref<128xi32, #tpu.memory_space<vmem>>
      %dma_wait3A_111 = arith.constant 0 : i32
      %dma_wait3A_112 = arith.constant 0 : i32
      %dma_wait3A_113 = tpu.memref_slice %arg2[%dma_wait3A_111, %dma_wait3A_112] : memref<10000x128xf32, #tpu.memory_space<hbm>> -> memref<10000x128xf32, #tpu.memory_space<hbm>>
      tpu.wait_indirect_dma semaphore(%arg15 : memref<!tpu.dma_semaphore, #tpu.memory_space<semaphore_mem>>) src(%dma_wait3A_113 : memref<10000x128xf32, #tpu.memory_space<hbm>>) dst(%arg12 : memref<128x128xf32, #tpu.memory_space<vmem>>)
      %add3A_114 = arith.constant 1 : i32
      %add3A_115 = arith.addi %mul3A_95, %add3A_114 : i32
      "tpu.region"() ({
        %run_scoped3A = tpu.sem_alloc : memref<!tpu.dma_semaphore, #tpu.memory_space<semaphore_mem>>
        %dma_start3A = arith.constant 0 : i32
        %dma_start3A_123 = tpu.memref_slice %arg10[%add3A_115, %dma_start3A] : memref<40x128xi32, #tpu.memory_space<vmem>> -> memref<1x128xi32, #tpu.memory_space<vmem>>
        %dma_start3A_124 = tpu.memref_squeeze %dma_start3A_123 : memref<1x128xi32, #tpu.memory_space<vmem>> -> memref<128xi32, #tpu.memory_space<vmem>>
        %dma_start3A_125 = arith.constant 0 : i32
        %dma_start3A_126 = arith.constant 0 : i32
        %dma_start3A_127 = tpu.memref_slice %arg13[%dma_start3A_125, %dma_start3A_126] : memref<10240x128xf32, #tpu.memory_space<vmem_shared>> -> memref<10240x128xf32, #tpu.memory_space<vmem_shared>>
        tpu.enqueue_indirect_dma source(%arg12 : memref<128x128xf32, #tpu.memory_space<vmem>>) target(%dma_start3A_127 : memref<10240x128xf32, #tpu.memory_space<vmem_shared>>) offsets(%dma_start3A_124 : memref<128xi32, #tpu.memory_space<vmem>>) semaphore(%run_scoped3A : memref<!tpu.dma_semaphore, #tpu.memory_space<semaphore_mem>>) {add = true}
        %dma_wait3A_128 = arith.constant 0 : i32
        %dma_wait3A_129 = tpu.memref_slice %arg10[%add3A_115, %dma_wait3A_128] : memref<40x128xi32, #tpu.memory_space<vmem>> -> memref<1x128xi32, #tpu.memory_space<vmem>>
        %dma_wait3A_130 = tpu.memref_squeeze %dma_wait3A_129 : memref<1x128xi32, #tpu.memory_space<vmem>> -> memref<128xi32, #tpu.memory_space<vmem>>
        %dma_wait3A_131 = arith.constant 0 : i32
        %dma_wait3A_132 = arith.constant 0 : i32
        %dma_wait3A_133 = tpu.memref_slice %arg13[%dma_wait3A_131, %dma_wait3A_132] : memref<10240x128xf32, #tpu.memory_space<vmem_shared>> -> memref<10240x128xf32, #tpu.memory_space<vmem_shared>>
        tpu.wait_indirect_dma semaphore(%run_scoped3A : memref<!tpu.dma_semaphore, #tpu.memory_space<semaphore_mem>>) src(%arg12 : memref<128x128xf32, #tpu.memory_space<vmem>>) dst(%dma_wait3A_133 : memref<10240x128xf32, #tpu.memory_space<vmem_shared>>)
        tpu.yield
      }) : () -> ()
      %add3A_116 = arith.constant 1 : i32
      %add3A_117 = arith.addi %while3A_92, %add3A_116 : i32
      %lt3A_118 = arith.cmpi slt, %add3A_117, %select_n3A : i32
      %convert_element_type3A_119 = arith.extui %lt3A_118 : i1 to i32
      %cond3A_120 = arith.constant 0 : i32
      %cond3A_121 = arith.cmpi ne, %convert_element_type3A_119, %cond3A_120 : i32
      scf.if %cond3A_121 {
        %add3A_123 = arith.constant 3 : i32
        %add3A_124 = arith.addi %mul3A_95, %add3A_123 : i32
        %dma_start3A = arith.constant 0 : i32
        %dma_start3A_125 = tpu.memref_slice %arg9[%add3A_124, %dma_start3A] : memref<40x128xi32, #tpu.memory_space<vmem>> -> memref<1x128xi32, #tpu.memory_space<vmem>>
        %dma_start3A_126 = tpu.memref_squeeze %dma_start3A_125 : memref<1x128xi32, #tpu.memory_space<vmem>> -> memref<128xi32, #tpu.memory_space<vmem>>
        %dma_start3A_127 = arith.constant 0 : i32
        %dma_start3A_128 = arith.constant 0 : i32
        %dma_start3A_129 = tpu.memref_slice %arg2[%dma_start3A_127, %dma_start3A_128] : memref<10000x128xf32, #tpu.memory_space<hbm>> -> memref<10000x128xf32, #tpu.memory_space<hbm>>
        tpu.enqueue_indirect_dma source(%dma_start3A_129 : memref<10000x128xf32, #tpu.memory_space<hbm>>) target(%arg12 : memref<128x128xf32, #tpu.memory_space<vmem>>) offsets(%dma_start3A_126 : memref<128xi32, #tpu.memory_space<vmem>>) semaphore(%arg15 : memref<!tpu.dma_semaphore, #tpu.memory_space<semaphore_mem>>)
      } else {
      }
      %while3A_122 = arith.constant 0 : i32
      scf.yield %while3A_122 : i32
    }
    %while3A_52 = arith.constant 1 : i32
    %while3A_53 = scf.for %while3A_92 = %while3A_49 to %while3A_45 step %while3A_52 iter_args(%while3A_93 = %while3A_51) -> (i32)  : i32 {
      %mul3A_94 = arith.constant 2 : i32
      %mul3A_95 = arith.muli %mul3A_94, %while3A_92 : i32
      %dma_wait3A = arith.constant 0 : i32
      %dma_wait3A_96 = arith.constant 0 : i32
      %dma_wait3A_97 = tpu.memref_slice %arg9[%dma_wait3A, %dma_wait3A_96] : memref<40x128xi32, #tpu.memory_space<vmem>> -> memref<1x128xi32, #tpu.memory_space<vmem>>
      %dma_wait3A_98 = tpu.memref_squeeze %dma_wait3A_97 : memref<1x128xi32, #tpu.memory_space<vmem>> -> memref<128xi32, #tpu.memory_space<vmem>>
      %dma_wait3A_99 = arith.constant 0 : i32
      %dma_wait3A_100 = arith.constant 0 : i32
      %dma_wait3A_101 = tpu.memref_slice %arg2[%dma_wait3A_99, %dma_wait3A_100] : memref<10000x128xf32, #tpu.memory_space<hbm>> -> memref<10000x128xf32, #tpu.memory_space<hbm>>
      tpu.wait_indirect_dma semaphore(%arg14 : memref<!tpu.dma_semaphore, #tpu.memory_space<semaphore_mem>>) src(%dma_wait3A_101 : memref<10000x128xf32, #tpu.memory_space<hbm>>) dst(%arg11 : memref<128x128xf32, #tpu.memory_space<vmem>>)
      "tpu.region"() ({
        %run_scoped3A = tpu.sem_alloc : memref<!tpu.dma_semaphore, #tpu.memory_space<semaphore_mem>>
        %dma_start3A = arith.constant 0 : i32
        %dma_start3A_123 = tpu.memref_slice %arg10[%mul3A_95, %dma_start3A] : memref<40x128xi32, #tpu.memory_space<vmem>> -> memref<1x128xi32, #tpu.memory_space<vmem>>
        %dma_start3A_124 = tpu.memref_squeeze %dma_start3A_123 : memref<1x128xi32, #tpu.memory_space<vmem>> -> memref<128xi32, #tpu.memory_space<vmem>>
        %dma_start3A_125 = arith.constant 0 : i32
        %dma_start3A_126 = arith.constant 0 : i32
        %dma_start3A_127 = tpu.memref_slice %arg13[%dma_start3A_125, %dma_start3A_126] : memref<10240x128xf32, #tpu.memory_space<vmem_shared>> -> memref<10240x128xf32, #tpu.memory_space<vmem_shared>>
        tpu.enqueue_indirect_dma source(%arg11 : memref<128x128xf32, #tpu.memory_space<vmem>>) target(%dma_start3A_127 : memref<10240x128xf32, #tpu.memory_space<vmem_shared>>) offsets(%dma_start3A_124 : memref<128xi32, #tpu.memory_space<vmem>>) semaphore(%run_scoped3A : memref<!tpu.dma_semaphore, #tpu.memory_space<semaphore_mem>>) {add = true}
        %dma_wait3A_128 = arith.constant 0 : i32
        %dma_wait3A_129 = tpu.memref_slice %arg10[%mul3A_95, %dma_wait3A_128] : memref<40x128xi32, #tpu.memory_space<vmem>> -> memref<1x128xi32, #tpu.memory_space<vmem>>
        %dma_wait3A_130 = tpu.memref_squeeze %dma_wait3A_129 : memref<1x128xi32, #tpu.memory_space<vmem>> -> memref<128xi32, #tpu.memory_space<vmem>>
        %dma_wait3A_131 = arith.constant 0 : i32
        %dma_wait3A_132 = arith.constant 0 : i32
        %dma_wait3A_133 = tpu.memref_slice %arg13[%dma_wait3A_131, %dma_wait3A_132] : memref<10240x128xf32, #tpu.memory_space<vmem_shared>> -> memref<10240x128xf32, #tpu.memory_space<vmem_shared>>
        tpu.wait_indirect_dma semaphore(%run_scoped3A : memref<!tpu.dma_semaphore, #tpu.memory_space<semaphore_mem>>) src(%arg11 : memref<128x128xf32, #tpu.memory_space<vmem>>) dst(%dma_wait3A_133 : memref<10240x128xf32, #tpu.memory_space<vmem_shared>>)
        tpu.yield
      }) : () -> ()
      %add3A_102 = arith.constant 1 : i32
      %add3A_103 = arith.addi %while3A_92, %add3A_102 : i32
      %lt3A = arith.cmpi slt, %add3A_103, %select_n3A : i32
      %convert_element_type3A_104 = arith.extui %lt3A : i1 to i32
      %cond3A_105 = arith.constant 0 : i32
      %cond3A_106 = arith.cmpi ne, %convert_element_type3A_104, %cond3A_105 : i32
      scf.if %cond3A_106 {
        %add3A_123 = arith.constant 2 : i32
        %add3A_124 = arith.addi %mul3A_95, %add3A_123 : i32
        %dma_start3A = arith.constant 0 : i32
        %dma_start3A_125 = tpu.memref_slice %arg9[%add3A_124, %dma_start3A] : memref<40x128xi32, #tpu.memory_space<vmem>> -> memref<1x128xi32, #tpu.memory_space<vmem>>
        %dma_start3A_126 = tpu.memref_squeeze %dma_start3A_125 : memref<1x128xi32, #tpu.memory_space<vmem>> -> memref<128xi32, #tpu.memory_space<vmem>>
        %dma_start3A_127 = arith.constant 0 : i32
        %dma_start3A_128 = arith.constant 0 : i32
        %dma_start3A_129 = tpu.memref_slice %arg2[%dma_start3A_127, %dma_start3A_128] : memref<10000x128xf32, #tpu.memory_space<hbm>> -> memref<10000x128xf32, #tpu.memory_space<hbm>>
        tpu.enqueue_indirect_dma source(%dma_start3A_129 : memref<10000x128xf32, #tpu.memory_space<hbm>>) target(%arg11 : memref<128x128xf32, #tpu.memory_space<vmem>>) offsets(%dma_start3A_126 : memref<128xi32, #tpu.memory_space<vmem>>) semaphore(%arg14 : memref<!tpu.dma_semaphore, #tpu.memory_space<semaphore_mem>>)
      } else {
      }
      %dma_wait3A_107 = arith.constant 0 : i32
      %dma_wait3A_108 = arith.constant 0 : i32
      %dma_wait3A_109 = tpu.memref_slice %arg9[%dma_wait3A_107, %dma_wait3A_108] : memref<40x128xi32, #tpu.memory_space<vmem>> -> memref<1x128xi32, #tpu.memory_space<vmem>>
      %dma_wait3A_110 = tpu.memref_squeeze %dma_wait3A_109 : memref<1x128xi32, #tpu.memory_space<vmem>> -> memref<128xi32, #tpu.memory_space<vmem>>
      %dma_wait3A_111 = arith.constant 0 : i32
      %dma_wait3A_112 = arith.constant 0 : i32
      %dma_wait3A_113 = tpu.memref_slice %arg2[%dma_wait3A_111, %dma_wait3A_112] : memref<10000x128xf32, #tpu.memory_space<hbm>> -> memref<10000x128xf32, #tpu.memory_space<hbm>>
      tpu.wait_indirect_dma semaphore(%arg15 : memref<!tpu.dma_semaphore, #tpu.memory_space<semaphore_mem>>) src(%dma_wait3A_113 : memref<10000x128xf32, #tpu.memory_space<hbm>>) dst(%arg12 : memref<128x128xf32, #tpu.memory_space<vmem>>)
      %add3A_114 = arith.constant 1 : i32
      %add3A_115 = arith.addi %mul3A_95, %add3A_114 : i32
      "tpu.region"() ({
        %run_scoped3A = tpu.sem_alloc : memref<!tpu.dma_semaphore, #tpu.memory_space<semaphore_mem>>
        %dma_start3A = arith.constant 0 : i32
        %dma_start3A_123 = tpu.memref_slice %arg10[%add3A_115, %dma_start3A] : memref<40x128xi32, #tpu.memory_space<vmem>> -> memref<1x128xi32, #tpu.memory_space<vmem>>
        %dma_start3A_124 = tpu.memref_squeeze %dma_start3A_123 : memref<1x128xi32, #tpu.memory_space<vmem>> -> memref<128xi32, #tpu.memory_space<vmem>>
        %dma_start3A_125 = arith.constant 0 : i32
        %dma_start3A_126 = arith.constant 0 : i32
        %dma_start3A_127 = tpu.memref_slice %arg13[%dma_start3A_125, %dma_start3A_126] : memref<10240x128xf32, #tpu.memory_space<vmem_shared>> -> memref<10240x128xf32, #tpu.memory_space<vmem_shared>>
        tpu.enqueue_indirect_dma source(%arg12 : memref<128x128xf32, #tpu.memory_space<vmem>>) target(%dma_start3A_127 : memref<10240x128xf32, #tpu.memory_space<vmem_shared>>) offsets(%dma_start3A_124 : memref<128xi32, #tpu.memory_space<vmem>>) semaphore(%run_scoped3A : memref<!tpu.dma_semaphore, #tpu.memory_space<semaphore_mem>>) {add = true}
        %dma_wait3A_128 = arith.constant 0 : i32
        %dma_wait3A_129 = tpu.memref_slice %arg10[%add3A_115, %dma_wait3A_128] : memref<40x128xi32, #tpu.memory_space<vmem>> -> memref<1x128xi32, #tpu.memory_space<vmem>>
        %dma_wait3A_130 = tpu.memref_squeeze %dma_wait3A_129 : memref<1x128xi32, #tpu.memory_space<vmem>> -> memref<128xi32, #tpu.memory_space<vmem>>
        %dma_wait3A_131 = arith.constant 0 : i32
        %dma_wait3A_132 = arith.constant 0 : i32
        %dma_wait3A_133 = tpu.memref_slice %arg13[%dma_wait3A_131, %dma_wait3A_132] : memref<10240x128xf32, #tpu.memory_space<vmem_shared>> -> memref<10240x128xf32, #tpu.memory_space<vmem_shared>>
        tpu.wait_indirect_dma semaphore(%run_scoped3A : memref<!tpu.dma_semaphore, #tpu.memory_space<semaphore_mem>>) src(%arg12 : memref<128x128xf32, #tpu.memory_space<vmem>>) dst(%dma_wait3A_133 : memref<10240x128xf32, #tpu.memory_space<vmem_shared>>)
        tpu.yield
      }) : () -> ()
      %add3A_116 = arith.constant 1 : i32
      %add3A_117 = arith.addi %while3A_92, %add3A_116 : i32
      %lt3A_118 = arith.cmpi slt, %add3A_117, %select_n3A : i32
      %convert_element_type3A_119 = arith.extui %lt3A_118 : i1 to i32
      %cond3A_120 = arith.constant 0 : i32
      %cond3A_121 = arith.cmpi ne, %convert_element_type3A_119, %cond3A_120 : i32
      scf.if %cond3A_121 {
        %add3A_123 = arith.constant 3 : i32
        %add3A_124 = arith.addi %mul3A_95, %add3A_123 : i32
        %dma_start3A = arith.constant 0 : i32
        %dma_start3A_125 = tpu.memref_slice %arg9[%add3A_124, %dma_start3A] : memref<40x128xi32, #tpu.memory_space<vmem>> -> memref<1x128xi32, #tpu.memory_space<vmem>>
        %dma_start3A_126 = tpu.memref_squeeze %dma_start3A_125 : memref<1x128xi32, #tpu.memory_space<vmem>> -> memref<128xi32, #tpu.memory_space<vmem>>
        %dma_start3A_127 = arith.constant 0 : i32
        %dma_start3A_128 = arith.constant 0 : i32
        %dma_start3A_129 = tpu.memref_slice %arg2[%dma_start3A_127, %dma_start3A_128] : memref<10000x128xf32, #tpu.memory_space<hbm>> -> memref<10000x128xf32, #tpu.memory_space<hbm>>
        tpu.enqueue_indirect_dma source(%dma_start3A_129 : memref<10000x128xf32, #tpu.memory_space<hbm>>) target(%arg12 : memref<128x128xf32, #tpu.memory_space<vmem>>) offsets(%dma_start3A_126 : memref<128xi32, #tpu.memory_space<vmem>>) semaphore(%arg15 : memref<!tpu.dma_semaphore, #tpu.memory_space<semaphore_mem>>)
      } else {
      }
      %while3A_122 = arith.constant 0 : i32
      scf.yield %while3A_122 : i32
    }
    %mul3A_54 = arith.constant 80 : i32
    %mul3A_55 = arith.muli %add3A, %mul3A_54 : i32
    %add3A_56 = arith.constant 40 : i32
    %add3A_57 = arith.addi %mul3A_55, %add3A_56 : i32
    %jit3A_58 = arith.constant 0 : i32
    %jit3A_59 = arith.constant 20 : i32
    %select_n3A_60 = arith.select %eq3A_1, %jit3A_58, %jit3A_59 : i32
    %not3A_61 = arith.constant true
    %not3A_62 = arith.xori %eq3A_1, %not3A_61 : i1
    %convert_element_type3A_63 = arith.extui %not3A_62 : i1 to i32
    %cond3A_64 = arith.constant 0 : i32
    %cond3A_65 = arith.cmpi ne, %convert_element_type3A_63, %cond3A_64 : i32
    scf.if %cond3A_65 {
      "tpu.region"() ({
        %run_scoped3A = tpu.sem_alloc : memref<!tpu.dma_semaphore, #tpu.memory_space<semaphore_mem>>
        %dma_start3A = arith.constant 0 : i32
        %dma_start3A_92 = tpu.memref_slice %arg3[%add3A_57, %dma_start3A] : memref<2496x128xi32, #tpu.memory_space<hbm>> -> memref<40x128xi32, #tpu.memory_space<hbm>>
        %dma_start3A_93 = arith.constant 0 : i32
        %dma_start3A_94 = tpu.memref_slice %arg3[%add3A_57, %dma_start3A_93] : memref<2496x128xi32, #tpu.memory_space<hbm>> -> memref<40x128xi32, #tpu.memory_space<hbm>>
        tpu.enqueue_dma source(%dma_start3A_94 : memref<40x128xi32, #tpu.memory_space<hbm>>) target(%arg9 : memref<40x128xi32, #tpu.memory_space<vmem>>) target_semaphore(%run_scoped3A : memref<!tpu.dma_semaphore, #tpu.memory_space<semaphore_mem>>)
        %dma_wait3A = arith.constant 0 : i32
        %dma_wait3A_95 = tpu.memref_slice %arg3[%add3A_57, %dma_wait3A] : memref<2496x128xi32, #tpu.memory_space<hbm>> -> memref<40x128xi32, #tpu.memory_space<hbm>>
        %dma_wait3A_96 = arith.constant 0 : i32
        %dma_wait3A_97 = tpu.memref_slice %arg3[%add3A_57, %dma_wait3A_96] : memref<2496x128xi32, #tpu.memory_space<hbm>> -> memref<40x128xi32, #tpu.memory_space<hbm>>
        tpu.wait_dma2 semaphore(%run_scoped3A : memref<!tpu.dma_semaphore, #tpu.memory_space<semaphore_mem>>) src(%dma_wait3A_97 : memref<40x128xi32, #tpu.memory_space<hbm>>) dst(%arg9 : memref<40x128xi32, #tpu.memory_space<vmem>>)
        tpu.yield
      }) : () -> ()
      "tpu.region"() ({
        %run_scoped3A = tpu.sem_alloc : memref<!tpu.dma_semaphore, #tpu.memory_space<semaphore_mem>>
        %dma_start3A = arith.constant 0 : i32
        %dma_start3A_92 = tpu.memref_slice %arg4[%add3A_57, %dma_start3A] : memref<2496x128xi32, #tpu.memory_space<hbm>> -> memref<40x128xi32, #tpu.memory_space<hbm>>
        %dma_start3A_93 = arith.constant 0 : i32
        %dma_start3A_94 = tpu.memref_slice %arg4[%add3A_57, %dma_start3A_93] : memref<2496x128xi32, #tpu.memory_space<hbm>> -> memref<40x128xi32, #tpu.memory_space<hbm>>
        tpu.enqueue_dma source(%dma_start3A_94 : memref<40x128xi32, #tpu.memory_space<hbm>>) target(%arg10 : memref<40x128xi32, #tpu.memory_space<vmem>>) target_semaphore(%run_scoped3A : memref<!tpu.dma_semaphore, #tpu.memory_space<semaphore_mem>>)
        %dma_wait3A = arith.constant 0 : i32
        %dma_wait3A_95 = tpu.memref_slice %arg4[%add3A_57, %dma_wait3A] : memref<2496x128xi32, #tpu.memory_space<hbm>> -> memref<40x128xi32, #tpu.memory_space<hbm>>
        %dma_wait3A_96 = arith.constant 0 : i32
        %dma_wait3A_97 = tpu.memref_slice %arg4[%add3A_57, %dma_wait3A_96] : memref<2496x128xi32, #tpu.memory_space<hbm>> -> memref<40x128xi32, #tpu.memory_space<hbm>>
        tpu.wait_dma2 semaphore(%run_scoped3A : memref<!tpu.dma_semaphore, #tpu.memory_space<semaphore_mem>>) src(%dma_wait3A_97 : memref<40x128xi32, #tpu.memory_space<hbm>>) dst(%arg10 : memref<40x128xi32, #tpu.memory_space<vmem>>)
        tpu.yield
      }) : () -> ()
    } else {
    }
    %convert_element_type3A_66 = arith.extui %not3A_62 : i1 to i32
    %cond3A_67 = arith.constant 0 : i32
    %cond3A_68 = arith.cmpi ne, %convert_element_type3A_66, %cond3A_67 : i32
    scf.if %cond3A_68 {
      %dma_start3A = arith.constant 0 : i32
      %dma_start3A_92 = arith.constant 0 : i32
      %dma_start3A_93 = tpu.memref_slice %arg9[%dma_start3A, %dma_start3A_92] : memref<40x128xi32, #tpu.memory_space<vmem>> -> memref<1x128xi32, #tpu.memory_space<vmem>>
      %dma_start3A_94 = tpu.memref_squeeze %dma_start3A_93 : memref<1x128xi32, #tpu.memory_space<vmem>> -> memref<128xi32, #tpu.memory_space<vmem>>
      %dma_start3A_95 = arith.constant 0 : i32
      %dma_start3A_96 = arith.constant 0 : i32
      %dma_start3A_97 = tpu.memref_slice %arg2[%dma_start3A_95, %dma_start3A_96] : memref<10000x128xf32, #tpu.memory_space<hbm>> -> memref<10000x128xf32, #tpu.memory_space<hbm>>
      tpu.enqueue_indirect_dma source(%dma_start3A_97 : memref<10000x128xf32, #tpu.memory_space<hbm>>) target(%arg11 : memref<128x128xf32, #tpu.memory_space<vmem>>) offsets(%dma_start3A_94 : memref<128xi32, #tpu.memory_space<vmem>>) semaphore(%arg14 : memref<!tpu.dma_semaphore, #tpu.memory_space<semaphore_mem>>)
      %dma_start3A_98 = arith.constant 1 : i32
      %dma_start3A_99 = arith.constant 0 : i32
      %dma_start3A_100 = tpu.memref_slice %arg9[%dma_start3A_98, %dma_start3A_99] : memref<40x128xi32, #tpu.memory_space<vmem>> -> memref<1x128xi32, #tpu.memory_space<vmem>>
      %dma_start3A_101 = tpu.memref_squeeze %dma_start3A_100 : memref<1x128xi32, #tpu.memory_space<vmem>> -> memref<128xi32, #tpu.memory_space<vmem>>
      %dma_start3A_102 = arith.constant 0 : i32
      %dma_start3A_103 = arith.constant 0 : i32
      %dma_start3A_104 = tpu.memref_slice %arg2[%dma_start3A_102, %dma_start3A_103] : memref<10000x128xf32, #tpu.memory_space<hbm>> -> memref<10000x128xf32, #tpu.memory_space<hbm>>
      tpu.enqueue_indirect_dma source(%dma_start3A_104 : memref<10000x128xf32, #tpu.memory_space<hbm>>) target(%arg12 : memref<128x128xf32, #tpu.memory_space<vmem>>) offsets(%dma_start3A_101 : memref<128xi32, #tpu.memory_space<vmem>>) semaphore(%arg15 : memref<!tpu.dma_semaphore, #tpu.memory_space<semaphore_mem>>)
    } else {
    }
    %while3A_69 = arith.constant 0 : i32
    %while3A_70 = arith.constant 0 : i32
    %while3A_71 = arith.subi %select_n3A_60, %while3A_69 : i32
    %while3A_72 = arith.addi %while3A_69, %while3A_71 : i32
    %while3A_73 = arith.constant 1 : i32
    %while3A_74 = arith.divsi %while3A_71, %while3A_73 : i32
    %while3A_75 = arith.muli %while3A_74, %while3A_73 : i32
    %while3A_76 = arith.addi %while3A_69, %while3A_75 : i32
    %while3A_77 = arith.constant 1 : i32
    %while3A_78 = scf.for %while3A_92 = %while3A_69 to %while3A_76 step %while3A_77 iter_args(%while3A_93 = %while3A_70) -> (i32)  : i32 {
      %mul3A_94 = arith.constant 2 : i32
      %mul3A_95 = arith.muli %mul3A_94, %while3A_92 : i32
      %dma_wait3A = arith.constant 0 : i32
      %dma_wait3A_96 = arith.constant 0 : i32
      %dma_wait3A_97 = tpu.memref_slice %arg9[%dma_wait3A, %dma_wait3A_96] : memref<40x128xi32, #tpu.memory_space<vmem>> -> memref<1x128xi32, #tpu.memory_space<vmem>>
      %dma_wait3A_98 = tpu.memref_squeeze %dma_wait3A_97 : memref<1x128xi32, #tpu.memory_space<vmem>> -> memref<128xi32, #tpu.memory_space<vmem>>
      %dma_wait3A_99 = arith.constant 0 : i32
      %dma_wait3A_100 = arith.constant 0 : i32
      %dma_wait3A_101 = tpu.memref_slice %arg2[%dma_wait3A_99, %dma_wait3A_100] : memref<10000x128xf32, #tpu.memory_space<hbm>> -> memref<10000x128xf32, #tpu.memory_space<hbm>>
      tpu.wait_indirect_dma semaphore(%arg14 : memref<!tpu.dma_semaphore, #tpu.memory_space<semaphore_mem>>) src(%dma_wait3A_101 : memref<10000x128xf32, #tpu.memory_space<hbm>>) dst(%arg11 : memref<128x128xf32, #tpu.memory_space<vmem>>)
      "tpu.region"() ({
        %run_scoped3A = tpu.sem_alloc : memref<!tpu.dma_semaphore, #tpu.memory_space<semaphore_mem>>
        %dma_start3A = arith.constant 0 : i32
        %dma_start3A_123 = tpu.memref_slice %arg10[%mul3A_95, %dma_start3A] : memref<40x128xi32, #tpu.memory_space<vmem>> -> memref<1x128xi32, #tpu.memory_space<vmem>>
        %dma_start3A_124 = tpu.memref_squeeze %dma_start3A_123 : memref<1x128xi32, #tpu.memory_space<vmem>> -> memref<128xi32, #tpu.memory_space<vmem>>
        %dma_start3A_125 = arith.constant 0 : i32
        %dma_start3A_126 = arith.constant 0 : i32
        %dma_start3A_127 = tpu.memref_slice %arg13[%dma_start3A_125, %dma_start3A_126] : memref<10240x128xf32, #tpu.memory_space<vmem_shared>> -> memref<10240x128xf32, #tpu.memory_space<vmem_shared>>
        tpu.enqueue_indirect_dma source(%arg11 : memref<128x128xf32, #tpu.memory_space<vmem>>) target(%dma_start3A_127 : memref<10240x128xf32, #tpu.memory_space<vmem_shared>>) offsets(%dma_start3A_124 : memref<128xi32, #tpu.memory_space<vmem>>) semaphore(%run_scoped3A : memref<!tpu.dma_semaphore, #tpu.memory_space<semaphore_mem>>) {add = true}
        %dma_wait3A_128 = arith.constant 0 : i32
        %dma_wait3A_129 = tpu.memref_slice %arg10[%mul3A_95, %dma_wait3A_128] : memref<40x128xi32, #tpu.memory_space<vmem>> -> memref<1x128xi32, #tpu.memory_space<vmem>>
        %dma_wait3A_130 = tpu.memref_squeeze %dma_wait3A_129 : memref<1x128xi32, #tpu.memory_space<vmem>> -> memref<128xi32, #tpu.memory_space<vmem>>
        %dma_wait3A_131 = arith.constant 0 : i32
        %dma_wait3A_132 = arith.constant 0 : i32
        %dma_wait3A_133 = tpu.memref_slice %arg13[%dma_wait3A_131, %dma_wait3A_132] : memref<10240x128xf32, #tpu.memory_space<vmem_shared>> -> memref<10240x128xf32, #tpu.memory_space<vmem_shared>>
        tpu.wait_indirect_dma semaphore(%run_scoped3A : memref<!tpu.dma_semaphore, #tpu.memory_space<semaphore_mem>>) src(%arg11 : memref<128x128xf32, #tpu.memory_space<vmem>>) dst(%dma_wait3A_133 : memref<10240x128xf32, #tpu.memory_space<vmem_shared>>)
        tpu.yield
      }) : () -> ()
      %add3A_102 = arith.constant 1 : i32
      %add3A_103 = arith.addi %while3A_92, %add3A_102 : i32
      %lt3A = arith.cmpi slt, %add3A_103, %select_n3A_60 : i32
      %convert_element_type3A_104 = arith.extui %lt3A : i1 to i32
      %cond3A_105 = arith.constant 0 : i32
      %cond3A_106 = arith.cmpi ne, %convert_element_type3A_104, %cond3A_105 : i32
      scf.if %cond3A_106 {
        %add3A_123 = arith.constant 2 : i32
        %add3A_124 = arith.addi %mul3A_95, %add3A_123 : i32
        %dma_start3A = arith.constant 0 : i32
        %dma_start3A_125 = tpu.memref_slice %arg9[%add3A_124, %dma_start3A] : memref<40x128xi32, #tpu.memory_space<vmem>> -> memref<1x128xi32, #tpu.memory_space<vmem>>
        %dma_start3A_126 = tpu.memref_squeeze %dma_start3A_125 : memref<1x128xi32, #tpu.memory_space<vmem>> -> memref<128xi32, #tpu.memory_space<vmem>>
        %dma_start3A_127 = arith.constant 0 : i32
        %dma_start3A_128 = arith.constant 0 : i32
        %dma_start3A_129 = tpu.memref_slice %arg2[%dma_start3A_127, %dma_start3A_128] : memref<10000x128xf32, #tpu.memory_space<hbm>> -> memref<10000x128xf32, #tpu.memory_space<hbm>>
        tpu.enqueue_indirect_dma source(%dma_start3A_129 : memref<10000x128xf32, #tpu.memory_space<hbm>>) target(%arg11 : memref<128x128xf32, #tpu.memory_space<vmem>>) offsets(%dma_start3A_126 : memref<128xi32, #tpu.memory_space<vmem>>) semaphore(%arg14 : memref<!tpu.dma_semaphore, #tpu.memory_space<semaphore_mem>>)
      } else {
      }
      %dma_wait3A_107 = arith.constant 0 : i32
      %dma_wait3A_108 = arith.constant 0 : i32
      %dma_wait3A_109 = tpu.memref_slice %arg9[%dma_wait3A_107, %dma_wait3A_108] : memref<40x128xi32, #tpu.memory_space<vmem>> -> memref<1x128xi32, #tpu.memory_space<vmem>>
      %dma_wait3A_110 = tpu.memref_squeeze %dma_wait3A_109 : memref<1x128xi32, #tpu.memory_space<vmem>> -> memref<128xi32, #tpu.memory_space<vmem>>
      %dma_wait3A_111 = arith.constant 0 : i32
      %dma_wait3A_112 = arith.constant 0 : i32
      %dma_wait3A_113 = tpu.memref_slice %arg2[%dma_wait3A_111, %dma_wait3A_112] : memref<10000x128xf32, #tpu.memory_space<hbm>> -> memref<10000x128xf32, #tpu.memory_space<hbm>>
      tpu.wait_indirect_dma semaphore(%arg15 : memref<!tpu.dma_semaphore, #tpu.memory_space<semaphore_mem>>) src(%dma_wait3A_113 : memref<10000x128xf32, #tpu.memory_space<hbm>>) dst(%arg12 : memref<128x128xf32, #tpu.memory_space<vmem>>)
      %add3A_114 = arith.constant 1 : i32
      %add3A_115 = arith.addi %mul3A_95, %add3A_114 : i32
      "tpu.region"() ({
        %run_scoped3A = tpu.sem_alloc : memref<!tpu.dma_semaphore, #tpu.memory_space<semaphore_mem>>
        %dma_start3A = arith.constant 0 : i32
        %dma_start3A_123 = tpu.memref_slice %arg10[%add3A_115, %dma_start3A] : memref<40x128xi32, #tpu.memory_space<vmem>> -> memref<1x128xi32, #tpu.memory_space<vmem>>
        %dma_start3A_124 = tpu.memref_squeeze %dma_start3A_123 : memref<1x128xi32, #tpu.memory_space<vmem>> -> memref<128xi32, #tpu.memory_space<vmem>>
        %dma_start3A_125 = arith.constant 0 : i32
        %dma_start3A_126 = arith.constant 0 : i32
        %dma_start3A_127 = tpu.memref_slice %arg13[%dma_start3A_125, %dma_start3A_126] : memref<10240x128xf32, #tpu.memory_space<vmem_shared>> -> memref<10240x128xf32, #tpu.memory_space<vmem_shared>>
        tpu.enqueue_indirect_dma source(%arg12 : memref<128x128xf32, #tpu.memory_space<vmem>>) target(%dma_start3A_127 : memref<10240x128xf32, #tpu.memory_space<vmem_shared>>) offsets(%dma_start3A_124 : memref<128xi32, #tpu.memory_space<vmem>>) semaphore(%run_scoped3A : memref<!tpu.dma_semaphore, #tpu.memory_space<semaphore_mem>>) {add = true}
        %dma_wait3A_128 = arith.constant 0 : i32
        %dma_wait3A_129 = tpu.memref_slice %arg10[%add3A_115, %dma_wait3A_128] : memref<40x128xi32, #tpu.memory_space<vmem>> -> memref<1x128xi32, #tpu.memory_space<vmem>>
        %dma_wait3A_130 = tpu.memref_squeeze %dma_wait3A_129 : memref<1x128xi32, #tpu.memory_space<vmem>> -> memref<128xi32, #tpu.memory_space<vmem>>
        %dma_wait3A_131 = arith.constant 0 : i32
        %dma_wait3A_132 = arith.constant 0 : i32
        %dma_wait3A_133 = tpu.memref_slice %arg13[%dma_wait3A_131, %dma_wait3A_132] : memref<10240x128xf32, #tpu.memory_space<vmem_shared>> -> memref<10240x128xf32, #tpu.memory_space<vmem_shared>>
        tpu.wait_indirect_dma semaphore(%run_scoped3A : memref<!tpu.dma_semaphore, #tpu.memory_space<semaphore_mem>>) src(%arg12 : memref<128x128xf32, #tpu.memory_space<vmem>>) dst(%dma_wait3A_133 : memref<10240x128xf32, #tpu.memory_space<vmem_shared>>)
        tpu.yield
      }) : () -> ()
      %add3A_116 = arith.constant 1 : i32
      %add3A_117 = arith.addi %while3A_92, %add3A_116 : i32
      %lt3A_118 = arith.cmpi slt, %add3A_117, %select_n3A_60 : i32
      %convert_element_type3A_119 = arith.extui %lt3A_118 : i1 to i32
      %cond3A_120 = arith.constant 0 : i32
      %cond3A_121 = arith.cmpi ne, %convert_element_type3A_119, %cond3A_120 : i32
      scf.if %cond3A_121 {
        %add3A_123 = arith.constant 3 : i32
        %add3A_124 = arith.addi %mul3A_95, %add3A_123 : i32
        %dma_start3A = arith.constant 0 : i32
        %dma_start3A_125 = tpu.memref_slice %arg9[%add3A_124, %dma_start3A] : memref<40x128xi32, #tpu.memory_space<vmem>> -> memref<1x128xi32, #tpu.memory_space<vmem>>
        %dma_start3A_126 = tpu.memref_squeeze %dma_start3A_125 : memref<1x128xi32, #tpu.memory_space<vmem>> -> memref<128xi32, #tpu.memory_space<vmem>>
        %dma_start3A_127 = arith.constant 0 : i32
        %dma_start3A_128 = arith.constant 0 : i32
        %dma_start3A_129 = tpu.memref_slice %arg2[%dma_start3A_127, %dma_start3A_128] : memref<10000x128xf32, #tpu.memory_space<hbm>> -> memref<10000x128xf32, #tpu.memory_space<hbm>>
        tpu.enqueue_indirect_dma source(%dma_start3A_129 : memref<10000x128xf32, #tpu.memory_space<hbm>>) target(%arg12 : memref<128x128xf32, #tpu.memory_space<vmem>>) offsets(%dma_start3A_126 : memref<128xi32, #tpu.memory_space<vmem>>) semaphore(%arg15 : memref<!tpu.dma_semaphore, #tpu.memory_space<semaphore_mem>>)
      } else {
      }
      %while3A_122 = arith.constant 0 : i32
      scf.yield %while3A_122 : i32
    }
    %while3A_79 = arith.constant 1 : i32
    %while3A_80 = scf.for %while3A_92 = %while3A_76 to %while3A_72 step %while3A_79 iter_args(%while3A_93 = %while3A_78) -> (i32)  : i32 {
      %mul3A_94 = arith.constant 2 : i32
      %mul3A_95 = arith.muli %mul3A_94, %while3A_92 : i32
      %dma_wait3A = arith.constant 0 : i32
      %dma_wait3A_96 = arith.constant 0 : i32
      %dma_wait3A_97 = tpu.memref_slice %arg9[%dma_wait3A, %dma_wait3A_96] : memref<40x128xi32, #tpu.memory_space<vmem>> -> memref<1x128xi32, #tpu.memory_space<vmem>>
      %dma_wait3A_98 = tpu.memref_squeeze %dma_wait3A_97 : memref<1x128xi32, #tpu.memory_space<vmem>> -> memref<128xi32, #tpu.memory_space<vmem>>
      %dma_wait3A_99 = arith.constant 0 : i32
      %dma_wait3A_100 = arith.constant 0 : i32
      %dma_wait3A_101 = tpu.memref_slice %arg2[%dma_wait3A_99, %dma_wait3A_100] : memref<10000x128xf32, #tpu.memory_space<hbm>> -> memref<10000x128xf32, #tpu.memory_space<hbm>>
      tpu.wait_indirect_dma semaphore(%arg14 : memref<!tpu.dma_semaphore, #tpu.memory_space<semaphore_mem>>) src(%dma_wait3A_101 : memref<10000x128xf32, #tpu.memory_space<hbm>>) dst(%arg11 : memref<128x128xf32, #tpu.memory_space<vmem>>)
      "tpu.region"() ({
        %run_scoped3A = tpu.sem_alloc : memref<!tpu.dma_semaphore, #tpu.memory_space<semaphore_mem>>
        %dma_start3A = arith.constant 0 : i32
        %dma_start3A_123 = tpu.memref_slice %arg10[%mul3A_95, %dma_start3A] : memref<40x128xi32, #tpu.memory_space<vmem>> -> memref<1x128xi32, #tpu.memory_space<vmem>>
        %dma_start3A_124 = tpu.memref_squeeze %dma_start3A_123 : memref<1x128xi32, #tpu.memory_space<vmem>> -> memref<128xi32, #tpu.memory_space<vmem>>
        %dma_start3A_125 = arith.constant 0 : i32
        %dma_start3A_126 = arith.constant 0 : i32
        %dma_start3A_127 = tpu.memref_slice %arg13[%dma_start3A_125, %dma_start3A_126] : memref<10240x128xf32, #tpu.memory_space<vmem_shared>> -> memref<10240x128xf32, #tpu.memory_space<vmem_shared>>
        tpu.enqueue_indirect_dma source(%arg11 : memref<128x128xf32, #tpu.memory_space<vmem>>) target(%dma_start3A_127 : memref<10240x128xf32, #tpu.memory_space<vmem_shared>>) offsets(%dma_start3A_124 : memref<128xi32, #tpu.memory_space<vmem>>) semaphore(%run_scoped3A : memref<!tpu.dma_semaphore, #tpu.memory_space<semaphore_mem>>) {add = true}
        %dma_wait3A_128 = arith.constant 0 : i32
        %dma_wait3A_129 = tpu.memref_slice %arg10[%mul3A_95, %dma_wait3A_128] : memref<40x128xi32, #tpu.memory_space<vmem>> -> memref<1x128xi32, #tpu.memory_space<vmem>>
        %dma_wait3A_130 = tpu.memref_squeeze %dma_wait3A_129 : memref<1x128xi32, #tpu.memory_space<vmem>> -> memref<128xi32, #tpu.memory_space<vmem>>
        %dma_wait3A_131 = arith.constant 0 : i32
        %dma_wait3A_132 = arith.constant 0 : i32
        %dma_wait3A_133 = tpu.memref_slice %arg13[%dma_wait3A_131, %dma_wait3A_132] : memref<10240x128xf32, #tpu.memory_space<vmem_shared>> -> memref<10240x128xf32, #tpu.memory_space<vmem_shared>>
        tpu.wait_indirect_dma semaphore(%run_scoped3A : memref<!tpu.dma_semaphore, #tpu.memory_space<semaphore_mem>>) src(%arg11 : memref<128x128xf32, #tpu.memory_space<vmem>>) dst(%dma_wait3A_133 : memref<10240x128xf32, #tpu.memory_space<vmem_shared>>)
        tpu.yield
      }) : () -> ()
      %add3A_102 = arith.constant 1 : i32
      %add3A_103 = arith.addi %while3A_92, %add3A_102 : i32
      %lt3A = arith.cmpi slt, %add3A_103, %select_n3A_60 : i32
      %convert_element_type3A_104 = arith.extui %lt3A : i1 to i32
      %cond3A_105 = arith.constant 0 : i32
      %cond3A_106 = arith.cmpi ne, %convert_element_type3A_104, %cond3A_105 : i32
      scf.if %cond3A_106 {
        %add3A_123 = arith.constant 2 : i32
        %add3A_124 = arith.addi %mul3A_95, %add3A_123 : i32
        %dma_start3A = arith.constant 0 : i32
        %dma_start3A_125 = tpu.memref_slice %arg9[%add3A_124, %dma_start3A] : memref<40x128xi32, #tpu.memory_space<vmem>> -> memref<1x128xi32, #tpu.memory_space<vmem>>
        %dma_start3A_126 = tpu.memref_squeeze %dma_start3A_125 : memref<1x128xi32, #tpu.memory_space<vmem>> -> memref<128xi32, #tpu.memory_space<vmem>>
        %dma_start3A_127 = arith.constant 0 : i32
        %dma_start3A_128 = arith.constant 0 : i32
        %dma_start3A_129 = tpu.memref_slice %arg2[%dma_start3A_127, %dma_start3A_128] : memref<10000x128xf32, #tpu.memory_space<hbm>> -> memref<10000x128xf32, #tpu.memory_space<hbm>>
        tpu.enqueue_indirect_dma source(%dma_start3A_129 : memref<10000x128xf32, #tpu.memory_space<hbm>>) target(%arg11 : memref<128x128xf32, #tpu.memory_space<vmem>>) offsets(%dma_start3A_126 : memref<128xi32, #tpu.memory_space<vmem>>) semaphore(%arg14 : memref<!tpu.dma_semaphore, #tpu.memory_space<semaphore_mem>>)
      } else {
      }
      %dma_wait3A_107 = arith.constant 0 : i32
      %dma_wait3A_108 = arith.constant 0 : i32
      %dma_wait3A_109 = tpu.memref_slice %arg9[%dma_wait3A_107, %dma_wait3A_108] : memref<40x128xi32, #tpu.memory_space<vmem>> -> memref<1x128xi32, #tpu.memory_space<vmem>>
      %dma_wait3A_110 = tpu.memref_squeeze %dma_wait3A_109 : memref<1x128xi32, #tpu.memory_space<vmem>> -> memref<128xi32, #tpu.memory_space<vmem>>
      %dma_wait3A_111 = arith.constant 0 : i32
      %dma_wait3A_112 = arith.constant 0 : i32
      %dma_wait3A_113 = tpu.memref_slice %arg2[%dma_wait3A_111, %dma_wait3A_112] : memref<10000x128xf32, #tpu.memory_space<hbm>> -> memref<10000x128xf32, #tpu.memory_space<hbm>>
      tpu.wait_indirect_dma semaphore(%arg15 : memref<!tpu.dma_semaphore, #tpu.memory_space<semaphore_mem>>) src(%dma_wait3A_113 : memref<10000x128xf32, #tpu.memory_space<hbm>>) dst(%arg12 : memref<128x128xf32, #tpu.memory_space<vmem>>)
      %add3A_114 = arith.constant 1 : i32
      %add3A_115 = arith.addi %mul3A_95, %add3A_114 : i32
      "tpu.region"() ({
        %run_scoped3A = tpu.sem_alloc : memref<!tpu.dma_semaphore, #tpu.memory_space<semaphore_mem>>
        %dma_start3A = arith.constant 0 : i32
        %dma_start3A_123 = tpu.memref_slice %arg10[%add3A_115, %dma_start3A] : memref<40x128xi32, #tpu.memory_space<vmem>> -> memref<1x128xi32, #tpu.memory_space<vmem>>
        %dma_start3A_124 = tpu.memref_squeeze %dma_start3A_123 : memref<1x128xi32, #tpu.memory_space<vmem>> -> memref<128xi32, #tpu.memory_space<vmem>>
        %dma_start3A_125 = arith.constant 0 : i32
        %dma_start3A_126 = arith.constant 0 : i32
        %dma_start3A_127 = tpu.memref_slice %arg13[%dma_start3A_125, %dma_start3A_126] : memref<10240x128xf32, #tpu.memory_space<vmem_shared>> -> memref<10240x128xf32, #tpu.memory_space<vmem_shared>>
        tpu.enqueue_indirect_dma source(%arg12 : memref<128x128xf32, #tpu.memory_space<vmem>>) target(%dma_start3A_127 : memref<10240x128xf32, #tpu.memory_space<vmem_shared>>) offsets(%dma_start3A_124 : memref<128xi32, #tpu.memory_space<vmem>>) semaphore(%run_scoped3A : memref<!tpu.dma_semaphore, #tpu.memory_space<semaphore_mem>>) {add = true}
        %dma_wait3A_128 = arith.constant 0 : i32
        %dma_wait3A_129 = tpu.memref_slice %arg10[%add3A_115, %dma_wait3A_128] : memref<40x128xi32, #tpu.memory_space<vmem>> -> memref<1x128xi32, #tpu.memory_space<vmem>>
        %dma_wait3A_130 = tpu.memref_squeeze %dma_wait3A_129 : memref<1x128xi32, #tpu.memory_space<vmem>> -> memref<128xi32, #tpu.memory_space<vmem>>
        %dma_wait3A_131 = arith.constant 0 : i32
        %dma_wait3A_132 = arith.constant 0 : i32
        %dma_wait3A_133 = tpu.memref_slice %arg13[%dma_wait3A_131, %dma_wait3A_132] : memref<10240x128xf32, #tpu.memory_space<vmem_shared>> -> memref<10240x128xf32, #tpu.memory_space<vmem_shared>>
        tpu.wait_indirect_dma semaphore(%run_scoped3A : memref<!tpu.dma_semaphore, #tpu.memory_space<semaphore_mem>>) src(%arg12 : memref<128x128xf32, #tpu.memory_space<vmem>>) dst(%dma_wait3A_133 : memref<10240x128xf32, #tpu.memory_space<vmem_shared>>)
        tpu.yield
      }) : () -> ()
      %add3A_116 = arith.constant 1 : i32
      %add3A_117 = arith.addi %while3A_92, %add3A_116 : i32
      %lt3A_118 = arith.cmpi slt, %add3A_117, %select_n3A_60 : i32
      %convert_element_type3A_119 = arith.extui %lt3A_118 : i1 to i32
      %cond3A_120 = arith.constant 0 : i32
      %cond3A_121 = arith.cmpi ne, %convert_element_type3A_119, %cond3A_120 : i32
      scf.if %cond3A_121 {
        %add3A_123 = arith.constant 3 : i32
        %add3A_124 = arith.addi %mul3A_95, %add3A_123 : i32
        %dma_start3A = arith.constant 0 : i32
        %dma_start3A_125 = tpu.memref_slice %arg9[%add3A_124, %dma_start3A] : memref<40x128xi32, #tpu.memory_space<vmem>> -> memref<1x128xi32, #tpu.memory_space<vmem>>
        %dma_start3A_126 = tpu.memref_squeeze %dma_start3A_125 : memref<1x128xi32, #tpu.memory_space<vmem>> -> memref<128xi32, #tpu.memory_space<vmem>>
        %dma_start3A_127 = arith.constant 0 : i32
        %dma_start3A_128 = arith.constant 0 : i32
        %dma_start3A_129 = tpu.memref_slice %arg2[%dma_start3A_127, %dma_start3A_128] : memref<10000x128xf32, #tpu.memory_space<hbm>> -> memref<10000x128xf32, #tpu.memory_space<hbm>>
        tpu.enqueue_indirect_dma source(%dma_start3A_129 : memref<10000x128xf32, #tpu.memory_space<hbm>>) target(%arg12 : memref<128x128xf32, #tpu.memory_space<vmem>>) offsets(%dma_start3A_126 : memref<128xi32, #tpu.memory_space<vmem>>) semaphore(%arg15 : memref<!tpu.dma_semaphore, #tpu.memory_space<semaphore_mem>>)
      } else {
      }
      %while3A_122 = arith.constant 0 : i32
      scf.yield %while3A_122 : i32
    }
    %barrier3A_81 = arith.constant 0 : index
    tpu.barrier barrier_id(%barrier3A_81)
    %eq3A_82 = arith.constant 0 : i32
    %eq3A_83 = arith.cmpi eq, %arg0, %eq3A_82 : i32
    %convert_element_type3A_84 = arith.extui %eq3A_83 : i1 to i32
    %cond3A_85 = arith.constant 0 : i32
    %cond3A_86 = arith.cmpi ne, %convert_element_type3A_84, %cond3A_85 : i32
    scf.if %cond3A_86 {
      %mul3A_92 = arith.constant 640 : i32
      %mul3A_93 = arith.muli %arg1, %mul3A_92 : i32
      %mul3A_94 = arith.constant 640 : i32
      %mul3A_95 = arith.muli %arg1, %mul3A_94 : i32
      "tpu.region"() ({
        %run_scoped3A = tpu.sem_alloc : memref<!tpu.dma_semaphore, #tpu.memory_space<semaphore_mem>>
        %dma_start3A = arith.constant 0 : i32
        %dma_start3A_96 = tpu.memref_slice %arg7[%mul3A_95, %dma_start3A] : memref<10240x128xf32, #tpu.memory_space<hbm>> -> memref<640x128xf32, #tpu.memory_space<hbm>>
        %dma_start3A_97 = arith.constant 0 : i32
        %dma_start3A_98 = tpu.memref_slice %arg13[%mul3A_93, %dma_start3A_97] : memref<10240x128xf32, #tpu.memory_space<vmem_shared>> -> memref<640x128xf32, #tpu.memory_space<vmem_shared>>
        tpu.enqueue_dma source(%dma_start3A_98 : memref<640x128xf32, #tpu.memory_space<vmem_shared>>) target(%dma_start3A_96 : memref<640x128xf32, #tpu.memory_space<hbm>>) target_semaphore(%run_scoped3A : memref<!tpu.dma_semaphore, #tpu.memory_space<semaphore_mem>>)
        %dma_wait3A = arith.constant 0 : i32
        %dma_wait3A_99 = tpu.memref_slice %arg7[%mul3A_95, %dma_wait3A] : memref<10240x128xf32, #tpu.memory_space<hbm>> -> memref<640x128xf32, #tpu.memory_space<hbm>>
        %dma_wait3A_100 = arith.constant 0 : i32
        %dma_wait3A_101 = tpu.memref_slice %arg13[%mul3A_93, %dma_wait3A_100] : memref<10240x128xf32, #tpu.memory_space<vmem_shared>> -> memref<640x128xf32, #tpu.memory_space<vmem_shared>>
        tpu.wait_dma2 semaphore(%run_scoped3A : memref<!tpu.dma_semaphore, #tpu.memory_space<semaphore_mem>>) src(%dma_wait3A_101 : memref<640x128xf32, #tpu.memory_space<vmem_shared>>) dst(%dma_wait3A_99 : memref<640x128xf32, #tpu.memory_space<hbm>>)
        tpu.yield
      }) : () -> ()
    } else {
    }
    %eq3A_87 = arith.constant 1 : i32
    %eq3A_88 = arith.cmpi eq, %arg0, %eq3A_87 : i32
    %convert_element_type3A_89 = arith.extui %eq3A_88 : i1 to i32
    %cond3A_90 = arith.constant 0 : i32
    %cond3A_91 = arith.cmpi ne, %convert_element_type3A_89, %cond3A_90 : i32
    scf.if %cond3A_91 {
      %mul3A_92 = arith.constant 640 : i32
      %mul3A_93 = arith.muli %arg1, %mul3A_92 : i32
      %mul3A_94 = arith.constant 640 : i32
      %mul3A_95 = arith.muli %arg1, %mul3A_94 : i32
      "tpu.region"() ({
        %run_scoped3A = tpu.sem_alloc : memref<!tpu.dma_semaphore, #tpu.memory_space<semaphore_mem>>
        %dma_start3A = arith.constant 0 : i32
        %dma_start3A_96 = tpu.memref_slice %arg8[%mul3A_95, %dma_start3A] : memref<10240x128xf32, #tpu.memory_space<hbm>> -> memref<640x128xf32, #tpu.memory_space<hbm>>
        %dma_start3A_97 = arith.constant 0 : i32
        %dma_start3A_98 = tpu.memref_slice %arg13[%mul3A_93, %dma_start3A_97] : memref<10240x128xf32, #tpu.memory_space<vmem_shared>> -> memref<640x128xf32, #tpu.memory_space<vmem_shared>>
        tpu.enqueue_dma source(%dma_start3A_98 : memref<640x128xf32, #tpu.memory_space<vmem_shared>>) target(%dma_start3A_96 : memref<640x128xf32, #tpu.memory_space<hbm>>) target_semaphore(%run_scoped3A : memref<!tpu.dma_semaphore, #tpu.memory_space<semaphore_mem>>)
        %dma_wait3A = arith.constant 0 : i32
        %dma_wait3A_99 = tpu.memref_slice %arg8[%mul3A_95, %dma_wait3A] : memref<10240x128xf32, #tpu.memory_space<hbm>> -> memref<640x128xf32, #tpu.memory_space<hbm>>
        %dma_wait3A_100 = arith.constant 0 : i32
        %dma_wait3A_101 = tpu.memref_slice %arg13[%mul3A_93, %dma_wait3A_100] : memref<10240x128xf32, #tpu.memory_space<vmem_shared>> -> memref<640x128xf32, #tpu.memory_space<vmem_shared>>
        tpu.wait_dma2 semaphore(%run_scoped3A : memref<!tpu.dma_semaphore, #tpu.memory_space<semaphore_mem>>) src(%dma_wait3A_101 : memref<640x128xf32, #tpu.memory_space<vmem_shared>>) dst(%dma_wait3A_99 : memref<640x128xf32, #tpu.memory_space<hbm>>)
        tpu.yield
      }) : () -> ()
    } else {
    }
    return
  }
}

#map = affine_map<(d0, d1) -> (0, 0)>
module attributes {stable_mosaic.version = 14 : i64} {
  func.func @_agg(%arg0: i32, %arg1: i32, %arg2: memref<10000x128xf32, #tpu.memory_space<hbm>>, %arg3: memref<2496x128xi32, #tpu.memory_space<hbm>>, %arg4: memref<2496x128xi32, #tpu.memory_space<hbm>>, %arg5: memref<4x128xi32, #tpu.memory_space<hbm>>, %arg6: memref<4x128xi32, #tpu.memory_space<hbm>>, %arg7: memref<10240x128xf32, #tpu.memory_space<hbm>>, %arg8: memref<10240x128xf32, #tpu.memory_space<hbm>>, %arg9: memref<40x128xi32, #tpu.memory_space<vmem>>, %arg10: memref<40x128xi32, #tpu.memory_space<vmem>>, %arg11: memref<128x128xf32, #tpu.memory_space<vmem>>, %arg12: memref<128x128xf32, #tpu.memory_space<vmem>>, %arg13: memref<10240x128xf32, #tpu.memory_space<vmem_shared>>, %arg14: memref<!tpu.dma_semaphore, #tpu.memory_space<semaphore_mem>>, %arg15: memref<!tpu.dma_semaphore, #tpu.memory_space<semaphore_mem>>) attributes {dimension_semantics = [#tpu.dimension_semantics<core_parallel>, #tpu.dimension_semantics<subcore_parallel>], iteration_bounds = array<i64: 2, 16>, scalar_prefetch = 0 : i64, scratch_operands = 7 : i64, tpu.core_type = #tpu.core_type<sc_vector_subcore>, window_params = [{transform_indices = #map}, {transform_indices = #map}, {transform_indices = #map}, {transform_indices = #map}, {transform_indices = #map}, {transform_indices = #map}, {transform_indices = #map}]} {
    %mul3A = arith.constant 16 : i32
    %mul3A_0 = arith.muli %arg0, %mul3A : i32
    %add3A = arith.addi %mul3A_0, %arg1 : i32
    %eq3A = arith.constant 31 : i32
    %eq3A_1 = arith.cmpi eq, %add3A, %eq3A : i32
    %broadcast_in_dim3A = arith.constant 0.000000e+00 : f32
    %broadcast_in_dim3A_2 = vector.broadcast %broadcast_in_dim3A : f32 to vector<16xf32>
    %scan3A = arith.constant 0 : i32
    %scan3A_3 = arith.constant 0 : i32
    %scan3A_4 = arith.constant 128 : i32
    %scan3A_5 = arith.addi %scan3A_3, %scan3A_4 : i32
    %scan3A_6 = arith.constant 1 : i32
    %scan3A_7 = scf.for %scan3A_92 = %scan3A_3 to %scan3A_5 step %scan3A_6 iter_args(%scan3A_93 = %scan3A) -> (i32)  : i32 {
      %swap3A = arith.index_cast %scan3A_92 : i32 to index
      %swap3A_94 = arith.constant 0 : index
      %swap3A_95 = tpu.vector_load %arg11[%swap3A, %swap3A_94] {strides = array<i32>} : memref<128x128xf32, #tpu.memory_space<vmem>>, vector<1x16xf32>,
      %swap3A_96 = vector.shape_cast %swap3A_95 : vector<1x16xf32> to vector<16xf32>
      %swap3A_97 = vector.shape_cast %broadcast_in_dim3A_2 : vector<16xf32> to vector<1x16xf32>
      tpu.vector_store %arg11[%swap3A, %swap3A_94], %swap3A_97 {strides = array<i32>} : memref<128x128xf32, #tpu.memory_space<vmem>>, vector<1x16xf32>,
      %swap3A_98 = arith.index_cast %scan3A_92 : i32 to index
      %swap3A_99 = arith.constant 16 : index
      %swap3A_100 = tpu.vector_load %arg11[%swap3A_98, %swap3A_99] {strides = array<i32>} : memref<128x128xf32, #tpu.memory_space<vmem>>, vector<1x16xf32>,
      %swap3A_101 = vector.shape_cast %swap3A_100 : vector<1x16xf32> to vector<16xf32>
      %swap3A_102 = vector.shape_cast %broadcast_in_dim3A_2 : vector<16xf32> to vector<1x16xf32>
      tpu.vector_store %arg11[%swap3A_98, %swap3A_99], %swap3A_102 {strides = array<i32>} : memref<128x128xf32, #tpu.memory_space<vmem>>, vector<1x16xf32>,
      %swap3A_103 = arith.index_cast %scan3A_92 : i32 to index
      %swap3A_104 = arith.constant 32 : index
      %swap3A_105 = tpu.vector_load %arg11[%swap3A_103, %swap3A_104] {strides = array<i32>} : memref<128x128xf32, #tpu.memory_space<vmem>>, vector<1x16xf32>,
      %swap3A_106 = vector.shape_cast %swap3A_105 : vector<1x16xf32> to vector<16xf32>
      %swap3A_107 = vector.shape_cast %broadcast_in_dim3A_2 : vector<16xf32> to vector<1x16xf32>
      tpu.vector_store %arg11[%swap3A_103, %swap3A_104], %swap3A_107 {strides = array<i32>} : memref<128x128xf32, #tpu.memory_space<vmem>>, vector<1x16xf32>,
      %swap3A_108 = arith.index_cast %scan3A_92 : i32 to index
      %swap3A_109 = arith.constant 48 : index
      %swap3A_110 = tpu.vector_load %arg11[%swap3A_108, %swap3A_109] {strides = array<i32>} : memref<128x128xf32, #tpu.memory_space<vmem>>, vector<1x16xf32>,
      %swap3A_111 = vector.shape_cast %swap3A_110 : vector<1x16xf32> to vector<16xf32>
      %swap3A_112 = vector.shape_cast %broadcast_in_dim3A_2 : vector<16xf32> to vector<1x16xf32>
      tpu.vector_store %arg11[%swap3A_108, %swap3A_109], %swap3A_112 {strides = array<i32>} : memref<128x128xf32, #tpu.memory_space<vmem>>, vector<1x16xf32>,
      %swap3A_113 = arith.index_cast %scan3A_92 : i32 to index
      %swap3A_114 = arith.constant 64 : index
      %swap3A_115 = tpu.vector_load %arg11[%swap3A_113, %swap3A_114] {strides = array<i32>} : memref<128x128xf32, #tpu.memory_space<vmem>>, vector<1x16xf32>,
      %swap3A_116 = vector.shape_cast %swap3A_115 : vector<1x16xf32> to vector<16xf32>
      %swap3A_117 = vector.shape_cast %broadcast_in_dim3A_2 : vector<16xf32> to vector<1x16xf32>
      tpu.vector_store %arg11[%swap3A_113, %swap3A_114], %swap3A_117 {strides = array<i32>} : memref<128x128xf32, #tpu.memory_space<vmem>>, vector<1x16xf32>,
      %swap3A_118 = arith.index_cast %scan3A_92 : i32 to index
      %swap3A_119 = arith.constant 80 : index
      %swap3A_120 = tpu.vector_load %arg11[%swap3A_118, %swap3A_119] {strides = array<i32>} : memref<128x128xf32, #tpu.memory_space<vmem>>, vector<1x16xf32>,
      %swap3A_121 = vector.shape_cast %swap3A_120 : vector<1x16xf32> to vector<16xf32>
      %swap3A_122 = vector.shape_cast %broadcast_in_dim3A_2 : vector<16xf32> to vector<1x16xf32>
      tpu.vector_store %arg11[%swap3A_118, %swap3A_119], %swap3A_122 {strides = array<i32>} : memref<128x128xf32, #tpu.memory_space<vmem>>, vector<1x16xf32>,
      %swap3A_123 = arith.index_cast %scan3A_92 : i32 to index
      %swap3A_124 = arith.constant 96 : index
      %swap3A_125 = tpu.vector_load %arg11[%swap3A_123, %swap3A_124] {strides = array<i32>} : memref<128x128xf32, #tpu.memory_space<vmem>>, vector<1x16xf32>,
      %swap3A_126 = vector.shape_cast %swap3A_125 : vector<1x16xf32> to vector<16xf32>
      %swap3A_127 = vector.shape_cast %broadcast_in_dim3A_2 : vector<16xf32> to vector<1x16xf32>
      tpu.vector_store %arg11[%swap3A_123, %swap3A_124], %swap3A_127 {strides = array<i32>} : memref<128x128xf32, #tpu.memory_space<vmem>>, vector<1x16xf32>,
      %swap3A_128 = arith.index_cast %scan3A_92 : i32 to index
      %swap3A_129 = arith.constant 112 : index
      %swap3A_130 = tpu.vector_load %arg11[%swap3A_128, %swap3A_129] {strides = array<i32>} : memref<128x128xf32, #tpu.memory_space<vmem>>, vector<1x16xf32>,
      %swap3A_131 = vector.shape_cast %swap3A_130 : vector<1x16xf32> to vector<16xf32>
      %swap3A_132 = vector.shape_cast %broadcast_in_dim3A_2 : vector<16xf32> to vector<1x16xf32>
      tpu.vector_store %arg11[%swap3A_128, %swap3A_129], %swap3A_132 {strides = array<i32>} : memref<128x128xf32, #tpu.memory_space<vmem>>, vector<1x16xf32>,
      %scan3A_133 = arith.constant 0 : i32
      scf.yield %scan3A_133 : i32
    }
    %scan3A_8 = arith.constant 128 : i32
    %mul3A_9 = arith.constant 640 : i32
    %mul3A_10 = arith.muli %arg1, %mul3A_9 : i32
    %add3A_11 = arith.constant 0 : i32
    %add3A_12 = arith.addi %mul3A_10, %add3A_11 : i32
    "tpu.region"() ({
      %run_scoped3A = tpu.sem_alloc : memref<!tpu.dma_semaphore, #tpu.memory_space<semaphore_mem>>
      %dma_start3A = arith.constant 0 : i32
      %dma_start3A_92 = tpu.memref_slice %arg13[%add3A_12, %dma_start3A] : memref<10240x128xf32, #tpu.memory_space<vmem_shared>> -> memref<128x128xf32, #tpu.memory_space<vmem_shared>>
      %dma_start3A_93 = arith.constant 0 : i32
      %dma_start3A_94 = tpu.memref_slice %arg13[%add3A_12, %dma_start3A_93] : memref<10240x128xf32, #tpu.memory_space<vmem_shared>> -> memref<128x128xf32, #tpu.memory_space<vmem_shared>>
      tpu.enqueue_dma source(%arg11 : memref<128x128xf32, #tpu.memory_space<vmem>>) target(%dma_start3A_94 : memref<128x128xf32, #tpu.memory_space<vmem_shared>>) target_semaphore(%run_scoped3A : memref<!tpu.dma_semaphore, #tpu.memory_space<semaphore_mem>>)
      %dma_wait3A = arith.constant 0 : i32
      %dma_wait3A_95 = tpu.memref_slice %arg13[%add3A_12, %dma_wait3A] : memref<10240x128xf32, #tpu.memory_space<vmem_shared>> -> memref<128x128xf32, #tpu.memory_space<vmem_shared>>
      %dma_wait3A_96 = arith.constant 0 : i32
      %dma_wait3A_97 = tpu.memref_slice %arg13[%add3A_12, %dma_wait3A_96] : memref<10240x128xf32, #tpu.memory_space<vmem_shared>> -> memref<128x128xf32, #tpu.memory_space<vmem_shared>>
      tpu.wait_dma2 semaphore(%run_scoped3A : memref<!tpu.dma_semaphore, #tpu.memory_space<semaphore_mem>>) src(%arg11 : memref<128x128xf32, #tpu.memory_space<vmem>>) dst(%dma_wait3A_97 : memref<128x128xf32, #tpu.memory_space<vmem_shared>>)
      tpu.yield
    }) : () -> ()
    %mul3A_13 = arith.constant 640 : i32
    %mul3A_14 = arith.muli %arg1, %mul3A_13 : i32
    %add3A_15 = arith.constant 128 : i32
    %add3A_16 = arith.addi %mul3A_14, %add3A_15 : i32
    "tpu.region"() ({
      %run_scoped3A = tpu.sem_alloc : memref<!tpu.dma_semaphore, #tpu.memory_space<semaphore_mem>>
      %dma_start3A = arith.constant 0 : i32
      %dma_start3A_92 = tpu.memref_slice %arg13[%add3A_16, %dma_start3A] : memref<10240x128xf32, #tpu.memory_space<vmem_shared>> -> memref<128x128xf32, #tpu.memory_space<vmem_shared>>
      %dma_start3A_93 = arith.constant 0 : i32
      %dma_start3A_94 = tpu.memref_slice %arg13[%add3A_16, %dma_start3A_93] : memref<10240x128xf32, #tpu.memory_space<vmem_shared>> -> memref<128x128xf32, #tpu.memory_space<vmem_shared>>
      tpu.enqueue_dma source(%arg11 : memref<128x128xf32, #tpu.memory_space<vmem>>) target(%dma_start3A_94 : memref<128x128xf32, #tpu.memory_space<vmem_shared>>) target_semaphore(%run_scoped3A : memref<!tpu.dma_semaphore, #tpu.memory_space<semaphore_mem>>)
      %dma_wait3A = arith.constant 0 : i32
      %dma_wait3A_95 = tpu.memref_slice %arg13[%add3A_16, %dma_wait3A] : memref<10240x128xf32, #tpu.memory_space<vmem_shared>> -> memref<128x128xf32, #tpu.memory_space<vmem_shared>>
      %dma_wait3A_96 = arith.constant 0 : i32
      %dma_wait3A_97 = tpu.memref_slice %arg13[%add3A_16, %dma_wait3A_96] : memref<10240x128xf32, #tpu.memory_space<vmem_shared>> -> memref<128x128xf32, #tpu.memory_space<vmem_shared>>
      tpu.wait_dma2 semaphore(%run_scoped3A : memref<!tpu.dma_semaphore, #tpu.memory_space<semaphore_mem>>) src(%arg11 : memref<128x128xf32, #tpu.memory_space<vmem>>) dst(%dma_wait3A_97 : memref<128x128xf32, #tpu.memory_space<vmem_shared>>)
      tpu.yield
    }) : () -> ()
    %mul3A_17 = arith.constant 640 : i32
    %mul3A_18 = arith.muli %arg1, %mul3A_17 : i32
    %add3A_19 = arith.constant 256 : i32
    %add3A_20 = arith.addi %mul3A_18, %add3A_19 : i32
    "tpu.region"() ({
      %run_scoped3A = tpu.sem_alloc : memref<!tpu.dma_semaphore, #tpu.memory_space<semaphore_mem>>
      %dma_start3A = arith.constant 0 : i32
      %dma_start3A_92 = tpu.memref_slice %arg13[%add3A_20, %dma_start3A] : memref<10240x128xf32, #tpu.memory_space<vmem_shared>> -> memref<128x128xf32, #tpu.memory_space<vmem_shared>>
      %dma_start3A_93 = arith.constant 0 : i32
      %dma_start3A_94 = tpu.memref_slice %arg13[%add3A_20, %dma_start3A_93] : memref<10240x128xf32, #tpu.memory_space<vmem_shared>> -> memref<128x128xf32, #tpu.memory_space<vmem_shared>>
      tpu.enqueue_dma source(%arg11 : memref<128x128xf32, #tpu.memory_space<vmem>>) target(%dma_start3A_94 : memref<128x128xf32, #tpu.memory_space<vmem_shared>>) target_semaphore(%run_scoped3A : memref<!tpu.dma_semaphore, #tpu.memory_space<semaphore_mem>>)
      %dma_wait3A = arith.constant 0 : i32
      %dma_wait3A_95 = tpu.memref_slice %arg13[%add3A_20, %dma_wait3A] : memref<10240x128xf32, #tpu.memory_space<vmem_shared>> -> memref<128x128xf32, #tpu.memory_space<vmem_shared>>
      %dma_wait3A_96 = arith.constant 0 : i32
      %dma_wait3A_97 = tpu.memref_slice %arg13[%add3A_20, %dma_wait3A_96] : memref<10240x128xf32, #tpu.memory_space<vmem_shared>> -> memref<128x128xf32, #tpu.memory_space<vmem_shared>>
      tpu.wait_dma2 semaphore(%run_scoped3A : memref<!tpu.dma_semaphore, #tpu.memory_space<semaphore_mem>>) src(%arg11 : memref<128x128xf32, #tpu.memory_space<vmem>>) dst(%dma_wait3A_97 : memref<128x128xf32, #tpu.memory_space<vmem_shared>>)
      tpu.yield
    }) : () -> ()
    %mul3A_21 = arith.constant 640 : i32
    %mul3A_22 = arith.muli %arg1, %mul3A_21 : i32
    %add3A_23 = arith.constant 384 : i32
    %add3A_24 = arith.addi %mul3A_22, %add3A_23 : i32
    "tpu.region"() ({
      %run_scoped3A = tpu.sem_alloc : memref<!tpu.dma_semaphore, #tpu.memory_space<semaphore_mem>>
      %dma_start3A = arith.constant 0 : i32
      %dma_start3A_92 = tpu.memref_slice %arg13[%add3A_24, %dma_start3A] : memref<10240x128xf32, #tpu.memory_space<vmem_shared>> -> memref<128x128xf32, #tpu.memory_space<vmem_shared>>
      %dma_start3A_93 = arith.constant 0 : i32
      %dma_start3A_94 = tpu.memref_slice %arg13[%add3A_24, %dma_start3A_93] : memref<10240x128xf32, #tpu.memory_space<vmem_shared>> -> memref<128x128xf32, #tpu.memory_space<vmem_shared>>
      tpu.enqueue_dma source(%arg11 : memref<128x128xf32, #tpu.memory_space<vmem>>) target(%dma_start3A_94 : memref<128x128xf32, #tpu.memory_space<vmem_shared>>) target_semaphore(%run_scoped3A : memref<!tpu.dma_semaphore, #tpu.memory_space<semaphore_mem>>)
      %dma_wait3A = arith.constant 0 : i32
      %dma_wait3A_95 = tpu.memref_slice %arg13[%add3A_24, %dma_wait3A] : memref<10240x128xf32, #tpu.memory_space<vmem_shared>> -> memref<128x128xf32, #tpu.memory_space<vmem_shared>>
      %dma_wait3A_96 = arith.constant 0 : i32
      %dma_wait3A_97 = tpu.memref_slice %arg13[%add3A_24, %dma_wait3A_96] : memref<10240x128xf32, #tpu.memory_space<vmem_shared>> -> memref<128x128xf32, #tpu.memory_space<vmem_shared>>
      tpu.wait_dma2 semaphore(%run_scoped3A : memref<!tpu.dma_semaphore, #tpu.memory_space<semaphore_mem>>) src(%arg11 : memref<128x128xf32, #tpu.memory_space<vmem>>) dst(%dma_wait3A_97 : memref<128x128xf32, #tpu.memory_space<vmem_shared>>)
      tpu.yield
    }) : () -> ()
    %mul3A_25 = arith.constant 640 : i32
    %mul3A_26 = arith.muli %arg1, %mul3A_25 : i32
    %add3A_27 = arith.constant 512 : i32
    %add3A_28 = arith.addi %mul3A_26, %add3A_27 : i32
    "tpu.region"() ({
      %run_scoped3A = tpu.sem_alloc : memref<!tpu.dma_semaphore, #tpu.memory_space<semaphore_mem>>
      %dma_start3A = arith.constant 0 : i32
      %dma_start3A_92 = tpu.memref_slice %arg13[%add3A_28, %dma_start3A] : memref<10240x128xf32, #tpu.memory_space<vmem_shared>> -> memref<128x128xf32, #tpu.memory_space<vmem_shared>>
      %dma_start3A_93 = arith.constant 0 : i32
      %dma_start3A_94 = tpu.memref_slice %arg13[%add3A_28, %dma_start3A_93] : memref<10240x128xf32, #tpu.memory_space<vmem_shared>> -> memref<128x128xf32, #tpu.memory_space<vmem_shared>>
      tpu.enqueue_dma source(%arg11 : memref<128x128xf32, #tpu.memory_space<vmem>>) target(%dma_start3A_94 : memref<128x128xf32, #tpu.memory_space<vmem_shared>>) target_semaphore(%run_scoped3A : memref<!tpu.dma_semaphore, #tpu.memory_space<semaphore_mem>>)
      %dma_wait3A = arith.constant 0 : i32
      %dma_wait3A_95 = tpu.memref_slice %arg13[%add3A_28, %dma_wait3A] : memref<10240x128xf32, #tpu.memory_space<vmem_shared>> -> memref<128x128xf32, #tpu.memory_space<vmem_shared>>
      %dma_wait3A_96 = arith.constant 0 : i32
      %dma_wait3A_97 = tpu.memref_slice %arg13[%add3A_28, %dma_wait3A_96] : memref<10240x128xf32, #tpu.memory_space<vmem_shared>> -> memref<128x128xf32, #tpu.memory_space<vmem_shared>>
      tpu.wait_dma2 semaphore(%run_scoped3A : memref<!tpu.dma_semaphore, #tpu.memory_space<semaphore_mem>>) src(%arg11 : memref<128x128xf32, #tpu.memory_space<vmem>>) dst(%dma_wait3A_97 : memref<128x128xf32, #tpu.memory_space<vmem_shared>>)
      tpu.yield
    }) : () -> ()
    %barrier3A = arith.constant 0 : index
    tpu.barrier barrier_id(%barrier3A)
    %mul3A_29 = arith.constant 80 : i32
    %mul3A_30 = arith.muli %add3A, %mul3A_29 : i32
    %add3A_31 = arith.constant 0 : i32
    %add3A_32 = arith.addi %mul3A_30, %add3A_31 : i32
    %jit3A = arith.constant 10 : i32
    %jit3A_33 = arith.constant 20 : i32
    %select_n3A = arith.select %eq3A_1, %jit3A, %jit3A_33 : i32
    %ge3A = arith.constant 0 : i32
    %ge3A_34 = arith.cmpi sge, %add3A, %ge3A : i32
    %not3A = arith.constant true
    %not3A_35 = arith.xori %eq3A_1, %not3A : i1
    %convert_element_type3A = arith.extui %not3A_35 : i1 to i32
    %cond3A = arith.constant 0 : i32
    %cond3A_36 = arith.cmpi ne, %convert_element_type3A, %cond3A : i32
    scf.if %cond3A_36 {
      "tpu.region"() ({
        %run_scoped3A = tpu.sem_alloc : memref<!tpu.dma_semaphore, #tpu.memory_space<semaphore_mem>>
        %dma_start3A = arith.constant 0 : i32
        %dma_start3A_92 = tpu.memref_slice %arg3[%add3A_32, %dma_start3A] : memref<2496x128xi32, #tpu.memory_space<hbm>> -> memref<40x128xi32, #tpu.memory_space<hbm>>
        %dma_start3A_93 = arith.constant 0 : i32
        %dma_start3A_94 = tpu.memref_slice %arg3[%add3A_32, %dma_start3A_93] : memref<2496x128xi32, #tpu.memory_space<hbm>> -> memref<40x128xi32, #tpu.memory_space<hbm>>
        tpu.enqueue_dma source(%dma_start3A_94 : memref<40x128xi32, #tpu.memory_space<hbm>>) target(%arg9 : memref<40x128xi32, #tpu.memory_space<vmem>>) target_semaphore(%run_scoped3A : memref<!tpu.dma_semaphore, #tpu.memory_space<semaphore_mem>>)
        %dma_wait3A = arith.constant 0 : i32
        %dma_wait3A_95 = tpu.memref_slice %arg3[%add3A_32, %dma_wait3A] : memref<2496x128xi32, #tpu.memory_space<hbm>> -> memref<40x128xi32, #tpu.memory_space<hbm>>
        %dma_wait3A_96 = arith.constant 0 : i32
        %dma_wait3A_97 = tpu.memref_slice %arg3[%add3A_32, %dma_wait3A_96] : memref<2496x128xi32, #tpu.memory_space<hbm>> -> memref<40x128xi32, #tpu.memory_space<hbm>>
        tpu.wait_dma2 semaphore(%run_scoped3A : memref<!tpu.dma_semaphore, #tpu.memory_space<semaphore_mem>>) src(%dma_wait3A_97 : memref<40x128xi32, #tpu.memory_space<hbm>>) dst(%arg9 : memref<40x128xi32, #tpu.memory_space<vmem>>)
        tpu.yield
      }) : () -> ()
      "tpu.region"() ({
        %run_scoped3A = tpu.sem_alloc : memref<!tpu.dma_semaphore, #tpu.memory_space<semaphore_mem>>
        %dma_start3A = arith.constant 0 : i32
        %dma_start3A_92 = tpu.memref_slice %arg4[%add3A_32, %dma_start3A] : memref<2496x128xi32, #tpu.memory_space<hbm>> -> memref<40x128xi32, #tpu.memory_space<hbm>>
        %dma_start3A_93 = arith.constant 0 : i32
        %dma_start3A_94 = tpu.memref_slice %arg4[%add3A_32, %dma_start3A_93] : memref<2496x128xi32, #tpu.memory_space<hbm>> -> memref<40x128xi32, #tpu.memory_space<hbm>>
        tpu.enqueue_dma source(%dma_start3A_94 : memref<40x128xi32, #tpu.memory_space<hbm>>) target(%arg10 : memref<40x128xi32, #tpu.memory_space<vmem>>) target_semaphore(%run_scoped3A : memref<!tpu.dma_semaphore, #tpu.memory_space<semaphore_mem>>)
        %dma_wait3A = arith.constant 0 : i32
        %dma_wait3A_95 = tpu.memref_slice %arg4[%add3A_32, %dma_wait3A] : memref<2496x128xi32, #tpu.memory_space<hbm>> -> memref<40x128xi32, #tpu.memory_space<hbm>>
        %dma_wait3A_96 = arith.constant 0 : i32
        %dma_wait3A_97 = tpu.memref_slice %arg4[%add3A_32, %dma_wait3A_96] : memref<2496x128xi32, #tpu.memory_space<hbm>> -> memref<40x128xi32, #tpu.memory_space<hbm>>
        tpu.wait_dma2 semaphore(%run_scoped3A : memref<!tpu.dma_semaphore, #tpu.memory_space<semaphore_mem>>) src(%dma_wait3A_97 : memref<40x128xi32, #tpu.memory_space<hbm>>) dst(%arg10 : memref<40x128xi32, #tpu.memory_space<vmem>>)
        tpu.yield
      }) : () -> ()
    } else {
    }
    %convert_element_type3A_37 = arith.extui %eq3A_1 : i1 to i32
    %cond3A_38 = arith.constant 0 : i32
    %cond3A_39 = arith.cmpi ne, %convert_element_type3A_37, %cond3A_38 : i32
    scf.if %cond3A_39 {
      "tpu.region"() ({
        %run_scoped3A = tpu.sem_alloc : memref<!tpu.dma_semaphore, #tpu.memory_space<semaphore_mem>>
        %dma_start3A = arith.constant 0 : i32
        %dma_start3A_92 = arith.constant 0 : i32
        %dma_start3A_93 = tpu.memref_slice %arg9[%dma_start3A, %dma_start3A_92] : memref<40x128xi32, #tpu.memory_space<vmem>> -> memref<16x128xi32, #tpu.memory_space<vmem>>
        %dma_start3A_94 = arith.constant 2480 : i32
        %dma_start3A_95 = arith.constant 0 : i32
        %dma_start3A_96 = tpu.memref_slice %arg3[%dma_start3A_94, %dma_start3A_95] : memref<2496x128xi32, #tpu.memory_space<hbm>> -> memref<16x128xi32, #tpu.memory_space<hbm>>
        %dma_start3A_97 = arith.constant 0 : i32
        %dma_start3A_98 = arith.constant 0 : i32
        %dma_start3A_99 = tpu.memref_slice %arg9[%dma_start3A_97, %dma_start3A_98] : memref<40x128xi32, #tpu.memory_space<vmem>> -> memref<16x128xi32, #tpu.memory_space<vmem>>
        %dma_start3A_100 = arith.constant 2480 : i32
        %dma_start3A_101 = arith.constant 0 : i32
        %dma_start3A_102 = tpu.memref_slice %arg3[%dma_start3A_100, %dma_start3A_101] : memref<2496x128xi32, #tpu.memory_space<hbm>> -> memref<16x128xi32, #tpu.memory_space<hbm>>
        tpu.enqueue_dma source(%dma_start3A_102 : memref<16x128xi32, #tpu.memory_space<hbm>>) target(%dma_start3A_99 : memref<16x128xi32, #tpu.memory_space<vmem>>) target_semaphore(%run_scoped3A : memref<!tpu.dma_semaphore, #tpu.memory_space<semaphore_mem>>)
        %dma_wait3A = arith.constant 0 : i32
        %dma_wait3A_103 = arith.constant 0 : i32
        %dma_wait3A_104 = tpu.memref_slice %arg9[%dma_wait3A, %dma_wait3A_103] : memref<40x128xi32, #tpu.memory_space<vmem>> -> memref<16x128xi32, #tpu.memory_space<vmem>>
        %dma_wait3A_105 = arith.constant 2480 : i32
        %dma_wait3A_106 = arith.constant 0 : i32
        %dma_wait3A_107 = tpu.memref_slice %arg3[%dma_wait3A_105, %dma_wait3A_106] : memref<2496x128xi32, #tpu.memory_space<hbm>> -> memref<16x128xi32, #tpu.memory_space<hbm>>
        %dma_wait3A_108 = arith.constant 0 : i32
        %dma_wait3A_109 = arith.constant 0 : i32
        %dma_wait3A_110 = tpu.memref_slice %arg9[%dma_wait3A_108, %dma_wait3A_109] : memref<40x128xi32, #tpu.memory_space<vmem>> -> memref<16x128xi32, #tpu.memory_space<vmem>>
        %dma_wait3A_111 = arith.constant 2480 : i32
        %dma_wait3A_112 = arith.constant 0 : i32
        %dma_wait3A_113 = tpu.memref_slice %arg3[%dma_wait3A_111, %dma_wait3A_112] : memref<2496x128xi32, #tpu.memory_space<hbm>> -> memref<16x128xi32, #tpu.memory_space<hbm>>
        tpu.wait_dma2 semaphore(%run_scoped3A : memref<!tpu.dma_semaphore, #tpu.memory_space<semaphore_mem>>) src(%dma_wait3A_113 : memref<16x128xi32, #tpu.memory_space<hbm>>) dst(%dma_wait3A_110 : memref<16x128xi32, #tpu.memory_space<vmem>>)
        tpu.yield
      }) : () -> ()
      "tpu.region"() ({
        %run_scoped3A = tpu.sem_alloc : memref<!tpu.dma_semaphore, #tpu.memory_space<semaphore_mem>>
        %dma_start3A = arith.constant 0 : i32
        %dma_start3A_92 = arith.constant 0 : i32
        %dma_start3A_93 = tpu.memref_slice %arg10[%dma_start3A, %dma_start3A_92] : memref<40x128xi32, #tpu.memory_space<vmem>> -> memref<16x128xi32, #tpu.memory_space<vmem>>
        %dma_start3A_94 = arith.constant 2480 : i32
        %dma_start3A_95 = arith.constant 0 : i32
        %dma_start3A_96 = tpu.memref_slice %arg4[%dma_start3A_94, %dma_start3A_95] : memref<2496x128xi32, #tpu.memory_space<hbm>> -> memref<16x128xi32, #tpu.memory_space<hbm>>
        %dma_start3A_97 = arith.constant 0 : i32
        %dma_start3A_98 = arith.constant 0 : i32
        %dma_start3A_99 = tpu.memref_slice %arg10[%dma_start3A_97, %dma_start3A_98] : memref<40x128xi32, #tpu.memory_space<vmem>> -> memref<16x128xi32, #tpu.memory_space<vmem>>
        %dma_start3A_100 = arith.constant 2480 : i32
        %dma_start3A_101 = arith.constant 0 : i32
        %dma_start3A_102 = tpu.memref_slice %arg4[%dma_start3A_100, %dma_start3A_101] : memref<2496x128xi32, #tpu.memory_space<hbm>> -> memref<16x128xi32, #tpu.memory_space<hbm>>
        tpu.enqueue_dma source(%dma_start3A_102 : memref<16x128xi32, #tpu.memory_space<hbm>>) target(%dma_start3A_99 : memref<16x128xi32, #tpu.memory_space<vmem>>) target_semaphore(%run_scoped3A : memref<!tpu.dma_semaphore, #tpu.memory_space<semaphore_mem>>)
        %dma_wait3A = arith.constant 0 : i32
        %dma_wait3A_103 = arith.constant 0 : i32
        %dma_wait3A_104 = tpu.memref_slice %arg10[%dma_wait3A, %dma_wait3A_103] : memref<40x128xi32, #tpu.memory_space<vmem>> -> memref<16x128xi32, #tpu.memory_space<vmem>>
        %dma_wait3A_105 = arith.constant 2480 : i32
        %dma_wait3A_106 = arith.constant 0 : i32
        %dma_wait3A_107 = tpu.memref_slice %arg4[%dma_wait3A_105, %dma_wait3A_106] : memref<2496x128xi32, #tpu.memory_space<hbm>> -> memref<16x128xi32, #tpu.memory_space<hbm>>
        %dma_wait3A_108 = arith.constant 0 : i32
        %dma_wait3A_109 = arith.constant 0 : i32
        %dma_wait3A_110 = tpu.memref_slice %arg10[%dma_wait3A_108, %dma_wait3A_109] : memref<40x128xi32, #tpu.memory_space<vmem>> -> memref<16x128xi32, #tpu.memory_space<vmem>>
        %dma_wait3A_111 = arith.constant 2480 : i32
        %dma_wait3A_112 = arith.constant 0 : i32
        %dma_wait3A_113 = tpu.memref_slice %arg4[%dma_wait3A_111, %dma_wait3A_112] : memref<2496x128xi32, #tpu.memory_space<hbm>> -> memref<16x128xi32, #tpu.memory_space<hbm>>
        tpu.wait_dma2 semaphore(%run_scoped3A : memref<!tpu.dma_semaphore, #tpu.memory_space<semaphore_mem>>) src(%dma_wait3A_113 : memref<16x128xi32, #tpu.memory_space<hbm>>) dst(%dma_wait3A_110 : memref<16x128xi32, #tpu.memory_space<vmem>>)
        tpu.yield
      }) : () -> ()
      "tpu.region"() ({
        %run_scoped3A = tpu.sem_alloc : memref<!tpu.dma_semaphore, #tpu.memory_space<semaphore_mem>>
        %dma_start3A = arith.constant 16 : i32
        %dma_start3A_92 = arith.constant 0 : i32
        %dma_start3A_93 = tpu.memref_slice %arg9[%dma_start3A, %dma_start3A_92] : memref<40x128xi32, #tpu.memory_space<vmem>> -> memref<4x128xi32, #tpu.memory_space<vmem>>
        %dma_start3A_94 = arith.constant 16 : i32
        %dma_start3A_95 = arith.constant 0 : i32
        %dma_start3A_96 = tpu.memref_slice %arg9[%dma_start3A_94, %dma_start3A_95] : memref<40x128xi32, #tpu.memory_space<vmem>> -> memref<4x128xi32, #tpu.memory_space<vmem>>
        tpu.enqueue_dma source(%arg5 : memref<4x128xi32, #tpu.memory_space<hbm>>) target(%dma_start3A_96 : memref<4x128xi32, #tpu.memory_space<vmem>>) target_semaphore(%run_scoped3A : memref<!tpu.dma_semaphore, #tpu.memory_space<semaphore_mem>>)
        %dma_wait3A = arith.constant 16 : i32
        %dma_wait3A_97 = arith.constant 0 : i32
        %dma_wait3A_98 = tpu.memref_slice %arg9[%dma_wait3A, %dma_wait3A_97] : memref<40x128xi32, #tpu.memory_space<vmem>> -> memref<4x128xi32, #tpu.memory_space<vmem>>
        %dma_wait3A_99 = arith.constant 16 : i32
        %dma_wait3A_100 = arith.constant 0 : i32
        %dma_wait3A_101 = tpu.memref_slice %arg9[%dma_wait3A_99, %dma_wait3A_100] : memref<40x128xi32, #tpu.memory_space<vmem>> -> memref<4x128xi32, #tpu.memory_space<vmem>>
        tpu.wait_dma2 semaphore(%run_scoped3A : memref<!tpu.dma_semaphore, #tpu.memory_space<semaphore_mem>>) src(%arg5 : memref<4x128xi32, #tpu.memory_space<hbm>>) dst(%dma_wait3A_101 : memref<4x128xi32, #tpu.memory_space<vmem>>)
        tpu.yield
      }) : () -> ()
      "tpu.region"() ({
        %run_scoped3A = tpu.sem_alloc : memref<!tpu.dma_semaphore, #tpu.memory_space<semaphore_mem>>
        %dma_start3A = arith.constant 16 : i32
        %dma_start3A_92 = arith.constant 0 : i32
        %dma_start3A_93 = tpu.memref_slice %arg10[%dma_start3A, %dma_start3A_92] : memref<40x128xi32, #tpu.memory_space<vmem>> -> memref<4x128xi32, #tpu.memory_space<vmem>>
        %dma_start3A_94 = arith.constant 16 : i32
        %dma_start3A_95 = arith.constant 0 : i32
        %dma_start3A_96 = tpu.memref_slice %arg10[%dma_start3A_94, %dma_start3A_95] : memref<40x128xi32, #tpu.memory_space<vmem>> -> memref<4x128xi32, #tpu.memory_space<vmem>>
        tpu.enqueue_dma source(%arg6 : memref<4x128xi32, #tpu.memory_space<hbm>>) target(%dma_start3A_96 : memref<4x128xi32, #tpu.memory_space<vmem>>) target_semaphore(%run_scoped3A : memref<!tpu.dma_semaphore, #tpu.memory_space<semaphore_mem>>)
        %dma_wait3A = arith.constant 16 : i32
        %dma_wait3A_97 = arith.constant 0 : i32
        %dma_wait3A_98 = tpu.memref_slice %arg10[%dma_wait3A, %dma_wait3A_97] : memref<40x128xi32, #tpu.memory_space<vmem>> -> memref<4x128xi32, #tpu.memory_space<vmem>>
        %dma_wait3A_99 = arith.constant 16 : i32
        %dma_wait3A_100 = arith.constant 0 : i32
        %dma_wait3A_101 = tpu.memref_slice %arg10[%dma_wait3A_99, %dma_wait3A_100] : memref<40x128xi32, #tpu.memory_space<vmem>> -> memref<4x128xi32, #tpu.memory_space<vmem>>
        tpu.wait_dma2 semaphore(%run_scoped3A : memref<!tpu.dma_semaphore, #tpu.memory_space<semaphore_mem>>) src(%arg6 : memref<4x128xi32, #tpu.memory_space<hbm>>) dst(%dma_wait3A_101 : memref<4x128xi32, #tpu.memory_space<vmem>>)
        tpu.yield
      }) : () -> ()
    } else {
    }
    %convert_element_type3A_40 = arith.extui %ge3A_34 : i1 to i32
    %cond3A_41 = arith.constant 0 : i32
    %cond3A_42 = arith.cmpi ne, %convert_element_type3A_40, %cond3A_41 : i32
    scf.if %cond3A_42 {
      %dma_start3A = arith.constant 0 : i32
      %dma_start3A_92 = arith.constant 0 : i32
      %dma_start3A_93 = tpu.memref_slice %arg9[%dma_start3A, %dma_start3A_92] : memref<40x128xi32, #tpu.memory_space<vmem>> -> memref<1x128xi32, #tpu.memory_space<vmem>>
      %dma_start3A_94 = tpu.memref_squeeze %dma_start3A_93 : memref<1x128xi32, #tpu.memory_space<vmem>> -> memref<128xi32, #tpu.memory_space<vmem>>
      %dma_start3A_95 = arith.constant 0 : i32
      %dma_start3A_96 = arith.constant 0 : i32
      %dma_start3A_97 = tpu.memref_slice %arg2[%dma_start3A_95, %dma_start3A_96] : memref<10000x128xf32, #tpu.memory_space<hbm>> -> memref<10000x128xf32, #tpu.memory_space<hbm>>
      tpu.enqueue_indirect_dma source(%dma_start3A_97 : memref<10000x128xf32, #tpu.memory_space<hbm>>) target(%arg11 : memref<128x128xf32, #tpu.memory_space<vmem>>) offsets(%dma_start3A_94 : memref<128xi32, #tpu.memory_space<vmem>>) semaphore(%arg14 : memref<!tpu.dma_semaphore, #tpu.memory_space<semaphore_mem>>)
      %dma_start3A_98 = arith.constant 1 : i32
      %dma_start3A_99 = arith.constant 0 : i32
      %dma_start3A_100 = tpu.memref_slice %arg9[%dma_start3A_98, %dma_start3A_99] : memref<40x128xi32, #tpu.memory_space<vmem>> -> memref<1x128xi32, #tpu.memory_space<vmem>>
      %dma_start3A_101 = tpu.memref_squeeze %dma_start3A_100 : memref<1x128xi32, #tpu.memory_space<vmem>> -> memref<128xi32, #tpu.memory_space<vmem>>
      %dma_start3A_102 = arith.constant 0 : i32
      %dma_start3A_103 = arith.constant 0 : i32
      %dma_start3A_104 = tpu.memref_slice %arg2[%dma_start3A_102, %dma_start3A_103] : memref<10000x128xf32, #tpu.memory_space<hbm>> -> memref<10000x128xf32, #tpu.memory_space<hbm>>
      tpu.enqueue_indirect_dma source(%dma_start3A_104 : memref<10000x128xf32, #tpu.memory_space<hbm>>) target(%arg12 : memref<128x128xf32, #tpu.memory_space<vmem>>) offsets(%dma_start3A_101 : memref<128xi32, #tpu.memory_space<vmem>>) semaphore(%arg15 : memref<!tpu.dma_semaphore, #tpu.memory_space<semaphore_mem>>)
    } else {
    }
    %while3A = arith.constant 0 : i32
    %while3A_43 = arith.constant 0 : i32
    %while3A_44 = arith.subi %select_n3A, %while3A : i32
    %while3A_45 = arith.addi %while3A, %while3A_44 : i32
    %while3A_46 = arith.constant 1 : i32
    %while3A_47 = arith.divsi %while3A_44, %while3A_46 : i32
    %while3A_48 = arith.muli %while3A_47, %while3A_46 : i32
    %while3A_49 = arith.addi %while3A, %while3A_48 : i32
    %while3A_50 = arith.constant 1 : i32
    %while3A_51 = scf.for %while3A_92 = %while3A to %while3A_49 step %while3A_50 iter_args(%while3A_93 = %while3A_43) -> (i32)  : i32 {
      %mul3A_94 = arith.constant 2 : i32
      %mul3A_95 = arith.muli %mul3A_94, %while3A_92 : i32
      %dma_wait3A = arith.constant 0 : i32
      %dma_wait3A_96 = arith.constant 0 : i32
      %dma_wait3A_97 = tpu.memref_slice %arg9[%dma_wait3A, %dma_wait3A_96] : memref<40x128xi32, #tpu.memory_space<vmem>> -> memref<1x128xi32, #tpu.memory_space<vmem>>
      %dma_wait3A_98 = tpu.memref_squeeze %dma_wait3A_97 : memref<1x128xi32, #tpu.memory_space<vmem>> -> memref<128xi32, #tpu.memory_space<vmem>>
      %dma_wait3A_99 = arith.constant 0 : i32
      %dma_wait3A_100 = arith.constant 0 : i32
      %dma_wait3A_101 = tpu.memref_slice %arg2[%dma_wait3A_99, %dma_wait3A_100] : memref<10000x128xf32, #tpu.memory_space<hbm>> -> memref<10000x128xf32, #tpu.memory_space<hbm>>
      tpu.wait_indirect_dma semaphore(%arg14 : memref<!tpu.dma_semaphore, #tpu.memory_space<semaphore_mem>>) src(%dma_wait3A_101 : memref<10000x128xf32, #tpu.memory_space<hbm>>) dst(%arg11 : memref<128x128xf32, #tpu.memory_space<vmem>>)
      "tpu.region"() ({
        %run_scoped3A = tpu.sem_alloc : memref<!tpu.dma_semaphore, #tpu.memory_space<semaphore_mem>>
        %dma_start3A = arith.constant 0 : i32
        %dma_start3A_123 = tpu.memref_slice %arg10[%mul3A_95, %dma_start3A] : memref<40x128xi32, #tpu.memory_space<vmem>> -> memref<1x128xi32, #tpu.memory_space<vmem>>
        %dma_start3A_124 = tpu.memref_squeeze %dma_start3A_123 : memref<1x128xi32, #tpu.memory_space<vmem>> -> memref<128xi32, #tpu.memory_space<vmem>>
        %dma_start3A_125 = arith.constant 0 : i32
        %dma_start3A_126 = arith.constant 0 : i32
        %dma_start3A_127 = tpu.memref_slice %arg13[%dma_start3A_125, %dma_start3A_126] : memref<10240x128xf32, #tpu.memory_space<vmem_shared>> -> memref<10240x128xf32, #tpu.memory_space<vmem_shared>>
        tpu.enqueue_indirect_dma source(%arg11 : memref<128x128xf32, #tpu.memory_space<vmem>>) target(%dma_start3A_127 : memref<10240x128xf32, #tpu.memory_space<vmem_shared>>) offsets(%dma_start3A_124 : memref<128xi32, #tpu.memory_space<vmem>>) semaphore(%run_scoped3A : memref<!tpu.dma_semaphore, #tpu.memory_space<semaphore_mem>>) {add = true}
        %dma_wait3A_128 = arith.constant 0 : i32
        %dma_wait3A_129 = tpu.memref_slice %arg10[%mul3A_95, %dma_wait3A_128] : memref<40x128xi32, #tpu.memory_space<vmem>> -> memref<1x128xi32, #tpu.memory_space<vmem>>
        %dma_wait3A_130 = tpu.memref_squeeze %dma_wait3A_129 : memref<1x128xi32, #tpu.memory_space<vmem>> -> memref<128xi32, #tpu.memory_space<vmem>>
        %dma_wait3A_131 = arith.constant 0 : i32
        %dma_wait3A_132 = arith.constant 0 : i32
        %dma_wait3A_133 = tpu.memref_slice %arg13[%dma_wait3A_131, %dma_wait3A_132] : memref<10240x128xf32, #tpu.memory_space<vmem_shared>> -> memref<10240x128xf32, #tpu.memory_space<vmem_shared>>
        tpu.wait_indirect_dma semaphore(%run_scoped3A : memref<!tpu.dma_semaphore, #tpu.memory_space<semaphore_mem>>) src(%arg11 : memref<128x128xf32, #tpu.memory_space<vmem>>) dst(%dma_wait3A_133 : memref<10240x128xf32, #tpu.memory_space<vmem_shared>>)
        tpu.yield
      }) : () -> ()
      %add3A_102 = arith.constant 1 : i32
      %add3A_103 = arith.addi %while3A_92, %add3A_102 : i32
      %lt3A = arith.cmpi slt, %add3A_103, %select_n3A : i32
      %convert_element_type3A_104 = arith.extui %lt3A : i1 to i32
      %cond3A_105 = arith.constant 0 : i32
      %cond3A_106 = arith.cmpi ne, %convert_element_type3A_104, %cond3A_105 : i32
      scf.if %cond3A_106 {
        %add3A_123 = arith.constant 2 : i32
        %add3A_124 = arith.addi %mul3A_95, %add3A_123 : i32
        %dma_start3A = arith.constant 0 : i32
        %dma_start3A_125 = tpu.memref_slice %arg9[%add3A_124, %dma_start3A] : memref<40x128xi32, #tpu.memory_space<vmem>> -> memref<1x128xi32, #tpu.memory_space<vmem>>
        %dma_start3A_126 = tpu.memref_squeeze %dma_start3A_125 : memref<1x128xi32, #tpu.memory_space<vmem>> -> memref<128xi32, #tpu.memory_space<vmem>>
        %dma_start3A_127 = arith.constant 0 : i32
        %dma_start3A_128 = arith.constant 0 : i32
        %dma_start3A_129 = tpu.memref_slice %arg2[%dma_start3A_127, %dma_start3A_128] : memref<10000x128xf32, #tpu.memory_space<hbm>> -> memref<10000x128xf32, #tpu.memory_space<hbm>>
        tpu.enqueue_indirect_dma source(%dma_start3A_129 : memref<10000x128xf32, #tpu.memory_space<hbm>>) target(%arg11 : memref<128x128xf32, #tpu.memory_space<vmem>>) offsets(%dma_start3A_126 : memref<128xi32, #tpu.memory_space<vmem>>) semaphore(%arg14 : memref<!tpu.dma_semaphore, #tpu.memory_space<semaphore_mem>>)
      } else {
      }
      %dma_wait3A_107 = arith.constant 0 : i32
      %dma_wait3A_108 = arith.constant 0 : i32
      %dma_wait3A_109 = tpu.memref_slice %arg9[%dma_wait3A_107, %dma_wait3A_108] : memref<40x128xi32, #tpu.memory_space<vmem>> -> memref<1x128xi32, #tpu.memory_space<vmem>>
      %dma_wait3A_110 = tpu.memref_squeeze %dma_wait3A_109 : memref<1x128xi32, #tpu.memory_space<vmem>> -> memref<128xi32, #tpu.memory_space<vmem>>
      %dma_wait3A_111 = arith.constant 0 : i32
      %dma_wait3A_112 = arith.constant 0 : i32
      %dma_wait3A_113 = tpu.memref_slice %arg2[%dma_wait3A_111, %dma_wait3A_112] : memref<10000x128xf32, #tpu.memory_space<hbm>> -> memref<10000x128xf32, #tpu.memory_space<hbm>>
      tpu.wait_indirect_dma semaphore(%arg15 : memref<!tpu.dma_semaphore, #tpu.memory_space<semaphore_mem>>) src(%dma_wait3A_113 : memref<10000x128xf32, #tpu.memory_space<hbm>>) dst(%arg12 : memref<128x128xf32, #tpu.memory_space<vmem>>)
      %add3A_114 = arith.constant 1 : i32
      %add3A_115 = arith.addi %mul3A_95, %add3A_114 : i32
      "tpu.region"() ({
        %run_scoped3A = tpu.sem_alloc : memref<!tpu.dma_semaphore, #tpu.memory_space<semaphore_mem>>
        %dma_start3A = arith.constant 0 : i32
        %dma_start3A_123 = tpu.memref_slice %arg10[%add3A_115, %dma_start3A] : memref<40x128xi32, #tpu.memory_space<vmem>> -> memref<1x128xi32, #tpu.memory_space<vmem>>
        %dma_start3A_124 = tpu.memref_squeeze %dma_start3A_123 : memref<1x128xi32, #tpu.memory_space<vmem>> -> memref<128xi32, #tpu.memory_space<vmem>>
        %dma_start3A_125 = arith.constant 0 : i32
        %dma_start3A_126 = arith.constant 0 : i32
        %dma_start3A_127 = tpu.memref_slice %arg13[%dma_start3A_125, %dma_start3A_126] : memref<10240x128xf32, #tpu.memory_space<vmem_shared>> -> memref<10240x128xf32, #tpu.memory_space<vmem_shared>>
        tpu.enqueue_indirect_dma source(%arg12 : memref<128x128xf32, #tpu.memory_space<vmem>>) target(%dma_start3A_127 : memref<10240x128xf32, #tpu.memory_space<vmem_shared>>) offsets(%dma_start3A_124 : memref<128xi32, #tpu.memory_space<vmem>>) semaphore(%run_scoped3A : memref<!tpu.dma_semaphore, #tpu.memory_space<semaphore_mem>>) {add = true}
        %dma_wait3A_128 = arith.constant 0 : i32
        %dma_wait3A_129 = tpu.memref_slice %arg10[%add3A_115, %dma_wait3A_128] : memref<40x128xi32, #tpu.memory_space<vmem>> -> memref<1x128xi32, #tpu.memory_space<vmem>>
        %dma_wait3A_130 = tpu.memref_squeeze %dma_wait3A_129 : memref<1x128xi32, #tpu.memory_space<vmem>> -> memref<128xi32, #tpu.memory_space<vmem>>
        %dma_wait3A_131 = arith.constant 0 : i32
        %dma_wait3A_132 = arith.constant 0 : i32
        %dma_wait3A_133 = tpu.memref_slice %arg13[%dma_wait3A_131, %dma_wait3A_132] : memref<10240x128xf32, #tpu.memory_space<vmem_shared>> -> memref<10240x128xf32, #tpu.memory_space<vmem_shared>>
        tpu.wait_indirect_dma semaphore(%run_scoped3A : memref<!tpu.dma_semaphore, #tpu.memory_space<semaphore_mem>>) src(%arg12 : memref<128x128xf32, #tpu.memory_space<vmem>>) dst(%dma_wait3A_133 : memref<10240x128xf32, #tpu.memory_space<vmem_shared>>)
        tpu.yield
      }) : () -> ()
      %add3A_116 = arith.constant 1 : i32
      %add3A_117 = arith.addi %while3A_92, %add3A_116 : i32
      %lt3A_118 = arith.cmpi slt, %add3A_117, %select_n3A : i32
      %convert_element_type3A_119 = arith.extui %lt3A_118 : i1 to i32
      %cond3A_120 = arith.constant 0 : i32
      %cond3A_121 = arith.cmpi ne, %convert_element_type3A_119, %cond3A_120 : i32
      scf.if %cond3A_121 {
        %add3A_123 = arith.constant 3 : i32
        %add3A_124 = arith.addi %mul3A_95, %add3A_123 : i32
        %dma_start3A = arith.constant 0 : i32
        %dma_start3A_125 = tpu.memref_slice %arg9[%add3A_124, %dma_start3A] : memref<40x128xi32, #tpu.memory_space<vmem>> -> memref<1x128xi32, #tpu.memory_space<vmem>>
        %dma_start3A_126 = tpu.memref_squeeze %dma_start3A_125 : memref<1x128xi32, #tpu.memory_space<vmem>> -> memref<128xi32, #tpu.memory_space<vmem>>
        %dma_start3A_127 = arith.constant 0 : i32
        %dma_start3A_128 = arith.constant 0 : i32
        %dma_start3A_129 = tpu.memref_slice %arg2[%dma_start3A_127, %dma_start3A_128] : memref<10000x128xf32, #tpu.memory_space<hbm>> -> memref<10000x128xf32, #tpu.memory_space<hbm>>
        tpu.enqueue_indirect_dma source(%dma_start3A_129 : memref<10000x128xf32, #tpu.memory_space<hbm>>) target(%arg12 : memref<128x128xf32, #tpu.memory_space<vmem>>) offsets(%dma_start3A_126 : memref<128xi32, #tpu.memory_space<vmem>>) semaphore(%arg15 : memref<!tpu.dma_semaphore, #tpu.memory_space<semaphore_mem>>)
      } else {
      }
      %while3A_122 = arith.constant 0 : i32
      scf.yield %while3A_122 : i32
    }
    %while3A_52 = arith.constant 1 : i32
    %while3A_53 = scf.for %while3A_92 = %while3A_49 to %while3A_45 step %while3A_52 iter_args(%while3A_93 = %while3A_51) -> (i32)  : i32 {
      %mul3A_94 = arith.constant 2 : i32
      %mul3A_95 = arith.muli %mul3A_94, %while3A_92 : i32
      %dma_wait3A = arith.constant 0 : i32
      %dma_wait3A_96 = arith.constant 0 : i32
      %dma_wait3A_97 = tpu.memref_slice %arg9[%dma_wait3A, %dma_wait3A_96] : memref<40x128xi32, #tpu.memory_space<vmem>> -> memref<1x128xi32, #tpu.memory_space<vmem>>
      %dma_wait3A_98 = tpu.memref_squeeze %dma_wait3A_97 : memref<1x128xi32, #tpu.memory_space<vmem>> -> memref<128xi32, #tpu.memory_space<vmem>>
      %dma_wait3A_99 = arith.constant 0 : i32
      %dma_wait3A_100 = arith.constant 0 : i32
      %dma_wait3A_101 = tpu.memref_slice %arg2[%dma_wait3A_99, %dma_wait3A_100] : memref<10000x128xf32, #tpu.memory_space<hbm>> -> memref<10000x128xf32, #tpu.memory_space<hbm>>
      tpu.wait_indirect_dma semaphore(%arg14 : memref<!tpu.dma_semaphore, #tpu.memory_space<semaphore_mem>>) src(%dma_wait3A_101 : memref<10000x128xf32, #tpu.memory_space<hbm>>) dst(%arg11 : memref<128x128xf32, #tpu.memory_space<vmem>>)
      "tpu.region"() ({
        %run_scoped3A = tpu.sem_alloc : memref<!tpu.dma_semaphore, #tpu.memory_space<semaphore_mem>>
        %dma_start3A = arith.constant 0 : i32
        %dma_start3A_123 = tpu.memref_slice %arg10[%mul3A_95, %dma_start3A] : memref<40x128xi32, #tpu.memory_space<vmem>> -> memref<1x128xi32, #tpu.memory_space<vmem>>
        %dma_start3A_124 = tpu.memref_squeeze %dma_start3A_123 : memref<1x128xi32, #tpu.memory_space<vmem>> -> memref<128xi32, #tpu.memory_space<vmem>>
        %dma_start3A_125 = arith.constant 0 : i32
        %dma_start3A_126 = arith.constant 0 : i32
        %dma_start3A_127 = tpu.memref_slice %arg13[%dma_start3A_125, %dma_start3A_126] : memref<10240x128xf32, #tpu.memory_space<vmem_shared>> -> memref<10240x128xf32, #tpu.memory_space<vmem_shared>>
        tpu.enqueue_indirect_dma source(%arg11 : memref<128x128xf32, #tpu.memory_space<vmem>>) target(%dma_start3A_127 : memref<10240x128xf32, #tpu.memory_space<vmem_shared>>) offsets(%dma_start3A_124 : memref<128xi32, #tpu.memory_space<vmem>>) semaphore(%run_scoped3A : memref<!tpu.dma_semaphore, #tpu.memory_space<semaphore_mem>>) {add = true}
        %dma_wait3A_128 = arith.constant 0 : i32
        %dma_wait3A_129 = tpu.memref_slice %arg10[%mul3A_95, %dma_wait3A_128] : memref<40x128xi32, #tpu.memory_space<vmem>> -> memref<1x128xi32, #tpu.memory_space<vmem>>
        %dma_wait3A_130 = tpu.memref_squeeze %dma_wait3A_129 : memref<1x128xi32, #tpu.memory_space<vmem>> -> memref<128xi32, #tpu.memory_space<vmem>>
        %dma_wait3A_131 = arith.constant 0 : i32
        %dma_wait3A_132 = arith.constant 0 : i32
        %dma_wait3A_133 = tpu.memref_slice %arg13[%dma_wait3A_131, %dma_wait3A_132] : memref<10240x128xf32, #tpu.memory_space<vmem_shared>> -> memref<10240x128xf32, #tpu.memory_space<vmem_shared>>
        tpu.wait_indirect_dma semaphore(%run_scoped3A : memref<!tpu.dma_semaphore, #tpu.memory_space<semaphore_mem>>) src(%arg11 : memref<128x128xf32, #tpu.memory_space<vmem>>) dst(%dma_wait3A_133 : memref<10240x128xf32, #tpu.memory_space<vmem_shared>>)
        tpu.yield
      }) : () -> ()
      %add3A_102 = arith.constant 1 : i32
      %add3A_103 = arith.addi %while3A_92, %add3A_102 : i32
      %lt3A = arith.cmpi slt, %add3A_103, %select_n3A : i32
      %convert_element_type3A_104 = arith.extui %lt3A : i1 to i32
      %cond3A_105 = arith.constant 0 : i32
      %cond3A_106 = arith.cmpi ne, %convert_element_type3A_104, %cond3A_105 : i32
      scf.if %cond3A_106 {
        %add3A_123 = arith.constant 2 : i32
        %add3A_124 = arith.addi %mul3A_95, %add3A_123 : i32
        %dma_start3A = arith.constant 0 : i32
        %dma_start3A_125 = tpu.memref_slice %arg9[%add3A_124, %dma_start3A] : memref<40x128xi32, #tpu.memory_space<vmem>> -> memref<1x128xi32, #tpu.memory_space<vmem>>
        %dma_start3A_126 = tpu.memref_squeeze %dma_start3A_125 : memref<1x128xi32, #tpu.memory_space<vmem>> -> memref<128xi32, #tpu.memory_space<vmem>>
        %dma_start3A_127 = arith.constant 0 : i32
        %dma_start3A_128 = arith.constant 0 : i32
        %dma_start3A_129 = tpu.memref_slice %arg2[%dma_start3A_127, %dma_start3A_128] : memref<10000x128xf32, #tpu.memory_space<hbm>> -> memref<10000x128xf32, #tpu.memory_space<hbm>>
        tpu.enqueue_indirect_dma source(%dma_start3A_129 : memref<10000x128xf32, #tpu.memory_space<hbm>>) target(%arg11 : memref<128x128xf32, #tpu.memory_space<vmem>>) offsets(%dma_start3A_126 : memref<128xi32, #tpu.memory_space<vmem>>) semaphore(%arg14 : memref<!tpu.dma_semaphore, #tpu.memory_space<semaphore_mem>>)
      } else {
      }
      %dma_wait3A_107 = arith.constant 0 : i32
      %dma_wait3A_108 = arith.constant 0 : i32
      %dma_wait3A_109 = tpu.memref_slice %arg9[%dma_wait3A_107, %dma_wait3A_108] : memref<40x128xi32, #tpu.memory_space<vmem>> -> memref<1x128xi32, #tpu.memory_space<vmem>>
      %dma_wait3A_110 = tpu.memref_squeeze %dma_wait3A_109 : memref<1x128xi32, #tpu.memory_space<vmem>> -> memref<128xi32, #tpu.memory_space<vmem>>
      %dma_wait3A_111 = arith.constant 0 : i32
      %dma_wait3A_112 = arith.constant 0 : i32
      %dma_wait3A_113 = tpu.memref_slice %arg2[%dma_wait3A_111, %dma_wait3A_112] : memref<10000x128xf32, #tpu.memory_space<hbm>> -> memref<10000x128xf32, #tpu.memory_space<hbm>>
      tpu.wait_indirect_dma semaphore(%arg15 : memref<!tpu.dma_semaphore, #tpu.memory_space<semaphore_mem>>) src(%dma_wait3A_113 : memref<10000x128xf32, #tpu.memory_space<hbm>>) dst(%arg12 : memref<128x128xf32, #tpu.memory_space<vmem>>)
      %add3A_114 = arith.constant 1 : i32
      %add3A_115 = arith.addi %mul3A_95, %add3A_114 : i32
      "tpu.region"() ({
        %run_scoped3A = tpu.sem_alloc : memref<!tpu.dma_semaphore, #tpu.memory_space<semaphore_mem>>
        %dma_start3A = arith.constant 0 : i32
        %dma_start3A_123 = tpu.memref_slice %arg10[%add3A_115, %dma_start3A] : memref<40x128xi32, #tpu.memory_space<vmem>> -> memref<1x128xi32, #tpu.memory_space<vmem>>
        %dma_start3A_124 = tpu.memref_squeeze %dma_start3A_123 : memref<1x128xi32, #tpu.memory_space<vmem>> -> memref<128xi32, #tpu.memory_space<vmem>>
        %dma_start3A_125 = arith.constant 0 : i32
        %dma_start3A_126 = arith.constant 0 : i32
        %dma_start3A_127 = tpu.memref_slice %arg13[%dma_start3A_125, %dma_start3A_126] : memref<10240x128xf32, #tpu.memory_space<vmem_shared>> -> memref<10240x128xf32, #tpu.memory_space<vmem_shared>>
        tpu.enqueue_indirect_dma source(%arg12 : memref<128x128xf32, #tpu.memory_space<vmem>>) target(%dma_start3A_127 : memref<10240x128xf32, #tpu.memory_space<vmem_shared>>) offsets(%dma_start3A_124 : memref<128xi32, #tpu.memory_space<vmem>>) semaphore(%run_scoped3A : memref<!tpu.dma_semaphore, #tpu.memory_space<semaphore_mem>>) {add = true}
        %dma_wait3A_128 = arith.constant 0 : i32
        %dma_wait3A_129 = tpu.memref_slice %arg10[%add3A_115, %dma_wait3A_128] : memref<40x128xi32, #tpu.memory_space<vmem>> -> memref<1x128xi32, #tpu.memory_space<vmem>>
        %dma_wait3A_130 = tpu.memref_squeeze %dma_wait3A_129 : memref<1x128xi32, #tpu.memory_space<vmem>> -> memref<128xi32, #tpu.memory_space<vmem>>
        %dma_wait3A_131 = arith.constant 0 : i32
        %dma_wait3A_132 = arith.constant 0 : i32
        %dma_wait3A_133 = tpu.memref_slice %arg13[%dma_wait3A_131, %dma_wait3A_132] : memref<10240x128xf32, #tpu.memory_space<vmem_shared>> -> memref<10240x128xf32, #tpu.memory_space<vmem_shared>>
        tpu.wait_indirect_dma semaphore(%run_scoped3A : memref<!tpu.dma_semaphore, #tpu.memory_space<semaphore_mem>>) src(%arg12 : memref<128x128xf32, #tpu.memory_space<vmem>>) dst(%dma_wait3A_133 : memref<10240x128xf32, #tpu.memory_space<vmem_shared>>)
        tpu.yield
      }) : () -> ()
      %add3A_116 = arith.constant 1 : i32
      %add3A_117 = arith.addi %while3A_92, %add3A_116 : i32
      %lt3A_118 = arith.cmpi slt, %add3A_117, %select_n3A : i32
      %convert_element_type3A_119 = arith.extui %lt3A_118 : i1 to i32
      %cond3A_120 = arith.constant 0 : i32
      %cond3A_121 = arith.cmpi ne, %convert_element_type3A_119, %cond3A_120 : i32
      scf.if %cond3A_121 {
        %add3A_123 = arith.constant 3 : i32
        %add3A_124 = arith.addi %mul3A_95, %add3A_123 : i32
        %dma_start3A = arith.constant 0 : i32
        %dma_start3A_125 = tpu.memref_slice %arg9[%add3A_124, %dma_start3A] : memref<40x128xi32, #tpu.memory_space<vmem>> -> memref<1x128xi32, #tpu.memory_space<vmem>>
        %dma_start3A_126 = tpu.memref_squeeze %dma_start3A_125 : memref<1x128xi32, #tpu.memory_space<vmem>> -> memref<128xi32, #tpu.memory_space<vmem>>
        %dma_start3A_127 = arith.constant 0 : i32
        %dma_start3A_128 = arith.constant 0 : i32
        %dma_start3A_129 = tpu.memref_slice %arg2[%dma_start3A_127, %dma_start3A_128] : memref<10000x128xf32, #tpu.memory_space<hbm>> -> memref<10000x128xf32, #tpu.memory_space<hbm>>
        tpu.enqueue_indirect_dma source(%dma_start3A_129 : memref<10000x128xf32, #tpu.memory_space<hbm>>) target(%arg12 : memref<128x128xf32, #tpu.memory_space<vmem>>) offsets(%dma_start3A_126 : memref<128xi32, #tpu.memory_space<vmem>>) semaphore(%arg15 : memref<!tpu.dma_semaphore, #tpu.memory_space<semaphore_mem>>)
      } else {
      }
      %while3A_122 = arith.constant 0 : i32
      scf.yield %while3A_122 : i32
    }
    %mul3A_54 = arith.constant 80 : i32
    %mul3A_55 = arith.muli %add3A, %mul3A_54 : i32
    %add3A_56 = arith.constant 40 : i32
    %add3A_57 = arith.addi %mul3A_55, %add3A_56 : i32
    %jit3A_58 = arith.constant 0 : i32
    %jit3A_59 = arith.constant 20 : i32
    %select_n3A_60 = arith.select %eq3A_1, %jit3A_58, %jit3A_59 : i32
    %not3A_61 = arith.constant true
    %not3A_62 = arith.xori %eq3A_1, %not3A_61 : i1
    %convert_element_type3A_63 = arith.extui %not3A_62 : i1 to i32
    %cond3A_64 = arith.constant 0 : i32
    %cond3A_65 = arith.cmpi ne, %convert_element_type3A_63, %cond3A_64 : i32
    scf.if %cond3A_65 {
      "tpu.region"() ({
        %run_scoped3A = tpu.sem_alloc : memref<!tpu.dma_semaphore, #tpu.memory_space<semaphore_mem>>
        %dma_start3A = arith.constant 0 : i32
        %dma_start3A_92 = tpu.memref_slice %arg3[%add3A_57, %dma_start3A] : memref<2496x128xi32, #tpu.memory_space<hbm>> -> memref<40x128xi32, #tpu.memory_space<hbm>>
        %dma_start3A_93 = arith.constant 0 : i32
        %dma_start3A_94 = tpu.memref_slice %arg3[%add3A_57, %dma_start3A_93] : memref<2496x128xi32, #tpu.memory_space<hbm>> -> memref<40x128xi32, #tpu.memory_space<hbm>>
        tpu.enqueue_dma source(%dma_start3A_94 : memref<40x128xi32, #tpu.memory_space<hbm>>) target(%arg9 : memref<40x128xi32, #tpu.memory_space<vmem>>) target_semaphore(%run_scoped3A : memref<!tpu.dma_semaphore, #tpu.memory_space<semaphore_mem>>)
        %dma_wait3A = arith.constant 0 : i32
        %dma_wait3A_95 = tpu.memref_slice %arg3[%add3A_57, %dma_wait3A] : memref<2496x128xi32, #tpu.memory_space<hbm>> -> memref<40x128xi32, #tpu.memory_space<hbm>>
        %dma_wait3A_96 = arith.constant 0 : i32
        %dma_wait3A_97 = tpu.memref_slice %arg3[%add3A_57, %dma_wait3A_96] : memref<2496x128xi32, #tpu.memory_space<hbm>> -> memref<40x128xi32, #tpu.memory_space<hbm>>
        tpu.wait_dma2 semaphore(%run_scoped3A : memref<!tpu.dma_semaphore, #tpu.memory_space<semaphore_mem>>) src(%dma_wait3A_97 : memref<40x128xi32, #tpu.memory_space<hbm>>) dst(%arg9 : memref<40x128xi32, #tpu.memory_space<vmem>>)
        tpu.yield
      }) : () -> ()
      "tpu.region"() ({
        %run_scoped3A = tpu.sem_alloc : memref<!tpu.dma_semaphore, #tpu.memory_space<semaphore_mem>>
        %dma_start3A = arith.constant 0 : i32
        %dma_start3A_92 = tpu.memref_slice %arg4[%add3A_57, %dma_start3A] : memref<2496x128xi32, #tpu.memory_space<hbm>> -> memref<40x128xi32, #tpu.memory_space<hbm>>
        %dma_start3A_93 = arith.constant 0 : i32
        %dma_start3A_94 = tpu.memref_slice %arg4[%add3A_57, %dma_start3A_93] : memref<2496x128xi32, #tpu.memory_space<hbm>> -> memref<40x128xi32, #tpu.memory_space<hbm>>
        tpu.enqueue_dma source(%dma_start3A_94 : memref<40x128xi32, #tpu.memory_space<hbm>>) target(%arg10 : memref<40x128xi32, #tpu.memory_space<vmem>>) target_semaphore(%run_scoped3A : memref<!tpu.dma_semaphore, #tpu.memory_space<semaphore_mem>>)
        %dma_wait3A = arith.constant 0 : i32
        %dma_wait3A_95 = tpu.memref_slice %arg4[%add3A_57, %dma_wait3A] : memref<2496x128xi32, #tpu.memory_space<hbm>> -> memref<40x128xi32, #tpu.memory_space<hbm>>
        %dma_wait3A_96 = arith.constant 0 : i32
        %dma_wait3A_97 = tpu.memref_slice %arg4[%add3A_57, %dma_wait3A_96] : memref<2496x128xi32, #tpu.memory_space<hbm>> -> memref<40x128xi32, #tpu.memory_space<hbm>>
        tpu.wait_dma2 semaphore(%run_scoped3A : memref<!tpu.dma_semaphore, #tpu.memory_space<semaphore_mem>>) src(%dma_wait3A_97 : memref<40x128xi32, #tpu.memory_space<hbm>>) dst(%arg10 : memref<40x128xi32, #tpu.memory_space<vmem>>)
        tpu.yield
      }) : () -> ()
    } else {
    }
    %convert_element_type3A_66 = arith.extui %not3A_62 : i1 to i32
    %cond3A_67 = arith.constant 0 : i32
    %cond3A_68 = arith.cmpi ne, %convert_element_type3A_66, %cond3A_67 : i32
    scf.if %cond3A_68 {
      %dma_start3A = arith.constant 0 : i32
      %dma_start3A_92 = arith.constant 0 : i32
      %dma_start3A_93 = tpu.memref_slice %arg9[%dma_start3A, %dma_start3A_92] : memref<40x128xi32, #tpu.memory_space<vmem>> -> memref<1x128xi32, #tpu.memory_space<vmem>>
      %dma_start3A_94 = tpu.memref_squeeze %dma_start3A_93 : memref<1x128xi32, #tpu.memory_space<vmem>> -> memref<128xi32, #tpu.memory_space<vmem>>
      %dma_start3A_95 = arith.constant 0 : i32
      %dma_start3A_96 = arith.constant 0 : i32
      %dma_start3A_97 = tpu.memref_slice %arg2[%dma_start3A_95, %dma_start3A_96] : memref<10000x128xf32, #tpu.memory_space<hbm>> -> memref<10000x128xf32, #tpu.memory_space<hbm>>
      tpu.enqueue_indirect_dma source(%dma_start3A_97 : memref<10000x128xf32, #tpu.memory_space<hbm>>) target(%arg11 : memref<128x128xf32, #tpu.memory_space<vmem>>) offsets(%dma_start3A_94 : memref<128xi32, #tpu.memory_space<vmem>>) semaphore(%arg14 : memref<!tpu.dma_semaphore, #tpu.memory_space<semaphore_mem>>)
      %dma_start3A_98 = arith.constant 1 : i32
      %dma_start3A_99 = arith.constant 0 : i32
      %dma_start3A_100 = tpu.memref_slice %arg9[%dma_start3A_98, %dma_start3A_99] : memref<40x128xi32, #tpu.memory_space<vmem>> -> memref<1x128xi32, #tpu.memory_space<vmem>>
      %dma_start3A_101 = tpu.memref_squeeze %dma_start3A_100 : memref<1x128xi32, #tpu.memory_space<vmem>> -> memref<128xi32, #tpu.memory_space<vmem>>
      %dma_start3A_102 = arith.constant 0 : i32
      %dma_start3A_103 = arith.constant 0 : i32
      %dma_start3A_104 = tpu.memref_slice %arg2[%dma_start3A_102, %dma_start3A_103] : memref<10000x128xf32, #tpu.memory_space<hbm>> -> memref<10000x128xf32, #tpu.memory_space<hbm>>
      tpu.enqueue_indirect_dma source(%dma_start3A_104 : memref<10000x128xf32, #tpu.memory_space<hbm>>) target(%arg12 : memref<128x128xf32, #tpu.memory_space<vmem>>) offsets(%dma_start3A_101 : memref<128xi32, #tpu.memory_space<vmem>>) semaphore(%arg15 : memref<!tpu.dma_semaphore, #tpu.memory_space<semaphore_mem>>)
    } else {
    }
    %while3A_69 = arith.constant 0 : i32
    %while3A_70 = arith.constant 0 : i32
    %while3A_71 = arith.subi %select_n3A_60, %while3A_69 : i32
    %while3A_72 = arith.addi %while3A_69, %while3A_71 : i32
    %while3A_73 = arith.constant 1 : i32
    %while3A_74 = arith.divsi %while3A_71, %while3A_73 : i32
    %while3A_75 = arith.muli %while3A_74, %while3A_73 : i32
    %while3A_76 = arith.addi %while3A_69, %while3A_75 : i32
    %while3A_77 = arith.constant 1 : i32
    %while3A_78 = scf.for %while3A_92 = %while3A_69 to %while3A_76 step %while3A_77 iter_args(%while3A_93 = %while3A_70) -> (i32)  : i32 {
      %mul3A_94 = arith.constant 2 : i32
      %mul3A_95 = arith.muli %mul3A_94, %while3A_92 : i32
      %dma_wait3A = arith.constant 0 : i32
      %dma_wait3A_96 = arith.constant 0 : i32
      %dma_wait3A_97 = tpu.memref_slice %arg9[%dma_wait3A, %dma_wait3A_96] : memref<40x128xi32, #tpu.memory_space<vmem>> -> memref<1x128xi32, #tpu.memory_space<vmem>>
      %dma_wait3A_98 = tpu.memref_squeeze %dma_wait3A_97 : memref<1x128xi32, #tpu.memory_space<vmem>> -> memref<128xi32, #tpu.memory_space<vmem>>
      %dma_wait3A_99 = arith.constant 0 : i32
      %dma_wait3A_100 = arith.constant 0 : i32
      %dma_wait3A_101 = tpu.memref_slice %arg2[%dma_wait3A_99, %dma_wait3A_100] : memref<10000x128xf32, #tpu.memory_space<hbm>> -> memref<10000x128xf32, #tpu.memory_space<hbm>>
      tpu.wait_indirect_dma semaphore(%arg14 : memref<!tpu.dma_semaphore, #tpu.memory_space<semaphore_mem>>) src(%dma_wait3A_101 : memref<10000x128xf32, #tpu.memory_space<hbm>>) dst(%arg11 : memref<128x128xf32, #tpu.memory_space<vmem>>)
      "tpu.region"() ({
        %run_scoped3A = tpu.sem_alloc : memref<!tpu.dma_semaphore, #tpu.memory_space<semaphore_mem>>
        %dma_start3A = arith.constant 0 : i32
        %dma_start3A_123 = tpu.memref_slice %arg10[%mul3A_95, %dma_start3A] : memref<40x128xi32, #tpu.memory_space<vmem>> -> memref<1x128xi32, #tpu.memory_space<vmem>>
        %dma_start3A_124 = tpu.memref_squeeze %dma_start3A_123 : memref<1x128xi32, #tpu.memory_space<vmem>> -> memref<128xi32, #tpu.memory_space<vmem>>
        %dma_start3A_125 = arith.constant 0 : i32
        %dma_start3A_126 = arith.constant 0 : i32
        %dma_start3A_127 = tpu.memref_slice %arg13[%dma_start3A_125, %dma_start3A_126] : memref<10240x128xf32, #tpu.memory_space<vmem_shared>> -> memref<10240x128xf32, #tpu.memory_space<vmem_shared>>
        tpu.enqueue_indirect_dma source(%arg11 : memref<128x128xf32, #tpu.memory_space<vmem>>) target(%dma_start3A_127 : memref<10240x128xf32, #tpu.memory_space<vmem_shared>>) offsets(%dma_start3A_124 : memref<128xi32, #tpu.memory_space<vmem>>) semaphore(%run_scoped3A : memref<!tpu.dma_semaphore, #tpu.memory_space<semaphore_mem>>) {add = true}
        %dma_wait3A_128 = arith.constant 0 : i32
        %dma_wait3A_129 = tpu.memref_slice %arg10[%mul3A_95, %dma_wait3A_128] : memref<40x128xi32, #tpu.memory_space<vmem>> -> memref<1x128xi32, #tpu.memory_space<vmem>>
        %dma_wait3A_130 = tpu.memref_squeeze %dma_wait3A_129 : memref<1x128xi32, #tpu.memory_space<vmem>> -> memref<128xi32, #tpu.memory_space<vmem>>
        %dma_wait3A_131 = arith.constant 0 : i32
        %dma_wait3A_132 = arith.constant 0 : i32
        %dma_wait3A_133 = tpu.memref_slice %arg13[%dma_wait3A_131, %dma_wait3A_132] : memref<10240x128xf32, #tpu.memory_space<vmem_shared>> -> memref<10240x128xf32, #tpu.memory_space<vmem_shared>>
        tpu.wait_indirect_dma semaphore(%run_scoped3A : memref<!tpu.dma_semaphore, #tpu.memory_space<semaphore_mem>>) src(%arg11 : memref<128x128xf32, #tpu.memory_space<vmem>>) dst(%dma_wait3A_133 : memref<10240x128xf32, #tpu.memory_space<vmem_shared>>)
        tpu.yield
      }) : () -> ()
      %add3A_102 = arith.constant 1 : i32
      %add3A_103 = arith.addi %while3A_92, %add3A_102 : i32
      %lt3A = arith.cmpi slt, %add3A_103, %select_n3A_60 : i32
      %convert_element_type3A_104 = arith.extui %lt3A : i1 to i32
      %cond3A_105 = arith.constant 0 : i32
      %cond3A_106 = arith.cmpi ne, %convert_element_type3A_104, %cond3A_105 : i32
      scf.if %cond3A_106 {
        %add3A_123 = arith.constant 2 : i32
        %add3A_124 = arith.addi %mul3A_95, %add3A_123 : i32
        %dma_start3A = arith.constant 0 : i32
        %dma_start3A_125 = tpu.memref_slice %arg9[%add3A_124, %dma_start3A] : memref<40x128xi32, #tpu.memory_space<vmem>> -> memref<1x128xi32, #tpu.memory_space<vmem>>
        %dma_start3A_126 = tpu.memref_squeeze %dma_start3A_125 : memref<1x128xi32, #tpu.memory_space<vmem>> -> memref<128xi32, #tpu.memory_space<vmem>>
        %dma_start3A_127 = arith.constant 0 : i32
        %dma_start3A_128 = arith.constant 0 : i32
        %dma_start3A_129 = tpu.memref_slice %arg2[%dma_start3A_127, %dma_start3A_128] : memref<10000x128xf32, #tpu.memory_space<hbm>> -> memref<10000x128xf32, #tpu.memory_space<hbm>>
        tpu.enqueue_indirect_dma source(%dma_start3A_129 : memref<10000x128xf32, #tpu.memory_space<hbm>>) target(%arg11 : memref<128x128xf32, #tpu.memory_space<vmem>>) offsets(%dma_start3A_126 : memref<128xi32, #tpu.memory_space<vmem>>) semaphore(%arg14 : memref<!tpu.dma_semaphore, #tpu.memory_space<semaphore_mem>>)
      } else {
      }
      %dma_wait3A_107 = arith.constant 0 : i32
      %dma_wait3A_108 = arith.constant 0 : i32
      %dma_wait3A_109 = tpu.memref_slice %arg9[%dma_wait3A_107, %dma_wait3A_108] : memref<40x128xi32, #tpu.memory_space<vmem>> -> memref<1x128xi32, #tpu.memory_space<vmem>>
      %dma_wait3A_110 = tpu.memref_squeeze %dma_wait3A_109 : memref<1x128xi32, #tpu.memory_space<vmem>> -> memref<128xi32, #tpu.memory_space<vmem>>
      %dma_wait3A_111 = arith.constant 0 : i32
      %dma_wait3A_112 = arith.constant 0 : i32
      %dma_wait3A_113 = tpu.memref_slice %arg2[%dma_wait3A_111, %dma_wait3A_112] : memref<10000x128xf32, #tpu.memory_space<hbm>> -> memref<10000x128xf32, #tpu.memory_space<hbm>>
      tpu.wait_indirect_dma semaphore(%arg15 : memref<!tpu.dma_semaphore, #tpu.memory_space<semaphore_mem>>) src(%dma_wait3A_113 : memref<10000x128xf32, #tpu.memory_space<hbm>>) dst(%arg12 : memref<128x128xf32, #tpu.memory_space<vmem>>)
      %add3A_114 = arith.constant 1 : i32
      %add3A_115 = arith.addi %mul3A_95, %add3A_114 : i32
      "tpu.region"() ({
        %run_scoped3A = tpu.sem_alloc : memref<!tpu.dma_semaphore, #tpu.memory_space<semaphore_mem>>
        %dma_start3A = arith.constant 0 : i32
        %dma_start3A_123 = tpu.memref_slice %arg10[%add3A_115, %dma_start3A] : memref<40x128xi32, #tpu.memory_space<vmem>> -> memref<1x128xi32, #tpu.memory_space<vmem>>
        %dma_start3A_124 = tpu.memref_squeeze %dma_start3A_123 : memref<1x128xi32, #tpu.memory_space<vmem>> -> memref<128xi32, #tpu.memory_space<vmem>>
        %dma_start3A_125 = arith.constant 0 : i32
        %dma_start3A_126 = arith.constant 0 : i32
        %dma_start3A_127 = tpu.memref_slice %arg13[%dma_start3A_125, %dma_start3A_126] : memref<10240x128xf32, #tpu.memory_space<vmem_shared>> -> memref<10240x128xf32, #tpu.memory_space<vmem_shared>>
        tpu.enqueue_indirect_dma source(%arg12 : memref<128x128xf32, #tpu.memory_space<vmem>>) target(%dma_start3A_127 : memref<10240x128xf32, #tpu.memory_space<vmem_shared>>) offsets(%dma_start3A_124 : memref<128xi32, #tpu.memory_space<vmem>>) semaphore(%run_scoped3A : memref<!tpu.dma_semaphore, #tpu.memory_space<semaphore_mem>>) {add = true}
        %dma_wait3A_128 = arith.constant 0 : i32
        %dma_wait3A_129 = tpu.memref_slice %arg10[%add3A_115, %dma_wait3A_128] : memref<40x128xi32, #tpu.memory_space<vmem>> -> memref<1x128xi32, #tpu.memory_space<vmem>>
        %dma_wait3A_130 = tpu.memref_squeeze %dma_wait3A_129 : memref<1x128xi32, #tpu.memory_space<vmem>> -> memref<128xi32, #tpu.memory_space<vmem>>
        %dma_wait3A_131 = arith.constant 0 : i32
        %dma_wait3A_132 = arith.constant 0 : i32
        %dma_wait3A_133 = tpu.memref_slice %arg13[%dma_wait3A_131, %dma_wait3A_132] : memref<10240x128xf32, #tpu.memory_space<vmem_shared>> -> memref<10240x128xf32, #tpu.memory_space<vmem_shared>>
        tpu.wait_indirect_dma semaphore(%run_scoped3A : memref<!tpu.dma_semaphore, #tpu.memory_space<semaphore_mem>>) src(%arg12 : memref<128x128xf32, #tpu.memory_space<vmem>>) dst(%dma_wait3A_133 : memref<10240x128xf32, #tpu.memory_space<vmem_shared>>)
        tpu.yield
      }) : () -> ()
      %add3A_116 = arith.constant 1 : i32
      %add3A_117 = arith.addi %while3A_92, %add3A_116 : i32
      %lt3A_118 = arith.cmpi slt, %add3A_117, %select_n3A_60 : i32
      %convert_element_type3A_119 = arith.extui %lt3A_118 : i1 to i32
      %cond3A_120 = arith.constant 0 : i32
      %cond3A_121 = arith.cmpi ne, %convert_element_type3A_119, %cond3A_120 : i32
      scf.if %cond3A_121 {
        %add3A_123 = arith.constant 3 : i32
        %add3A_124 = arith.addi %mul3A_95, %add3A_123 : i32
        %dma_start3A = arith.constant 0 : i32
        %dma_start3A_125 = tpu.memref_slice %arg9[%add3A_124, %dma_start3A] : memref<40x128xi32, #tpu.memory_space<vmem>> -> memref<1x128xi32, #tpu.memory_space<vmem>>
        %dma_start3A_126 = tpu.memref_squeeze %dma_start3A_125 : memref<1x128xi32, #tpu.memory_space<vmem>> -> memref<128xi32, #tpu.memory_space<vmem>>
        %dma_start3A_127 = arith.constant 0 : i32
        %dma_start3A_128 = arith.constant 0 : i32
        %dma_start3A_129 = tpu.memref_slice %arg2[%dma_start3A_127, %dma_start3A_128] : memref<10000x128xf32, #tpu.memory_space<hbm>> -> memref<10000x128xf32, #tpu.memory_space<hbm>>
        tpu.enqueue_indirect_dma source(%dma_start3A_129 : memref<10000x128xf32, #tpu.memory_space<hbm>>) target(%arg12 : memref<128x128xf32, #tpu.memory_space<vmem>>) offsets(%dma_start3A_126 : memref<128xi32, #tpu.memory_space<vmem>>) semaphore(%arg15 : memref<!tpu.dma_semaphore, #tpu.memory_space<semaphore_mem>>)
      } else {
      }
      %while3A_122 = arith.constant 0 : i32
      scf.yield %while3A_122 : i32
    }
    %while3A_79 = arith.constant 1 : i32
    %while3A_80 = scf.for %while3A_92 = %while3A_76 to %while3A_72 step %while3A_79 iter_args(%while3A_93 = %while3A_78) -> (i32)  : i32 {
      %mul3A_94 = arith.constant 2 : i32
      %mul3A_95 = arith.muli %mul3A_94, %while3A_92 : i32
      %dma_wait3A = arith.constant 0 : i32
      %dma_wait3A_96 = arith.constant 0 : i32
      %dma_wait3A_97 = tpu.memref_slice %arg9[%dma_wait3A, %dma_wait3A_96] : memref<40x128xi32, #tpu.memory_space<vmem>> -> memref<1x128xi32, #tpu.memory_space<vmem>>
      %dma_wait3A_98 = tpu.memref_squeeze %dma_wait3A_97 : memref<1x128xi32, #tpu.memory_space<vmem>> -> memref<128xi32, #tpu.memory_space<vmem>>
      %dma_wait3A_99 = arith.constant 0 : i32
      %dma_wait3A_100 = arith.constant 0 : i32
      %dma_wait3A_101 = tpu.memref_slice %arg2[%dma_wait3A_99, %dma_wait3A_100] : memref<10000x128xf32, #tpu.memory_space<hbm>> -> memref<10000x128xf32, #tpu.memory_space<hbm>>
      tpu.wait_indirect_dma semaphore(%arg14 : memref<!tpu.dma_semaphore, #tpu.memory_space<semaphore_mem>>) src(%dma_wait3A_101 : memref<10000x128xf32, #tpu.memory_space<hbm>>) dst(%arg11 : memref<128x128xf32, #tpu.memory_space<vmem>>)
      "tpu.region"() ({
        %run_scoped3A = tpu.sem_alloc : memref<!tpu.dma_semaphore, #tpu.memory_space<semaphore_mem>>
        %dma_start3A = arith.constant 0 : i32
        %dma_start3A_123 = tpu.memref_slice %arg10[%mul3A_95, %dma_start3A] : memref<40x128xi32, #tpu.memory_space<vmem>> -> memref<1x128xi32, #tpu.memory_space<vmem>>
        %dma_start3A_124 = tpu.memref_squeeze %dma_start3A_123 : memref<1x128xi32, #tpu.memory_space<vmem>> -> memref<128xi32, #tpu.memory_space<vmem>>
        %dma_start3A_125 = arith.constant 0 : i32
        %dma_start3A_126 = arith.constant 0 : i32
        %dma_start3A_127 = tpu.memref_slice %arg13[%dma_start3A_125, %dma_start3A_126] : memref<10240x128xf32, #tpu.memory_space<vmem_shared>> -> memref<10240x128xf32, #tpu.memory_space<vmem_shared>>
        tpu.enqueue_indirect_dma source(%arg11 : memref<128x128xf32, #tpu.memory_space<vmem>>) target(%dma_start3A_127 : memref<10240x128xf32, #tpu.memory_space<vmem_shared>>) offsets(%dma_start3A_124 : memref<128xi32, #tpu.memory_space<vmem>>) semaphore(%run_scoped3A : memref<!tpu.dma_semaphore, #tpu.memory_space<semaphore_mem>>) {add = true}
        %dma_wait3A_128 = arith.constant 0 : i32
        %dma_wait3A_129 = tpu.memref_slice %arg10[%mul3A_95, %dma_wait3A_128] : memref<40x128xi32, #tpu.memory_space<vmem>> -> memref<1x128xi32, #tpu.memory_space<vmem>>
        %dma_wait3A_130 = tpu.memref_squeeze %dma_wait3A_129 : memref<1x128xi32, #tpu.memory_space<vmem>> -> memref<128xi32, #tpu.memory_space<vmem>>
        %dma_wait3A_131 = arith.constant 0 : i32
        %dma_wait3A_132 = arith.constant 0 : i32
        %dma_wait3A_133 = tpu.memref_slice %arg13[%dma_wait3A_131, %dma_wait3A_132] : memref<10240x128xf32, #tpu.memory_space<vmem_shared>> -> memref<10240x128xf32, #tpu.memory_space<vmem_shared>>
        tpu.wait_indirect_dma semaphore(%run_scoped3A : memref<!tpu.dma_semaphore, #tpu.memory_space<semaphore_mem>>) src(%arg11 : memref<128x128xf32, #tpu.memory_space<vmem>>) dst(%dma_wait3A_133 : memref<10240x128xf32, #tpu.memory_space<vmem_shared>>)
        tpu.yield
      }) : () -> ()
      %add3A_102 = arith.constant 1 : i32
      %add3A_103 = arith.addi %while3A_92, %add3A_102 : i32
      %lt3A = arith.cmpi slt, %add3A_103, %select_n3A_60 : i32
      %convert_element_type3A_104 = arith.extui %lt3A : i1 to i32
      %cond3A_105 = arith.constant 0 : i32
      %cond3A_106 = arith.cmpi ne, %convert_element_type3A_104, %cond3A_105 : i32
      scf.if %cond3A_106 {
        %add3A_123 = arith.constant 2 : i32
        %add3A_124 = arith.addi %mul3A_95, %add3A_123 : i32
        %dma_start3A = arith.constant 0 : i32
        %dma_start3A_125 = tpu.memref_slice %arg9[%add3A_124, %dma_start3A] : memref<40x128xi32, #tpu.memory_space<vmem>> -> memref<1x128xi32, #tpu.memory_space<vmem>>
        %dma_start3A_126 = tpu.memref_squeeze %dma_start3A_125 : memref<1x128xi32, #tpu.memory_space<vmem>> -> memref<128xi32, #tpu.memory_space<vmem>>
        %dma_start3A_127 = arith.constant 0 : i32
        %dma_start3A_128 = arith.constant 0 : i32
        %dma_start3A_129 = tpu.memref_slice %arg2[%dma_start3A_127, %dma_start3A_128] : memref<10000x128xf32, #tpu.memory_space<hbm>> -> memref<10000x128xf32, #tpu.memory_space<hbm>>
        tpu.enqueue_indirect_dma source(%dma_start3A_129 : memref<10000x128xf32, #tpu.memory_space<hbm>>) target(%arg11 : memref<128x128xf32, #tpu.memory_space<vmem>>) offsets(%dma_start3A_126 : memref<128xi32, #tpu.memory_space<vmem>>) semaphore(%arg14 : memref<!tpu.dma_semaphore, #tpu.memory_space<semaphore_mem>>)
      } else {
      }
      %dma_wait3A_107 = arith.constant 0 : i32
      %dma_wait3A_108 = arith.constant 0 : i32
      %dma_wait3A_109 = tpu.memref_slice %arg9[%dma_wait3A_107, %dma_wait3A_108] : memref<40x128xi32, #tpu.memory_space<vmem>> -> memref<1x128xi32, #tpu.memory_space<vmem>>
      %dma_wait3A_110 = tpu.memref_squeeze %dma_wait3A_109 : memref<1x128xi32, #tpu.memory_space<vmem>> -> memref<128xi32, #tpu.memory_space<vmem>>
      %dma_wait3A_111 = arith.constant 0 : i32
      %dma_wait3A_112 = arith.constant 0 : i32
      %dma_wait3A_113 = tpu.memref_slice %arg2[%dma_wait3A_111, %dma_wait3A_112] : memref<10000x128xf32, #tpu.memory_space<hbm>> -> memref<10000x128xf32, #tpu.memory_space<hbm>>
      tpu.wait_indirect_dma semaphore(%arg15 : memref<!tpu.dma_semaphore, #tpu.memory_space<semaphore_mem>>) src(%dma_wait3A_113 : memref<10000x128xf32, #tpu.memory_space<hbm>>) dst(%arg12 : memref<128x128xf32, #tpu.memory_space<vmem>>)
      %add3A_114 = arith.constant 1 : i32
      %add3A_115 = arith.addi %mul3A_95, %add3A_114 : i32
      "tpu.region"() ({
        %run_scoped3A = tpu.sem_alloc : memref<!tpu.dma_semaphore, #tpu.memory_space<semaphore_mem>>
        %dma_start3A = arith.constant 0 : i32
        %dma_start3A_123 = tpu.memref_slice %arg10[%add3A_115, %dma_start3A] : memref<40x128xi32, #tpu.memory_space<vmem>> -> memref<1x128xi32, #tpu.memory_space<vmem>>
        %dma_start3A_124 = tpu.memref_squeeze %dma_start3A_123 : memref<1x128xi32, #tpu.memory_space<vmem>> -> memref<128xi32, #tpu.memory_space<vmem>>
        %dma_start3A_125 = arith.constant 0 : i32
        %dma_start3A_126 = arith.constant 0 : i32
        %dma_start3A_127 = tpu.memref_slice %arg13[%dma_start3A_125, %dma_start3A_126] : memref<10240x128xf32, #tpu.memory_space<vmem_shared>> -> memref<10240x128xf32, #tpu.memory_space<vmem_shared>>
        tpu.enqueue_indirect_dma source(%arg12 : memref<128x128xf32, #tpu.memory_space<vmem>>) target(%dma_start3A_127 : memref<10240x128xf32, #tpu.memory_space<vmem_shared>>) offsets(%dma_start3A_124 : memref<128xi32, #tpu.memory_space<vmem>>) semaphore(%run_scoped3A : memref<!tpu.dma_semaphore, #tpu.memory_space<semaphore_mem>>) {add = true}
        %dma_wait3A_128 = arith.constant 0 : i32
        %dma_wait3A_129 = tpu.memref_slice %arg10[%add3A_115, %dma_wait3A_128] : memref<40x128xi32, #tpu.memory_space<vmem>> -> memref<1x128xi32, #tpu.memory_space<vmem>>
        %dma_wait3A_130 = tpu.memref_squeeze %dma_wait3A_129 : memref<1x128xi32, #tpu.memory_space<vmem>> -> memref<128xi32, #tpu.memory_space<vmem>>
        %dma_wait3A_131 = arith.constant 0 : i32
        %dma_wait3A_132 = arith.constant 0 : i32
        %dma_wait3A_133 = tpu.memref_slice %arg13[%dma_wait3A_131, %dma_wait3A_132] : memref<10240x128xf32, #tpu.memory_space<vmem_shared>> -> memref<10240x128xf32, #tpu.memory_space<vmem_shared>>
        tpu.wait_indirect_dma semaphore(%run_scoped3A : memref<!tpu.dma_semaphore, #tpu.memory_space<semaphore_mem>>) src(%arg12 : memref<128x128xf32, #tpu.memory_space<vmem>>) dst(%dma_wait3A_133 : memref<10240x128xf32, #tpu.memory_space<vmem_shared>>)
        tpu.yield
      }) : () -> ()
      %add3A_116 = arith.constant 1 : i32
      %add3A_117 = arith.addi %while3A_92, %add3A_116 : i32
      %lt3A_118 = arith.cmpi slt, %add3A_117, %select_n3A_60 : i32
      %convert_element_type3A_119 = arith.extui %lt3A_118 : i1 to i32
      %cond3A_120 = arith.constant 0 : i32
      %cond3A_121 = arith.cmpi ne, %convert_element_type3A_119, %cond3A_120 : i32
      scf.if %cond3A_121 {
        %add3A_123 = arith.constant 3 : i32
        %add3A_124 = arith.addi %mul3A_95, %add3A_123 : i32
        %dma_start3A = arith.constant 0 : i32
        %dma_start3A_125 = tpu.memref_slice %arg9[%add3A_124, %dma_start3A] : memref<40x128xi32, #tpu.memory_space<vmem>> -> memref<1x128xi32, #tpu.memory_space<vmem>>
        %dma_start3A_126 = tpu.memref_squeeze %dma_start3A_125 : memref<1x128xi32, #tpu.memory_space<vmem>> -> memref<128xi32, #tpu.memory_space<vmem>>
        %dma_start3A_127 = arith.constant 0 : i32
        %dma_start3A_128 = arith.constant 0 : i32
        %dma_start3A_129 = tpu.memref_slice %arg2[%dma_start3A_127, %dma_start3A_128] : memref<10000x128xf32, #tpu.memory_space<hbm>> -> memref<10000x128xf32, #tpu.memory_space<hbm>>
        tpu.enqueue_indirect_dma source(%dma_start3A_129 : memref<10000x128xf32, #tpu.memory_space<hbm>>) target(%arg12 : memref<128x128xf32, #tpu.memory_space<vmem>>) offsets(%dma_start3A_126 : memref<128xi32, #tpu.memory_space<vmem>>) semaphore(%arg15 : memref<!tpu.dma_semaphore, #tpu.memory_space<semaphore_mem>>)
      } else {
      }
      %while3A_122 = arith.constant 0 : i32
      scf.yield %while3A_122 : i32
    }
    %barrier3A_81 = arith.constant 0 : index
    tpu.barrier barrier_id(%barrier3A_81)
    %eq3A_82 = arith.constant 0 : i32
    %eq3A_83 = arith.cmpi eq, %arg0, %eq3A_82 : i32
    %convert_element_type3A_84 = arith.extui %eq3A_83 : i1 to i32
    %cond3A_85 = arith.constant 0 : i32
    %cond3A_86 = arith.cmpi ne, %convert_element_type3A_84, %cond3A_85 : i32
    scf.if %cond3A_86 {
      %mul3A_92 = arith.constant 640 : i32
      %mul3A_93 = arith.muli %arg1, %mul3A_92 : i32
      %mul3A_94 = arith.constant 640 : i32
      %mul3A_95 = arith.muli %arg1, %mul3A_94 : i32
      "tpu.region"() ({
        %run_scoped3A = tpu.sem_alloc : memref<!tpu.dma_semaphore, #tpu.memory_space<semaphore_mem>>
        %dma_start3A = arith.constant 0 : i32
        %dma_start3A_96 = tpu.memref_slice %arg7[%mul3A_95, %dma_start3A] : memref<10240x128xf32, #tpu.memory_space<hbm>> -> memref<640x128xf32, #tpu.memory_space<hbm>>
        %dma_start3A_97 = arith.constant 0 : i32
        %dma_start3A_98 = tpu.memref_slice %arg13[%mul3A_93, %dma_start3A_97] : memref<10240x128xf32, #tpu.memory_space<vmem_shared>> -> memref<640x128xf32, #tpu.memory_space<vmem_shared>>
        tpu.enqueue_dma source(%dma_start3A_98 : memref<640x128xf32, #tpu.memory_space<vmem_shared>>) target(%dma_start3A_96 : memref<640x128xf32, #tpu.memory_space<hbm>>) target_semaphore(%run_scoped3A : memref<!tpu.dma_semaphore, #tpu.memory_space<semaphore_mem>>)
        %dma_wait3A = arith.constant 0 : i32
        %dma_wait3A_99 = tpu.memref_slice %arg7[%mul3A_95, %dma_wait3A] : memref<10240x128xf32, #tpu.memory_space<hbm>> -> memref<640x128xf32, #tpu.memory_space<hbm>>
        %dma_wait3A_100 = arith.constant 0 : i32
        %dma_wait3A_101 = tpu.memref_slice %arg13[%mul3A_93, %dma_wait3A_100] : memref<10240x128xf32, #tpu.memory_space<vmem_shared>> -> memref<640x128xf32, #tpu.memory_space<vmem_shared>>
        tpu.wait_dma2 semaphore(%run_scoped3A : memref<!tpu.dma_semaphore, #tpu.memory_space<semaphore_mem>>) src(%dma_wait3A_101 : memref<640x128xf32, #tpu.memory_space<vmem_shared>>) dst(%dma_wait3A_99 : memref<640x128xf32, #tpu.memory_space<hbm>>)
        tpu.yield
      }) : () -> ()
    } else {
    }
    %eq3A_87 = arith.constant 1 : i32
    %eq3A_88 = arith.cmpi eq, %arg0, %eq3A_87 : i32
    %convert_element_type3A_89 = arith.extui %eq3A_88 : i1 to i32
    %cond3A_90 = arith.constant 0 : i32
    %cond3A_91 = arith.cmpi ne, %convert_element_type3A_89, %cond3A_90 : i32
    scf.if %cond3A_91 {
      %mul3A_92 = arith.constant 640 : i32
      %mul3A_93 = arith.muli %arg1, %mul3A_92 : i32
      %mul3A_94 = arith.constant 640 : i32
      %mul3A_95 = arith.muli %arg1, %mul3A_94 : i32
      "tpu.region"() ({
        %run_scoped3A = tpu.sem_alloc : memref<!tpu.dma_semaphore, #tpu.memory_space<semaphore_mem>>
        %dma_start3A = arith.constant 0 : i32
        %dma_start3A_96 = tpu.memref_slice %arg8[%mul3A_95, %dma_start3A] : memref<10240x128xf32, #tpu.memory_space<hbm>> -> memref<640x128xf32, #tpu.memory_space<hbm>>
        %dma_start3A_97 = arith.constant 0 : i32
        %dma_start3A_98 = tpu.memref_slice %arg13[%mul3A_93, %dma_start3A_97] : memref<10240x128xf32, #tpu.memory_space<vmem_shared>> -> memref<640x128xf32, #tpu.memory_space<vmem_shared>>
        tpu.enqueue_dma source(%dma_start3A_98 : memref<640x128xf32, #tpu.memory_space<vmem_shared>>) target(%dma_start3A_96 : memref<640x128xf32, #tpu.memory_space<hbm>>) target_semaphore(%run_scoped3A : memref<!tpu.dma_semaphore, #tpu.memory_space<semaphore_mem>>)
        %dma_wait3A = arith.constant 0 : i32
        %dma_wait3A_99 = tpu.memref_slice %arg8[%mul3A_95, %dma_wait3A] : memref<10240x128xf32, #tpu.memory_space<hbm>> -> memref<640x128xf32, #tpu.memory_space<hbm>>
        %dma_wait3A_100 = arith.constant 0 : i32
        %dma_wait3A_101 = tpu.memref_slice %arg13[%mul3A_93, %dma_wait3A_100] : memref<10240x128xf32, #tpu.memory_space<vmem_shared>> -> memref<640x128xf32, #tpu.memory_space<vmem_shared>>
        tpu.wait_dma2 semaphore(%run_scoped3A : memref<!tpu.dma_semaphore, #tpu.memory_space<semaphore_mem>>) src(%dma_wait3A_101 : memref<640x128xf32, #tpu.memory_space<vmem_shared>>) dst(%dma_wait3A_99 : memref<640x128xf32, #tpu.memory_space<hbm>>)
        tpu.yield
      }) : () -> ()
    } else {
    }
    return
  }
}

#map = affine_map<(d0, d1) -> (0, 0)>
module attributes {stable_mosaic.version = 14 : i64} {
  func.func @_agg(%arg0: i32, %arg1: i32, %arg2: memref<10000x128xf32, #tpu.memory_space<hbm>>, %arg3: memref<2496x128xi32, #tpu.memory_space<hbm>>, %arg4: memref<2496x128xi32, #tpu.memory_space<hbm>>, %arg5: memref<4x128xi32, #tpu.memory_space<hbm>>, %arg6: memref<4x128xi32, #tpu.memory_space<hbm>>, %arg7: memref<10240x128xf32, #tpu.memory_space<hbm>>, %arg8: memref<10240x128xf32, #tpu.memory_space<hbm>>, %arg9: memref<40x128xi32, #tpu.memory_space<vmem>>, %arg10: memref<40x128xi32, #tpu.memory_space<vmem>>, %arg11: memref<128x128xf32, #tpu.memory_space<vmem>>, %arg12: memref<128x128xf32, #tpu.memory_space<vmem>>, %arg13: memref<10240x128xf32, #tpu.memory_space<vmem_shared>>, %arg14: memref<!tpu.dma_semaphore, #tpu.memory_space<semaphore_mem>>, %arg15: memref<!tpu.dma_semaphore, #tpu.memory_space<semaphore_mem>>) attributes {dimension_semantics = [#tpu.dimension_semantics<core_parallel>, #tpu.dimension_semantics<subcore_parallel>], iteration_bounds = array<i64: 2, 16>, scalar_prefetch = 0 : i64, scratch_operands = 7 : i64, tpu.core_type = #tpu.core_type<sc_vector_subcore>, window_params = [{transform_indices = #map}, {transform_indices = #map}, {transform_indices = #map}, {transform_indices = #map}, {transform_indices = #map}, {transform_indices = #map}, {transform_indices = #map}]} {
    %mul3A = arith.constant 16 : i32
    %mul3A_0 = arith.muli %arg0, %mul3A : i32
    %add3A = arith.addi %mul3A_0, %arg1 : i32
    %eq3A = arith.constant 31 : i32
    %eq3A_1 = arith.cmpi eq, %add3A, %eq3A : i32
    %broadcast_in_dim3A = arith.constant 0.000000e+00 : f32
    %broadcast_in_dim3A_2 = vector.broadcast %broadcast_in_dim3A : f32 to vector<16xf32>
    %scan3A = arith.constant 0 : i32
    %scan3A_3 = arith.constant 0 : i32
    %scan3A_4 = arith.constant 128 : i32
    %scan3A_5 = arith.addi %scan3A_3, %scan3A_4 : i32
    %scan3A_6 = arith.constant 1 : i32
    %scan3A_7 = scf.for %scan3A_92 = %scan3A_3 to %scan3A_5 step %scan3A_6 iter_args(%scan3A_93 = %scan3A) -> (i32)  : i32 {
      %swap3A = arith.index_cast %scan3A_92 : i32 to index
      %swap3A_94 = arith.constant 0 : index
      %swap3A_95 = tpu.vector_load %arg11[%swap3A, %swap3A_94] {strides = array<i32>} : memref<128x128xf32, #tpu.memory_space<vmem>>, vector<1x16xf32>,
      %swap3A_96 = vector.shape_cast %swap3A_95 : vector<1x16xf32> to vector<16xf32>
      %swap3A_97 = vector.shape_cast %broadcast_in_dim3A_2 : vector<16xf32> to vector<1x16xf32>
      tpu.vector_store %arg11[%swap3A, %swap3A_94], %swap3A_97 {strides = array<i32>} : memref<128x128xf32, #tpu.memory_space<vmem>>, vector<1x16xf32>,
      %swap3A_98 = arith.index_cast %scan3A_92 : i32 to index
      %swap3A_99 = arith.constant 16 : index
      %swap3A_100 = tpu.vector_load %arg11[%swap3A_98, %swap3A_99] {strides = array<i32>} : memref<128x128xf32, #tpu.memory_space<vmem>>, vector<1x16xf32>,
      %swap3A_101 = vector.shape_cast %swap3A_100 : vector<1x16xf32> to vector<16xf32>
      %swap3A_102 = vector.shape_cast %broadcast_in_dim3A_2 : vector<16xf32> to vector<1x16xf32>
      tpu.vector_store %arg11[%swap3A_98, %swap3A_99], %swap3A_102 {strides = array<i32>} : memref<128x128xf32, #tpu.memory_space<vmem>>, vector<1x16xf32>,
      %swap3A_103 = arith.index_cast %scan3A_92 : i32 to index
      %swap3A_104 = arith.constant 32 : index
      %swap3A_105 = tpu.vector_load %arg11[%swap3A_103, %swap3A_104] {strides = array<i32>} : memref<128x128xf32, #tpu.memory_space<vmem>>, vector<1x16xf32>,
      %swap3A_106 = vector.shape_cast %swap3A_105 : vector<1x16xf32> to vector<16xf32>
      %swap3A_107 = vector.shape_cast %broadcast_in_dim3A_2 : vector<16xf32> to vector<1x16xf32>
      tpu.vector_store %arg11[%swap3A_103, %swap3A_104], %swap3A_107 {strides = array<i32>} : memref<128x128xf32, #tpu.memory_space<vmem>>, vector<1x16xf32>,
      %swap3A_108 = arith.index_cast %scan3A_92 : i32 to index
      %swap3A_109 = arith.constant 48 : index
      %swap3A_110 = tpu.vector_load %arg11[%swap3A_108, %swap3A_109] {strides = array<i32>} : memref<128x128xf32, #tpu.memory_space<vmem>>, vector<1x16xf32>,
      %swap3A_111 = vector.shape_cast %swap3A_110 : vector<1x16xf32> to vector<16xf32>
      %swap3A_112 = vector.shape_cast %broadcast_in_dim3A_2 : vector<16xf32> to vector<1x16xf32>
      tpu.vector_store %arg11[%swap3A_108, %swap3A_109], %swap3A_112 {strides = array<i32>} : memref<128x128xf32, #tpu.memory_space<vmem>>, vector<1x16xf32>,
      %swap3A_113 = arith.index_cast %scan3A_92 : i32 to index
      %swap3A_114 = arith.constant 64 : index
      %swap3A_115 = tpu.vector_load %arg11[%swap3A_113, %swap3A_114] {strides = array<i32>} : memref<128x128xf32, #tpu.memory_space<vmem>>, vector<1x16xf32>,
      %swap3A_116 = vector.shape_cast %swap3A_115 : vector<1x16xf32> to vector<16xf32>
      %swap3A_117 = vector.shape_cast %broadcast_in_dim3A_2 : vector<16xf32> to vector<1x16xf32>
      tpu.vector_store %arg11[%swap3A_113, %swap3A_114], %swap3A_117 {strides = array<i32>} : memref<128x128xf32, #tpu.memory_space<vmem>>, vector<1x16xf32>,
      %swap3A_118 = arith.index_cast %scan3A_92 : i32 to index
      %swap3A_119 = arith.constant 80 : index
      %swap3A_120 = tpu.vector_load %arg11[%swap3A_118, %swap3A_119] {strides = array<i32>} : memref<128x128xf32, #tpu.memory_space<vmem>>, vector<1x16xf32>,
      %swap3A_121 = vector.shape_cast %swap3A_120 : vector<1x16xf32> to vector<16xf32>
      %swap3A_122 = vector.shape_cast %broadcast_in_dim3A_2 : vector<16xf32> to vector<1x16xf32>
      tpu.vector_store %arg11[%swap3A_118, %swap3A_119], %swap3A_122 {strides = array<i32>} : memref<128x128xf32, #tpu.memory_space<vmem>>, vector<1x16xf32>,
      %swap3A_123 = arith.index_cast %scan3A_92 : i32 to index
      %swap3A_124 = arith.constant 96 : index
      %swap3A_125 = tpu.vector_load %arg11[%swap3A_123, %swap3A_124] {strides = array<i32>} : memref<128x128xf32, #tpu.memory_space<vmem>>, vector<1x16xf32>,
      %swap3A_126 = vector.shape_cast %swap3A_125 : vector<1x16xf32> to vector<16xf32>
      %swap3A_127 = vector.shape_cast %broadcast_in_dim3A_2 : vector<16xf32> to vector<1x16xf32>
      tpu.vector_store %arg11[%swap3A_123, %swap3A_124], %swap3A_127 {strides = array<i32>} : memref<128x128xf32, #tpu.memory_space<vmem>>, vector<1x16xf32>,
      %swap3A_128 = arith.index_cast %scan3A_92 : i32 to index
      %swap3A_129 = arith.constant 112 : index
      %swap3A_130 = tpu.vector_load %arg11[%swap3A_128, %swap3A_129] {strides = array<i32>} : memref<128x128xf32, #tpu.memory_space<vmem>>, vector<1x16xf32>,
      %swap3A_131 = vector.shape_cast %swap3A_130 : vector<1x16xf32> to vector<16xf32>
      %swap3A_132 = vector.shape_cast %broadcast_in_dim3A_2 : vector<16xf32> to vector<1x16xf32>
      tpu.vector_store %arg11[%swap3A_128, %swap3A_129], %swap3A_132 {strides = array<i32>} : memref<128x128xf32, #tpu.memory_space<vmem>>, vector<1x16xf32>,
      %scan3A_133 = arith.constant 0 : i32
      scf.yield %scan3A_133 : i32
    }
    %scan3A_8 = arith.constant 128 : i32
    %mul3A_9 = arith.constant 640 : i32
    %mul3A_10 = arith.muli %arg1, %mul3A_9 : i32
    %add3A_11 = arith.constant 0 : i32
    %add3A_12 = arith.addi %mul3A_10, %add3A_11 : i32
    "tpu.region"() ({
      %run_scoped3A = tpu.sem_alloc : memref<!tpu.dma_semaphore, #tpu.memory_space<semaphore_mem>>
      %dma_start3A = arith.constant 0 : i32
      %dma_start3A_92 = tpu.memref_slice %arg13[%add3A_12, %dma_start3A] : memref<10240x128xf32, #tpu.memory_space<vmem_shared>> -> memref<128x128xf32, #tpu.memory_space<vmem_shared>>
      %dma_start3A_93 = arith.constant 0 : i32
      %dma_start3A_94 = tpu.memref_slice %arg13[%add3A_12, %dma_start3A_93] : memref<10240x128xf32, #tpu.memory_space<vmem_shared>> -> memref<128x128xf32, #tpu.memory_space<vmem_shared>>
      tpu.enqueue_dma source(%arg11 : memref<128x128xf32, #tpu.memory_space<vmem>>) target(%dma_start3A_94 : memref<128x128xf32, #tpu.memory_space<vmem_shared>>) target_semaphore(%run_scoped3A : memref<!tpu.dma_semaphore, #tpu.memory_space<semaphore_mem>>)
      %dma_wait3A = arith.constant 0 : i32
      %dma_wait3A_95 = tpu.memref_slice %arg13[%add3A_12, %dma_wait3A] : memref<10240x128xf32, #tpu.memory_space<vmem_shared>> -> memref<128x128xf32, #tpu.memory_space<vmem_shared>>
      %dma_wait3A_96 = arith.constant 0 : i32
      %dma_wait3A_97 = tpu.memref_slice %arg13[%add3A_12, %dma_wait3A_96] : memref<10240x128xf32, #tpu.memory_space<vmem_shared>> -> memref<128x128xf32, #tpu.memory_space<vmem_shared>>
      tpu.wait_dma2 semaphore(%run_scoped3A : memref<!tpu.dma_semaphore, #tpu.memory_space<semaphore_mem>>) src(%arg11 : memref<128x128xf32, #tpu.memory_space<vmem>>) dst(%dma_wait3A_97 : memref<128x128xf32, #tpu.memory_space<vmem_shared>>)
      tpu.yield
    }) : () -> ()
    %mul3A_13 = arith.constant 640 : i32
    %mul3A_14 = arith.muli %arg1, %mul3A_13 : i32
    %add3A_15 = arith.constant 128 : i32
    %add3A_16 = arith.addi %mul3A_14, %add3A_15 : i32
    "tpu.region"() ({
      %run_scoped3A = tpu.sem_alloc : memref<!tpu.dma_semaphore, #tpu.memory_space<semaphore_mem>>
      %dma_start3A = arith.constant 0 : i32
      %dma_start3A_92 = tpu.memref_slice %arg13[%add3A_16, %dma_start3A] : memref<10240x128xf32, #tpu.memory_space<vmem_shared>> -> memref<128x128xf32, #tpu.memory_space<vmem_shared>>
      %dma_start3A_93 = arith.constant 0 : i32
      %dma_start3A_94 = tpu.memref_slice %arg13[%add3A_16, %dma_start3A_93] : memref<10240x128xf32, #tpu.memory_space<vmem_shared>> -> memref<128x128xf32, #tpu.memory_space<vmem_shared>>
      tpu.enqueue_dma source(%arg11 : memref<128x128xf32, #tpu.memory_space<vmem>>) target(%dma_start3A_94 : memref<128x128xf32, #tpu.memory_space<vmem_shared>>) target_semaphore(%run_scoped3A : memref<!tpu.dma_semaphore, #tpu.memory_space<semaphore_mem>>)
      %dma_wait3A = arith.constant 0 : i32
      %dma_wait3A_95 = tpu.memref_slice %arg13[%add3A_16, %dma_wait3A] : memref<10240x128xf32, #tpu.memory_space<vmem_shared>> -> memref<128x128xf32, #tpu.memory_space<vmem_shared>>
      %dma_wait3A_96 = arith.constant 0 : i32
      %dma_wait3A_97 = tpu.memref_slice %arg13[%add3A_16, %dma_wait3A_96] : memref<10240x128xf32, #tpu.memory_space<vmem_shared>> -> memref<128x128xf32, #tpu.memory_space<vmem_shared>>
      tpu.wait_dma2 semaphore(%run_scoped3A : memref<!tpu.dma_semaphore, #tpu.memory_space<semaphore_mem>>) src(%arg11 : memref<128x128xf32, #tpu.memory_space<vmem>>) dst(%dma_wait3A_97 : memref<128x128xf32, #tpu.memory_space<vmem_shared>>)
      tpu.yield
    }) : () -> ()
    %mul3A_17 = arith.constant 640 : i32
    %mul3A_18 = arith.muli %arg1, %mul3A_17 : i32
    %add3A_19 = arith.constant 256 : i32
    %add3A_20 = arith.addi %mul3A_18, %add3A_19 : i32
    "tpu.region"() ({
      %run_scoped3A = tpu.sem_alloc : memref<!tpu.dma_semaphore, #tpu.memory_space<semaphore_mem>>
      %dma_start3A = arith.constant 0 : i32
      %dma_start3A_92 = tpu.memref_slice %arg13[%add3A_20, %dma_start3A] : memref<10240x128xf32, #tpu.memory_space<vmem_shared>> -> memref<128x128xf32, #tpu.memory_space<vmem_shared>>
      %dma_start3A_93 = arith.constant 0 : i32
      %dma_start3A_94 = tpu.memref_slice %arg13[%add3A_20, %dma_start3A_93] : memref<10240x128xf32, #tpu.memory_space<vmem_shared>> -> memref<128x128xf32, #tpu.memory_space<vmem_shared>>
      tpu.enqueue_dma source(%arg11 : memref<128x128xf32, #tpu.memory_space<vmem>>) target(%dma_start3A_94 : memref<128x128xf32, #tpu.memory_space<vmem_shared>>) target_semaphore(%run_scoped3A : memref<!tpu.dma_semaphore, #tpu.memory_space<semaphore_mem>>)
      %dma_wait3A = arith.constant 0 : i32
      %dma_wait3A_95 = tpu.memref_slice %arg13[%add3A_20, %dma_wait3A] : memref<10240x128xf32, #tpu.memory_space<vmem_shared>> -> memref<128x128xf32, #tpu.memory_space<vmem_shared>>
      %dma_wait3A_96 = arith.constant 0 : i32
      %dma_wait3A_97 = tpu.memref_slice %arg13[%add3A_20, %dma_wait3A_96] : memref<10240x128xf32, #tpu.memory_space<vmem_shared>> -> memref<128x128xf32, #tpu.memory_space<vmem_shared>>
      tpu.wait_dma2 semaphore(%run_scoped3A : memref<!tpu.dma_semaphore, #tpu.memory_space<semaphore_mem>>) src(%arg11 : memref<128x128xf32, #tpu.memory_space<vmem>>) dst(%dma_wait3A_97 : memref<128x128xf32, #tpu.memory_space<vmem_shared>>)
      tpu.yield
    }) : () -> ()
    %mul3A_21 = arith.constant 640 : i32
    %mul3A_22 = arith.muli %arg1, %mul3A_21 : i32
    %add3A_23 = arith.constant 384 : i32
    %add3A_24 = arith.addi %mul3A_22, %add3A_23 : i32
    "tpu.region"() ({
      %run_scoped3A = tpu.sem_alloc : memref<!tpu.dma_semaphore, #tpu.memory_space<semaphore_mem>>
      %dma_start3A = arith.constant 0 : i32
      %dma_start3A_92 = tpu.memref_slice %arg13[%add3A_24, %dma_start3A] : memref<10240x128xf32, #tpu.memory_space<vmem_shared>> -> memref<128x128xf32, #tpu.memory_space<vmem_shared>>
      %dma_start3A_93 = arith.constant 0 : i32
      %dma_start3A_94 = tpu.memref_slice %arg13[%add3A_24, %dma_start3A_93] : memref<10240x128xf32, #tpu.memory_space<vmem_shared>> -> memref<128x128xf32, #tpu.memory_space<vmem_shared>>
      tpu.enqueue_dma source(%arg11 : memref<128x128xf32, #tpu.memory_space<vmem>>) target(%dma_start3A_94 : memref<128x128xf32, #tpu.memory_space<vmem_shared>>) target_semaphore(%run_scoped3A : memref<!tpu.dma_semaphore, #tpu.memory_space<semaphore_mem>>)
      %dma_wait3A = arith.constant 0 : i32
      %dma_wait3A_95 = tpu.memref_slice %arg13[%add3A_24, %dma_wait3A] : memref<10240x128xf32, #tpu.memory_space<vmem_shared>> -> memref<128x128xf32, #tpu.memory_space<vmem_shared>>
      %dma_wait3A_96 = arith.constant 0 : i32
      %dma_wait3A_97 = tpu.memref_slice %arg13[%add3A_24, %dma_wait3A_96] : memref<10240x128xf32, #tpu.memory_space<vmem_shared>> -> memref<128x128xf32, #tpu.memory_space<vmem_shared>>
      tpu.wait_dma2 semaphore(%run_scoped3A : memref<!tpu.dma_semaphore, #tpu.memory_space<semaphore_mem>>) src(%arg11 : memref<128x128xf32, #tpu.memory_space<vmem>>) dst(%dma_wait3A_97 : memref<128x128xf32, #tpu.memory_space<vmem_shared>>)
      tpu.yield
    }) : () -> ()
    %mul3A_25 = arith.constant 640 : i32
    %mul3A_26 = arith.muli %arg1, %mul3A_25 : i32
    %add3A_27 = arith.constant 512 : i32
    %add3A_28 = arith.addi %mul3A_26, %add3A_27 : i32
    "tpu.region"() ({
      %run_scoped3A = tpu.sem_alloc : memref<!tpu.dma_semaphore, #tpu.memory_space<semaphore_mem>>
      %dma_start3A = arith.constant 0 : i32
      %dma_start3A_92 = tpu.memref_slice %arg13[%add3A_28, %dma_start3A] : memref<10240x128xf32, #tpu.memory_space<vmem_shared>> -> memref<128x128xf32, #tpu.memory_space<vmem_shared>>
      %dma_start3A_93 = arith.constant 0 : i32
      %dma_start3A_94 = tpu.memref_slice %arg13[%add3A_28, %dma_start3A_93] : memref<10240x128xf32, #tpu.memory_space<vmem_shared>> -> memref<128x128xf32, #tpu.memory_space<vmem_shared>>
      tpu.enqueue_dma source(%arg11 : memref<128x128xf32, #tpu.memory_space<vmem>>) target(%dma_start3A_94 : memref<128x128xf32, #tpu.memory_space<vmem_shared>>) target_semaphore(%run_scoped3A : memref<!tpu.dma_semaphore, #tpu.memory_space<semaphore_mem>>)
      %dma_wait3A = arith.constant 0 : i32
      %dma_wait3A_95 = tpu.memref_slice %arg13[%add3A_28, %dma_wait3A] : memref<10240x128xf32, #tpu.memory_space<vmem_shared>> -> memref<128x128xf32, #tpu.memory_space<vmem_shared>>
      %dma_wait3A_96 = arith.constant 0 : i32
      %dma_wait3A_97 = tpu.memref_slice %arg13[%add3A_28, %dma_wait3A_96] : memref<10240x128xf32, #tpu.memory_space<vmem_shared>> -> memref<128x128xf32, #tpu.memory_space<vmem_shared>>
      tpu.wait_dma2 semaphore(%run_scoped3A : memref<!tpu.dma_semaphore, #tpu.memory_space<semaphore_mem>>) src(%arg11 : memref<128x128xf32, #tpu.memory_space<vmem>>) dst(%dma_wait3A_97 : memref<128x128xf32, #tpu.memory_space<vmem_shared>>)
      tpu.yield
    }) : () -> ()
    %barrier3A = arith.constant 0 : index
    tpu.barrier barrier_id(%barrier3A)
    %mul3A_29 = arith.constant 80 : i32
    %mul3A_30 = arith.muli %add3A, %mul3A_29 : i32
    %add3A_31 = arith.constant 0 : i32
    %add3A_32 = arith.addi %mul3A_30, %add3A_31 : i32
    %jit3A = arith.constant 10 : i32
    %jit3A_33 = arith.constant 20 : i32
    %select_n3A = arith.select %eq3A_1, %jit3A, %jit3A_33 : i32
    %ge3A = arith.constant 0 : i32
    %ge3A_34 = arith.cmpi sge, %add3A, %ge3A : i32
    %not3A = arith.constant true
    %not3A_35 = arith.xori %eq3A_1, %not3A : i1
    %convert_element_type3A = arith.extui %not3A_35 : i1 to i32
    %cond3A = arith.constant 0 : i32
    %cond3A_36 = arith.cmpi ne, %convert_element_type3A, %cond3A : i32
    scf.if %cond3A_36 {
      "tpu.region"() ({
        %run_scoped3A = tpu.sem_alloc : memref<!tpu.dma_semaphore, #tpu.memory_space<semaphore_mem>>
        %dma_start3A = arith.constant 0 : i32
        %dma_start3A_92 = tpu.memref_slice %arg3[%add3A_32, %dma_start3A] : memref<2496x128xi32, #tpu.memory_space<hbm>> -> memref<40x128xi32, #tpu.memory_space<hbm>>
        %dma_start3A_93 = arith.constant 0 : i32
        %dma_start3A_94 = tpu.memref_slice %arg3[%add3A_32, %dma_start3A_93] : memref<2496x128xi32, #tpu.memory_space<hbm>> -> memref<40x128xi32, #tpu.memory_space<hbm>>
        tpu.enqueue_dma source(%dma_start3A_94 : memref<40x128xi32, #tpu.memory_space<hbm>>) target(%arg9 : memref<40x128xi32, #tpu.memory_space<vmem>>) target_semaphore(%run_scoped3A : memref<!tpu.dma_semaphore, #tpu.memory_space<semaphore_mem>>)
        %dma_wait3A = arith.constant 0 : i32
        %dma_wait3A_95 = tpu.memref_slice %arg3[%add3A_32, %dma_wait3A] : memref<2496x128xi32, #tpu.memory_space<hbm>> -> memref<40x128xi32, #tpu.memory_space<hbm>>
        %dma_wait3A_96 = arith.constant 0 : i32
        %dma_wait3A_97 = tpu.memref_slice %arg3[%add3A_32, %dma_wait3A_96] : memref<2496x128xi32, #tpu.memory_space<hbm>> -> memref<40x128xi32, #tpu.memory_space<hbm>>
        tpu.wait_dma2 semaphore(%run_scoped3A : memref<!tpu.dma_semaphore, #tpu.memory_space<semaphore_mem>>) src(%dma_wait3A_97 : memref<40x128xi32, #tpu.memory_space<hbm>>) dst(%arg9 : memref<40x128xi32, #tpu.memory_space<vmem>>)
        tpu.yield
      }) : () -> ()
      "tpu.region"() ({
        %run_scoped3A = tpu.sem_alloc : memref<!tpu.dma_semaphore, #tpu.memory_space<semaphore_mem>>
        %dma_start3A = arith.constant 0 : i32
        %dma_start3A_92 = tpu.memref_slice %arg4[%add3A_32, %dma_start3A] : memref<2496x128xi32, #tpu.memory_space<hbm>> -> memref<40x128xi32, #tpu.memory_space<hbm>>
        %dma_start3A_93 = arith.constant 0 : i32
        %dma_start3A_94 = tpu.memref_slice %arg4[%add3A_32, %dma_start3A_93] : memref<2496x128xi32, #tpu.memory_space<hbm>> -> memref<40x128xi32, #tpu.memory_space<hbm>>
        tpu.enqueue_dma source(%dma_start3A_94 : memref<40x128xi32, #tpu.memory_space<hbm>>) target(%arg10 : memref<40x128xi32, #tpu.memory_space<vmem>>) target_semaphore(%run_scoped3A : memref<!tpu.dma_semaphore, #tpu.memory_space<semaphore_mem>>)
        %dma_wait3A = arith.constant 0 : i32
        %dma_wait3A_95 = tpu.memref_slice %arg4[%add3A_32, %dma_wait3A] : memref<2496x128xi32, #tpu.memory_space<hbm>> -> memref<40x128xi32, #tpu.memory_space<hbm>>
        %dma_wait3A_96 = arith.constant 0 : i32
        %dma_wait3A_97 = tpu.memref_slice %arg4[%add3A_32, %dma_wait3A_96] : memref<2496x128xi32, #tpu.memory_space<hbm>> -> memref<40x128xi32, #tpu.memory_space<hbm>>
        tpu.wait_dma2 semaphore(%run_scoped3A : memref<!tpu.dma_semaphore, #tpu.memory_space<semaphore_mem>>) src(%dma_wait3A_97 : memref<40x128xi32, #tpu.memory_space<hbm>>) dst(%arg10 : memref<40x128xi32, #tpu.memory_space<vmem>>)
        tpu.yield
      }) : () -> ()
    } else {
    }
    %convert_element_type3A_37 = arith.extui %eq3A_1 : i1 to i32
    %cond3A_38 = arith.constant 0 : i32
    %cond3A_39 = arith.cmpi ne, %convert_element_type3A_37, %cond3A_38 : i32
    scf.if %cond3A_39 {
      "tpu.region"() ({
        %run_scoped3A = tpu.sem_alloc : memref<!tpu.dma_semaphore, #tpu.memory_space<semaphore_mem>>
        %dma_start3A = arith.constant 0 : i32
        %dma_start3A_92 = arith.constant 0 : i32
        %dma_start3A_93 = tpu.memref_slice %arg9[%dma_start3A, %dma_start3A_92] : memref<40x128xi32, #tpu.memory_space<vmem>> -> memref<16x128xi32, #tpu.memory_space<vmem>>
        %dma_start3A_94 = arith.constant 2480 : i32
        %dma_start3A_95 = arith.constant 0 : i32
        %dma_start3A_96 = tpu.memref_slice %arg3[%dma_start3A_94, %dma_start3A_95] : memref<2496x128xi32, #tpu.memory_space<hbm>> -> memref<16x128xi32, #tpu.memory_space<hbm>>
        %dma_start3A_97 = arith.constant 0 : i32
        %dma_start3A_98 = arith.constant 0 : i32
        %dma_start3A_99 = tpu.memref_slice %arg9[%dma_start3A_97, %dma_start3A_98] : memref<40x128xi32, #tpu.memory_space<vmem>> -> memref<16x128xi32, #tpu.memory_space<vmem>>
        %dma_start3A_100 = arith.constant 2480 : i32
        %dma_start3A_101 = arith.constant 0 : i32
        %dma_start3A_102 = tpu.memref_slice %arg3[%dma_start3A_100, %dma_start3A_101] : memref<2496x128xi32, #tpu.memory_space<hbm>> -> memref<16x128xi32, #tpu.memory_space<hbm>>
        tpu.enqueue_dma source(%dma_start3A_102 : memref<16x128xi32, #tpu.memory_space<hbm>>) target(%dma_start3A_99 : memref<16x128xi32, #tpu.memory_space<vmem>>) target_semaphore(%run_scoped3A : memref<!tpu.dma_semaphore, #tpu.memory_space<semaphore_mem>>)
        %dma_wait3A = arith.constant 0 : i32
        %dma_wait3A_103 = arith.constant 0 : i32
        %dma_wait3A_104 = tpu.memref_slice %arg9[%dma_wait3A, %dma_wait3A_103] : memref<40x128xi32, #tpu.memory_space<vmem>> -> memref<16x128xi32, #tpu.memory_space<vmem>>
        %dma_wait3A_105 = arith.constant 2480 : i32
        %dma_wait3A_106 = arith.constant 0 : i32
        %dma_wait3A_107 = tpu.memref_slice %arg3[%dma_wait3A_105, %dma_wait3A_106] : memref<2496x128xi32, #tpu.memory_space<hbm>> -> memref<16x128xi32, #tpu.memory_space<hbm>>
        %dma_wait3A_108 = arith.constant 0 : i32
        %dma_wait3A_109 = arith.constant 0 : i32
        %dma_wait3A_110 = tpu.memref_slice %arg9[%dma_wait3A_108, %dma_wait3A_109] : memref<40x128xi32, #tpu.memory_space<vmem>> -> memref<16x128xi32, #tpu.memory_space<vmem>>
        %dma_wait3A_111 = arith.constant 2480 : i32
        %dma_wait3A_112 = arith.constant 0 : i32
        %dma_wait3A_113 = tpu.memref_slice %arg3[%dma_wait3A_111, %dma_wait3A_112] : memref<2496x128xi32, #tpu.memory_space<hbm>> -> memref<16x128xi32, #tpu.memory_space<hbm>>
        tpu.wait_dma2 semaphore(%run_scoped3A : memref<!tpu.dma_semaphore, #tpu.memory_space<semaphore_mem>>) src(%dma_wait3A_113 : memref<16x128xi32, #tpu.memory_space<hbm>>) dst(%dma_wait3A_110 : memref<16x128xi32, #tpu.memory_space<vmem>>)
        tpu.yield
      }) : () -> ()
      "tpu.region"() ({
        %run_scoped3A = tpu.sem_alloc : memref<!tpu.dma_semaphore, #tpu.memory_space<semaphore_mem>>
        %dma_start3A = arith.constant 0 : i32
        %dma_start3A_92 = arith.constant 0 : i32
        %dma_start3A_93 = tpu.memref_slice %arg10[%dma_start3A, %dma_start3A_92] : memref<40x128xi32, #tpu.memory_space<vmem>> -> memref<16x128xi32, #tpu.memory_space<vmem>>
        %dma_start3A_94 = arith.constant 2480 : i32
        %dma_start3A_95 = arith.constant 0 : i32
        %dma_start3A_96 = tpu.memref_slice %arg4[%dma_start3A_94, %dma_start3A_95] : memref<2496x128xi32, #tpu.memory_space<hbm>> -> memref<16x128xi32, #tpu.memory_space<hbm>>
        %dma_start3A_97 = arith.constant 0 : i32
        %dma_start3A_98 = arith.constant 0 : i32
        %dma_start3A_99 = tpu.memref_slice %arg10[%dma_start3A_97, %dma_start3A_98] : memref<40x128xi32, #tpu.memory_space<vmem>> -> memref<16x128xi32, #tpu.memory_space<vmem>>
        %dma_start3A_100 = arith.constant 2480 : i32
        %dma_start3A_101 = arith.constant 0 : i32
        %dma_start3A_102 = tpu.memref_slice %arg4[%dma_start3A_100, %dma_start3A_101] : memref<2496x128xi32, #tpu.memory_space<hbm>> -> memref<16x128xi32, #tpu.memory_space<hbm>>
        tpu.enqueue_dma source(%dma_start3A_102 : memref<16x128xi32, #tpu.memory_space<hbm>>) target(%dma_start3A_99 : memref<16x128xi32, #tpu.memory_space<vmem>>) target_semaphore(%run_scoped3A : memref<!tpu.dma_semaphore, #tpu.memory_space<semaphore_mem>>)
        %dma_wait3A = arith.constant 0 : i32
        %dma_wait3A_103 = arith.constant 0 : i32
        %dma_wait3A_104 = tpu.memref_slice %arg10[%dma_wait3A, %dma_wait3A_103] : memref<40x128xi32, #tpu.memory_space<vmem>> -> memref<16x128xi32, #tpu.memory_space<vmem>>
        %dma_wait3A_105 = arith.constant 2480 : i32
        %dma_wait3A_106 = arith.constant 0 : i32
        %dma_wait3A_107 = tpu.memref_slice %arg4[%dma_wait3A_105, %dma_wait3A_106] : memref<2496x128xi32, #tpu.memory_space<hbm>> -> memref<16x128xi32, #tpu.memory_space<hbm>>
        %dma_wait3A_108 = arith.constant 0 : i32
        %dma_wait3A_109 = arith.constant 0 : i32
        %dma_wait3A_110 = tpu.memref_slice %arg10[%dma_wait3A_108, %dma_wait3A_109] : memref<40x128xi32, #tpu.memory_space<vmem>> -> memref<16x128xi32, #tpu.memory_space<vmem>>
        %dma_wait3A_111 = arith.constant 2480 : i32
        %dma_wait3A_112 = arith.constant 0 : i32
        %dma_wait3A_113 = tpu.memref_slice %arg4[%dma_wait3A_111, %dma_wait3A_112] : memref<2496x128xi32, #tpu.memory_space<hbm>> -> memref<16x128xi32, #tpu.memory_space<hbm>>
        tpu.wait_dma2 semaphore(%run_scoped3A : memref<!tpu.dma_semaphore, #tpu.memory_space<semaphore_mem>>) src(%dma_wait3A_113 : memref<16x128xi32, #tpu.memory_space<hbm>>) dst(%dma_wait3A_110 : memref<16x128xi32, #tpu.memory_space<vmem>>)
        tpu.yield
      }) : () -> ()
      "tpu.region"() ({
        %run_scoped3A = tpu.sem_alloc : memref<!tpu.dma_semaphore, #tpu.memory_space<semaphore_mem>>
        %dma_start3A = arith.constant 16 : i32
        %dma_start3A_92 = arith.constant 0 : i32
        %dma_start3A_93 = tpu.memref_slice %arg9[%dma_start3A, %dma_start3A_92] : memref<40x128xi32, #tpu.memory_space<vmem>> -> memref<4x128xi32, #tpu.memory_space<vmem>>
        %dma_start3A_94 = arith.constant 16 : i32
        %dma_start3A_95 = arith.constant 0 : i32
        %dma_start3A_96 = tpu.memref_slice %arg9[%dma_start3A_94, %dma_start3A_95] : memref<40x128xi32, #tpu.memory_space<vmem>> -> memref<4x128xi32, #tpu.memory_space<vmem>>
        tpu.enqueue_dma source(%arg5 : memref<4x128xi32, #tpu.memory_space<hbm>>) target(%dma_start3A_96 : memref<4x128xi32, #tpu.memory_space<vmem>>) target_semaphore(%run_scoped3A : memref<!tpu.dma_semaphore, #tpu.memory_space<semaphore_mem>>)
        %dma_wait3A = arith.constant 16 : i32
        %dma_wait3A_97 = arith.constant 0 : i32
        %dma_wait3A_98 = tpu.memref_slice %arg9[%dma_wait3A, %dma_wait3A_97] : memref<40x128xi32, #tpu.memory_space<vmem>> -> memref<4x128xi32, #tpu.memory_space<vmem>>
        %dma_wait3A_99 = arith.constant 16 : i32
        %dma_wait3A_100 = arith.constant 0 : i32
        %dma_wait3A_101 = tpu.memref_slice %arg9[%dma_wait3A_99, %dma_wait3A_100] : memref<40x128xi32, #tpu.memory_space<vmem>> -> memref<4x128xi32, #tpu.memory_space<vmem>>
        tpu.wait_dma2 semaphore(%run_scoped3A : memref<!tpu.dma_semaphore, #tpu.memory_space<semaphore_mem>>) src(%arg5 : memref<4x128xi32, #tpu.memory_space<hbm>>) dst(%dma_wait3A_101 : memref<4x128xi32, #tpu.memory_space<vmem>>)
        tpu.yield
      }) : () -> ()
      "tpu.region"() ({
        %run_scoped3A = tpu.sem_alloc : memref<!tpu.dma_semaphore, #tpu.memory_space<semaphore_mem>>
        %dma_start3A = arith.constant 16 : i32
        %dma_start3A_92 = arith.constant 0 : i32
        %dma_start3A_93 = tpu.memref_slice %arg10[%dma_start3A, %dma_start3A_92] : memref<40x128xi32, #tpu.memory_space<vmem>> -> memref<4x128xi32, #tpu.memory_space<vmem>>
        %dma_start3A_94 = arith.constant 16 : i32
        %dma_start3A_95 = arith.constant 0 : i32
        %dma_start3A_96 = tpu.memref_slice %arg10[%dma_start3A_94, %dma_start3A_95] : memref<40x128xi32, #tpu.memory_space<vmem>> -> memref<4x128xi32, #tpu.memory_space<vmem>>
        tpu.enqueue_dma source(%arg6 : memref<4x128xi32, #tpu.memory_space<hbm>>) target(%dma_start3A_96 : memref<4x128xi32, #tpu.memory_space<vmem>>) target_semaphore(%run_scoped3A : memref<!tpu.dma_semaphore, #tpu.memory_space<semaphore_mem>>)
        %dma_wait3A = arith.constant 16 : i32
        %dma_wait3A_97 = arith.constant 0 : i32
        %dma_wait3A_98 = tpu.memref_slice %arg10[%dma_wait3A, %dma_wait3A_97] : memref<40x128xi32, #tpu.memory_space<vmem>> -> memref<4x128xi32, #tpu.memory_space<vmem>>
        %dma_wait3A_99 = arith.constant 16 : i32
        %dma_wait3A_100 = arith.constant 0 : i32
        %dma_wait3A_101 = tpu.memref_slice %arg10[%dma_wait3A_99, %dma_wait3A_100] : memref<40x128xi32, #tpu.memory_space<vmem>> -> memref<4x128xi32, #tpu.memory_space<vmem>>
        tpu.wait_dma2 semaphore(%run_scoped3A : memref<!tpu.dma_semaphore, #tpu.memory_space<semaphore_mem>>) src(%arg6 : memref<4x128xi32, #tpu.memory_space<hbm>>) dst(%dma_wait3A_101 : memref<4x128xi32, #tpu.memory_space<vmem>>)
        tpu.yield
      }) : () -> ()
    } else {
    }
    %convert_element_type3A_40 = arith.extui %ge3A_34 : i1 to i32
    %cond3A_41 = arith.constant 0 : i32
    %cond3A_42 = arith.cmpi ne, %convert_element_type3A_40, %cond3A_41 : i32
    scf.if %cond3A_42 {
      %dma_start3A = arith.constant 0 : i32
      %dma_start3A_92 = arith.constant 0 : i32
      %dma_start3A_93 = tpu.memref_slice %arg9[%dma_start3A, %dma_start3A_92] : memref<40x128xi32, #tpu.memory_space<vmem>> -> memref<1x128xi32, #tpu.memory_space<vmem>>
      %dma_start3A_94 = tpu.memref_squeeze %dma_start3A_93 : memref<1x128xi32, #tpu.memory_space<vmem>> -> memref<128xi32, #tpu.memory_space<vmem>>
      %dma_start3A_95 = arith.constant 0 : i32
      %dma_start3A_96 = arith.constant 0 : i32
      %dma_start3A_97 = tpu.memref_slice %arg2[%dma_start3A_95, %dma_start3A_96] : memref<10000x128xf32, #tpu.memory_space<hbm>> -> memref<10000x128xf32, #tpu.memory_space<hbm>>
      tpu.enqueue_indirect_dma source(%dma_start3A_97 : memref<10000x128xf32, #tpu.memory_space<hbm>>) target(%arg11 : memref<128x128xf32, #tpu.memory_space<vmem>>) offsets(%dma_start3A_94 : memref<128xi32, #tpu.memory_space<vmem>>) semaphore(%arg14 : memref<!tpu.dma_semaphore, #tpu.memory_space<semaphore_mem>>)
      %dma_start3A_98 = arith.constant 1 : i32
      %dma_start3A_99 = arith.constant 0 : i32
      %dma_start3A_100 = tpu.memref_slice %arg9[%dma_start3A_98, %dma_start3A_99] : memref<40x128xi32, #tpu.memory_space<vmem>> -> memref<1x128xi32, #tpu.memory_space<vmem>>
      %dma_start3A_101 = tpu.memref_squeeze %dma_start3A_100 : memref<1x128xi32, #tpu.memory_space<vmem>> -> memref<128xi32, #tpu.memory_space<vmem>>
      %dma_start3A_102 = arith.constant 0 : i32
      %dma_start3A_103 = arith.constant 0 : i32
      %dma_start3A_104 = tpu.memref_slice %arg2[%dma_start3A_102, %dma_start3A_103] : memref<10000x128xf32, #tpu.memory_space<hbm>> -> memref<10000x128xf32, #tpu.memory_space<hbm>>
      tpu.enqueue_indirect_dma source(%dma_start3A_104 : memref<10000x128xf32, #tpu.memory_space<hbm>>) target(%arg12 : memref<128x128xf32, #tpu.memory_space<vmem>>) offsets(%dma_start3A_101 : memref<128xi32, #tpu.memory_space<vmem>>) semaphore(%arg15 : memref<!tpu.dma_semaphore, #tpu.memory_space<semaphore_mem>>)
    } else {
    }
    %while3A = arith.constant 0 : i32
    %while3A_43 = arith.constant 0 : i32
    %while3A_44 = arith.subi %select_n3A, %while3A : i32
    %while3A_45 = arith.addi %while3A, %while3A_44 : i32
    %while3A_46 = arith.constant 1 : i32
    %while3A_47 = arith.divsi %while3A_44, %while3A_46 : i32
    %while3A_48 = arith.muli %while3A_47, %while3A_46 : i32
    %while3A_49 = arith.addi %while3A, %while3A_48 : i32
    %while3A_50 = arith.constant 1 : i32
    %while3A_51 = scf.for %while3A_92 = %while3A to %while3A_49 step %while3A_50 iter_args(%while3A_93 = %while3A_43) -> (i32)  : i32 {
      %mul3A_94 = arith.constant 2 : i32
      %mul3A_95 = arith.muli %mul3A_94, %while3A_92 : i32
      %dma_wait3A = arith.constant 0 : i32
      %dma_wait3A_96 = arith.constant 0 : i32
      %dma_wait3A_97 = tpu.memref_slice %arg9[%dma_wait3A, %dma_wait3A_96] : memref<40x128xi32, #tpu.memory_space<vmem>> -> memref<1x128xi32, #tpu.memory_space<vmem>>
      %dma_wait3A_98 = tpu.memref_squeeze %dma_wait3A_97 : memref<1x128xi32, #tpu.memory_space<vmem>> -> memref<128xi32, #tpu.memory_space<vmem>>
      %dma_wait3A_99 = arith.constant 0 : i32
      %dma_wait3A_100 = arith.constant 0 : i32
      %dma_wait3A_101 = tpu.memref_slice %arg2[%dma_wait3A_99, %dma_wait3A_100] : memref<10000x128xf32, #tpu.memory_space<hbm>> -> memref<10000x128xf32, #tpu.memory_space<hbm>>
      tpu.wait_indirect_dma semaphore(%arg14 : memref<!tpu.dma_semaphore, #tpu.memory_space<semaphore_mem>>) src(%dma_wait3A_101 : memref<10000x128xf32, #tpu.memory_space<hbm>>) dst(%arg11 : memref<128x128xf32, #tpu.memory_space<vmem>>)
      "tpu.region"() ({
        %run_scoped3A = tpu.sem_alloc : memref<!tpu.dma_semaphore, #tpu.memory_space<semaphore_mem>>
        %dma_start3A = arith.constant 0 : i32
        %dma_start3A_123 = tpu.memref_slice %arg10[%mul3A_95, %dma_start3A] : memref<40x128xi32, #tpu.memory_space<vmem>> -> memref<1x128xi32, #tpu.memory_space<vmem>>
        %dma_start3A_124 = tpu.memref_squeeze %dma_start3A_123 : memref<1x128xi32, #tpu.memory_space<vmem>> -> memref<128xi32, #tpu.memory_space<vmem>>
        %dma_start3A_125 = arith.constant 0 : i32
        %dma_start3A_126 = arith.constant 0 : i32
        %dma_start3A_127 = tpu.memref_slice %arg13[%dma_start3A_125, %dma_start3A_126] : memref<10240x128xf32, #tpu.memory_space<vmem_shared>> -> memref<10240x128xf32, #tpu.memory_space<vmem_shared>>
        tpu.enqueue_indirect_dma source(%arg11 : memref<128x128xf32, #tpu.memory_space<vmem>>) target(%dma_start3A_127 : memref<10240x128xf32, #tpu.memory_space<vmem_shared>>) offsets(%dma_start3A_124 : memref<128xi32, #tpu.memory_space<vmem>>) semaphore(%run_scoped3A : memref<!tpu.dma_semaphore, #tpu.memory_space<semaphore_mem>>) {add = true}
        %dma_wait3A_128 = arith.constant 0 : i32
        %dma_wait3A_129 = tpu.memref_slice %arg10[%mul3A_95, %dma_wait3A_128] : memref<40x128xi32, #tpu.memory_space<vmem>> -> memref<1x128xi32, #tpu.memory_space<vmem>>
        %dma_wait3A_130 = tpu.memref_squeeze %dma_wait3A_129 : memref<1x128xi32, #tpu.memory_space<vmem>> -> memref<128xi32, #tpu.memory_space<vmem>>
        %dma_wait3A_131 = arith.constant 0 : i32
        %dma_wait3A_132 = arith.constant 0 : i32
        %dma_wait3A_133 = tpu.memref_slice %arg13[%dma_wait3A_131, %dma_wait3A_132] : memref<10240x128xf32, #tpu.memory_space<vmem_shared>> -> memref<10240x128xf32, #tpu.memory_space<vmem_shared>>
        tpu.wait_indirect_dma semaphore(%run_scoped3A : memref<!tpu.dma_semaphore, #tpu.memory_space<semaphore_mem>>) src(%arg11 : memref<128x128xf32, #tpu.memory_space<vmem>>) dst(%dma_wait3A_133 : memref<10240x128xf32, #tpu.memory_space<vmem_shared>>)
        tpu.yield
      }) : () -> ()
      %add3A_102 = arith.constant 1 : i32
      %add3A_103 = arith.addi %while3A_92, %add3A_102 : i32
      %lt3A = arith.cmpi slt, %add3A_103, %select_n3A : i32
      %convert_element_type3A_104 = arith.extui %lt3A : i1 to i32
      %cond3A_105 = arith.constant 0 : i32
      %cond3A_106 = arith.cmpi ne, %convert_element_type3A_104, %cond3A_105 : i32
      scf.if %cond3A_106 {
        %add3A_123 = arith.constant 2 : i32
        %add3A_124 = arith.addi %mul3A_95, %add3A_123 : i32
        %dma_start3A = arith.constant 0 : i32
        %dma_start3A_125 = tpu.memref_slice %arg9[%add3A_124, %dma_start3A] : memref<40x128xi32, #tpu.memory_space<vmem>> -> memref<1x128xi32, #tpu.memory_space<vmem>>
        %dma_start3A_126 = tpu.memref_squeeze %dma_start3A_125 : memref<1x128xi32, #tpu.memory_space<vmem>> -> memref<128xi32, #tpu.memory_space<vmem>>
        %dma_start3A_127 = arith.constant 0 : i32
        %dma_start3A_128 = arith.constant 0 : i32
        %dma_start3A_129 = tpu.memref_slice %arg2[%dma_start3A_127, %dma_start3A_128] : memref<10000x128xf32, #tpu.memory_space<hbm>> -> memref<10000x128xf32, #tpu.memory_space<hbm>>
        tpu.enqueue_indirect_dma source(%dma_start3A_129 : memref<10000x128xf32, #tpu.memory_space<hbm>>) target(%arg11 : memref<128x128xf32, #tpu.memory_space<vmem>>) offsets(%dma_start3A_126 : memref<128xi32, #tpu.memory_space<vmem>>) semaphore(%arg14 : memref<!tpu.dma_semaphore, #tpu.memory_space<semaphore_mem>>)
      } else {
      }
      %dma_wait3A_107 = arith.constant 0 : i32
      %dma_wait3A_108 = arith.constant 0 : i32
      %dma_wait3A_109 = tpu.memref_slice %arg9[%dma_wait3A_107, %dma_wait3A_108] : memref<40x128xi32, #tpu.memory_space<vmem>> -> memref<1x128xi32, #tpu.memory_space<vmem>>
      %dma_wait3A_110 = tpu.memref_squeeze %dma_wait3A_109 : memref<1x128xi32, #tpu.memory_space<vmem>> -> memref<128xi32, #tpu.memory_space<vmem>>
      %dma_wait3A_111 = arith.constant 0 : i32
      %dma_wait3A_112 = arith.constant 0 : i32
      %dma_wait3A_113 = tpu.memref_slice %arg2[%dma_wait3A_111, %dma_wait3A_112] : memref<10000x128xf32, #tpu.memory_space<hbm>> -> memref<10000x128xf32, #tpu.memory_space<hbm>>
      tpu.wait_indirect_dma semaphore(%arg15 : memref<!tpu.dma_semaphore, #tpu.memory_space<semaphore_mem>>) src(%dma_wait3A_113 : memref<10000x128xf32, #tpu.memory_space<hbm>>) dst(%arg12 : memref<128x128xf32, #tpu.memory_space<vmem>>)
      %add3A_114 = arith.constant 1 : i32
      %add3A_115 = arith.addi %mul3A_95, %add3A_114 : i32
      "tpu.region"() ({
        %run_scoped3A = tpu.sem_alloc : memref<!tpu.dma_semaphore, #tpu.memory_space<semaphore_mem>>
        %dma_start3A = arith.constant 0 : i32
        %dma_start3A_123 = tpu.memref_slice %arg10[%add3A_115, %dma_start3A] : memref<40x128xi32, #tpu.memory_space<vmem>> -> memref<1x128xi32, #tpu.memory_space<vmem>>
        %dma_start3A_124 = tpu.memref_squeeze %dma_start3A_123 : memref<1x128xi32, #tpu.memory_space<vmem>> -> memref<128xi32, #tpu.memory_space<vmem>>
        %dma_start3A_125 = arith.constant 0 : i32
        %dma_start3A_126 = arith.constant 0 : i32
        %dma_start3A_127 = tpu.memref_slice %arg13[%dma_start3A_125, %dma_start3A_126] : memref<10240x128xf32, #tpu.memory_space<vmem_shared>> -> memref<10240x128xf32, #tpu.memory_space<vmem_shared>>
        tpu.enqueue_indirect_dma source(%arg12 : memref<128x128xf32, #tpu.memory_space<vmem>>) target(%dma_start3A_127 : memref<10240x128xf32, #tpu.memory_space<vmem_shared>>) offsets(%dma_start3A_124 : memref<128xi32, #tpu.memory_space<vmem>>) semaphore(%run_scoped3A : memref<!tpu.dma_semaphore, #tpu.memory_space<semaphore_mem>>) {add = true}
        %dma_wait3A_128 = arith.constant 0 : i32
        %dma_wait3A_129 = tpu.memref_slice %arg10[%add3A_115, %dma_wait3A_128] : memref<40x128xi32, #tpu.memory_space<vmem>> -> memref<1x128xi32, #tpu.memory_space<vmem>>
        %dma_wait3A_130 = tpu.memref_squeeze %dma_wait3A_129 : memref<1x128xi32, #tpu.memory_space<vmem>> -> memref<128xi32, #tpu.memory_space<vmem>>
        %dma_wait3A_131 = arith.constant 0 : i32
        %dma_wait3A_132 = arith.constant 0 : i32
        %dma_wait3A_133 = tpu.memref_slice %arg13[%dma_wait3A_131, %dma_wait3A_132] : memref<10240x128xf32, #tpu.memory_space<vmem_shared>> -> memref<10240x128xf32, #tpu.memory_space<vmem_shared>>
        tpu.wait_indirect_dma semaphore(%run_scoped3A : memref<!tpu.dma_semaphore, #tpu.memory_space<semaphore_mem>>) src(%arg12 : memref<128x128xf32, #tpu.memory_space<vmem>>) dst(%dma_wait3A_133 : memref<10240x128xf32, #tpu.memory_space<vmem_shared>>)
        tpu.yield
      }) : () -> ()
      %add3A_116 = arith.constant 1 : i32
      %add3A_117 = arith.addi %while3A_92, %add3A_116 : i32
      %lt3A_118 = arith.cmpi slt, %add3A_117, %select_n3A : i32
      %convert_element_type3A_119 = arith.extui %lt3A_118 : i1 to i32
      %cond3A_120 = arith.constant 0 : i32
      %cond3A_121 = arith.cmpi ne, %convert_element_type3A_119, %cond3A_120 : i32
      scf.if %cond3A_121 {
        %add3A_123 = arith.constant 3 : i32
        %add3A_124 = arith.addi %mul3A_95, %add3A_123 : i32
        %dma_start3A = arith.constant 0 : i32
        %dma_start3A_125 = tpu.memref_slice %arg9[%add3A_124, %dma_start3A] : memref<40x128xi32, #tpu.memory_space<vmem>> -> memref<1x128xi32, #tpu.memory_space<vmem>>
        %dma_start3A_126 = tpu.memref_squeeze %dma_start3A_125 : memref<1x128xi32, #tpu.memory_space<vmem>> -> memref<128xi32, #tpu.memory_space<vmem>>
        %dma_start3A_127 = arith.constant 0 : i32
        %dma_start3A_128 = arith.constant 0 : i32
        %dma_start3A_129 = tpu.memref_slice %arg2[%dma_start3A_127, %dma_start3A_128] : memref<10000x128xf32, #tpu.memory_space<hbm>> -> memref<10000x128xf32, #tpu.memory_space<hbm>>
        tpu.enqueue_indirect_dma source(%dma_start3A_129 : memref<10000x128xf32, #tpu.memory_space<hbm>>) target(%arg12 : memref<128x128xf32, #tpu.memory_space<vmem>>) offsets(%dma_start3A_126 : memref<128xi32, #tpu.memory_space<vmem>>) semaphore(%arg15 : memref<!tpu.dma_semaphore, #tpu.memory_space<semaphore_mem>>)
      } else {
      }
      %while3A_122 = arith.constant 0 : i32
      scf.yield %while3A_122 : i32
    }
    %while3A_52 = arith.constant 1 : i32
    %while3A_53 = scf.for %while3A_92 = %while3A_49 to %while3A_45 step %while3A_52 iter_args(%while3A_93 = %while3A_51) -> (i32)  : i32 {
      %mul3A_94 = arith.constant 2 : i32
      %mul3A_95 = arith.muli %mul3A_94, %while3A_92 : i32
      %dma_wait3A = arith.constant 0 : i32
      %dma_wait3A_96 = arith.constant 0 : i32
      %dma_wait3A_97 = tpu.memref_slice %arg9[%dma_wait3A, %dma_wait3A_96] : memref<40x128xi32, #tpu.memory_space<vmem>> -> memref<1x128xi32, #tpu.memory_space<vmem>>
      %dma_wait3A_98 = tpu.memref_squeeze %dma_wait3A_97 : memref<1x128xi32, #tpu.memory_space<vmem>> -> memref<128xi32, #tpu.memory_space<vmem>>
      %dma_wait3A_99 = arith.constant 0 : i32
      %dma_wait3A_100 = arith.constant 0 : i32
      %dma_wait3A_101 = tpu.memref_slice %arg2[%dma_wait3A_99, %dma_wait3A_100] : memref<10000x128xf32, #tpu.memory_space<hbm>> -> memref<10000x128xf32, #tpu.memory_space<hbm>>
      tpu.wait_indirect_dma semaphore(%arg14 : memref<!tpu.dma_semaphore, #tpu.memory_space<semaphore_mem>>) src(%dma_wait3A_101 : memref<10000x128xf32, #tpu.memory_space<hbm>>) dst(%arg11 : memref<128x128xf32, #tpu.memory_space<vmem>>)
      "tpu.region"() ({
        %run_scoped3A = tpu.sem_alloc : memref<!tpu.dma_semaphore, #tpu.memory_space<semaphore_mem>>
        %dma_start3A = arith.constant 0 : i32
        %dma_start3A_123 = tpu.memref_slice %arg10[%mul3A_95, %dma_start3A] : memref<40x128xi32, #tpu.memory_space<vmem>> -> memref<1x128xi32, #tpu.memory_space<vmem>>
        %dma_start3A_124 = tpu.memref_squeeze %dma_start3A_123 : memref<1x128xi32, #tpu.memory_space<vmem>> -> memref<128xi32, #tpu.memory_space<vmem>>
        %dma_start3A_125 = arith.constant 0 : i32
        %dma_start3A_126 = arith.constant 0 : i32
        %dma_start3A_127 = tpu.memref_slice %arg13[%dma_start3A_125, %dma_start3A_126] : memref<10240x128xf32, #tpu.memory_space<vmem_shared>> -> memref<10240x128xf32, #tpu.memory_space<vmem_shared>>
        tpu.enqueue_indirect_dma source(%arg11 : memref<128x128xf32, #tpu.memory_space<vmem>>) target(%dma_start3A_127 : memref<10240x128xf32, #tpu.memory_space<vmem_shared>>) offsets(%dma_start3A_124 : memref<128xi32, #tpu.memory_space<vmem>>) semaphore(%run_scoped3A : memref<!tpu.dma_semaphore, #tpu.memory_space<semaphore_mem>>) {add = true}
        %dma_wait3A_128 = arith.constant 0 : i32
        %dma_wait3A_129 = tpu.memref_slice %arg10[%mul3A_95, %dma_wait3A_128] : memref<40x128xi32, #tpu.memory_space<vmem>> -> memref<1x128xi32, #tpu.memory_space<vmem>>
        %dma_wait3A_130 = tpu.memref_squeeze %dma_wait3A_129 : memref<1x128xi32, #tpu.memory_space<vmem>> -> memref<128xi32, #tpu.memory_space<vmem>>
        %dma_wait3A_131 = arith.constant 0 : i32
        %dma_wait3A_132 = arith.constant 0 : i32
        %dma_wait3A_133 = tpu.memref_slice %arg13[%dma_wait3A_131, %dma_wait3A_132] : memref<10240x128xf32, #tpu.memory_space<vmem_shared>> -> memref<10240x128xf32, #tpu.memory_space<vmem_shared>>
        tpu.wait_indirect_dma semaphore(%run_scoped3A : memref<!tpu.dma_semaphore, #tpu.memory_space<semaphore_mem>>) src(%arg11 : memref<128x128xf32, #tpu.memory_space<vmem>>) dst(%dma_wait3A_133 : memref<10240x128xf32, #tpu.memory_space<vmem_shared>>)
        tpu.yield
      }) : () -> ()
      %add3A_102 = arith.constant 1 : i32
      %add3A_103 = arith.addi %while3A_92, %add3A_102 : i32
      %lt3A = arith.cmpi slt, %add3A_103, %select_n3A : i32
      %convert_element_type3A_104 = arith.extui %lt3A : i1 to i32
      %cond3A_105 = arith.constant 0 : i32
      %cond3A_106 = arith.cmpi ne, %convert_element_type3A_104, %cond3A_105 : i32
      scf.if %cond3A_106 {
        %add3A_123 = arith.constant 2 : i32
        %add3A_124 = arith.addi %mul3A_95, %add3A_123 : i32
        %dma_start3A = arith.constant 0 : i32
        %dma_start3A_125 = tpu.memref_slice %arg9[%add3A_124, %dma_start3A] : memref<40x128xi32, #tpu.memory_space<vmem>> -> memref<1x128xi32, #tpu.memory_space<vmem>>
        %dma_start3A_126 = tpu.memref_squeeze %dma_start3A_125 : memref<1x128xi32, #tpu.memory_space<vmem>> -> memref<128xi32, #tpu.memory_space<vmem>>
        %dma_start3A_127 = arith.constant 0 : i32
        %dma_start3A_128 = arith.constant 0 : i32
        %dma_start3A_129 = tpu.memref_slice %arg2[%dma_start3A_127, %dma_start3A_128] : memref<10000x128xf32, #tpu.memory_space<hbm>> -> memref<10000x128xf32, #tpu.memory_space<hbm>>
        tpu.enqueue_indirect_dma source(%dma_start3A_129 : memref<10000x128xf32, #tpu.memory_space<hbm>>) target(%arg11 : memref<128x128xf32, #tpu.memory_space<vmem>>) offsets(%dma_start3A_126 : memref<128xi32, #tpu.memory_space<vmem>>) semaphore(%arg14 : memref<!tpu.dma_semaphore, #tpu.memory_space<semaphore_mem>>)
      } else {
      }
      %dma_wait3A_107 = arith.constant 0 : i32
      %dma_wait3A_108 = arith.constant 0 : i32
      %dma_wait3A_109 = tpu.memref_slice %arg9[%dma_wait3A_107, %dma_wait3A_108] : memref<40x128xi32, #tpu.memory_space<vmem>> -> memref<1x128xi32, #tpu.memory_space<vmem>>
      %dma_wait3A_110 = tpu.memref_squeeze %dma_wait3A_109 : memref<1x128xi32, #tpu.memory_space<vmem>> -> memref<128xi32, #tpu.memory_space<vmem>>
      %dma_wait3A_111 = arith.constant 0 : i32
      %dma_wait3A_112 = arith.constant 0 : i32
      %dma_wait3A_113 = tpu.memref_slice %arg2[%dma_wait3A_111, %dma_wait3A_112] : memref<10000x128xf32, #tpu.memory_space<hbm>> -> memref<10000x128xf32, #tpu.memory_space<hbm>>
      tpu.wait_indirect_dma semaphore(%arg15 : memref<!tpu.dma_semaphore, #tpu.memory_space<semaphore_mem>>) src(%dma_wait3A_113 : memref<10000x128xf32, #tpu.memory_space<hbm>>) dst(%arg12 : memref<128x128xf32, #tpu.memory_space<vmem>>)
      %add3A_114 = arith.constant 1 : i32
      %add3A_115 = arith.addi %mul3A_95, %add3A_114 : i32
      "tpu.region"() ({
        %run_scoped3A = tpu.sem_alloc : memref<!tpu.dma_semaphore, #tpu.memory_space<semaphore_mem>>
        %dma_start3A = arith.constant 0 : i32
        %dma_start3A_123 = tpu.memref_slice %arg10[%add3A_115, %dma_start3A] : memref<40x128xi32, #tpu.memory_space<vmem>> -> memref<1x128xi32, #tpu.memory_space<vmem>>
        %dma_start3A_124 = tpu.memref_squeeze %dma_start3A_123 : memref<1x128xi32, #tpu.memory_space<vmem>> -> memref<128xi32, #tpu.memory_space<vmem>>
        %dma_start3A_125 = arith.constant 0 : i32
        %dma_start3A_126 = arith.constant 0 : i32
        %dma_start3A_127 = tpu.memref_slice %arg13[%dma_start3A_125, %dma_start3A_126] : memref<10240x128xf32, #tpu.memory_space<vmem_shared>> -> memref<10240x128xf32, #tpu.memory_space<vmem_shared>>
        tpu.enqueue_indirect_dma source(%arg12 : memref<128x128xf32, #tpu.memory_space<vmem>>) target(%dma_start3A_127 : memref<10240x128xf32, #tpu.memory_space<vmem_shared>>) offsets(%dma_start3A_124 : memref<128xi32, #tpu.memory_space<vmem>>) semaphore(%run_scoped3A : memref<!tpu.dma_semaphore, #tpu.memory_space<semaphore_mem>>) {add = true}
        %dma_wait3A_128 = arith.constant 0 : i32
        %dma_wait3A_129 = tpu.memref_slice %arg10[%add3A_115, %dma_wait3A_128] : memref<40x128xi32, #tpu.memory_space<vmem>> -> memref<1x128xi32, #tpu.memory_space<vmem>>
        %dma_wait3A_130 = tpu.memref_squeeze %dma_wait3A_129 : memref<1x128xi32, #tpu.memory_space<vmem>> -> memref<128xi32, #tpu.memory_space<vmem>>
        %dma_wait3A_131 = arith.constant 0 : i32
        %dma_wait3A_132 = arith.constant 0 : i32
        %dma_wait3A_133 = tpu.memref_slice %arg13[%dma_wait3A_131, %dma_wait3A_132] : memref<10240x128xf32, #tpu.memory_space<vmem_shared>> -> memref<10240x128xf32, #tpu.memory_space<vmem_shared>>
        tpu.wait_indirect_dma semaphore(%run_scoped3A : memref<!tpu.dma_semaphore, #tpu.memory_space<semaphore_mem>>) src(%arg12 : memref<128x128xf32, #tpu.memory_space<vmem>>) dst(%dma_wait3A_133 : memref<10240x128xf32, #tpu.memory_space<vmem_shared>>)
        tpu.yield
      }) : () -> ()
      %add3A_116 = arith.constant 1 : i32
      %add3A_117 = arith.addi %while3A_92, %add3A_116 : i32
      %lt3A_118 = arith.cmpi slt, %add3A_117, %select_n3A : i32
      %convert_element_type3A_119 = arith.extui %lt3A_118 : i1 to i32
      %cond3A_120 = arith.constant 0 : i32
      %cond3A_121 = arith.cmpi ne, %convert_element_type3A_119, %cond3A_120 : i32
      scf.if %cond3A_121 {
        %add3A_123 = arith.constant 3 : i32
        %add3A_124 = arith.addi %mul3A_95, %add3A_123 : i32
        %dma_start3A = arith.constant 0 : i32
        %dma_start3A_125 = tpu.memref_slice %arg9[%add3A_124, %dma_start3A] : memref<40x128xi32, #tpu.memory_space<vmem>> -> memref<1x128xi32, #tpu.memory_space<vmem>>
        %dma_start3A_126 = tpu.memref_squeeze %dma_start3A_125 : memref<1x128xi32, #tpu.memory_space<vmem>> -> memref<128xi32, #tpu.memory_space<vmem>>
        %dma_start3A_127 = arith.constant 0 : i32
        %dma_start3A_128 = arith.constant 0 : i32
        %dma_start3A_129 = tpu.memref_slice %arg2[%dma_start3A_127, %dma_start3A_128] : memref<10000x128xf32, #tpu.memory_space<hbm>> -> memref<10000x128xf32, #tpu.memory_space<hbm>>
        tpu.enqueue_indirect_dma source(%dma_start3A_129 : memref<10000x128xf32, #tpu.memory_space<hbm>>) target(%arg12 : memref<128x128xf32, #tpu.memory_space<vmem>>) offsets(%dma_start3A_126 : memref<128xi32, #tpu.memory_space<vmem>>) semaphore(%arg15 : memref<!tpu.dma_semaphore, #tpu.memory_space<semaphore_mem>>)
      } else {
      }
      %while3A_122 = arith.constant 0 : i32
      scf.yield %while3A_122 : i32
    }
    %mul3A_54 = arith.constant 80 : i32
    %mul3A_55 = arith.muli %add3A, %mul3A_54 : i32
    %add3A_56 = arith.constant 40 : i32
    %add3A_57 = arith.addi %mul3A_55, %add3A_56 : i32
    %jit3A_58 = arith.constant 0 : i32
    %jit3A_59 = arith.constant 20 : i32
    %select_n3A_60 = arith.select %eq3A_1, %jit3A_58, %jit3A_59 : i32
    %not3A_61 = arith.constant true
    %not3A_62 = arith.xori %eq3A_1, %not3A_61 : i1
    %convert_element_type3A_63 = arith.extui %not3A_62 : i1 to i32
    %cond3A_64 = arith.constant 0 : i32
    %cond3A_65 = arith.cmpi ne, %convert_element_type3A_63, %cond3A_64 : i32
    scf.if %cond3A_65 {
      "tpu.region"() ({
        %run_scoped3A = tpu.sem_alloc : memref<!tpu.dma_semaphore, #tpu.memory_space<semaphore_mem>>
        %dma_start3A = arith.constant 0 : i32
        %dma_start3A_92 = tpu.memref_slice %arg3[%add3A_57, %dma_start3A] : memref<2496x128xi32, #tpu.memory_space<hbm>> -> memref<40x128xi32, #tpu.memory_space<hbm>>
        %dma_start3A_93 = arith.constant 0 : i32
        %dma_start3A_94 = tpu.memref_slice %arg3[%add3A_57, %dma_start3A_93] : memref<2496x128xi32, #tpu.memory_space<hbm>> -> memref<40x128xi32, #tpu.memory_space<hbm>>
        tpu.enqueue_dma source(%dma_start3A_94 : memref<40x128xi32, #tpu.memory_space<hbm>>) target(%arg9 : memref<40x128xi32, #tpu.memory_space<vmem>>) target_semaphore(%run_scoped3A : memref<!tpu.dma_semaphore, #tpu.memory_space<semaphore_mem>>)
        %dma_wait3A = arith.constant 0 : i32
        %dma_wait3A_95 = tpu.memref_slice %arg3[%add3A_57, %dma_wait3A] : memref<2496x128xi32, #tpu.memory_space<hbm>> -> memref<40x128xi32, #tpu.memory_space<hbm>>
        %dma_wait3A_96 = arith.constant 0 : i32
        %dma_wait3A_97 = tpu.memref_slice %arg3[%add3A_57, %dma_wait3A_96] : memref<2496x128xi32, #tpu.memory_space<hbm>> -> memref<40x128xi32, #tpu.memory_space<hbm>>
        tpu.wait_dma2 semaphore(%run_scoped3A : memref<!tpu.dma_semaphore, #tpu.memory_space<semaphore_mem>>) src(%dma_wait3A_97 : memref<40x128xi32, #tpu.memory_space<hbm>>) dst(%arg9 : memref<40x128xi32, #tpu.memory_space<vmem>>)
        tpu.yield
      }) : () -> ()
      "tpu.region"() ({
        %run_scoped3A = tpu.sem_alloc : memref<!tpu.dma_semaphore, #tpu.memory_space<semaphore_mem>>
        %dma_start3A = arith.constant 0 : i32
        %dma_start3A_92 = tpu.memref_slice %arg4[%add3A_57, %dma_start3A] : memref<2496x128xi32, #tpu.memory_space<hbm>> -> memref<40x128xi32, #tpu.memory_space<hbm>>
        %dma_start3A_93 = arith.constant 0 : i32
        %dma_start3A_94 = tpu.memref_slice %arg4[%add3A_57, %dma_start3A_93] : memref<2496x128xi32, #tpu.memory_space<hbm>> -> memref<40x128xi32, #tpu.memory_space<hbm>>
        tpu.enqueue_dma source(%dma_start3A_94 : memref<40x128xi32, #tpu.memory_space<hbm>>) target(%arg10 : memref<40x128xi32, #tpu.memory_space<vmem>>) target_semaphore(%run_scoped3A : memref<!tpu.dma_semaphore, #tpu.memory_space<semaphore_mem>>)
        %dma_wait3A = arith.constant 0 : i32
        %dma_wait3A_95 = tpu.memref_slice %arg4[%add3A_57, %dma_wait3A] : memref<2496x128xi32, #tpu.memory_space<hbm>> -> memref<40x128xi32, #tpu.memory_space<hbm>>
        %dma_wait3A_96 = arith.constant 0 : i32
        %dma_wait3A_97 = tpu.memref_slice %arg4[%add3A_57, %dma_wait3A_96] : memref<2496x128xi32, #tpu.memory_space<hbm>> -> memref<40x128xi32, #tpu.memory_space<hbm>>
        tpu.wait_dma2 semaphore(%run_scoped3A : memref<!tpu.dma_semaphore, #tpu.memory_space<semaphore_mem>>) src(%dma_wait3A_97 : memref<40x128xi32, #tpu.memory_space<hbm>>) dst(%arg10 : memref<40x128xi32, #tpu.memory_space<vmem>>)
        tpu.yield
      }) : () -> ()
    } else {
    }
    %convert_element_type3A_66 = arith.extui %not3A_62 : i1 to i32
    %cond3A_67 = arith.constant 0 : i32
    %cond3A_68 = arith.cmpi ne, %convert_element_type3A_66, %cond3A_67 : i32
    scf.if %cond3A_68 {
      %dma_start3A = arith.constant 0 : i32
      %dma_start3A_92 = arith.constant 0 : i32
      %dma_start3A_93 = tpu.memref_slice %arg9[%dma_start3A, %dma_start3A_92] : memref<40x128xi32, #tpu.memory_space<vmem>> -> memref<1x128xi32, #tpu.memory_space<vmem>>
      %dma_start3A_94 = tpu.memref_squeeze %dma_start3A_93 : memref<1x128xi32, #tpu.memory_space<vmem>> -> memref<128xi32, #tpu.memory_space<vmem>>
      %dma_start3A_95 = arith.constant 0 : i32
      %dma_start3A_96 = arith.constant 0 : i32
      %dma_start3A_97 = tpu.memref_slice %arg2[%dma_start3A_95, %dma_start3A_96] : memref<10000x128xf32, #tpu.memory_space<hbm>> -> memref<10000x128xf32, #tpu.memory_space<hbm>>
      tpu.enqueue_indirect_dma source(%dma_start3A_97 : memref<10000x128xf32, #tpu.memory_space<hbm>>) target(%arg11 : memref<128x128xf32, #tpu.memory_space<vmem>>) offsets(%dma_start3A_94 : memref<128xi32, #tpu.memory_space<vmem>>) semaphore(%arg14 : memref<!tpu.dma_semaphore, #tpu.memory_space<semaphore_mem>>)
      %dma_start3A_98 = arith.constant 1 : i32
      %dma_start3A_99 = arith.constant 0 : i32
      %dma_start3A_100 = tpu.memref_slice %arg9[%dma_start3A_98, %dma_start3A_99] : memref<40x128xi32, #tpu.memory_space<vmem>> -> memref<1x128xi32, #tpu.memory_space<vmem>>
      %dma_start3A_101 = tpu.memref_squeeze %dma_start3A_100 : memref<1x128xi32, #tpu.memory_space<vmem>> -> memref<128xi32, #tpu.memory_space<vmem>>
      %dma_start3A_102 = arith.constant 0 : i32
      %dma_start3A_103 = arith.constant 0 : i32
      %dma_start3A_104 = tpu.memref_slice %arg2[%dma_start3A_102, %dma_start3A_103] : memref<10000x128xf32, #tpu.memory_space<hbm>> -> memref<10000x128xf32, #tpu.memory_space<hbm>>
      tpu.enqueue_indirect_dma source(%dma_start3A_104 : memref<10000x128xf32, #tpu.memory_space<hbm>>) target(%arg12 : memref<128x128xf32, #tpu.memory_space<vmem>>) offsets(%dma_start3A_101 : memref<128xi32, #tpu.memory_space<vmem>>) semaphore(%arg15 : memref<!tpu.dma_semaphore, #tpu.memory_space<semaphore_mem>>)
    } else {
    }
    %while3A_69 = arith.constant 0 : i32
    %while3A_70 = arith.constant 0 : i32
    %while3A_71 = arith.subi %select_n3A_60, %while3A_69 : i32
    %while3A_72 = arith.addi %while3A_69, %while3A_71 : i32
    %while3A_73 = arith.constant 1 : i32
    %while3A_74 = arith.divsi %while3A_71, %while3A_73 : i32
    %while3A_75 = arith.muli %while3A_74, %while3A_73 : i32
    %while3A_76 = arith.addi %while3A_69, %while3A_75 : i32
    %while3A_77 = arith.constant 1 : i32
    %while3A_78 = scf.for %while3A_92 = %while3A_69 to %while3A_76 step %while3A_77 iter_args(%while3A_93 = %while3A_70) -> (i32)  : i32 {
      %mul3A_94 = arith.constant 2 : i32
      %mul3A_95 = arith.muli %mul3A_94, %while3A_92 : i32
      %dma_wait3A = arith.constant 0 : i32
      %dma_wait3A_96 = arith.constant 0 : i32
      %dma_wait3A_97 = tpu.memref_slice %arg9[%dma_wait3A, %dma_wait3A_96] : memref<40x128xi32, #tpu.memory_space<vmem>> -> memref<1x128xi32, #tpu.memory_space<vmem>>
      %dma_wait3A_98 = tpu.memref_squeeze %dma_wait3A_97 : memref<1x128xi32, #tpu.memory_space<vmem>> -> memref<128xi32, #tpu.memory_space<vmem>>
      %dma_wait3A_99 = arith.constant 0 : i32
      %dma_wait3A_100 = arith.constant 0 : i32
      %dma_wait3A_101 = tpu.memref_slice %arg2[%dma_wait3A_99, %dma_wait3A_100] : memref<10000x128xf32, #tpu.memory_space<hbm>> -> memref<10000x128xf32, #tpu.memory_space<hbm>>
      tpu.wait_indirect_dma semaphore(%arg14 : memref<!tpu.dma_semaphore, #tpu.memory_space<semaphore_mem>>) src(%dma_wait3A_101 : memref<10000x128xf32, #tpu.memory_space<hbm>>) dst(%arg11 : memref<128x128xf32, #tpu.memory_space<vmem>>)
      "tpu.region"() ({
        %run_scoped3A = tpu.sem_alloc : memref<!tpu.dma_semaphore, #tpu.memory_space<semaphore_mem>>
        %dma_start3A = arith.constant 0 : i32
        %dma_start3A_123 = tpu.memref_slice %arg10[%mul3A_95, %dma_start3A] : memref<40x128xi32, #tpu.memory_space<vmem>> -> memref<1x128xi32, #tpu.memory_space<vmem>>
        %dma_start3A_124 = tpu.memref_squeeze %dma_start3A_123 : memref<1x128xi32, #tpu.memory_space<vmem>> -> memref<128xi32, #tpu.memory_space<vmem>>
        %dma_start3A_125 = arith.constant 0 : i32
        %dma_start3A_126 = arith.constant 0 : i32
        %dma_start3A_127 = tpu.memref_slice %arg13[%dma_start3A_125, %dma_start3A_126] : memref<10240x128xf32, #tpu.memory_space<vmem_shared>> -> memref<10240x128xf32, #tpu.memory_space<vmem_shared>>
        tpu.enqueue_indirect_dma source(%arg11 : memref<128x128xf32, #tpu.memory_space<vmem>>) target(%dma_start3A_127 : memref<10240x128xf32, #tpu.memory_space<vmem_shared>>) offsets(%dma_start3A_124 : memref<128xi32, #tpu.memory_space<vmem>>) semaphore(%run_scoped3A : memref<!tpu.dma_semaphore, #tpu.memory_space<semaphore_mem>>) {add = true}
        %dma_wait3A_128 = arith.constant 0 : i32
        %dma_wait3A_129 = tpu.memref_slice %arg10[%mul3A_95, %dma_wait3A_128] : memref<40x128xi32, #tpu.memory_space<vmem>> -> memref<1x128xi32, #tpu.memory_space<vmem>>
        %dma_wait3A_130 = tpu.memref_squeeze %dma_wait3A_129 : memref<1x128xi32, #tpu.memory_space<vmem>> -> memref<128xi32, #tpu.memory_space<vmem>>
        %dma_wait3A_131 = arith.constant 0 : i32
        %dma_wait3A_132 = arith.constant 0 : i32
        %dma_wait3A_133 = tpu.memref_slice %arg13[%dma_wait3A_131, %dma_wait3A_132] : memref<10240x128xf32, #tpu.memory_space<vmem_shared>> -> memref<10240x128xf32, #tpu.memory_space<vmem_shared>>
        tpu.wait_indirect_dma semaphore(%run_scoped3A : memref<!tpu.dma_semaphore, #tpu.memory_space<semaphore_mem>>) src(%arg11 : memref<128x128xf32, #tpu.memory_space<vmem>>) dst(%dma_wait3A_133 : memref<10240x128xf32, #tpu.memory_space<vmem_shared>>)
        tpu.yield
      }) : () -> ()
      %add3A_102 = arith.constant 1 : i32
      %add3A_103 = arith.addi %while3A_92, %add3A_102 : i32
      %lt3A = arith.cmpi slt, %add3A_103, %select_n3A_60 : i32
      %convert_element_type3A_104 = arith.extui %lt3A : i1 to i32
      %cond3A_105 = arith.constant 0 : i32
      %cond3A_106 = arith.cmpi ne, %convert_element_type3A_104, %cond3A_105 : i32
      scf.if %cond3A_106 {
        %add3A_123 = arith.constant 2 : i32
        %add3A_124 = arith.addi %mul3A_95, %add3A_123 : i32
        %dma_start3A = arith.constant 0 : i32
        %dma_start3A_125 = tpu.memref_slice %arg9[%add3A_124, %dma_start3A] : memref<40x128xi32, #tpu.memory_space<vmem>> -> memref<1x128xi32, #tpu.memory_space<vmem>>
        %dma_start3A_126 = tpu.memref_squeeze %dma_start3A_125 : memref<1x128xi32, #tpu.memory_space<vmem>> -> memref<128xi32, #tpu.memory_space<vmem>>
        %dma_start3A_127 = arith.constant 0 : i32
        %dma_start3A_128 = arith.constant 0 : i32
        %dma_start3A_129 = tpu.memref_slice %arg2[%dma_start3A_127, %dma_start3A_128] : memref<10000x128xf32, #tpu.memory_space<hbm>> -> memref<10000x128xf32, #tpu.memory_space<hbm>>
        tpu.enqueue_indirect_dma source(%dma_start3A_129 : memref<10000x128xf32, #tpu.memory_space<hbm>>) target(%arg11 : memref<128x128xf32, #tpu.memory_space<vmem>>) offsets(%dma_start3A_126 : memref<128xi32, #tpu.memory_space<vmem>>) semaphore(%arg14 : memref<!tpu.dma_semaphore, #tpu.memory_space<semaphore_mem>>)
      } else {
      }
      %dma_wait3A_107 = arith.constant 0 : i32
      %dma_wait3A_108 = arith.constant 0 : i32
      %dma_wait3A_109 = tpu.memref_slice %arg9[%dma_wait3A_107, %dma_wait3A_108] : memref<40x128xi32, #tpu.memory_space<vmem>> -> memref<1x128xi32, #tpu.memory_space<vmem>>
      %dma_wait3A_110 = tpu.memref_squeeze %dma_wait3A_109 : memref<1x128xi32, #tpu.memory_space<vmem>> -> memref<128xi32, #tpu.memory_space<vmem>>
      %dma_wait3A_111 = arith.constant 0 : i32
      %dma_wait3A_112 = arith.constant 0 : i32
      %dma_wait3A_113 = tpu.memref_slice %arg2[%dma_wait3A_111, %dma_wait3A_112] : memref<10000x128xf32, #tpu.memory_space<hbm>> -> memref<10000x128xf32, #tpu.memory_space<hbm>>
      tpu.wait_indirect_dma semaphore(%arg15 : memref<!tpu.dma_semaphore, #tpu.memory_space<semaphore_mem>>) src(%dma_wait3A_113 : memref<10000x128xf32, #tpu.memory_space<hbm>>) dst(%arg12 : memref<128x128xf32, #tpu.memory_space<vmem>>)
      %add3A_114 = arith.constant 1 : i32
      %add3A_115 = arith.addi %mul3A_95, %add3A_114 : i32
      "tpu.region"() ({
        %run_scoped3A = tpu.sem_alloc : memref<!tpu.dma_semaphore, #tpu.memory_space<semaphore_mem>>
        %dma_start3A = arith.constant 0 : i32
        %dma_start3A_123 = tpu.memref_slice %arg10[%add3A_115, %dma_start3A] : memref<40x128xi32, #tpu.memory_space<vmem>> -> memref<1x128xi32, #tpu.memory_space<vmem>>
        %dma_start3A_124 = tpu.memref_squeeze %dma_start3A_123 : memref<1x128xi32, #tpu.memory_space<vmem>> -> memref<128xi32, #tpu.memory_space<vmem>>
        %dma_start3A_125 = arith.constant 0 : i32
        %dma_start3A_126 = arith.constant 0 : i32
        %dma_start3A_127 = tpu.memref_slice %arg13[%dma_start3A_125, %dma_start3A_126] : memref<10240x128xf32, #tpu.memory_space<vmem_shared>> -> memref<10240x128xf32, #tpu.memory_space<vmem_shared>>
        tpu.enqueue_indirect_dma source(%arg12 : memref<128x128xf32, #tpu.memory_space<vmem>>) target(%dma_start3A_127 : memref<10240x128xf32, #tpu.memory_space<vmem_shared>>) offsets(%dma_start3A_124 : memref<128xi32, #tpu.memory_space<vmem>>) semaphore(%run_scoped3A : memref<!tpu.dma_semaphore, #tpu.memory_space<semaphore_mem>>) {add = true}
        %dma_wait3A_128 = arith.constant 0 : i32
        %dma_wait3A_129 = tpu.memref_slice %arg10[%add3A_115, %dma_wait3A_128] : memref<40x128xi32, #tpu.memory_space<vmem>> -> memref<1x128xi32, #tpu.memory_space<vmem>>
        %dma_wait3A_130 = tpu.memref_squeeze %dma_wait3A_129 : memref<1x128xi32, #tpu.memory_space<vmem>> -> memref<128xi32, #tpu.memory_space<vmem>>
        %dma_wait3A_131 = arith.constant 0 : i32
        %dma_wait3A_132 = arith.constant 0 : i32
        %dma_wait3A_133 = tpu.memref_slice %arg13[%dma_wait3A_131, %dma_wait3A_132] : memref<10240x128xf32, #tpu.memory_space<vmem_shared>> -> memref<10240x128xf32, #tpu.memory_space<vmem_shared>>
        tpu.wait_indirect_dma semaphore(%run_scoped3A : memref<!tpu.dma_semaphore, #tpu.memory_space<semaphore_mem>>) src(%arg12 : memref<128x128xf32, #tpu.memory_space<vmem>>) dst(%dma_wait3A_133 : memref<10240x128xf32, #tpu.memory_space<vmem_shared>>)
        tpu.yield
      }) : () -> ()
      %add3A_116 = arith.constant 1 : i32
      %add3A_117 = arith.addi %while3A_92, %add3A_116 : i32
      %lt3A_118 = arith.cmpi slt, %add3A_117, %select_n3A_60 : i32
      %convert_element_type3A_119 = arith.extui %lt3A_118 : i1 to i32
      %cond3A_120 = arith.constant 0 : i32
      %cond3A_121 = arith.cmpi ne, %convert_element_type3A_119, %cond3A_120 : i32
      scf.if %cond3A_121 {
        %add3A_123 = arith.constant 3 : i32
        %add3A_124 = arith.addi %mul3A_95, %add3A_123 : i32
        %dma_start3A = arith.constant 0 : i32
        %dma_start3A_125 = tpu.memref_slice %arg9[%add3A_124, %dma_start3A] : memref<40x128xi32, #tpu.memory_space<vmem>> -> memref<1x128xi32, #tpu.memory_space<vmem>>
        %dma_start3A_126 = tpu.memref_squeeze %dma_start3A_125 : memref<1x128xi32, #tpu.memory_space<vmem>> -> memref<128xi32, #tpu.memory_space<vmem>>
        %dma_start3A_127 = arith.constant 0 : i32
        %dma_start3A_128 = arith.constant 0 : i32
        %dma_start3A_129 = tpu.memref_slice %arg2[%dma_start3A_127, %dma_start3A_128] : memref<10000x128xf32, #tpu.memory_space<hbm>> -> memref<10000x128xf32, #tpu.memory_space<hbm>>
        tpu.enqueue_indirect_dma source(%dma_start3A_129 : memref<10000x128xf32, #tpu.memory_space<hbm>>) target(%arg12 : memref<128x128xf32, #tpu.memory_space<vmem>>) offsets(%dma_start3A_126 : memref<128xi32, #tpu.memory_space<vmem>>) semaphore(%arg15 : memref<!tpu.dma_semaphore, #tpu.memory_space<semaphore_mem>>)
      } else {
      }
      %while3A_122 = arith.constant 0 : i32
      scf.yield %while3A_122 : i32
    }
    %while3A_79 = arith.constant 1 : i32
    %while3A_80 = scf.for %while3A_92 = %while3A_76 to %while3A_72 step %while3A_79 iter_args(%while3A_93 = %while3A_78) -> (i32)  : i32 {
      %mul3A_94 = arith.constant 2 : i32
      %mul3A_95 = arith.muli %mul3A_94, %while3A_92 : i32
      %dma_wait3A = arith.constant 0 : i32
      %dma_wait3A_96 = arith.constant 0 : i32
      %dma_wait3A_97 = tpu.memref_slice %arg9[%dma_wait3A, %dma_wait3A_96] : memref<40x128xi32, #tpu.memory_space<vmem>> -> memref<1x128xi32, #tpu.memory_space<vmem>>
      %dma_wait3A_98 = tpu.memref_squeeze %dma_wait3A_97 : memref<1x128xi32, #tpu.memory_space<vmem>> -> memref<128xi32, #tpu.memory_space<vmem>>
      %dma_wait3A_99 = arith.constant 0 : i32
      %dma_wait3A_100 = arith.constant 0 : i32
      %dma_wait3A_101 = tpu.memref_slice %arg2[%dma_wait3A_99, %dma_wait3A_100] : memref<10000x128xf32, #tpu.memory_space<hbm>> -> memref<10000x128xf32, #tpu.memory_space<hbm>>
      tpu.wait_indirect_dma semaphore(%arg14 : memref<!tpu.dma_semaphore, #tpu.memory_space<semaphore_mem>>) src(%dma_wait3A_101 : memref<10000x128xf32, #tpu.memory_space<hbm>>) dst(%arg11 : memref<128x128xf32, #tpu.memory_space<vmem>>)
      "tpu.region"() ({
        %run_scoped3A = tpu.sem_alloc : memref<!tpu.dma_semaphore, #tpu.memory_space<semaphore_mem>>
        %dma_start3A = arith.constant 0 : i32
        %dma_start3A_123 = tpu.memref_slice %arg10[%mul3A_95, %dma_start3A] : memref<40x128xi32, #tpu.memory_space<vmem>> -> memref<1x128xi32, #tpu.memory_space<vmem>>
        %dma_start3A_124 = tpu.memref_squeeze %dma_start3A_123 : memref<1x128xi32, #tpu.memory_space<vmem>> -> memref<128xi32, #tpu.memory_space<vmem>>
        %dma_start3A_125 = arith.constant 0 : i32
        %dma_start3A_126 = arith.constant 0 : i32
        %dma_start3A_127 = tpu.memref_slice %arg13[%dma_start3A_125, %dma_start3A_126] : memref<10240x128xf32, #tpu.memory_space<vmem_shared>> -> memref<10240x128xf32, #tpu.memory_space<vmem_shared>>
        tpu.enqueue_indirect_dma source(%arg11 : memref<128x128xf32, #tpu.memory_space<vmem>>) target(%dma_start3A_127 : memref<10240x128xf32, #tpu.memory_space<vmem_shared>>) offsets(%dma_start3A_124 : memref<128xi32, #tpu.memory_space<vmem>>) semaphore(%run_scoped3A : memref<!tpu.dma_semaphore, #tpu.memory_space<semaphore_mem>>) {add = true}
        %dma_wait3A_128 = arith.constant 0 : i32
        %dma_wait3A_129 = tpu.memref_slice %arg10[%mul3A_95, %dma_wait3A_128] : memref<40x128xi32, #tpu.memory_space<vmem>> -> memref<1x128xi32, #tpu.memory_space<vmem>>
        %dma_wait3A_130 = tpu.memref_squeeze %dma_wait3A_129 : memref<1x128xi32, #tpu.memory_space<vmem>> -> memref<128xi32, #tpu.memory_space<vmem>>
        %dma_wait3A_131 = arith.constant 0 : i32
        %dma_wait3A_132 = arith.constant 0 : i32
        %dma_wait3A_133 = tpu.memref_slice %arg13[%dma_wait3A_131, %dma_wait3A_132] : memref<10240x128xf32, #tpu.memory_space<vmem_shared>> -> memref<10240x128xf32, #tpu.memory_space<vmem_shared>>
        tpu.wait_indirect_dma semaphore(%run_scoped3A : memref<!tpu.dma_semaphore, #tpu.memory_space<semaphore_mem>>) src(%arg11 : memref<128x128xf32, #tpu.memory_space<vmem>>) dst(%dma_wait3A_133 : memref<10240x128xf32, #tpu.memory_space<vmem_shared>>)
        tpu.yield
      }) : () -> ()
      %add3A_102 = arith.constant 1 : i32
      %add3A_103 = arith.addi %while3A_92, %add3A_102 : i32
      %lt3A = arith.cmpi slt, %add3A_103, %select_n3A_60 : i32
      %convert_element_type3A_104 = arith.extui %lt3A : i1 to i32
      %cond3A_105 = arith.constant 0 : i32
      %cond3A_106 = arith.cmpi ne, %convert_element_type3A_104, %cond3A_105 : i32
      scf.if %cond3A_106 {
        %add3A_123 = arith.constant 2 : i32
        %add3A_124 = arith.addi %mul3A_95, %add3A_123 : i32
        %dma_start3A = arith.constant 0 : i32
        %dma_start3A_125 = tpu.memref_slice %arg9[%add3A_124, %dma_start3A] : memref<40x128xi32, #tpu.memory_space<vmem>> -> memref<1x128xi32, #tpu.memory_space<vmem>>
        %dma_start3A_126 = tpu.memref_squeeze %dma_start3A_125 : memref<1x128xi32, #tpu.memory_space<vmem>> -> memref<128xi32, #tpu.memory_space<vmem>>
        %dma_start3A_127 = arith.constant 0 : i32
        %dma_start3A_128 = arith.constant 0 : i32
        %dma_start3A_129 = tpu.memref_slice %arg2[%dma_start3A_127, %dma_start3A_128] : memref<10000x128xf32, #tpu.memory_space<hbm>> -> memref<10000x128xf32, #tpu.memory_space<hbm>>
        tpu.enqueue_indirect_dma source(%dma_start3A_129 : memref<10000x128xf32, #tpu.memory_space<hbm>>) target(%arg11 : memref<128x128xf32, #tpu.memory_space<vmem>>) offsets(%dma_start3A_126 : memref<128xi32, #tpu.memory_space<vmem>>) semaphore(%arg14 : memref<!tpu.dma_semaphore, #tpu.memory_space<semaphore_mem>>)
      } else {
      }
      %dma_wait3A_107 = arith.constant 0 : i32
      %dma_wait3A_108 = arith.constant 0 : i32
      %dma_wait3A_109 = tpu.memref_slice %arg9[%dma_wait3A_107, %dma_wait3A_108] : memref<40x128xi32, #tpu.memory_space<vmem>> -> memref<1x128xi32, #tpu.memory_space<vmem>>
      %dma_wait3A_110 = tpu.memref_squeeze %dma_wait3A_109 : memref<1x128xi32, #tpu.memory_space<vmem>> -> memref<128xi32, #tpu.memory_space<vmem>>
      %dma_wait3A_111 = arith.constant 0 : i32
      %dma_wait3A_112 = arith.constant 0 : i32
      %dma_wait3A_113 = tpu.memref_slice %arg2[%dma_wait3A_111, %dma_wait3A_112] : memref<10000x128xf32, #tpu.memory_space<hbm>> -> memref<10000x128xf32, #tpu.memory_space<hbm>>
      tpu.wait_indirect_dma semaphore(%arg15 : memref<!tpu.dma_semaphore, #tpu.memory_space<semaphore_mem>>) src(%dma_wait3A_113 : memref<10000x128xf32, #tpu.memory_space<hbm>>) dst(%arg12 : memref<128x128xf32, #tpu.memory_space<vmem>>)
      %add3A_114 = arith.constant 1 : i32
      %add3A_115 = arith.addi %mul3A_95, %add3A_114 : i32
      "tpu.region"() ({
        %run_scoped3A = tpu.sem_alloc : memref<!tpu.dma_semaphore, #tpu.memory_space<semaphore_mem>>
        %dma_start3A = arith.constant 0 : i32
        %dma_start3A_123 = tpu.memref_slice %arg10[%add3A_115, %dma_start3A] : memref<40x128xi32, #tpu.memory_space<vmem>> -> memref<1x128xi32, #tpu.memory_space<vmem>>
        %dma_start3A_124 = tpu.memref_squeeze %dma_start3A_123 : memref<1x128xi32, #tpu.memory_space<vmem>> -> memref<128xi32, #tpu.memory_space<vmem>>
        %dma_start3A_125 = arith.constant 0 : i32
        %dma_start3A_126 = arith.constant 0 : i32
        %dma_start3A_127 = tpu.memref_slice %arg13[%dma_start3A_125, %dma_start3A_126] : memref<10240x128xf32, #tpu.memory_space<vmem_shared>> -> memref<10240x128xf32, #tpu.memory_space<vmem_shared>>
        tpu.enqueue_indirect_dma source(%arg12 : memref<128x128xf32, #tpu.memory_space<vmem>>) target(%dma_start3A_127 : memref<10240x128xf32, #tpu.memory_space<vmem_shared>>) offsets(%dma_start3A_124 : memref<128xi32, #tpu.memory_space<vmem>>) semaphore(%run_scoped3A : memref<!tpu.dma_semaphore, #tpu.memory_space<semaphore_mem>>) {add = true}
        %dma_wait3A_128 = arith.constant 0 : i32
        %dma_wait3A_129 = tpu.memref_slice %arg10[%add3A_115, %dma_wait3A_128] : memref<40x128xi32, #tpu.memory_space<vmem>> -> memref<1x128xi32, #tpu.memory_space<vmem>>
        %dma_wait3A_130 = tpu.memref_squeeze %dma_wait3A_129 : memref<1x128xi32, #tpu.memory_space<vmem>> -> memref<128xi32, #tpu.memory_space<vmem>>
        %dma_wait3A_131 = arith.constant 0 : i32
        %dma_wait3A_132 = arith.constant 0 : i32
        %dma_wait3A_133 = tpu.memref_slice %arg13[%dma_wait3A_131, %dma_wait3A_132] : memref<10240x128xf32, #tpu.memory_space<vmem_shared>> -> memref<10240x128xf32, #tpu.memory_space<vmem_shared>>
        tpu.wait_indirect_dma semaphore(%run_scoped3A : memref<!tpu.dma_semaphore, #tpu.memory_space<semaphore_mem>>) src(%arg12 : memref<128x128xf32, #tpu.memory_space<vmem>>) dst(%dma_wait3A_133 : memref<10240x128xf32, #tpu.memory_space<vmem_shared>>)
        tpu.yield
      }) : () -> ()
      %add3A_116 = arith.constant 1 : i32
      %add3A_117 = arith.addi %while3A_92, %add3A_116 : i32
      %lt3A_118 = arith.cmpi slt, %add3A_117, %select_n3A_60 : i32
      %convert_element_type3A_119 = arith.extui %lt3A_118 : i1 to i32
      %cond3A_120 = arith.constant 0 : i32
      %cond3A_121 = arith.cmpi ne, %convert_element_type3A_119, %cond3A_120 : i32
      scf.if %cond3A_121 {
        %add3A_123 = arith.constant 3 : i32
        %add3A_124 = arith.addi %mul3A_95, %add3A_123 : i32
        %dma_start3A = arith.constant 0 : i32
        %dma_start3A_125 = tpu.memref_slice %arg9[%add3A_124, %dma_start3A] : memref<40x128xi32, #tpu.memory_space<vmem>> -> memref<1x128xi32, #tpu.memory_space<vmem>>
        %dma_start3A_126 = tpu.memref_squeeze %dma_start3A_125 : memref<1x128xi32, #tpu.memory_space<vmem>> -> memref<128xi32, #tpu.memory_space<vmem>>
        %dma_start3A_127 = arith.constant 0 : i32
        %dma_start3A_128 = arith.constant 0 : i32
        %dma_start3A_129 = tpu.memref_slice %arg2[%dma_start3A_127, %dma_start3A_128] : memref<10000x128xf32, #tpu.memory_space<hbm>> -> memref<10000x128xf32, #tpu.memory_space<hbm>>
        tpu.enqueue_indirect_dma source(%dma_start3A_129 : memref<10000x128xf32, #tpu.memory_space<hbm>>) target(%arg12 : memref<128x128xf32, #tpu.memory_space<vmem>>) offsets(%dma_start3A_126 : memref<128xi32, #tpu.memory_space<vmem>>) semaphore(%arg15 : memref<!tpu.dma_semaphore, #tpu.memory_space<semaphore_mem>>)
      } else {
      }
      %while3A_122 = arith.constant 0 : i32
      scf.yield %while3A_122 : i32
    }
    %barrier3A_81 = arith.constant 0 : index
    tpu.barrier barrier_id(%barrier3A_81)
    %eq3A_82 = arith.constant 0 : i32
    %eq3A_83 = arith.cmpi eq, %arg0, %eq3A_82 : i32
    %convert_element_type3A_84 = arith.extui %eq3A_83 : i1 to i32
    %cond3A_85 = arith.constant 0 : i32
    %cond3A_86 = arith.cmpi ne, %convert_element_type3A_84, %cond3A_85 : i32
    scf.if %cond3A_86 {
      %mul3A_92 = arith.constant 640 : i32
      %mul3A_93 = arith.muli %arg1, %mul3A_92 : i32
      %mul3A_94 = arith.constant 640 : i32
      %mul3A_95 = arith.muli %arg1, %mul3A_94 : i32
      "tpu.region"() ({
        %run_scoped3A = tpu.sem_alloc : memref<!tpu.dma_semaphore, #tpu.memory_space<semaphore_mem>>
        %dma_start3A = arith.constant 0 : i32
        %dma_start3A_96 = tpu.memref_slice %arg7[%mul3A_95, %dma_start3A] : memref<10240x128xf32, #tpu.memory_space<hbm>> -> memref<640x128xf32, #tpu.memory_space<hbm>>
        %dma_start3A_97 = arith.constant 0 : i32
        %dma_start3A_98 = tpu.memref_slice %arg13[%mul3A_93, %dma_start3A_97] : memref<10240x128xf32, #tpu.memory_space<vmem_shared>> -> memref<640x128xf32, #tpu.memory_space<vmem_shared>>
        tpu.enqueue_dma source(%dma_start3A_98 : memref<640x128xf32, #tpu.memory_space<vmem_shared>>) target(%dma_start3A_96 : memref<640x128xf32, #tpu.memory_space<hbm>>) target_semaphore(%run_scoped3A : memref<!tpu.dma_semaphore, #tpu.memory_space<semaphore_mem>>)
        %dma_wait3A = arith.constant 0 : i32
        %dma_wait3A_99 = tpu.memref_slice %arg7[%mul3A_95, %dma_wait3A] : memref<10240x128xf32, #tpu.memory_space<hbm>> -> memref<640x128xf32, #tpu.memory_space<hbm>>
        %dma_wait3A_100 = arith.constant 0 : i32
        %dma_wait3A_101 = tpu.memref_slice %arg13[%mul3A_93, %dma_wait3A_100] : memref<10240x128xf32, #tpu.memory_space<vmem_shared>> -> memref<640x128xf32, #tpu.memory_space<vmem_shared>>
        tpu.wait_dma2 semaphore(%run_scoped3A : memref<!tpu.dma_semaphore, #tpu.memory_space<semaphore_mem>>) src(%dma_wait3A_101 : memref<640x128xf32, #tpu.memory_space<vmem_shared>>) dst(%dma_wait3A_99 : memref<640x128xf32, #tpu.memory_space<hbm>>)
        tpu.yield
      }) : () -> ()
    } else {
    }
    %eq3A_87 = arith.constant 1 : i32
    %eq3A_88 = arith.cmpi eq, %arg0, %eq3A_87 : i32
    %convert_element_type3A_89 = arith.extui %eq3A_88 : i1 to i32
    %cond3A_90 = arith.constant 0 : i32
    %cond3A_91 = arith.cmpi ne, %convert_element_type3A_89, %cond3A_90 : i32
    scf.if %cond3A_91 {
      %mul3A_92 = arith.constant 640 : i32
      %mul3A_93 = arith.muli %arg1, %mul3A_92 : i32
      %mul3A_94 = arith.constant 640 : i32
      %mul3A_95 = arith.muli %arg1, %mul3A_94 : i32
      "tpu.region"() ({
        %run_scoped3A = tpu.sem_alloc : memref<!tpu.dma_semaphore, #tpu.memory_space<semaphore_mem>>
        %dma_start3A = arith.constant 0 : i32
        %dma_start3A_96 = tpu.memref_slice %arg8[%mul3A_95, %dma_start3A] : memref<10240x128xf32, #tpu.memory_space<hbm>> -> memref<640x128xf32, #tpu.memory_space<hbm>>
        %dma_start3A_97 = arith.constant 0 : i32
        %dma_start3A_98 = tpu.memref_slice %arg13[%mul3A_93, %dma_start3A_97] : memref<10240x128xf32, #tpu.memory_space<vmem_shared>> -> memref<640x128xf32, #tpu.memory_space<vmem_shared>>
        tpu.enqueue_dma source(%dma_start3A_98 : memref<640x128xf32, #tpu.memory_space<vmem_shared>>) target(%dma_start3A_96 : memref<640x128xf32, #tpu.memory_space<hbm>>) target_semaphore(%run_scoped3A : memref<!tpu.dma_semaphore, #tpu.memory_space<semaphore_mem>>)
        %dma_wait3A = arith.constant 0 : i32
        %dma_wait3A_99 = tpu.memref_slice %arg8[%mul3A_95, %dma_wait3A] : memref<10240x128xf32, #tpu.memory_space<hbm>> -> memref<640x128xf32, #tpu.memory_space<hbm>>
        %dma_wait3A_100 = arith.constant 0 : i32
        %dma_wait3A_101 = tpu.memref_slice %arg13[%mul3A_93, %dma_wait3A_100] : memref<10240x128xf32, #tpu.memory_space<vmem_shared>> -> memref<640x128xf32, #tpu.memory_space<vmem_shared>>
        tpu.wait_dma2 semaphore(%run_scoped3A : memref<!tpu.dma_semaphore, #tpu.memory_space<semaphore_mem>>) src(%dma_wait3A_101 : memref<640x128xf32, #tpu.memory_space<vmem_shared>>) dst(%dma_wait3A_99 : memref<640x128xf32, #tpu.memory_space<hbm>>)
        tpu.yield
      }) : () -> ()
    } else {
    }
    return
  }
}

module attributes {stable_mosaic.version = 14 : i64} {
  func.func @_mm_first_body(%arg0: i32, %arg1: memref<2000x128xf32, #tpu.memory_space<vmem>>, %arg2: memref<128x128xf32, #tpu.memory_space<vmem>>, %arg3: memref<2000x1xf32, #tpu.memory_space<vmem>>, %arg4: memref<2000x1xf32, #tpu.memory_space<vmem>>, %arg5: memref<2000x128xf32, #tpu.memory_space<vmem>>) attributes {dimension_semantics = [#tpu.dimension_semantics<arbitrary>], iteration_bounds = array<i64: 5>, scalar_prefetch = 0 : i64, scratch_operands = 0 : i64, tpu.core_type = #tpu.core_type<tc>, window_params = [{transform_indices = @transform_0, window_bounds = array<i64: 2000, 128>}, {pipeline_mode = #tpu.pipeline_mode<synchronous>, transform_indices = @transform_1, window_bounds = array<i64: 128, 128>}, {transform_indices = @transform_2, window_bounds = array<i64: 2000, 1>}, {transform_indices = @transform_3, window_bounds = array<i64: 2000, 1>}, {transform_indices = @transform_4, window_bounds = array<i64: 2000, 128>}]} {
    %get3A = arith.constant 0 : index
    %get3A_0 = arith.constant 0 : index
    %get3A_1 = vector.load %arg3[%get3A, %get3A_0] : memref<2000x1xf32, #tpu.memory_space<vmem>>, vector<2000x1xf32>
    %add3A = arith.constant 1.000000e+00 : f32
    %add3A_2 = vector.broadcast %add3A : f32 to vector<2000x1xf32>
    %add3A_3 = arith.addf %add3A_2, %get3A_1 : vector<2000x1xf32>
    %get3A_4 = arith.constant 0 : index
    %get3A_5 = arith.constant 0 : index
    %get3A_6 = vector.load %arg4[%get3A_4, %get3A_5] : memref<2000x1xf32, #tpu.memory_space<vmem>>, vector<2000x1xf32>
    %add3A_7 = arith.addf %add3A_3, %get3A_6 : vector<2000x1xf32>
    %rsqrt3A = math.rsqrt %add3A_7 : vector<2000x1xf32>
    %get3A_8 = arith.constant 0 : index
    %get3A_9 = arith.constant 0 : index
    %get3A_10 = vector.load %arg1[%get3A_8, %get3A_9] : memref<2000x128xf32, #tpu.memory_space<vmem>>, vector<2000x128xf32>
    %get3A_11 = arith.constant 0 : index
    %get3A_12 = arith.constant 0 : index
    %get3A_13 = vector.load %arg2[%get3A_11, %get3A_12] : memref<128x128xf32, #tpu.memory_space<vmem>>, vector<128x128xf32>
    %dot_general3A = arith.constant dense<0.000000e+00> : vector<2000x128xf32>
    %dot_general3A_14 = tpu.matmul %get3A_10, %get3A_13, %dot_general3A {dimension_numbers = #tpu.dot_dimension_numbers<[1], [0], [0], [1], [0, 0, 1, 1], [], []>, transpose_lhs_hint = false} : vector<2000x128xf32>, vector<128x128xf32>, vector<2000x128xf32> -> vector<2000x128xf32>
    %mul3A = vector.broadcast %rsqrt3A : vector<2000x1xf32> to vector<2000x128xf32>
    %mul3A_15 = arith.mulf %dot_general3A_14, %mul3A : vector<2000x128xf32>
    %swap3A = arith.constant 0 : index
    %swap3A_16 = arith.constant 0 : index
    %swap3A_17 = vector.load %arg5[%swap3A, %swap3A_16] : memref<2000x128xf32, #tpu.memory_space<vmem>>, vector<2000x128xf32>
    tpu.vector_store %arg5[%swap3A, %swap3A_16], %mul3A_15 {strides = array<i32>} : memref<2000x128xf32, #tpu.memory_space<vmem>>, vector<2000x128xf32>,
    return
  }
  func.func @transform_0(%arg0: i32) -> (i32, i32) {
    %c0_i32 = arith.constant 0 : i32
    %c0_i32_0 = arith.constant 0 : i32
    return %arg0, %c0_i32 : i32, i32
  }
  func.func @transform_1(%arg0: i32) -> (i32, i32) {
    %c0_i32 = arith.constant 0 : i32
    %c0_i32_0 = arith.constant 0 : i32
    %c0_i32_1 = arith.constant 0 : i32
    return %c0_i32, %c0_i32_0 : i32, i32
  }
  func.func @transform_2(%arg0: i32) -> (i32, i32) {
    %c0_i32 = arith.constant 0 : i32
    %c0_i32_0 = arith.constant 0 : i32
    return %arg0, %c0_i32 : i32, i32
  }
  func.func @transform_3(%arg0: i32) -> (i32, i32) {
    %c0_i32 = arith.constant 0 : i32
    %c0_i32_0 = arith.constant 0 : i32
    return %arg0, %c0_i32 : i32, i32
  }
  func.func @transform_4(%arg0: i32) -> (i32, i32) {
    %c0_i32 = arith.constant 0 : i32
    %c0_i32_0 = arith.constant 0 : i32
    return %arg0, %c0_i32 : i32, i32
  }
}

module attributes {stable_mosaic.version = 14 : i64} {
  func.func @_mm_mid_body(%arg0: i32, %arg1: memref<2000x128xf32, #tpu.memory_space<vmem>>, %arg2: memref<2000x128xf32, #tpu.memory_space<vmem>>, %arg3: memref<2000x128xf32, #tpu.memory_space<vmem>>, %arg4: memref<2000x1xf32, #tpu.memory_space<vmem>>, %arg5: memref<2000x1xf32, #tpu.memory_space<vmem>>, %arg6: memref<1x128xf32, #tpu.memory_space<vmem>>, %arg7: memref<128x128xf32, #tpu.memory_space<vmem>>, %arg8: memref<2000x128xf32, #tpu.memory_space<vmem>>) attributes {dimension_semantics = [#tpu.dimension_semantics<arbitrary>], iteration_bounds = array<i64: 5>, scalar_prefetch = 0 : i64, scratch_operands = 0 : i64, tpu.core_type = #tpu.core_type<tc>, window_params = [{transform_indices = @transform_0, window_bounds = array<i64: 2000, 128>}, {transform_indices = @transform_1, window_bounds = array<i64: 2000, 128>}, {transform_indices = @transform_2, window_bounds = array<i64: 2000, 128>}, {transform_indices = @transform_3, window_bounds = array<i64: 2000, 1>}, {transform_indices = @transform_4, window_bounds = array<i64: 2000, 1>}, {pipeline_mode = #tpu.pipeline_mode<synchronous>, transform_indices = @transform_5, window_bounds = array<i64: 1, 128>}, {pipeline_mode = #tpu.pipeline_mode<synchronous>, transform_indices = @transform_6, window_bounds = array<i64: 128, 128>}, {transform_indices = @transform_7, window_bounds = array<i64: 2000, 128>}]} {
    %get3A = arith.constant 0 : index
    %get3A_0 = arith.constant 0 : index
    %get3A_1 = vector.load %arg4[%get3A, %get3A_0] : memref<2000x1xf32, #tpu.memory_space<vmem>>, vector<2000x1xf32>
    %add3A = arith.constant 1.000000e+00 : f32
    %add3A_2 = vector.broadcast %add3A : f32 to vector<2000x1xf32>
    %add3A_3 = arith.addf %add3A_2, %get3A_1 : vector<2000x1xf32>
    %get3A_4 = arith.constant 0 : index
    %get3A_5 = arith.constant 0 : index
    %get3A_6 = vector.load %arg5[%get3A_4, %get3A_5] : memref<2000x1xf32, #tpu.memory_space<vmem>>, vector<2000x1xf32>
    %add3A_7 = arith.addf %add3A_3, %get3A_6 : vector<2000x1xf32>
    %rsqrt3A = math.rsqrt %add3A_7 : vector<2000x1xf32>
    %get3A_8 = arith.constant 0 : index
    %get3A_9 = arith.constant 0 : index
    %get3A_10 = vector.load %arg1[%get3A_8, %get3A_9] : memref<2000x128xf32, #tpu.memory_space<vmem>>, vector<2000x128xf32>
    %get3A_11 = arith.constant 0 : index
    %get3A_12 = arith.constant 0 : index
    %get3A_13 = vector.load %arg2[%get3A_11, %get3A_12] : memref<2000x128xf32, #tpu.memory_space<vmem>>, vector<2000x128xf32>
    %add3A_14 = arith.addf %get3A_10, %get3A_13 : vector<2000x128xf32>
    %get3A_15 = arith.constant 0 : index
    %get3A_16 = arith.constant 0 : index
    %get3A_17 = vector.load %arg3[%get3A_15, %get3A_16] : memref<2000x128xf32, #tpu.memory_space<vmem>>, vector<2000x128xf32>
    %add3A_18 = arith.addf %add3A_14, %get3A_17 : vector<2000x128xf32>
    %mul3A = vector.broadcast %rsqrt3A : vector<2000x1xf32> to vector<2000x128xf32>
    %mul3A_19 = arith.mulf %add3A_18, %mul3A : vector<2000x128xf32>
    %get3A_20 = arith.constant 0 : index
    %get3A_21 = arith.constant 0 : index
    %get3A_22 = vector.load %arg6[%get3A_20, %get3A_21] : memref<1x128xf32, #tpu.memory_space<vmem>>, vector<1x128xf32>
    %add3A_23 = vector.broadcast %get3A_22 : vector<1x128xf32> to vector<2000x128xf32>
    %add3A_24 = arith.addf %mul3A_19, %add3A_23 : vector<2000x128xf32>
    %max3A = arith.constant 0.000000e+00 : f32
    %max3A_25 = vector.broadcast %max3A : f32 to vector<2000x128xf32>
    %max3A_26 = arith.maximumf %add3A_24, %max3A_25 : vector<2000x128xf32>
    %get3A_27 = arith.constant 0 : index
    %get3A_28 = arith.constant 0 : index
    %get3A_29 = vector.load %arg7[%get3A_27, %get3A_28] : memref<128x128xf32, #tpu.memory_space<vmem>>, vector<128x128xf32>
    %dot_general3A = arith.constant dense<0.000000e+00> : vector<2000x128xf32>
    %dot_general3A_30 = tpu.matmul %max3A_26, %get3A_29, %dot_general3A {dimension_numbers = #tpu.dot_dimension_numbers<[1], [0], [0], [1], [0, 0, 1, 1], [], []>, transpose_lhs_hint = false} : vector<2000x128xf32>, vector<128x128xf32>, vector<2000x128xf32> -> vector<2000x128xf32>
    %mul3A_31 = vector.broadcast %rsqrt3A : vector<2000x1xf32> to vector<2000x128xf32>
    %mul3A_32 = arith.mulf %dot_general3A_30, %mul3A_31 : vector<2000x128xf32>
    %swap3A = arith.constant 0 : index
    %swap3A_33 = arith.constant 0 : index
    %swap3A_34 = vector.load %arg8[%swap3A, %swap3A_33] : memref<2000x128xf32, #tpu.memory_space<vmem>>, vector<2000x128xf32>
    tpu.vector_store %arg8[%swap3A, %swap3A_33], %mul3A_32 {strides = array<i32>} : memref<2000x128xf32, #tpu.memory_space<vmem>>, vector<2000x128xf32>,
    return
  }
  func.func @transform_0(%arg0: i32) -> (i32, i32) {
    %c0_i32 = arith.constant 0 : i32
    %c0_i32_0 = arith.constant 0 : i32
    return %arg0, %c0_i32 : i32, i32
  }
  func.func @transform_1(%arg0: i32) -> (i32, i32) {
    %c0_i32 = arith.constant 0 : i32
    %c0_i32_0 = arith.constant 0 : i32
    return %arg0, %c0_i32 : i32, i32
  }
  func.func @transform_2(%arg0: i32) -> (i32, i32) {
    %c0_i32 = arith.constant 0 : i32
    %c0_i32_0 = arith.constant 0 : i32
    return %arg0, %c0_i32 : i32, i32
  }
  func.func @transform_3(%arg0: i32) -> (i32, i32) {
    %c0_i32 = arith.constant 0 : i32
    %c0_i32_0 = arith.constant 0 : i32
    return %arg0, %c0_i32 : i32, i32
  }
  func.func @transform_4(%arg0: i32) -> (i32, i32) {
    %c0_i32 = arith.constant 0 : i32
    %c0_i32_0 = arith.constant 0 : i32
    return %arg0, %c0_i32 : i32, i32
  }
  func.func @transform_5(%arg0: i32) -> (i32, i32) {
    %c0_i32 = arith.constant 0 : i32
    %c0_i32_0 = arith.constant 0 : i32
    %c0_i32_1 = arith.constant 0 : i32
    return %c0_i32, %c0_i32_0 : i32, i32
  }
  func.func @transform_6(%arg0: i32) -> (i32, i32) {
    %c0_i32 = arith.constant 0 : i32
    %c0_i32_0 = arith.constant 0 : i32
    %c0_i32_1 = arith.constant 0 : i32
    return %c0_i32, %c0_i32_0 : i32, i32
  }
  func.func @transform_7(%arg0: i32) -> (i32, i32) {
    %c0_i32 = arith.constant 0 : i32
    %c0_i32_0 = arith.constant 0 : i32
    return %arg0, %c0_i32 : i32, i32
  }
}

module attributes {stable_mosaic.version = 14 : i64} {
  func.func @_final_body(%arg0: i32, %arg1: memref<2000x128xf32, #tpu.memory_space<vmem>>, %arg2: memref<2000x128xf32, #tpu.memory_space<vmem>>, %arg3: memref<2000x128xf32, #tpu.memory_space<vmem>>, %arg4: memref<2000x1xf32, #tpu.memory_space<vmem>>, %arg5: memref<2000x1xf32, #tpu.memory_space<vmem>>, %arg6: memref<1x128xf32, #tpu.memory_space<vmem>>, %arg7: memref<2000x128xf32, #tpu.memory_space<vmem>>) attributes {dimension_semantics = [#tpu.dimension_semantics<arbitrary>], iteration_bounds = array<i64: 5>, scalar_prefetch = 0 : i64, scratch_operands = 0 : i64, tpu.core_type = #tpu.core_type<tc>, window_params = [{transform_indices = @transform_0, window_bounds = array<i64: 2000, 128>}, {transform_indices = @transform_1, window_bounds = array<i64: 2000, 128>}, {transform_indices = @transform_2, window_bounds = array<i64: 2000, 128>}, {transform_indices = @transform_3, window_bounds = array<i64: 2000, 1>}, {transform_indices = @transform_4, window_bounds = array<i64: 2000, 1>}, {pipeline_mode = #tpu.pipeline_mode<synchronous>, transform_indices = @transform_5, window_bounds = array<i64: 1, 128>}, {transform_indices = @transform_6, window_bounds = array<i64: 2000, 128>}]} {
    %get3A = arith.constant 0 : index
    %get3A_0 = arith.constant 0 : index
    %get3A_1 = vector.load %arg4[%get3A, %get3A_0] : memref<2000x1xf32, #tpu.memory_space<vmem>>, vector<2000x1xf32>
    %add3A = arith.constant 1.000000e+00 : f32
    %add3A_2 = vector.broadcast %add3A : f32 to vector<2000x1xf32>
    %add3A_3 = arith.addf %add3A_2, %get3A_1 : vector<2000x1xf32>
    %get3A_4 = arith.constant 0 : index
    %get3A_5 = arith.constant 0 : index
    %get3A_6 = vector.load %arg5[%get3A_4, %get3A_5] : memref<2000x1xf32, #tpu.memory_space<vmem>>, vector<2000x1xf32>
    %add3A_7 = arith.addf %add3A_3, %get3A_6 : vector<2000x1xf32>
    %rsqrt3A = math.rsqrt %add3A_7 : vector<2000x1xf32>
    %get3A_8 = arith.constant 0 : index
    %get3A_9 = arith.constant 0 : index
    %get3A_10 = vector.load %arg1[%get3A_8, %get3A_9] : memref<2000x128xf32, #tpu.memory_space<vmem>>, vector<2000x128xf32>
    %get3A_11 = arith.constant 0 : index
    %get3A_12 = arith.constant 0 : index
    %get3A_13 = vector.load %arg2[%get3A_11, %get3A_12] : memref<2000x128xf32, #tpu.memory_space<vmem>>, vector<2000x128xf32>
    %add3A_14 = arith.addf %get3A_10, %get3A_13 : vector<2000x128xf32>
    %get3A_15 = arith.constant 0 : index
    %get3A_16 = arith.constant 0 : index
    %get3A_17 = vector.load %arg3[%get3A_15, %get3A_16] : memref<2000x128xf32, #tpu.memory_space<vmem>>, vector<2000x128xf32>
    %add3A_18 = arith.addf %add3A_14, %get3A_17 : vector<2000x128xf32>
    %mul3A = vector.broadcast %rsqrt3A : vector<2000x1xf32> to vector<2000x128xf32>
    %mul3A_19 = arith.mulf %add3A_18, %mul3A : vector<2000x128xf32>
    %get3A_20 = arith.constant 0 : index
    %get3A_21 = arith.constant 0 : index
    %get3A_22 = vector.load %arg6[%get3A_20, %get3A_21] : memref<1x128xf32, #tpu.memory_space<vmem>>, vector<1x128xf32>
    %add3A_23 = vector.broadcast %get3A_22 : vector<1x128xf32> to vector<2000x128xf32>
    %add3A_24 = arith.addf %mul3A_19, %add3A_23 : vector<2000x128xf32>
    %max3A = arith.constant 0.000000e+00 : f32
    %max3A_25 = vector.broadcast %max3A : f32 to vector<2000x128xf32>
    %max3A_26 = arith.maximumf %add3A_24, %max3A_25 : vector<2000x128xf32>
    %swap3A = arith.constant 0 : index
    %swap3A_27 = arith.constant 0 : index
    %swap3A_28 = vector.load %arg7[%swap3A, %swap3A_27] : memref<2000x128xf32, #tpu.memory_space<vmem>>, vector<2000x128xf32>
    tpu.vector_store %arg7[%swap3A, %swap3A_27], %max3A_26 {strides = array<i32>} : memref<2000x128xf32, #tpu.memory_space<vmem>>, vector<2000x128xf32>,
    return
  }
  func.func @transform_0(%arg0: i32) -> (i32, i32) {
    %c0_i32 = arith.constant 0 : i32
    %c0_i32_0 = arith.constant 0 : i32
    return %arg0, %c0_i32 : i32, i32
  }
  func.func @transform_1(%arg0: i32) -> (i32, i32) {
    %c0_i32 = arith.constant 0 : i32
    %c0_i32_0 = arith.constant 0 : i32
    return %arg0, %c0_i32 : i32, i32
  }
  func.func @transform_2(%arg0: i32) -> (i32, i32) {
    %c0_i32 = arith.constant 0 : i32
    %c0_i32_0 = arith.constant 0 : i32
    return %arg0, %c0_i32 : i32, i32
  }
  func.func @transform_3(%arg0: i32) -> (i32, i32) {
    %c0_i32 = arith.constant 0 : i32
    %c0_i32_0 = arith.constant 0 : i32
    return %arg0, %c0_i32 : i32, i32
  }
  func.func @transform_4(%arg0: i32) -> (i32, i32) {
    %c0_i32 = arith.constant 0 : i32
    %c0_i32_0 = arith.constant 0 : i32
    return %arg0, %c0_i32 : i32, i32
  }
  func.func @transform_5(%arg0: i32) -> (i32, i32) {
    %c0_i32 = arith.constant 0 : i32
    %c0_i32_0 = arith.constant 0 : i32
    %c0_i32_1 = arith.constant 0 : i32
    return %c0_i32, %c0_i32_0 : i32, i32
  }
  func.func @transform_6(%arg0: i32) -> (i32, i32) {
    %c0_i32 = arith.constant 0 : i32
    %c0_i32_0 = arith.constant 0 : i32
    return %arg0, %c0_i32 : i32, i32
  }
}

</mosaic_0001>

<sc_bundles>
// kernel: kernel.10.cloned.1.call-start
scs
__scs_entry_jumppad:
0x0: {  	(pc) =	sbr.rel $0x88, $3  }
0x1: {  	(tag) =	ssettag $0x0;
	lr =	simm.s32 $0x1  }
0x2: {  	[smem:$0x3F99] =	sst lr;
	_ =	strace $0xD0000000  }
0x3: {  	_ = 	snop  }
0x4: {  	_ = 	snop  }
0x5: {  	_ = 	snop  }
0x6: {  	_ = 	snop  }
0x7: {  	_ = 	snop  }
__scs_overlays_trampoline_lowered:
0x8: {  	[smem:$0x3FA8] =	sst s0  }
0x9: {  	[smem:$0x3FA9] =	sst s1  }
0xa: {  	[smem:$0x3FAA] =	sst s2  }
0xb: {  	[smem:$0x3FAB] =	sst s3  }
0xc: {  	[smem:$0x3FAC] =	sst s4  }
0xd: {  	[smem:$0x3FAD] =	sst s5  }
0xe: {  	[smem:$0x3FAE] =	sst s6  }
0xf: {  	[smem:$0x3FAF] =	sst s7  }
0x10: {  	[smem:$0x3FB0] =	sst s8  }
0x11: {  	[smem:$0x3FB1] =	sst s9;
	s0 =	simm.s32 @!p0 $0x0  }
0x12: {  	s1 =	sld [smem:$0x3F97];
	s0 =	simm.s32 @p0 $0x1  }
0x13: {  	[smem:$0x3FB2] =	sst s0;
	s0 =	simm.s32 @!p1 $0x0  }
0x14: {  	s2 =	sld [smem:$0x3F96];
	s0 =	simm.s32 @p1 $0x1  }
0x15: {  	[smem:$0x3FB3] =	sst s0;
	s0 =	simm.s32 @!p2 $0x0  }
0x16: {  	s3 =	sld [smem:$0x3FDB];
	s0 =	simm.s32 @p2 $0x1  }
0x17: {  	s4 =	simm.s32 $0x1BF5;
	[smem:$0x3FB5] =	sst s0  }
0x18: {  	s0 =	sld [smem:$0x3F98];
	_ =	swait.ge [sflag:s4], $0x0  }
0x19: {  	s7 =	sld [smem:$0x3F99]  }
0x1a: {  	s8 =	sadd.s32 $0xFFFFE003, lr  }
0x1b: {  	s9 =	sadd.s32 $0xFFFFFEF7, lr;
	s5 =	simm.s32 $0xFFFFFFFF;
	p2 =	slt.u32 s8, $0xFFFFF086  }
0x1c: {  	p1 =	slt.u32 s9, $0xF7A;
	s5 =	simm.s32 @!p2 $0x0  }
0x1d: {  	s5 =	simm.s32 @p1 $0x1;
	p0 =	seq.s32 s7, s2  }
0x1e: {  	s7 =	smul.u32 @!p0 $0xF7A, s2;
	p2 =	seq.s32 @!p0 s5, $0x0  }
0x1f: {  	s9 =	smul.u32 $0xF7A, s1;
	s8 =	simm.s32 @!p0 $0x1BF5;
	p2 =	por !p2, p0  }
0x20: {  	[sflag:s8] =	ssyncset.s32 @!p0 $0xFFFFF086;
	s6 =	sadd.s32 @!p0 s3, s7;
	s7 =	simm.s32 @!p0 $0x108  }
0x21: {  	s3 =	sadd.s32 s3, s9;
	s6 =	sadd.s32 @!p0 $0x88, s6;
	s7 =	simm.s32 @p2 $0x1082  }
0x22: {  	[simem:s7], [sflag:s8] =	dma.local @!p0 [hbm:s6], $0xF7A  }
0x23: {  	s9 =	sor.u32 $0xD0000000, s2;
	s6 =	simm.s32 $0x108;
	_ =	swait.ge @!p0 [sflag:s8], $0x0  }
0x24: {  	s3 =	sadd.s32 $0x88, s3;
	s6 =	simm.s32 @!p1 $0x1082;
	[sflag:s4] =	ssyncset.s32 $0xFFFFF086  }
0x25: {  	[simem:s6], [sflag:s4] =	dma.local [hbm:s3], $0xF7A  }
0x26: {  	[smem:$0x3F99] =	sst s1;
	(tag) =	ssettag s2;
	_ =	strace s9  }
0x27: {  	s1 =	sld [smem:$0x3FA9]  }
0x28: {  	s2 =	sld [smem:$0x3FAA]  }
0x29: {  	s4 =	sld [smem:$0x3FAC]  }
0x2a: {  	p0 =	seq.s32 s5, $0x0;
	s5 =	sld [smem:$0x3FAD]  }
0x2b: {  	s6 =	sld [smem:$0x3FAE]  }
0x2c: {  	s7 =	sld [smem:$0x3FAF]  }
0x2d: {  	s3 =	simm.s32 $0x108;
	s8 =	sld [smem:$0x3FB0]  }
0x2e: {  	s3 =	simm.s32 @!p0 $0x1082;
	s9 =	sld [smem:$0x3FB1]  }
0x2f: {  	lr =	sadd.s32 s0, s3;
	s0 =	sld [smem:$0x3FA8]  }
0x30: {  	s3 =	sld [smem:$0x3FAB]  }
0x31: {  	[smem:$0x3FB4] =	sst s10  }
0x32: {  	s10 =	sld [smem:$0x3FB2];
	_ =	sdelay $0x3  }
0x33: {  	p0 =	seq.s32 s10, $0x1;
	s10 =	sld [smem:$0x3FB4];
	_ =	sdelay $0x3  }
0x34: {  	[smem:$0x3FB4] =	sst s10  }
0x35: {  	s10 =	sld [smem:$0x3FB3];
	_ =	sdelay $0x3  }
0x36: {  	p1 =	seq.s32 s10, $0x1;
	s10 =	sld [smem:$0x3FB4];
	_ =	sdelay $0x3  }
0x37: {  	[smem:$0x3FB4] =	sst s10  }
0x38: {  	s10 =	sld [smem:$0x3FB5]  }
0x39: {  	_ = 	snop;
	(pc) =	sbr.ind lr, $3  }
0x3a: {  	_ = 	snop  }
0x3b: {  	_ = 	snop  }
0x3c: {  	p2 =	seq.s32 s10, $0x1;
	s10 =	sld [smem:$0x3FB4]  }
0x3d: {  	_ =	shalt  }
0x3e: {  	_ =	shalt  }
0x3f: {  	_ =	shalt  }
0x40: {  	_ =	shalt  }
0x41: {  	_ =	shalt  }
0x42: {  	_ =	shalt  }
0x43: {  	_ =	shalt  }
0x44: {  	_ =	shalt  }
0x45: {  	_ =	shalt  }
0x46: {  	_ =	shalt  }
0x47: {  	_ =	shalt  }
0x48: {  	_ =	shalt  }
0x49: {  	_ =	shalt  }
0x4a: {  	_ =	shalt  }
0x4b: {  	_ =	shalt  }
0x4c: {  	_ =	shalt  }
0x4d: {  	_ =	shalt  }
0x4e: {  	_ =	shalt  }
0x4f: {  	_ =	shalt  }
0x50: {  	_ =	shalt  }
0x51: {  	_ =	shalt  }
0x52: {  	_ =	shalt  }
0x53: {  	_ =	shalt  }
0x54: {  	_ =	shalt  }
0x55: {  	_ =	shalt  }
0x56: {  	_ =	shalt  }
0x57: {  	_ =	shalt  }
0x58: {  	_ =	shalt  }
0x59: {  	_ =	shalt  }
0x5a: {  	_ =	shalt  }
0x5b: {  	_ =	shalt  }
0x5c: {  	_ =	shalt  }
0x5d: {  	_ =	shalt  }
0x5e: {  	_ =	shalt  }
0x5f: {  	_ =	shalt  }
0x60: {  	_ =	shalt  }
0x61: {  	_ =	shalt  }
0x62: {  	_ =	shalt  }
0x63: {  	_ =	shalt  }
0x64: {  	_ =	shalt  }
0x65: {  	_ =	shalt  }
0x66: {  	_ =	shalt  }
0x67: {  	_ =	shalt  }
0x68: {  	_ =	shalt  }
0x69: {  	_ =	shalt  }
0x6a: {  	_ =	shalt  }
0x6b: {  	_ =	shalt  }
0x6c: {  	_ =	shalt  }
0x6d: {  	_ =	shalt  }
0x6e: {  	_ =	shalt  }
0x6f: {  	_ =	shalt  }
0x70: {  	_ =	shalt  }
0x71: {  	_ =	shalt  }
0x72: {  	_ =	shalt  }
0x73: {  	_ =	shalt  }
0x74: {  	_ =	shalt  }
0x75: {  	_ =	shalt  }
0x76: {  	_ =	shalt  }
0x77: {  	_ =	shalt  }
0x78: {  	_ =	shalt  }
0x79: {  	_ =	shalt  }
0x7a: {  	_ =	shalt  }
0x7b: {  	_ =	shalt  }
0x7c: {  	_ =	shalt  }
0x7d: {  	_ =	shalt  }
0x7e: {  	_ =	shalt  }
0x7f: {  	_ =	shalt  }
0x80: {  	_ =	shalt  }
0x81: {  	_ =	shalt  }
0x82: {  	_ =	shalt  }
0x83: {  	_ =	shalt  }
0x84: {  	_ =	shalt  }
0x85: {  	_ =	shalt  }
0x86: {  	_ =	shalt  }
0x87: {  	_ =	shalt  }
.Lfunc_end0:
.L_simem_size_0:
called_computation_lowered:
.L_overlay_start_0:
0x88: {  	s2 =	sld [smem:$0x3FD9]  }
0x89: {  	s3 =	sld [smem:$0x3FFE];
	_ =	sdelay $0x1  }
0x8a: {  	s1 =	srdreg.scid  }
0x8b: {  	s0 =	sand.u32 $0x1, s1  }
0x8c: {  	s17 =	sshll.u32 s0, $0xA;
	s2 =	sadd.s32 s3, s2  }
0x8d: {  	s2 =	sadd.s32 s2, s17  }
0x8e: {  	[smem:$0x3FC0] =	sst s2  }
0x8f: {  	_ = 	snop  }
0x90: {  	s2 =	sld [smem:$0x3FD0];
	(tm) =	ssettm $0x1  }
0x91: {  	s18 =	sld [smem:$0x3FFB];
	_ =	sdelay $0x3  }
0x92: {  	_ =	strace s18  }
0x93: {  	s3 =	sld [smem:$0x3FFC];
	_ =	sdelay $0x3  }
0x94: {  	_ =	strace s3  }
0x95: {  	s3 =	sld [smem:$0x3FFD];
	_ =	sdelay $0x3  }
0x96: {  	_ =	strace s3  }
0x97: {  	_ =	strace $0x8FFFFFFF  }
0x98: {  	s19 =	sld [smem:$0x3FDB];
	_ =	sdelay $0x1  }
0x99: {  	s4 =	simm.s32 $_scs_section_size  }
0x9a: {  	s5 =	simm.s32 $_size__tile_overlayer_lowered;
	s6 =	simm.s32 $_tile_overlayer_lowered  }
0x9b: {  	s22 =	simm.s32 $0x1BFF;
	s21 =	sshll.u32 s6, $0x1;
	s3 =	sadd.s32 s4, s19  }
0x9c: {  	s7 =	simm.s32 $0x0;
	s20 =	sshll.u32 s5, $0x1;
	s5 =	sadd.s32 s21, s3  }
0x9d: {  	[timem:s7], [sflag:s22] =	dma.local [hbm:s5], s20  }
0x9e: {  	_ =	swait.ge [sflag:s22], s20  }
0x9f: {  	s4 =	ssub.s32 $0x0, s20;
	[sflag:s22] =	ssyncset.done $0x0  }
0xa0: {  	[sflag:s22] =	ssyncadd.s32 s4;
	_ =	sdelay $0x1  }
0xa1: {  	s23 =	simm.s32 $0x1B8B  }
0xa2: {  	_ =	swait.ge [sflag:s23], $0x1  }
0xa3: {  	[sflag:s23] =	ssyncset.done $0x0  }
0xa4: {  	s25 =	simm.s32 $0x1B8E;
	s24 =	sld [smem:$0x3FFE];
	[sflag:s23] =	ssyncadd.s32 $0xFFFFFFFF  }
0xa5: {  	s26 =	simm.s32 $execute0_lowered;
	[smem:$0x3FD2] =	sst s25  }
0xa6: {  	s5 =	sshll.u32 s26, $0x1;
	_ =	strace $0x80000046;
	[dreg:$0x1] =	wrdreg $0xFFFFFFFF  }
0xa7: {  	s28 =	simm.s32 $_size_execute0_lowered;
	s3 =	sadd.s32 s3, s5;
	[dreg:$0x0] =	wrdreg $0x0  }
0xa8: {  	s5 =	sshll.u32 s28, $0x1;
	[dreg:$0x2] =	wrdreg s3  }
0xa9: {  	[dreg:$0x3] =	wrdreg s5  }
0xaa: {  	[dreg:$0x4] =	wrdreg $0xC0  }
0xab: {  	_ =	task [dreg:s7], $0x5FFFF  }
0xac: {  	[dreg:$0x1] =	wrdreg $0xFFFFFFFF  }
0xad: {  	[dreg:$0x0] =	wrdreg $0x60  }
0xae: {  	[dreg:$0x2] =	wrdreg s24  }
0xaf: {  	[dreg:$0x3] =	wrdreg s2  }
0xb0: {  	[dreg:$0x4] =	wrdreg $0x2B000  }
0xb1: {  	[dreg:$0x5] =	wrdreg $0x9  }
0xb2: {  	_ =	task.clear_ibuf [dreg:s7], $0x6FFFF;
	_ =	strace $0x90000046  }
0xb3: {  	s29 =	simm.s32 $0x9;
	_ =	strace $0x80000048  }
0xb4: {  	_ =	swait.ge [sflag:s29], $0x1  }
0xb5: {  	[sflag:s29] =	ssyncadd.s32 $0xFFFFFFFF  }
0xb6: {  	_ =	strace $0x90000048  }
0xb7: {  	_ =	sfence  }
0xb8: {  	s30 =	sld [smem:$0x0];
	_ =	sdelay $0x2  }
0xb9: {  	s31 =	sshll.u32 s1, $0xD;
	s1 =	sshrl.u32 s1, $0x2  }
0xba: {  	s3 =	sand.u32 $0x4000, s31;
	s1 =	sadd.s32 s1, s30  }
0xbb: {  	s0 =	sor.u32 s3, s0;
	s1 =	sshll.u32 s1, $0x11  }
0xbc: {  	s0 =	sor.u32 s1, s0  }
0xbd: {  	s0 =	sadd.s32 $0x8F2B, s0  }
0xbe: {  	[sflag:s0] =	ssyncadd.remote.s32 $0x1  }
0xbf: {  	_ =	sfence.sel $0xFFFF  }
0xc0: {  	[dreg:$0x0] =	wrdreg $0xFFFFFFFF;
	(pc) =	sbr.abs _section_cstart, $3  }
0xc1: {  	[dreg:$0x1] =	wrdreg $0xFFFFFFFF  }
0xc2: {  	_ =	task.clear_ibuf [dreg:s7], $0x2FFFF;
	_ =	strace $0x9FFFFFFF  }
0xc3: {  	(tm) =	ssettm $0x7FFFFFFF  }
tec
execute0_lowered:
.L_overlay_start_1:
0x0: {  	(tag) =	ssettag $0x1  }
0x1: {  	s8 =	rddreg [dreg:$0x0]  }
0x2: {  	s10 =	rddreg [dreg:$0x1]  }
0x3: {  	s0 =	srdreg.scid;
	s2 =	rddreg [dreg:$0x2]  }
0x4: {  	s1 =	stileid.u32;
	s3 =	simm.s32 $0x0;
	s14 =	simm.s32 $0x2800  }
0x5: {  	s15 =	simm.s32 $0x1;
	s7 =	sand.u32 $0x1, s0;
	s0 =	rddreg [dreg:$0x3]  }
0x6: {  	s18 =	simm.s32 $0x0;
	[smem:$0x7FF] =	sst s3;
	s11 =	sadd.s32 $0x19A00, s8  }
0x7: {  	s13 =	smul.u32 $0x280, s1;
	s16 =	sshll.u32 s1, $0x6;
	s4 =	sshll.u32 s7, $0x4  }
0x8: {  	_ =	strace $0x80000047;
	s6 =	ssub.s32 $0x2, s7;
	p1 =	seq.s32 s7, $0x1  }
0x9: {  	s16 =	sor.u32 $0x1C02, s16;
	s5 =	sor.u32 s1, s4;
	s12 =	sshrl.u32 s6, $0x1  }
0xa: {  	s10 =	smov.u32 @p1 s11;
	s11 =	simm.s32 $0x2880;
	s4 =	smul.u32 $0x500, s5  }
0xb: {  	s12 =	ssub.s32 s6, s12;
	p0 =	seq.s32 s5, $0x1F;
	s5 =	simm.s32 $0x14  }
0xc: {  	s6 =	sadd.s32 s13, s2;
	s13 =	sshrl.u32 s13, $0x3;
	s5 =	simm.s32 @!p0 $0x50  }
0xd: {  	s10 =	sadd.s32 s10, s13;
	s13 =	simm.s32 $0x80;
	s17 =	sshrl.u32 s6, $0x3  }
0xe: {  	s9 =	sadd.s32 s4, s8;
	s4 =	sadd.s32 $0x6000, s8;
	s8 =	sadd.s32 $0x19900, s8  }
0xf: {  	v0 =	vimm.f32 $1.000000000e+00;
	v1 =	vimm.f32 $0.0e+00;
	s7 =	sadd.s32 $0xFE00, s9;
	s9 =	smax.u32 s12, $0x1;
	s12 =	simm.s32 $0x2  }
.LBB2_1:
0x10: {  	[tilespmem:$0x2800] =	vst v0  }
0x11: {  	[tilespmem:$0x2810] =	vst v0  }
0x12: {  	[tilespmem:$0x2820] =	vst v0  }
0x13: {  	[tilespmem:$0x2830] =	vst v0  }
0x14: {  	[tilespmem:$0x2840] =	vst v0  }
0x15: {  	[tilespmem:$0x2850] =	vst v0  }
0x16: {  	[tilespmem:$0x2860] =	vst v0  }
0x17: {  	[tilespmem:$0x2870] =	vst v0  }
0x18: {  	[tilespmem:$0x2880] =	vst v1  }
0x19: {  	[tilespmem:$0x2890] =	vst v1  }
0x1a: {  	[tilespmem:$0x28A0] =	vst v1  }
0x1b: {  	[tilespmem:$0x28B0] =	vst v1  }
0x1c: {  	[tilespmem:$0x28C0] =	vst v1  }
0x1d: {  	[tilespmem:$0x28D0] =	vst v1  }
0x1e: {  	[tilespmem:$0x28E0] =	vst v1  }
0x1f: {  	[tilespmem:$0x28F0] =	vst v1  }
0x20: {  	[tilespmem:$0x2900] =	vst v1  }
0x21: {  	[tilespmem:$0x2910] =	vst v1  }
0x22: {  	[tilespmem:$0x2920] =	vst v1  }
0x23: {  	[tilespmem:$0x2930] =	vst v1  }
0x24: {  	[tilespmem:$0x2940] =	vst v1  }
0x25: {  	[tilespmem:$0x2950] =	vst v1  }
0x26: {  	[tilespmem:$0x2960] =	vst v1  }
0x27: {  	[tilespmem:$0x2970] =	vst v1  }
0x28: {  	[tilespmem:$0x2980] =	vst v1  }
0x29: {  	[tilespmem:$0x2990] =	vst v1  }
0x2a: {  	[tilespmem:$0x29A0] =	vst v1  }
0x2b: {  	[tilespmem:$0x29B0] =	vst v1  }
0x2c: {  	[tilespmem:$0x29C0] =	vst v1  }
0x2d: {  	[tilespmem:$0x29D0] =	vst v1  }
0x2e: {  	[tilespmem:$0x29E0] =	vst v1  }
0x2f: {  	[tilespmem:$0x29F0] =	vst v1  }
0x30: {  	[tilespmem:$0x2A00] =	vst v1  }
0x31: {  	[tilespmem:$0x2A10] =	vst v1  }
0x32: {  	[tilespmem:$0x2A20] =	vst v1  }
0x33: {  	[tilespmem:$0x2A30] =	vst v1  }
0x34: {  	[tilespmem:$0x2A40] =	vst v1  }
0x35: {  	[tilespmem:$0x2A50] =	vst v1  }
0x36: {  	[tilespmem:$0x2A60] =	vst v1  }
0x37: {  	[tilespmem:$0x2A70] =	vst v1  }
0x38: {  	[tilespmem:$0x2A80] =	vst v1  }
0x39: {  	[tilespmem:$0x2A90] =	vst v1  }
0x3a: {  	[tilespmem:$0x2AA0] =	vst v1  }
0x3b: {  	[tilespmem:$0x2AB0] =	vst v1  }
0x3c: {  	[tilespmem:$0x2AC0] =	vst v1  }
0x3d: {  	[tilespmem:$0x2AD0] =	vst v1  }
0x3e: {  	[tilespmem:$0x2AE0] =	vst v1  }
0x3f: {  	[tilespmem:$0x2AF0] =	vst v1  }
0x40: {  	[spmem:s6] =	stream.linear.scatter [tilespmem:s11], [sflag:$0x2], $0x280, $0x38;
	[tilespmem:$0x2D80] =	vst v63  }
0x41: {  	_ =	swait.ge [sflag:s12], $0x280  }
0x42: {  	[sflag:s12] =	ssyncset.done $0x0  }
0x43: {  	[sflag:s12] =	ssyncadd.s32 $0xFFFFFD80  }
0x44: {  	s19 =	simm.s32 @p0 $0x0;
	s20 =	simm.s32 @p0 $0x2;
	[bflag:$0x0] =	sbarrier.arrive $0xFFFF  }
0x45: {  	[tilespmem:s19], [sflag:$0x2] =	stream.linear.gather @p0 [hbm4b:s8+s19], $0x800, $0x38;
	[tilespmem:$0x2D80] =	vst v63  }
0x46: {  	_ =	swait.ge @p0 [sflag:s20], $0x800  }
0x47: {  	[sflag:s20] =	ssyncset.done @p0 $0x0  }
0x48: {  	s21 =	simm.s32 @p0 $0x800;
	[sflag:s20] =	ssyncadd.s32 @p0 $0xFFFFF800  }
0x49: {  	[tilespmem:s21], [sflag:$0x2] =	stream.linear.gather @p0 [hbm4b:s4+s19], $0x200, $0x38;
	[tilespmem:$0x2D80] =	vst v63  }
0x4a: {  	_ =	swait.ge @p0 [sflag:s20], $0x200  }
0x4b: {  	[sflag:s20] =	ssyncset.done @p0 $0x0  }
0x4c: {  	s19 =	simm.s32 @!p0 $0x0;
	[sflag:s20] =	ssyncadd.s32 @p0 $0xFFFFFE00  }
0x4d: {  	[tilespmem:s19], [sflag:$0x2] =	stream.linear.gather @!p0 [hbm4b:s7+s19], $0x2800, $0x38;
	[tilespmem:$0x2D80] =	vst v63  }
0x4e: {  	s19 =	simm.s32 @!p0 $0x2  }
0x4f: {  	p2 =	sne.s32 s5, $0x1;
	_ =	swait.ge @!p0 [sflag:s19], $0x2800  }
.Ltmp0:
0x50: {  	p1 =	por $0x1, $0x1;
	[sflag:s19] =	ssyncset.done @!p0 $0x0;
	(pc) =	sbr.rel @!p2 .LBB2_3-.Ltmp0, $4  }
0x51: {  	s21 =	simm.s32 @!p1 $0x1;
	[sflag:s19] =	ssyncadd.s32 @!p0 $0xFFFFD800  }
0x52: {  	[spmem:s2] =	stream.indirect.scatter.add.f32 [tilespmem:s14], [sflag:$0x1], $0x1, s3, s13, $0xb8;
	[tilespmem:$0x2D80] =	vst v63  }
0x53: {  	_ =	swait.ge @!p1 [sflag:s21], $0x80  }
0x54: {  	s20 =	simm.s32 $0x0;
	s19 =	simm.s32 $0x1;
	[sflag:s21] =	ssyncset.done @!p1 $0x0  }
.LBB2_2:
0x55: {  	[sflag:s21] =	ssyncadd.s32 @!p1 $0xFFFFFF80  }
0x56: {  	s20 =	sadd.s32 $0x80, s20;
	s21 =	smov.u32 s19;
	s19 =	sadd.s32 $0x1, s19  }
0x57: {  	p2 =	sne.s32 s5, s19  }
0x58: {  	[spmem:s2] =	stream.indirect.scatter.add.f32 [tilespmem:s14], [sflag:$0x1], $0x1, s20, s13, $0xb8;
	[tilespmem:$0x2D80] =	vst v63  }
.Ltmp1:
0x59: {  	_ = 	snop;
	(pc) =	sbr.rel @p2 .LBB2_2-.Ltmp1, $4  }
0x5a: {  	p1 =	slt.u32 s21, $0x8  }
0x5b: {  	s21 =	simm.s32 @!p1 $0x1  }
0x5c: {  	_ =	swait.ge @!p1 [sflag:s21], $0x80  }
0x5d: {  	[sflag:s21] =	ssyncset.done @!p1 $0x0  }
.LBB2_3:
0x5e: {  	[sflag:s21] =	ssyncadd.s32 @!p1 $0xFFFFFF80  }
0x5f: {  	_ =	swait.ge [sflag:s15], $0x80  }
0x60: {  	[sflag:s15] =	ssyncset.done $0x0  }
0x61: {  	[sflag:s15] =	ssyncadd.s32 $0xFFFFFF80  }
0x62: {  	_ =	swait.ge [sflag:s15], $0x80  }
0x63: {  	[sflag:s15] =	ssyncset.done $0x0  }
0x64: {  	[sflag:s15] =	ssyncadd.s32 $0xFFFFFF80  }
0x65: {  	_ =	swait.ge [sflag:s15], $0x80  }
0x66: {  	[sflag:s15] =	ssyncset.done $0x0  }
0x67: {  	[sflag:s15] =	ssyncadd.s32 $0xFFFFFF80  }
0x68: {  	_ =	swait.ge [sflag:s15], $0x80  }
0x69: {  	[sflag:s15] =	ssyncset.done $0x0  }
0x6a: {  	[sflag:s15] =	ssyncadd.s32 $0xFFFFFF80  }
0x6b: {  	_ =	swait.ge [sflag:s15], $0x80  }
0x6c: {  	[sflag:s15] =	ssyncset.done $0x0  }
0x6d: {  	[sflag:s15] =	ssyncadd.s32 $0xFFFFFF80  }
0x6e: {  	_ =	swait.ge [sflag:s15], $0x80  }
0x6f: {  	[sflag:s15] =	ssyncset.done $0x0  }
0x70: {  	[sflag:s15] =	ssyncadd.s32 $0xFFFFFF80  }
0x71: {  	_ =	swait.ge [sflag:s15], $0x80  }
0x72: {  	[sflag:s15] =	ssyncset.done $0x0  }
0x73: {  	[sflag:s15] =	ssyncadd.s32 $0xFFFFFF80  }
0x74: {  	_ =	swait.ge [sflag:s15], $0x80  }
0x75: {  	s18 =	sadd.s32 $0x1, s18;
	[sflag:s15] =	ssyncset.done $0x0  }
0x76: {  	p1 =	sne.s32 s18, s9;
	[sflag:s15] =	ssyncadd.s32 $0xFFFFFF80  }
.Ltmp2:
0x77: {  	[bflag:$0x0] =	sbarrier.arrive $0xFFFF;
	(pc) =	sbr.rel @p1 .LBB2_1-.Ltmp2, $4  }
0x78: {  	[hbm:s10], [sflag:s16] =	dma.local [spmem:s17], $0x50  }
0x79: {  	_ =	swait.ge [sflag:s12], $0x50  }
0x7a: {  	[sflag:s12] =	ssyncset.done $0x0  }
0x7b: {  	[sflag:s12] =	ssyncadd.s32 $0xFFFFFFB0  }
0x7c: {  	_ =	sfence.sel $0x180000  }
0x7d: {  	[bflag:$0x0] =	sbarrier.arrive $0xFFFF  }
0x7e: {  	p0 =	sne.s32 s1, $0x0;
	_ =	strace $0x90000047  }
0x7f: {  	s0 =	sadd.s32 @!p0 $0x100000, s0;
	[bflag:$0x2] =	sbarrier.arrive $0xFFFF  }
0x80: {  	[sflag:s0] =	ssyncadd.tile.s32 @!p0 $0x1;
	_ =	shalt  }
.Lfunc_end2:
_tile_overlayer_lowered:
.L_overlay_start_2:
0x81: {  	(tag) =	ssettag $0x2  }
0x82: {  	s0 =	rddreg [dreg:$0x0];
	s2 =	stileid.u32  }
0x83: {  	s1 =	rddreg [dreg:$0x1];
	p0 =	sne.s32 s2, $0x0  }
0x84: {  	s3 =	rddreg [dreg:$0x2];
	[bflag:$0x3] =	sbarrier.arrive $0xFFFF;
	s2 =	simm.s32 @!p0 $0x1C02  }
0x85: {  	[timem:s3], [sflag:s2] =	dma.local @!p0 [hbm:s0], s1  }
0x86: {  	s0 =	simm.s32 @!p0 $0x2  }
0x87: {  	_ =	swait.ge @!p0 [sflag:s0], s1  }
0x88: {  	s1 =	ssub.s32 @!p0 $0x0, s1;
	[sflag:s0] =	ssyncset.done @!p0 $0x0  }
0x89: {  	[sflag:s0] =	ssyncadd.s32 @!p0 s1  }
0x8a: {  	[bflag:$0x3] =	sbarrier.arrive $0xFFFF  }
0x8b: {  	_ =	shalt  }

// kernel: kernel.13.cloned.1.call-start
scs
__scs_entry_jumppad:
0x0: {  	(pc) =	sbr.rel $0x88, $3  }
0x1: {  	(tag) =	ssettag $0x0;
	lr =	simm.s32 $0x1  }
0x2: {  	[smem:$0x3F99] =	sst lr;
	_ =	strace $0xD0000000  }
0x3: {  	_ = 	snop  }
0x4: {  	_ = 	snop  }
0x5: {  	_ = 	snop  }
0x6: {  	_ = 	snop  }
0x7: {  	_ = 	snop  }
__scs_overlays_trampoline_lowered:
0x8: {  	[smem:$0x3FA8] =	sst s0  }
0x9: {  	[smem:$0x3FA9] =	sst s1  }
0xa: {  	[smem:$0x3FAA] =	sst s2  }
0xb: {  	[smem:$0x3FAB] =	sst s3  }
0xc: {  	[smem:$0x3FAC] =	sst s4  }
0xd: {  	[smem:$0x3FAD] =	sst s5  }
0xe: {  	[smem:$0x3FAE] =	sst s6  }
0xf: {  	[smem:$0x3FAF] =	sst s7  }
0x10: {  	[smem:$0x3FB0] =	sst s8  }
0x11: {  	[smem:$0x3FB1] =	sst s9;
	s0 =	simm.s32 @!p0 $0x0  }
0x12: {  	s1 =	sld [smem:$0x3F97];
	s0 =	simm.s32 @p0 $0x1  }
0x13: {  	[smem:$0x3FB2] =	sst s0;
	s0 =	simm.s32 @!p1 $0x0  }
0x14: {  	s2 =	sld [smem:$0x3F96];
	s0 =	simm.s32 @p1 $0x1  }
0x15: {  	[smem:$0x3FB3] =	sst s0;
	s0 =	simm.s32 @!p2 $0x0  }
0x16: {  	s3 =	sld [smem:$0x3FDB];
	s0 =	simm.s32 @p2 $0x1  }
0x17: {  	s4 =	simm.s32 $0x1BF5;
	[smem:$0x3FB5] =	sst s0  }
0x18: {  	s0 =	sld [smem:$0x3F98];
	_ =	swait.ge [sflag:s4], $0x0  }
0x19: {  	s7 =	sld [smem:$0x3F99]  }
0x1a: {  	s8 =	sadd.s32 $0xFFFFE003, lr  }
0x1b: {  	s9 =	sadd.s32 $0xFFFFFEF7, lr;
	s5 =	simm.s32 $0xFFFFFFFF;
	p2 =	slt.u32 s8, $0xFFFFF086  }
0x1c: {  	p1 =	slt.u32 s9, $0xF7A;
	s5 =	simm.s32 @!p2 $0x0  }
0x1d: {  	s5 =	simm.s32 @p1 $0x1;
	p0 =	seq.s32 s7, s2  }
0x1e: {  	s7 =	smul.u32 @!p0 $0xF7A, s2;
	p2 =	seq.s32 @!p0 s5, $0x0  }
0x1f: {  	s9 =	smul.u32 $0xF7A, s1;
	s8 =	simm.s32 @!p0 $0x1BF5;
	p2 =	por !p2, p0  }
0x20: {  	[sflag:s8] =	ssyncset.s32 @!p0 $0xFFFFF086;
	s6 =	sadd.s32 @!p0 s3, s7;
	s7 =	simm.s32 @!p0 $0x108  }
0x21: {  	s3 =	sadd.s32 s3, s9;
	s6 =	sadd.s32 @!p0 $0x88, s6;
	s7 =	simm.s32 @p2 $0x1082  }
0x22: {  	[simem:s7], [sflag:s8] =	dma.local @!p0 [hbm:s6], $0xF7A  }
0x23: {  	s9 =	sor.u32 $0xD0000000, s2;
	s6 =	simm.s32 $0x108;
	_ =	swait.ge @!p0 [sflag:s8], $0x0  }
0x24: {  	s3 =	sadd.s32 $0x88, s3;
	s6 =	simm.s32 @!p1 $0x1082;
	[sflag:s4] =	ssyncset.s32 $0xFFFFF086  }
0x25: {  	[simem:s6], [sflag:s4] =	dma.local [hbm:s3], $0xF7A  }
0x26: {  	[smem:$0x3F99] =	sst s1;
	(tag) =	ssettag s2;
	_ =	strace s9  }
0x27: {  	s1 =	sld [smem:$0x3FA9]  }
0x28: {  	s2 =	sld [smem:$0x3FAA]  }
0x29: {  	s4 =	sld [smem:$0x3FAC]  }
0x2a: {  	p0 =	seq.s32 s5, $0x0;
	s5 =	sld [smem:$0x3FAD]  }
0x2b: {  	s6 =	sld [smem:$0x3FAE]  }
0x2c: {  	s7 =	sld [smem:$0x3FAF]  }
0x2d: {  	s3 =	simm.s32 $0x108;
	s8 =	sld [smem:$0x3FB0]  }
0x2e: {  	s3 =	simm.s32 @!p0 $0x1082;
	s9 =	sld [smem:$0x3FB1]  }
0x2f: {  	lr =	sadd.s32 s0, s3;
	s0 =	sld [smem:$0x3FA8]  }
0x30: {  	s3 =	sld [smem:$0x3FAB]  }
0x31: {  	[smem:$0x3FB4] =	sst s10  }
0x32: {  	s10 =	sld [smem:$0x3FB2];
	_ =	sdelay $0x3  }
0x33: {  	p0 =	seq.s32 s10, $0x1;
	s10 =	sld [smem:$0x3FB4];
	_ =	sdelay $0x3  }
0x34: {  	[smem:$0x3FB4] =	sst s10  }
0x35: {  	s10 =	sld [smem:$0x3FB3];
	_ =	sdelay $0x3  }
0x36: {  	p1 =	seq.s32 s10, $0x1;
	s10 =	sld [smem:$0x3FB4];
	_ =	sdelay $0x3  }
0x37: {  	[smem:$0x3FB4] =	sst s10  }
0x38: {  	s10 =	sld [smem:$0x3FB5]  }
0x39: {  	_ = 	snop;
	(pc) =	sbr.ind lr, $3  }
0x3a: {  	_ = 	snop  }
0x3b: {  	_ = 	snop  }
0x3c: {  	p2 =	seq.s32 s10, $0x1;
	s10 =	sld [smem:$0x3FB4]  }
0x3d: {  	_ =	shalt  }
0x3e: {  	_ =	shalt  }
0x3f: {  	_ =	shalt  }
0x40: {  	_ =	shalt  }
0x41: {  	_ =	shalt  }
0x42: {  	_ =	shalt  }
0x43: {  	_ =	shalt  }
0x44: {  	_ =	shalt  }
0x45: {  	_ =	shalt  }
0x46: {  	_ =	shalt  }
0x47: {  	_ =	shalt  }
0x48: {  	_ =	shalt  }
0x49: {  	_ =	shalt  }
0x4a: {  	_ =	shalt  }
0x4b: {  	_ =	shalt  }
0x4c: {  	_ =	shalt  }
0x4d: {  	_ =	shalt  }
0x4e: {  	_ =	shalt  }
0x4f: {  	_ =	shalt  }
0x50: {  	_ =	shalt  }
0x51: {  	_ =	shalt  }
0x52: {  	_ =	shalt  }
0x53: {  	_ =	shalt  }
0x54: {  	_ =	shalt  }
0x55: {  	_ =	shalt  }
0x56: {  	_ =	shalt  }
0x57: {  	_ =	shalt  }
0x58: {  	_ =	shalt  }
0x59: {  	_ =	shalt  }
0x5a: {  	_ =	shalt  }
0x5b: {  	_ =	shalt  }
0x5c: {  	_ =	shalt  }
0x5d: {  	_ =	shalt  }
0x5e: {  	_ =	shalt  }
0x5f: {  	_ =	shalt  }
0x60: {  	_ =	shalt  }
0x61: {  	_ =	shalt  }
0x62: {  	_ =	shalt  }
0x63: {  	_ =	shalt  }
0x64: {  	_ =	shalt  }
0x65: {  	_ =	shalt  }
0x66: {  	_ =	shalt  }
0x67: {  	_ =	shalt  }
0x68: {  	_ =	shalt  }
0x69: {  	_ =	shalt  }
0x6a: {  	_ =	shalt  }
0x6b: {  	_ =	shalt  }
0x6c: {  	_ =	shalt  }
0x6d: {  	_ =	shalt  }
0x6e: {  	_ =	shalt  }
0x6f: {  	_ =	shalt  }
0x70: {  	_ =	shalt  }
0x71: {  	_ =	shalt  }
0x72: {  	_ =	shalt  }
0x73: {  	_ =	shalt  }
0x74: {  	_ =	shalt  }
0x75: {  	_ =	shalt  }
0x76: {  	_ =	shalt  }
0x77: {  	_ =	shalt  }
0x78: {  	_ =	shalt  }
0x79: {  	_ =	shalt  }
0x7a: {  	_ =	shalt  }
0x7b: {  	_ =	shalt  }
0x7c: {  	_ =	shalt  }
0x7d: {  	_ =	shalt  }
0x7e: {  	_ =	shalt  }
0x7f: {  	_ =	shalt  }
0x80: {  	_ =	shalt  }
0x81: {  	_ =	shalt  }
0x82: {  	_ =	shalt  }
0x83: {  	_ =	shalt  }
0x84: {  	_ =	shalt  }
0x85: {  	_ =	shalt  }
0x86: {  	_ =	shalt  }
0x87: {  	_ =	shalt  }
.Lfunc_end0:
.L_simem_size_0:
called_computation.1_lowered:
.L_overlay_start_0:
0x88: {  	s2 =	sld [smem:$0x3FD9]  }
0x89: {  	s3 =	sld [smem:$0x3FFE];
	_ =	sdelay $0x1  }
0x8a: {  	s1 =	srdreg.scid  }
0x8b: {  	s0 =	sand.u32 $0x1, s1  }
0x8c: {  	s17 =	sshll.u32 s0, $0xA;
	s2 =	sadd.s32 s3, s2  }
0x8d: {  	s2 =	sadd.s32 s2, s17  }
0x8e: {  	[smem:$0x3FC0] =	sst s2  }
0x8f: {  	_ = 	snop  }
0x90: {  	s2 =	sld [smem:$0x3FD0];
	(tm) =	ssettm $0x1  }
0x91: {  	s18 =	sld [smem:$0x3FFB];
	_ =	sdelay $0x3  }
0x92: {  	_ =	strace s18  }
0x93: {  	s3 =	sld [smem:$0x3FFC];
	_ =	sdelay $0x3  }
0x94: {  	_ =	strace s3  }
0x95: {  	s3 =	sld [smem:$0x3FFD];
	_ =	sdelay $0x3  }
0x96: {  	_ =	strace s3  }
0x97: {  	_ =	strace $0x8FFFFFFF  }
0x98: {  	s19 =	sld [smem:$0x3FDB];
	_ =	sdelay $0x1  }
0x99: {  	s4 =	simm.s32 $_scs_section_size  }
0x9a: {  	s5 =	simm.s32 $_size__tile_overlayer_lowered;
	s6 =	simm.s32 $_tile_overlayer_lowered  }
0x9b: {  	s22 =	simm.s32 $0x1BFF;
	s21 =	sshll.u32 s6, $0x1;
	s3 =	sadd.s32 s4, s19  }
0x9c: {  	s7 =	simm.s32 $0x0;
	s20 =	sshll.u32 s5, $0x1;
	s5 =	sadd.s32 s21, s3  }
0x9d: {  	[timem:s7], [sflag:s22] =	dma.local [hbm:s5], s20  }
0x9e: {  	_ =	swait.ge [sflag:s22], s20  }
0x9f: {  	s4 =	ssub.s32 $0x0, s20;
	[sflag:s22] =	ssyncset.done $0x0  }
0xa0: {  	[sflag:s22] =	ssyncadd.s32 s4;
	_ =	sdelay $0x1  }
0xa1: {  	s23 =	simm.s32 $0x1B8B  }
0xa2: {  	_ =	swait.ge [sflag:s23], $0x1  }
0xa3: {  	[sflag:s23] =	ssyncset.done $0x0  }
0xa4: {  	s25 =	simm.s32 $0x1B8E;
	s24 =	sld [smem:$0x3FFE];
	[sflag:s23] =	ssyncadd.s32 $0xFFFFFFFF  }
0xa5: {  	s26 =	simm.s32 $execute0_lowered;
	[smem:$0x3FD2] =	sst s25  }
0xa6: {  	s5 =	sshll.u32 s26, $0x1;
	_ =	strace $0x80000049;
	[dreg:$0x1] =	wrdreg $0xFFFFFFFF  }
0xa7: {  	s28 =	simm.s32 $_size_execute0_lowered;
	s3 =	sadd.s32 s3, s5;
	[dreg:$0x0] =	wrdreg $0x0  }
0xa8: {  	s5 =	sshll.u32 s28, $0x1;
	[dreg:$0x2] =	wrdreg s3  }
0xa9: {  	[dreg:$0x3] =	wrdreg s5  }
0xaa: {  	[dreg:$0x4] =	wrdreg $0xC0  }
0xab: {  	_ =	task [dreg:s7], $0x5FFFF  }
0xac: {  	[dreg:$0x1] =	wrdreg $0xFFFFFFFF  }
0xad: {  	[dreg:$0x0] =	wrdreg $0x60  }
0xae: {  	[dreg:$0x2] =	wrdreg s2  }
0xaf: {  	[dreg:$0x3] =	wrdreg s24  }
0xb0: {  	[dreg:$0x4] =	wrdreg $0xA8000  }
0xb1: {  	[dreg:$0x5] =	wrdreg $0x9  }
0xb2: {  	_ =	task.clear_ibuf [dreg:s7], $0x6FFFF;
	_ =	strace $0x90000049  }
0xb3: {  	s29 =	simm.s32 $0x9;
	_ =	strace $0x8000004B  }
0xb4: {  	_ =	swait.ge [sflag:s29], $0x1  }
0xb5: {  	[sflag:s29] =	ssyncadd.s32 $0xFFFFFFFF  }
0xb6: {  	_ =	strace $0x9000004B  }
0xb7: {  	_ =	sfence  }
0xb8: {  	s30 =	sld [smem:$0x0];
	_ =	sdelay $0x2  }
0xb9: {  	s31 =	sshll.u32 s1, $0xD;
	s1 =	sshrl.u32 s1, $0x2  }
0xba: {  	s3 =	sand.u32 $0x4000, s31;
	s1 =	sadd.s32 s1, s30  }
0xbb: {  	s0 =	sor.u32 s3, s0;
	s1 =	sshll.u32 s1, $0x11  }
0xbc: {  	s0 =	sor.u32 s1, s0  }
0xbd: {  	s0 =	sadd.s32 $0x8F2B, s0  }
0xbe: {  	[sflag:s0] =	ssyncadd.remote.s32 $0x1  }
0xbf: {  	_ =	sfence.sel $0xFFFF  }
0xc0: {  	[dreg:$0x0] =	wrdreg $0xFFFFFFFF;
	(pc) =	sbr.abs _section_cstart, $3  }
0xc1: {  	[dreg:$0x1] =	wrdreg $0xFFFFFFFF  }
0xc2: {  	_ =	task.clear_ibuf [dreg:s7], $0x2FFFF;
	_ =	strace $0x9FFFFFFF  }
0xc3: {  	(tm) =	ssettm $0x7FFFFFFF  }
tec
execute0_lowered:
.L_overlay_start_1:
0x0: {  	(tag) =	ssettag $0x1  }
0x1: {  	s1 =	rddreg [dreg:$0x0]  }
0x2: {  	s0 =	rddreg [dreg:$0x1]  }
0x3: {  	s2 =	rddreg [dreg:$0x2];
	s3 =	simm.s32 $0x0  }
0x4: {  	s5 =	srdreg.scid;
	s23 =	stileid.u32;
	s11 =	simm.s32 $0xA  }
0x5: {  	s15 =	simm.s32 $0x0;
	s22 =	simm.s32 $0x91A00;
	s24 =	simm.s32 $0x3  }
0x6: {  	s25 =	simm.s32 $0x80;
	s28 =	simm.s32 $0x1;
	[smem:$0x7FF] =	sst s3  }
0x7: {  	s4 =	sadd.s32 $0x6200, s0;
	s18 =	sadd.s32 $0xFE00, s0;
	s19 =	sand.u32 $0x1, s5  }
0x8: {  	s7 =	smul.u32 $0x50000, s23;
	s5 =	sadd.s32 $0x5E00, s0;
	s6 =	sadd.s32 $0x6000, s0  }
0x9: {  	s17 =	sadd.s32 $0x19900, s0;
	_ =	strace $0x8000004A;
	s8 =	ssub.s32 $0x2, s19  }
0xa: {  	s10 =	sshll.u32 s19, $0x4;
	p1 =	seq.s32 s19, $0x1;
	s9 =	sshrl.u32 s8, $0x1  }
0xb: {  	s7 =	sshrl.u32 s7, $0x2;
	s16 =	sor.u32 s23, s10;
	s23 =	smul.u32 $0x2800, s23  }
0xc: {  	s22 =	simm.s32 @!p1 $0x69A00;
	s21 =	ssub.s32 s8, s9;
	s14 =	smul.u32 $0x500, s16  }
0xd: {  	s7 =	sadd.s32 s7, s2;
	p0 =	seq.s32 s16, $0x1F;
	s20 =	smul.u32 $0x2800, s16  }
0xe: {  	s16 =	sadd.s32 $0xFD00, s0;
	s0 =	sadd.s32 s22, s0;
	s8 =	sadd.s32 $0x4000, s7  }
0xf: {  	s9 =	sadd.s32 $0x8000, s7;
	s10 =	sadd.s32 $0xC000, s7;
	s12 =	sadd.s32 $0x10000, s7  }
.Ltmp0:
0x10: {  	s11 =	simm.s32 @!p0 $0x14;
	s20 =	sshrl.u32 s20, $0x3;
	(pc) =	sbr.rel .LBB2_1-.Ltmp0, $4  }
0x11: {  	s15 =	simm.s32 @!p0 $0x14;
	s21 =	smax.u32 s21, $0x1;
	s30 =	sadd.s32 $0x280, s20  }
0x12: {  	s22 =	sadd.s32 s0, s23;
	s13 =	sadd.s32 s4, s14;
	s4 =	sadd.s32 s4, s30  }
0x13: {  	s23 =	simm.s32 $0x2800;
	s31 =	sadd.s32 s18, s30;
	[dreg:$0x4] =	wrdreg s4  }
0x14: {  	v0 =	vimm.f32 $0.0e+00;
	s14 =	sadd.s32 s18, s14;
	s20 =	smax.u32 s15, $0x1;
	[dreg:$0x5] =	wrdreg s31  }
.LBB2_8:
0x15: {  	[tilespmem:s18], [sflag:$0x2] =	stream.indirect.gather @!p1 [hbm4b:s1+s4], $0x80, s31, s4, $0xb8;
	[tilespmem:$0x1E800] =	vst v63  }
.LBB2_9:
0x16: {  	s0 =	stileid.u32;
	s3 =	sadd.s32 $0x1, s3  }
0x17: {  	[bflag:$0x0] =	sbarrier.arrive $0xFFFF;
	s0 =	sshll.u32 s0, $0x6;
	p1 =	sne.s32 s3, s21  }
.Ltmp1:
0x18: {  	s4 =	sshrl.u32 s7, $0x3;
	s0 =	sor.u32 $0x1C03, s0;
	(pc) =	sbr.rel @!p1 .LBB2_10-.Ltmp1, $4  }
0x19: {  	[hbm:s22], [sflag:s0] =	dma.local [spmem:s4], $0x2800  }
0x1a: {  	_ =	swait.ge [sflag:s24], $0x2800  }
0x1b: {  	[sflag:s24] =	ssyncset.done $0x0  }
0x1c: {  	[sflag:s24] =	ssyncadd.s32 $0xFFFFD800  }
.LBB2_1:
0x1d: {  	s0 =	simm.s32 $0x0;
	s4 =	simm.s32 $0x200  }
.LBB2_2:
0x1e: {  	p1 =	sne.s32 s4, $0xFE00;
	[tilespmem:s0+$0x2870] =	vst v0  }
0x1f: {  	[tilespmem:s0+$0x2800] =	vst v0  }
0x20: {  	[tilespmem:s0+$0x2810] =	vst v0  }
.Ltmp2:
0x21: {  	[tilespmem:s0+$0x2820] =	vst v0;
	(pc) =	sbr.rel @p1 .LBB2_2-.Ltmp2, $4  }
0x22: {  	[tilespmem:s0+$0x2830] =	vst v0  }
0x23: {  	[tilespmem:s0+$0x2840] =	vst v0  }
0x24: {  	[tilespmem:s0+$0x2850] =	vst v0  }
0x25: {  	[tilespmem:s0+$0x2860] =	vst v0;
	s0 =	sshra.s32 s4, $0x2;
	s4 =	sadd.s32 $0x200, s4  }
0x26: {  	[tilespmem:s0+$0x2870] =	vst v0  }
0x27: {  	[tilespmem:s0+$0x2800] =	vst v0  }
0x28: {  	[tilespmem:s0+$0x2810] =	vst v0  }
0x29: {  	[tilespmem:s0+$0x2820] =	vst v0  }
0x2a: {  	[tilespmem:s0+$0x2830] =	vst v0  }
0x2b: {  	[tilespmem:s0+$0x2840] =	vst v0  }
0x2c: {  	[tilespmem:s0+$0x2850] =	vst v0  }
0x2d: {  	[tilespmem:s0+$0x2860] =	vst v0  }
0x2e: {  	[spmem:s7] =	stream.linear.scatter [tilespmem:s23], [sflag:$0x3], $0x4000, $0x38;
	[tilespmem:$0x1E800] =	vst v63  }
0x2f: {  	_ =	swait.ge [sflag:s24], $0x4000  }
0x30: {  	[sflag:s24] =	ssyncset.done $0x0  }
0x31: {  	[sflag:s24] =	ssyncadd.s32 $0xFFFFC000  }
0x32: {  	[spmem:s8] =	stream.linear.scatter [tilespmem:s23], [sflag:$0x3], $0x4000, $0x38;
	[tilespmem:$0x1E800] =	vst v63  }
0x33: {  	_ =	swait.ge [sflag:s24], $0x4000  }
0x34: {  	[sflag:s24] =	ssyncset.done $0x0  }
0x35: {  	[sflag:s24] =	ssyncadd.s32 $0xFFFFC000  }
0x36: {  	[spmem:s9] =	stream.linear.scatter [tilespmem:s23], [sflag:$0x3], $0x4000, $0x38;
	[tilespmem:$0x1E800] =	vst v63  }
0x37: {  	_ =	swait.ge [sflag:s24], $0x4000  }
0x38: {  	[sflag:s24] =	ssyncset.done $0x0  }
0x39: {  	[sflag:s24] =	ssyncadd.s32 $0xFFFFC000  }
0x3a: {  	[spmem:s10] =	stream.linear.scatter [tilespmem:s23], [sflag:$0x3], $0x4000, $0x38;
	[tilespmem:$0x1E800] =	vst v63  }
0x3b: {  	_ =	swait.ge [sflag:s24], $0x4000  }
0x3c: {  	[sflag:s24] =	ssyncset.done $0x0  }
0x3d: {  	[sflag:s24] =	ssyncadd.s32 $0xFFFFC000  }
0x3e: {  	[spmem:s12] =	stream.linear.scatter [tilespmem:s23], [sflag:$0x3], $0x4000, $0x38;
	[tilespmem:$0x1E800] =	vst v63  }
0x3f: {  	_ =	swait.ge [sflag:s24], $0x4000  }
0x40: {  	[sflag:s24] =	ssyncset.done $0x0  }
0x41: {  	[sflag:s24] =	ssyncadd.s32 $0xFFFFC000  }
0x42: {  	s0 =	simm.s32 @p0 $0x0;
	s4 =	simm.s32 @p0 $0x3;
	[bflag:$0x0] =	sbarrier.arrive $0xFFFF  }
0x43: {  	[tilespmem:s0], [sflag:$0x3] =	stream.linear.gather @p0 [hbm4b:s16+s0], $0x800, $0x38;
	[tilespmem:$0x1E800] =	vst v63  }
0x44: {  	_ =	swait.ge @p0 [sflag:s4], $0x800  }
0x45: {  	[sflag:s4] =	ssyncset.done @p0 $0x0  }
0x46: {  	s18 =	simm.s32 @p0 $0x1400;
	[sflag:s4] =	ssyncadd.s32 @p0 $0xFFFFF800  }
0x47: {  	[tilespmem:s18], [sflag:$0x3] =	stream.linear.gather @p0 [hbm4b:s17+s0], $0x800, $0x38;
	[tilespmem:$0x1E800] =	vst v63  }
0x48: {  	_ =	swait.ge @p0 [sflag:s4], $0x800  }
0x49: {  	[sflag:s4] =	ssyncset.done @p0 $0x0  }
0x4a: {  	s18 =	simm.s32 @p0 $0x800;
	[sflag:s4] =	ssyncadd.s32 @p0 $0xFFFFF800  }
0x4b: {  	[tilespmem:s18], [sflag:$0x3] =	stream.linear.gather @p0 [hbm4b:s5+s0], $0x200, $0x38;
	[tilespmem:$0x1E800] =	vst v63  }
0x4c: {  	_ =	swait.ge @p0 [sflag:s4], $0x200  }
0x4d: {  	[sflag:s4] =	ssyncset.done @p0 $0x0  }
0x4e: {  	s18 =	simm.s32 @p0 $0x1C00;
	[sflag:s4] =	ssyncadd.s32 @p0 $0xFFFFFE00  }
0x4f: {  	[tilespmem:s18], [sflag:$0x3] =	stream.linear.gather @p0 [hbm4b:s6+s0], $0x200, $0x38;
	[tilespmem:$0x1E800] =	vst v63  }
0x50: {  	_ =	swait.ge @p0 [sflag:s4], $0x200  }
0x51: {  	[sflag:s4] =	ssyncset.done @p0 $0x0  }
0x52: {  	s0 =	simm.s32 @!p0 $0x0;
	[sflag:s4] =	ssyncadd.s32 @p0 $0xFFFFFE00;
	s4 =	simm.s32 @!p0 $0x3  }
0x53: {  	[tilespmem:s0], [sflag:$0x3] =	stream.linear.gather @!p0 [hbm4b:s13+s0], $0x1400, $0x38;
	[tilespmem:$0x1E800] =	vst v63  }
0x54: {  	_ =	swait.ge @!p0 [sflag:s4], $0x1400  }
0x55: {  	[sflag:s4] =	ssyncset.done @!p0 $0x0  }
0x56: {  	s18 =	simm.s32 @!p0 $0x1400;
	[sflag:s4] =	ssyncadd.s32 @!p0 $0xFFFFEC00  }
0x57: {  	[tilespmem:s18], [sflag:$0x3] =	stream.linear.gather @!p0 [hbm4b:s14+s0], $0x1400, $0x38;
	[tilespmem:$0x1E800] =	vst v63  }
0x58: {  	_ =	swait.ge @!p0 [sflag:s4], $0x1400  }
0x59: {  	[sflag:s4] =	ssyncset.done @!p0 $0x0  }
0x5a: {  	s18 =	simm.s32 $0x0;
	[sflag:s4] =	ssyncadd.s32 @!p0 $0xFFFFEC00  }
0x5b: {  	[tilespmem:s23], [sflag:$0x1] =	stream.indirect.gather [hbm4b:s1+s25], $0x80, s18, s25, $0xb8;
	[tilespmem:$0x1E800] =	vst v63  }
0x5c: {  	s19 =	simm.s32 $0x6800  }
0x5d: {  	[tilespmem:s19], [sflag:$0x2] =	stream.indirect.gather [hbm4b:s1+s25], $0x80, s25, s25, $0xb8;
	[tilespmem:$0x1E800] =	vst v63  }
0x5e: {  	_ =	swait.ge [sflag:s28], $0x4000  }
0x5f: {  	[sflag:s28] =	ssyncset.done $0x0  }
0x60: {  	s26 =	simm.s32 $0x1400;
	[sflag:s28] =	ssyncadd.s32 $0xFFFFC000  }
0x61: {  	[spmem:s2] =	stream.indirect.scatter.add.f32 [tilespmem:s23], [sflag:$0x3], $0x80, s26, s25, $0xb8;
	[tilespmem:$0x1E800] =	vst v63  }
0x62: {  	_ =	swait.ge [sflag:s24], $0x4000  }
0x63: {  	p1 =	sle.u32 s11, $0x1;
	[sflag:s24] =	ssyncset.done $0x0  }
0x64: {  	s0 =	simm.s32 @p1 $0x2;
	[sflag:s24] =	ssyncadd.s32 $0xFFFFC000  }
0x65: {  	_ =	swait.ge @p1 [sflag:s0], $0x4000  }
0x66: {  	s29 =	simm.s32 $0x1480;
	s4 =	simm.s32 @p1 $0x3;
	[sflag:s0] =	ssyncset.done @p1 $0x0  }
0x67: {  	s18 =	simm.s32 @p1 $0x6800;
	[sflag:s0] =	ssyncadd.s32 @p1 $0xFFFFC000;
	s0 =	simm.s32 @p1 $0x80  }
0x68: {  	[spmem:s2] =	stream.indirect.scatter.add.f32 @p1 [tilespmem:s18], [sflag:$0x3], $0x80, s29, s0, $0xb8;
	[tilespmem:$0x1E800] =	vst v63  }
0x69: {  	_ =	swait.ge @p1 [sflag:s4], $0x4000  }
0x6a: {  	s30 =	simm.s32 @!p1 $0x100;
	s0 =	simm.s32 @!p1 $0x2800;
	[sflag:s4] =	ssyncset.done @p1 $0x0  }
0x6b: {  	s18 =	simm.s32 @!p1 $0x2;
	[sflag:s4] =	ssyncadd.s32 @p1 $0xFFFFC000;
	s4 =	simm.s32 @!p1 $0x80  }
0x6c: {  	[tilespmem:s0], [sflag:$0x1] =	stream.indirect.gather @!p1 [hbm4b:s1+s4], $0x80, s30, s4, $0xb8;
	[tilespmem:$0x1E800] =	vst v63  }
0x6d: {  	_ =	swait.ge @!p1 [sflag:s18], $0x4000  }
0x6e: {  	p2 =	sne.s32 s11, $0x1;
	s0 =	simm.s32 @!p1 $0x3;
	[sflag:s18] =	ssyncset.done @!p1 $0x0  }
.Ltmp3:
0x6f: {  	[sflag:s18] =	ssyncadd.s32 @!p1 $0xFFFFC000;
	s18 =	simm.s32 @!p1 $0x6800;
	(pc) =	sbr.rel @!p2 .LBB2_5-.Ltmp3, $4  }
0x70: {  	[spmem:s2] =	stream.indirect.scatter.add.f32 @!p1 [tilespmem:s18], [sflag:$0x3], $0x80, s29, s4, $0xb8;
	[tilespmem:$0x1E800] =	vst v63  }
0x71: {  	_ =	swait.ge @!p1 [sflag:s0], $0x4000  }
0x72: {  	s31 =	simm.s32 $0x180;
	s30 =	simm.s32 $0x1;
	[sflag:s0] =	ssyncset.done @!p1 $0x0  }
0x73: {  	s29 =	simm.s32 $0x1580;
	[sflag:s0] =	ssyncadd.s32 @!p1 $0xFFFFC000;
	s0 =	simm.s32 $0x280  }
.LBB2_4:
0x74: {  	[tilespmem:s18], [sflag:$0x2] =	stream.indirect.gather @!p1 [hbm4b:s1+s4], $0x80, s31, s4, $0xb8;
	[tilespmem:$0x1E800] =	vst v63  }
0x75: {  	s30 =	sadd.s32 $0x1, s30;
	s31 =	smov.u32 s0;
	_ =	swait.ge [sflag:s28], $0x4000  }
0x76: {  	p2 =	sne.s32 s11, s30;
	[sflag:s28] =	ssyncset.done $0x0  }
0x77: {  	s4 =	sadd.s32 $0xFFFFFF80, s29;
	[sflag:s28] =	ssyncadd.s32 $0xFFFFC000  }
0x78: {  	[spmem:s2] =	stream.indirect.scatter.add.f32 [tilespmem:s23], [sflag:$0x3], $0x80, s4, s25, $0xb8;
	[tilespmem:$0x1E800] =	vst v63  }
0x79: {  	_ =	swait.ge [sflag:s24], $0x4000  }
0x7a: {  	p1 =	sge.u32 s30, s11;
	[sflag:s24] =	ssyncset.done $0x0  }
0x7b: {  	s4 =	simm.s32 @p1 $0x2;
	[sflag:s24] =	ssyncadd.s32 $0xFFFFC000  }
0x7c: {  	_ =	swait.ge @p1 [sflag:s4], $0x4000  }
0x7d: {  	s18 =	simm.s32 @p1 $0x3;
	[sflag:s4] =	ssyncset.done @p1 $0x0  }
0x7e: {  	s19 =	simm.s32 @p1 $0x6800;
	[sflag:s4] =	ssyncadd.s32 @p1 $0xFFFFC000;
	s4 =	simm.s32 @p1 $0x80  }
0x7f: {  	[spmem:s2] =	stream.indirect.scatter.add.f32 @p1 [tilespmem:s19], [sflag:$0x3], $0x80, s29, s4, $0xb8;
	[tilespmem:$0x1E800] =	vst v63  }
0x80: {  	_ =	swait.ge @p1 [sflag:s18], $0x4000  }
0x81: {  	s26 =	simm.s32 @!p1 $0x2;
	s19 =	simm.s32 @!p1 $0x2800;
	[sflag:s18] =	ssyncset.done @p1 $0x0  }
0x82: {  	s4 =	simm.s32 @!p1 $0x80;
	[sflag:s18] =	ssyncadd.s32 @p1 $0xFFFFC000;
	s18 =	sadd.s32 @!p1 $0xFFFFFF80, s0  }
0x83: {  	[tilespmem:s19], [sflag:$0x1] =	stream.indirect.gather @!p1 [hbm4b:s1+s4], $0x80, s18, s4, $0xb8;
	[tilespmem:$0x1E800] =	vst v63  }
0x84: {  	_ =	swait.ge @!p1 [sflag:s26], $0x4000  }
0x85: {  	s19 =	simm.s32 @!p1 $0x3;
	[sflag:s26] =	ssyncset.done @!p1 $0x0  }
.Ltmp4:
0x86: {  	s18 =	simm.s32 @!p1 $0x6800;
	[sflag:s26] =	ssyncadd.s32 @!p1 $0xFFFFC000;
	(pc) =	sbr.rel @p2 .LBB2_4-.Ltmp4, $4  }
0x87: {  	[spmem:s2] =	stream.indirect.scatter.add.f32 @!p1 [tilespmem:s18], [sflag:$0x3], $0x80, s29, s4, $0xb8;
	[tilespmem:$0x1E800] =	vst v63  }
0x88: {  	_ =	swait.ge @!p1 [sflag:s19], $0x4000  }
0x89: {  	[sflag:s19] =	ssyncset.done @!p1 $0x0  }
0x8a: {  	s0 =	sadd.s32 $0x100, s0;
	s29 =	sadd.s32 $0x100, s29;
	[sflag:s19] =	ssyncadd.s32 @!p1 $0xFFFFC000  }
.LBB2_5:
.Ltmp5:
0x8b: {  	(pc) =	sbr.rel @p0 .LBB2_9-.Ltmp5, $2  }
0x8c: {  	_ =	sdelay $0x2  }
0x8d: {  	[tilespmem:s18], [sflag:$0x2] =	stream.indirect.gather @!p1 [hbm4b:s1+s4], $0x80, s31, s4, $0xb8;
	[tilespmem:$0x1E800] =	vst v63  }
0x8e: {  	s0 =	simm.s32 $0x0;
	s4 =	rddreg [dreg:$0x4]  }
0x8f: {  	[tilespmem:s0], [sflag:$0x3] =	stream.linear.gather [hbm4b:s4+s0], $0x1400, $0x38;
	[tilespmem:$0x1E800] =	vst v63  }
0x90: {  	_ =	swait.ge [sflag:s24], $0x1400  }
0x91: {  	[sflag:s24] =	ssyncset.done $0x0  }
0x92: {  	s18 =	simm.s32 $0x1400;
	s26 =	rddreg [dreg:$0x5];
	[sflag:s24] =	ssyncadd.s32 $0xFFFFEC00  }
0x93: {  	[tilespmem:s18], [sflag:$0x3] =	stream.linear.gather [hbm4b:s26+s0], $0x1400, $0x38;
	[tilespmem:$0x1E800] =	vst v63  }
0x94: {  	_ =	swait.ge [sflag:s24], $0x1400  }
0x95: {  	[sflag:s24] =	ssyncset.done $0x0  }
0x96: {  	[sflag:s24] =	ssyncadd.s32 $0xFFFFEC00  }
0x97: {  	[tilespmem:s23], [sflag:$0x1] =	stream.indirect.gather [hbm4b:s1+s25], $0x80, s0, s25, $0xb8;
	[tilespmem:$0x1E800] =	vst v63  }
0x98: {  	s19 =	simm.s32 $0x6800  }
0x99: {  	[tilespmem:s19], [sflag:$0x2] =	stream.indirect.gather [hbm4b:s1+s25], $0x80, s25, s25, $0xb8;
	[tilespmem:$0x1E800] =	vst v63  }
0x9a: {  	_ =	swait.ge [sflag:s28], $0x4000  }
0x9b: {  	[sflag:s28] =	ssyncset.done $0x0  }
0x9c: {  	s26 =	simm.s32 $0x1400;
	[sflag:s28] =	ssyncadd.s32 $0xFFFFC000  }
0x9d: {  	[spmem:s2] =	stream.indirect.scatter.add.f32 [tilespmem:s23], [sflag:$0x3], $0x80, s26, s25, $0xb8;
	[tilespmem:$0x1E800] =	vst v63  }
0x9e: {  	_ =	swait.ge [sflag:s24], $0x4000  }
0x9f: {  	p1 =	sle.u32 s15, $0x1;
	[sflag:s24] =	ssyncset.done $0x0  }
0xa0: {  	s0 =	simm.s32 @p1 $0x2;
	[sflag:s24] =	ssyncadd.s32 $0xFFFFC000  }
0xa1: {  	_ =	swait.ge @p1 [sflag:s0], $0x4000  }
0xa2: {  	s4 =	simm.s32 @p1 $0x3;
	s18 =	simm.s32 @p1 $0x6800;
	[sflag:s0] =	ssyncset.done @p1 $0x0  }
0xa3: {  	s19 =	simm.s32 $0x1480;
	[sflag:s0] =	ssyncadd.s32 @p1 $0xFFFFC000;
	s0 =	simm.s32 @p1 $0x80  }
0xa4: {  	[spmem:s2] =	stream.indirect.scatter.add.f32 @p1 [tilespmem:s18], [sflag:$0x3], $0x80, s19, s0, $0xb8;
	[tilespmem:$0x1E800] =	vst v63  }
0xa5: {  	_ =	swait.ge @p1 [sflag:s4], $0x4000  }
0xa6: {  	s26 =	simm.s32 @!p1 $0x100;
	s0 =	simm.s32 @!p1 $0x2800;
	[sflag:s4] =	ssyncset.done @p1 $0x0  }
0xa7: {  	s18 =	simm.s32 @!p1 $0x2;
	[sflag:s4] =	ssyncadd.s32 @p1 $0xFFFFC000;
	s4 =	simm.s32 @!p1 $0x80  }
0xa8: {  	[tilespmem:s0], [sflag:$0x1] =	stream.indirect.gather @!p1 [hbm4b:s1+s4], $0x80, s26, s4, $0xb8;
	[tilespmem:$0x1E800] =	vst v63  }
0xa9: {  	_ =	swait.ge @!p1 [sflag:s18], $0x4000  }
0xaa: {  	p2 =	sne.s32 s20, $0x1;
	s0 =	simm.s32 @!p1 $0x3;
	[sflag:s18] =	ssyncset.done @!p1 $0x0  }
.Ltmp6:
0xab: {  	[sflag:s18] =	ssyncadd.s32 @!p1 $0xFFFFC000;
	s18 =	simm.s32 @!p1 $0x6800;
	(pc) =	sbr.rel @!p2 .LBB2_8-.Ltmp6, $4  }
0xac: {  	[spmem:s2] =	stream.indirect.scatter.add.f32 @!p1 [tilespmem:s18], [sflag:$0x3], $0x80, s19, s4, $0xb8;
	[tilespmem:$0x1E800] =	vst v63  }
0xad: {  	_ =	swait.ge @!p1 [sflag:s0], $0x4000  }
0xae: {  	s31 =	simm.s32 $0x180;
	s30 =	simm.s32 $0x1;
	[sflag:s0] =	ssyncset.done @!p1 $0x0  }
0xaf: {  	s29 =	simm.s32 $0x1580;
	[sflag:s0] =	ssyncadd.s32 @!p1 $0xFFFFC000;
	s0 =	simm.s32 $0x280  }
.LBB2_7:
0xb0: {  	[tilespmem:s18], [sflag:$0x2] =	stream.indirect.gather @!p1 [hbm4b:s1+s4], $0x80, s31, s4, $0xb8;
	[tilespmem:$0x1E800] =	vst v63  }
0xb1: {  	s30 =	sadd.s32 $0x1, s30;
	s31 =	smov.u32 s0;
	_ =	swait.ge [sflag:s28], $0x4000  }
0xb2: {  	p2 =	sne.s32 s20, s30;
	[sflag:s28] =	ssyncset.done $0x0  }
0xb3: {  	s4 =	sadd.s32 $0xFFFFFF80, s29;
	[sflag:s28] =	ssyncadd.s32 $0xFFFFC000  }
0xb4: {  	[spmem:s2] =	stream.indirect.scatter.add.f32 [tilespmem:s23], [sflag:$0x3], $0x80, s4, s25, $0xb8;
	[tilespmem:$0x1E800] =	vst v63  }
0xb5: {  	_ =	swait.ge [sflag:s24], $0x4000  }
0xb6: {  	p1 =	sge.u32 s30, s15;
	[sflag:s24] =	ssyncset.done $0x0  }
0xb7: {  	s4 =	simm.s32 @p1 $0x2;
	[sflag:s24] =	ssyncadd.s32 $0xFFFFC000  }
0xb8: {  	_ =	swait.ge @p1 [sflag:s4], $0x4000  }
0xb9: {  	s18 =	simm.s32 @p1 $0x3;
	[sflag:s4] =	ssyncset.done @p1 $0x0  }
0xba: {  	s19 =	simm.s32 @p1 $0x6800;
	[sflag:s4] =	ssyncadd.s32 @p1 $0xFFFFC000;
	s4 =	simm.s32 @p1 $0x80  }
0xbb: {  	[spmem:s2] =	stream.indirect.scatter.add.f32 @p1 [tilespmem:s19], [sflag:$0x3], $0x80, s29, s4, $0xb8;
	[tilespmem:$0x1E800] =	vst v63  }
0xbc: {  	_ =	swait.ge @p1 [sflag:s18], $0x4000  }
0xbd: {  	s26 =	simm.s32 @!p1 $0x2;
	s19 =	simm.s32 @!p1 $0x2800;
	[sflag:s18] =	ssyncset.done @p1 $0x0  }
0xbe: {  	s4 =	simm.s32 @!p1 $0x80;
	[sflag:s18] =	ssyncadd.s32 @p1 $0xFFFFC000;
	s18 =	sadd.s32 @!p1 $0xFFFFFF80, s0  }
0xbf: {  	[tilespmem:s19], [sflag:$0x1] =	stream.indirect.gather @!p1 [hbm4b:s1+s4], $0x80, s18, s4, $0xb8;
	[tilespmem:$0x1E800] =	vst v63  }
0xc0: {  	_ =	swait.ge @!p1 [sflag:s26], $0x4000  }
0xc1: {  	s19 =	simm.s32 @!p1 $0x3;
	[sflag:s26] =	ssyncset.done @!p1 $0x0  }
.Ltmp7:
0xc2: {  	s18 =	simm.s32 @!p1 $0x6800;
	[sflag:s26] =	ssyncadd.s32 @!p1 $0xFFFFC000;
	(pc) =	sbr.rel @p2 .LBB2_7-.Ltmp7, $4  }
0xc3: {  	[spmem:s2] =	stream.indirect.scatter.add.f32 @!p1 [tilespmem:s18], [sflag:$0x3], $0x80, s29, s4, $0xb8;
	[tilespmem:$0x1E800] =	vst v63  }
0xc4: {  	_ =	swait.ge @!p1 [sflag:s19], $0x4000  }
0xc5: {  	[sflag:s19] =	ssyncset.done @!p1 $0x0  }
0xc6: {  	s0 =	sadd.s32 $0x100, s0;
	s29 =	sadd.s32 $0x100, s29;
	[sflag:s19] =	ssyncadd.s32 @!p1 $0xFFFFC000  }
.Ltmp8:
0xc7: {  	_ = 	snop;
	(pc) =	sbr.rel .LBB2_8-.Ltmp8, $1  }
0xc8: {  	_ =	sdelay $0x3  }
.LBB2_10:
0xc9: {  	_ =	sfence.sel $0x180000  }
0xca: {  	[bflag:$0x0] =	sbarrier.arrive $0xFFFF  }
0xcb: {  	_ =	strace $0x9000004A  }
0xcc: {  	s0 =	stileid.u32;
	[bflag:$0x2] =	sbarrier.arrive $0xFFFF  }
0xcd: {  	p0 =	sne.s32 s0, $0x0;
	s0 =	rddreg [dreg:$0x3]  }
0xce: {  	s0 =	sadd.s32 @!p0 $0x100000, s0  }
0xcf: {  	[sflag:s0] =	ssyncadd.tile.s32 @!p0 $0x1;
	_ =	shalt  }
.Lfunc_end2:
_tile_overlayer_lowered:
.L_overlay_start_2:
0xd0: {  	(tag) =	ssettag $0x2  }
0xd1: {  	s0 =	rddreg [dreg:$0x0];
	s2 =	stileid.u32  }
0xd2: {  	s1 =	rddreg [dreg:$0x1];
	p0 =	sne.s32 s2, $0x0  }
0xd3: {  	s3 =	rddreg [dreg:$0x2];
	[bflag:$0x3] =	sbarrier.arrive $0xFFFF;
	s2 =	simm.s32 @!p0 $0x1C03  }
0xd4: {  	[timem:s3], [sflag:s2] =	dma.local @!p0 [hbm:s0], s1  }
0xd5: {  	s0 =	simm.s32 @!p0 $0x3  }
0xd6: {  	_ =	swait.ge @!p0 [sflag:s0], s1  }
0xd7: {  	s1 =	ssub.s32 @!p0 $0x0, s1;
	[sflag:s0] =	ssyncset.done @!p0 $0x0  }
0xd8: {  	[sflag:s0] =	ssyncadd.s32 @!p0 s1  }
0xd9: {  	[bflag:$0x3] =	sbarrier.arrive $0xFFFF  }
0xda: {  	_ =	shalt  }

// kernel: kernel.16.cloned.1.call-start
scs
__scs_entry_jumppad:
0x0: {  	(pc) =	sbr.rel $0x88, $3  }
0x1: {  	(tag) =	ssettag $0x0;
	lr =	simm.s32 $0x1  }
0x2: {  	[smem:$0x3F99] =	sst lr;
	_ =	strace $0xD0000000  }
0x3: {  	_ = 	snop  }
0x4: {  	_ = 	snop  }
0x5: {  	_ = 	snop  }
0x6: {  	_ = 	snop  }
0x7: {  	_ = 	snop  }
__scs_overlays_trampoline_lowered:
0x8: {  	[smem:$0x3FA8] =	sst s0  }
0x9: {  	[smem:$0x3FA9] =	sst s1  }
0xa: {  	[smem:$0x3FAA] =	sst s2  }
0xb: {  	[smem:$0x3FAB] =	sst s3  }
0xc: {  	[smem:$0x3FAC] =	sst s4  }
0xd: {  	[smem:$0x3FAD] =	sst s5  }
0xe: {  	[smem:$0x3FAE] =	sst s6  }
0xf: {  	[smem:$0x3FAF] =	sst s7  }
0x10: {  	[smem:$0x3FB0] =	sst s8  }
0x11: {  	[smem:$0x3FB1] =	sst s9;
	s0 =	simm.s32 @!p0 $0x0  }
0x12: {  	s1 =	sld [smem:$0x3F97];
	s0 =	simm.s32 @p0 $0x1  }
0x13: {  	[smem:$0x3FB2] =	sst s0;
	s0 =	simm.s32 @!p1 $0x0  }
0x14: {  	s2 =	sld [smem:$0x3F96];
	s0 =	simm.s32 @p1 $0x1  }
0x15: {  	[smem:$0x3FB3] =	sst s0;
	s0 =	simm.s32 @!p2 $0x0  }
0x16: {  	s3 =	sld [smem:$0x3FDB];
	s0 =	simm.s32 @p2 $0x1  }
0x17: {  	s4 =	simm.s32 $0x1BF5;
	[smem:$0x3FB5] =	sst s0  }
0x18: {  	s0 =	sld [smem:$0x3F98];
	_ =	swait.ge [sflag:s4], $0x0  }
0x19: {  	s7 =	sld [smem:$0x3F99]  }
0x1a: {  	s8 =	sadd.s32 $0xFFFFE003, lr  }
0x1b: {  	s9 =	sadd.s32 $0xFFFFFEF7, lr;
	s5 =	simm.s32 $0xFFFFFFFF;
	p2 =	slt.u32 s8, $0xFFFFF086  }
0x1c: {  	p1 =	slt.u32 s9, $0xF7A;
	s5 =	simm.s32 @!p2 $0x0  }
0x1d: {  	s5 =	simm.s32 @p1 $0x1;
	p0 =	seq.s32 s7, s2  }
0x1e: {  	s7 =	smul.u32 @!p0 $0xF7A, s2;
	p2 =	seq.s32 @!p0 s5, $0x0  }
0x1f: {  	s9 =	smul.u32 $0xF7A, s1;
	s8 =	simm.s32 @!p0 $0x1BF5;
	p2 =	por !p2, p0  }
0x20: {  	[sflag:s8] =	ssyncset.s32 @!p0 $0xFFFFF086;
	s6 =	sadd.s32 @!p0 s3, s7;
	s7 =	simm.s32 @!p0 $0x108  }
0x21: {  	s3 =	sadd.s32 s3, s9;
	s6 =	sadd.s32 @!p0 $0x88, s6;
	s7 =	simm.s32 @p2 $0x1082  }
0x22: {  	[simem:s7], [sflag:s8] =	dma.local @!p0 [hbm:s6], $0xF7A  }
0x23: {  	s9 =	sor.u32 $0xD0000000, s2;
	s6 =	simm.s32 $0x108;
	_ =	swait.ge @!p0 [sflag:s8], $0x0  }
0x24: {  	s3 =	sadd.s32 $0x88, s3;
	s6 =	simm.s32 @!p1 $0x1082;
	[sflag:s4] =	ssyncset.s32 $0xFFFFF086  }
0x25: {  	[simem:s6], [sflag:s4] =	dma.local [hbm:s3], $0xF7A  }
0x26: {  	[smem:$0x3F99] =	sst s1;
	(tag) =	ssettag s2;
	_ =	strace s9  }
0x27: {  	s1 =	sld [smem:$0x3FA9]  }
0x28: {  	s2 =	sld [smem:$0x3FAA]  }
0x29: {  	s4 =	sld [smem:$0x3FAC]  }
0x2a: {  	p0 =	seq.s32 s5, $0x0;
	s5 =	sld [smem:$0x3FAD]  }
0x2b: {  	s6 =	sld [smem:$0x3FAE]  }
0x2c: {  	s7 =	sld [smem:$0x3FAF]  }
0x2d: {  	s3 =	simm.s32 $0x108;
	s8 =	sld [smem:$0x3FB0]  }
0x2e: {  	s3 =	simm.s32 @!p0 $0x1082;
	s9 =	sld [smem:$0x3FB1]  }
0x2f: {  	lr =	sadd.s32 s0, s3;
	s0 =	sld [smem:$0x3FA8]  }
0x30: {  	s3 =	sld [smem:$0x3FAB]  }
0x31: {  	[smem:$0x3FB4] =	sst s10  }
0x32: {  	s10 =	sld [smem:$0x3FB2];
	_ =	sdelay $0x3  }
0x33: {  	p0 =	seq.s32 s10, $0x1;
	s10 =	sld [smem:$0x3FB4];
	_ =	sdelay $0x3  }
0x34: {  	[smem:$0x3FB4] =	sst s10  }
0x35: {  	s10 =	sld [smem:$0x3FB3];
	_ =	sdelay $0x3  }
0x36: {  	p1 =	seq.s32 s10, $0x1;
	s10 =	sld [smem:$0x3FB4];
	_ =	sdelay $0x3  }
0x37: {  	[smem:$0x3FB4] =	sst s10  }
0x38: {  	s10 =	sld [smem:$0x3FB5]  }
0x39: {  	_ = 	snop;
	(pc) =	sbr.ind lr, $3  }
0x3a: {  	_ = 	snop  }
0x3b: {  	_ = 	snop  }
0x3c: {  	p2 =	seq.s32 s10, $0x1;
	s10 =	sld [smem:$0x3FB4]  }
0x3d: {  	_ =	shalt  }
0x3e: {  	_ =	shalt  }
0x3f: {  	_ =	shalt  }
0x40: {  	_ =	shalt  }
0x41: {  	_ =	shalt  }
0x42: {  	_ =	shalt  }
0x43: {  	_ =	shalt  }
0x44: {  	_ =	shalt  }
0x45: {  	_ =	shalt  }
0x46: {  	_ =	shalt  }
0x47: {  	_ =	shalt  }
0x48: {  	_ =	shalt  }
0x49: {  	_ =	shalt  }
0x4a: {  	_ =	shalt  }
0x4b: {  	_ =	shalt  }
0x4c: {  	_ =	shalt  }
0x4d: {  	_ =	shalt  }
0x4e: {  	_ =	shalt  }
0x4f: {  	_ =	shalt  }
0x50: {  	_ =	shalt  }
0x51: {  	_ =	shalt  }
0x52: {  	_ =	shalt  }
0x53: {  	_ =	shalt  }
0x54: {  	_ =	shalt  }
0x55: {  	_ =	shalt  }
0x56: {  	_ =	shalt  }
0x57: {  	_ =	shalt  }
0x58: {  	_ =	shalt  }
0x59: {  	_ =	shalt  }
0x5a: {  	_ =	shalt  }
0x5b: {  	_ =	shalt  }
0x5c: {  	_ =	shalt  }
0x5d: {  	_ =	shalt  }
0x5e: {  	_ =	shalt  }
0x5f: {  	_ =	shalt  }
0x60: {  	_ =	shalt  }
0x61: {  	_ =	shalt  }
0x62: {  	_ =	shalt  }
0x63: {  	_ =	shalt  }
0x64: {  	_ =	shalt  }
0x65: {  	_ =	shalt  }
0x66: {  	_ =	shalt  }
0x67: {  	_ =	shalt  }
0x68: {  	_ =	shalt  }
0x69: {  	_ =	shalt  }
0x6a: {  	_ =	shalt  }
0x6b: {  	_ =	shalt  }
0x6c: {  	_ =	shalt  }
0x6d: {  	_ =	shalt  }
0x6e: {  	_ =	shalt  }
0x6f: {  	_ =	shalt  }
0x70: {  	_ =	shalt  }
0x71: {  	_ =	shalt  }
0x72: {  	_ =	shalt  }
0x73: {  	_ =	shalt  }
0x74: {  	_ =	shalt  }
0x75: {  	_ =	shalt  }
0x76: {  	_ =	shalt  }
0x77: {  	_ =	shalt  }
0x78: {  	_ =	shalt  }
0x79: {  	_ =	shalt  }
0x7a: {  	_ =	shalt  }
0x7b: {  	_ =	shalt  }
0x7c: {  	_ =	shalt  }
0x7d: {  	_ =	shalt  }
0x7e: {  	_ =	shalt  }
0x7f: {  	_ =	shalt  }
0x80: {  	_ =	shalt  }
0x81: {  	_ =	shalt  }
0x82: {  	_ =	shalt  }
0x83: {  	_ =	shalt  }
0x84: {  	_ =	shalt  }
0x85: {  	_ =	shalt  }
0x86: {  	_ =	shalt  }
0x87: {  	_ =	shalt  }
.Lfunc_end0:
.L_simem_size_0:
called_computation.2_lowered:
.L_overlay_start_0:
0x88: {  	s2 =	sld [smem:$0x3FD9]  }
0x89: {  	s3 =	sld [smem:$0x3FFE];
	_ =	sdelay $0x1  }
0x8a: {  	s1 =	srdreg.scid  }
0x8b: {  	s0 =	sand.u32 $0x1, s1  }
0x8c: {  	s17 =	sshll.u32 s0, $0xA;
	s2 =	sadd.s32 s3, s2  }
0x8d: {  	s2 =	sadd.s32 s2, s17  }
0x8e: {  	[smem:$0x3FC0] =	sst s2  }
0x8f: {  	_ = 	snop  }
0x90: {  	s2 =	sld [smem:$0x3FD0];
	(tm) =	ssettm $0x1  }
0x91: {  	s18 =	sld [smem:$0x3FFB];
	_ =	sdelay $0x3  }
0x92: {  	_ =	strace s18  }
0x93: {  	s3 =	sld [smem:$0x3FFC];
	_ =	sdelay $0x3  }
0x94: {  	_ =	strace s3  }
0x95: {  	s3 =	sld [smem:$0x3FFD];
	_ =	sdelay $0x3  }
0x96: {  	_ =	strace s3  }
0x97: {  	_ =	strace $0x8FFFFFFF  }
0x98: {  	s19 =	sld [smem:$0x3FDB];
	_ =	sdelay $0x1  }
0x99: {  	s4 =	simm.s32 $_scs_section_size  }
0x9a: {  	s5 =	simm.s32 $_size__tile_overlayer_lowered;
	s6 =	simm.s32 $_tile_overlayer_lowered  }
0x9b: {  	s22 =	simm.s32 $0x1BFF;
	s21 =	sshll.u32 s6, $0x1;
	s3 =	sadd.s32 s4, s19  }
0x9c: {  	s7 =	simm.s32 $0x0;
	s20 =	sshll.u32 s5, $0x1;
	s5 =	sadd.s32 s21, s3  }
0x9d: {  	[timem:s7], [sflag:s22] =	dma.local [hbm:s5], s20  }
0x9e: {  	_ =	swait.ge [sflag:s22], s20  }
0x9f: {  	s4 =	ssub.s32 $0x0, s20;
	[sflag:s22] =	ssyncset.done $0x0  }
0xa0: {  	[sflag:s22] =	ssyncadd.s32 s4;
	_ =	sdelay $0x1  }
0xa1: {  	s23 =	simm.s32 $0x1B8B  }
0xa2: {  	_ =	swait.ge [sflag:s23], $0x1  }
0xa3: {  	[sflag:s23] =	ssyncset.done $0x0  }
0xa4: {  	s25 =	simm.s32 $0x1B8E;
	s24 =	sld [smem:$0x3FFE];
	[sflag:s23] =	ssyncadd.s32 $0xFFFFFFFF  }
0xa5: {  	s26 =	simm.s32 $execute0_lowered;
	[smem:$0x3FD2] =	sst s25  }
0xa6: {  	s5 =	sshll.u32 s26, $0x1;
	_ =	strace $0x8000004C;
	[dreg:$0x1] =	wrdreg $0xFFFFFFFF  }
0xa7: {  	s28 =	simm.s32 $_size_execute0_lowered;
	s3 =	sadd.s32 s3, s5;
	[dreg:$0x0] =	wrdreg $0x0  }
0xa8: {  	s5 =	sshll.u32 s28, $0x1;
	[dreg:$0x2] =	wrdreg s3  }
0xa9: {  	[dreg:$0x3] =	wrdreg s5  }
0xaa: {  	[dreg:$0x4] =	wrdreg $0xC0  }
0xab: {  	_ =	task [dreg:s7], $0x5FFFF  }
0xac: {  	[dreg:$0x1] =	wrdreg $0xFFFFFFFF  }
0xad: {  	[dreg:$0x0] =	wrdreg $0x60  }
0xae: {  	[dreg:$0x2] =	wrdreg s2  }
0xaf: {  	[dreg:$0x3] =	wrdreg s24  }
0xb0: {  	[dreg:$0x4] =	wrdreg $0xA8000  }
0xb1: {  	[dreg:$0x5] =	wrdreg $0x9  }
0xb2: {  	_ =	task.clear_ibuf [dreg:s7], $0x6FFFF;
	_ =	strace $0x9000004C  }
0xb3: {  	s29 =	simm.s32 $0x9;
	_ =	strace $0x8000004E  }
0xb4: {  	_ =	swait.ge [sflag:s29], $0x1  }
0xb5: {  	[sflag:s29] =	ssyncadd.s32 $0xFFFFFFFF  }
0xb6: {  	_ =	strace $0x9000004E  }
0xb7: {  	_ =	sfence  }
0xb8: {  	s30 =	sld [smem:$0x0];
	_ =	sdelay $0x2  }
0xb9: {  	s31 =	sshll.u32 s1, $0xD;
	s1 =	sshrl.u32 s1, $0x2  }
0xba: {  	s3 =	sand.u32 $0x4000, s31;
	s1 =	sadd.s32 s1, s30  }
0xbb: {  	s0 =	sor.u32 s3, s0;
	s1 =	sshll.u32 s1, $0x11  }
0xbc: {  	s0 =	sor.u32 s1, s0  }
0xbd: {  	s0 =	sadd.s32 $0x8F2B, s0  }
0xbe: {  	[sflag:s0] =	ssyncadd.remote.s32 $0x1  }
0xbf: {  	_ =	sfence.sel $0xFFFF  }
0xc0: {  	[dreg:$0x0] =	wrdreg $0xFFFFFFFF;
	(pc) =	sbr.abs _section_cstart, $3  }
0xc1: {  	[dreg:$0x1] =	wrdreg $0xFFFFFFFF  }
0xc2: {  	_ =	task.clear_ibuf [dreg:s7], $0x2FFFF;
	_ =	strace $0x9FFFFFFF  }
0xc3: {  	(tm) =	ssettm $0x7FFFFFFF  }
tec
execute0_lowered:
.L_overlay_start_1:
0x0: {  	(tag) =	ssettag $0x1  }
0x1: {  	s1 =	rddreg [dreg:$0x0]  }
0x2: {  	s0 =	rddreg [dreg:$0x1]  }
0x3: {  	s2 =	rddreg [dreg:$0x2];
	s3 =	simm.s32 $0x0  }
0x4: {  	s5 =	srdreg.scid;
	s23 =	stileid.u32;
	s11 =	simm.s32 $0xA  }
0x5: {  	s15 =	simm.s32 $0x0;
	s22 =	simm.s32 $0x91A00;
	s24 =	simm.s32 $0x3  }
0x6: {  	s25 =	simm.s32 $0x80;
	s28 =	simm.s32 $0x1;
	[smem:$0x7FF] =	sst s3  }
0x7: {  	s4 =	sadd.s32 $0x6200, s0;
	s18 =	sadd.s32 $0xFE00, s0;
	s19 =	sand.u32 $0x1, s5  }
0x8: {  	s7 =	smul.u32 $0x50000, s23;
	s5 =	sadd.s32 $0x5E00, s0;
	s6 =	sadd.s32 $0x6000, s0  }
0x9: {  	s17 =	sadd.s32 $0x19900, s0;
	_ =	strace $0x8000004D;
	s8 =	ssub.s32 $0x2, s19  }
0xa: {  	s10 =	sshll.u32 s19, $0x4;
	p1 =	seq.s32 s19, $0x1;
	s9 =	sshrl.u32 s8, $0x1  }
0xb: {  	s7 =	sshrl.u32 s7, $0x2;
	s16 =	sor.u32 s23, s10;
	s23 =	smul.u32 $0x2800, s23  }
0xc: {  	s22 =	simm.s32 @!p1 $0x69A00;
	s21 =	ssub.s32 s8, s9;
	s14 =	smul.u32 $0x500, s16  }
0xd: {  	s7 =	sadd.s32 s7, s2;
	p0 =	seq.s32 s16, $0x1F;
	s20 =	smul.u32 $0x2800, s16  }
0xe: {  	s16 =	sadd.s32 $0xFD00, s0;
	s0 =	sadd.s32 s22, s0;
	s8 =	sadd.s32 $0x4000, s7  }
0xf: {  	s9 =	sadd.s32 $0x8000, s7;
	s10 =	sadd.s32 $0xC000, s7;
	s12 =	sadd.s32 $0x10000, s7  }
.Ltmp0:
0x10: {  	s11 =	simm.s32 @!p0 $0x14;
	s20 =	sshrl.u32 s20, $0x3;
	(pc) =	sbr.rel .LBB2_1-.Ltmp0, $4  }
0x11: {  	s15 =	simm.s32 @!p0 $0x14;
	s21 =	smax.u32 s21, $0x1;
	s30 =	sadd.s32 $0x280, s20  }
0x12: {  	s22 =	sadd.s32 s0, s23;
	s13 =	sadd.s32 s4, s14;
	s4 =	sadd.s32 s4, s30  }
0x13: {  	s23 =	simm.s32 $0x2800;
	s31 =	sadd.s32 s18, s30;
	[dreg:$0x4] =	wrdreg s4  }
0x14: {  	v0 =	vimm.f32 $0.0e+00;
	s14 =	sadd.s32 s18, s14;
	s20 =	smax.u32 s15, $0x1;
	[dreg:$0x5] =	wrdreg s31  }
.LBB2_8:
0x15: {  	[tilespmem:s18], [sflag:$0x2] =	stream.indirect.gather @!p1 [hbm4b:s1+s4], $0x80, s31, s4, $0xb8;
	[tilespmem:$0x1E800] =	vst v63  }
.LBB2_9:
0x16: {  	s0 =	stileid.u32;
	s3 =	sadd.s32 $0x1, s3  }
0x17: {  	[bflag:$0x0] =	sbarrier.arrive $0xFFFF;
	s0 =	sshll.u32 s0, $0x6;
	p1 =	sne.s32 s3, s21  }
.Ltmp1:
0x18: {  	s4 =	sshrl.u32 s7, $0x3;
	s0 =	sor.u32 $0x1C03, s0;
	(pc) =	sbr.rel @!p1 .LBB2_10-.Ltmp1, $4  }
0x19: {  	[hbm:s22], [sflag:s0] =	dma.local [spmem:s4], $0x2800  }
0x1a: {  	_ =	swait.ge [sflag:s24], $0x2800  }
0x1b: {  	[sflag:s24] =	ssyncset.done $0x0  }
0x1c: {  	[sflag:s24] =	ssyncadd.s32 $0xFFFFD800  }
.LBB2_1:
0x1d: {  	s0 =	simm.s32 $0x0;
	s4 =	simm.s32 $0x200  }
.LBB2_2:
0x1e: {  	p1 =	sne.s32 s4, $0xFE00;
	[tilespmem:s0+$0x2870] =	vst v0  }
0x1f: {  	[tilespmem:s0+$0x2800] =	vst v0  }
0x20: {  	[tilespmem:s0+$0x2810] =	vst v0  }
.Ltmp2:
0x21: {  	[tilespmem:s0+$0x2820] =	vst v0;
	(pc) =	sbr.rel @p1 .LBB2_2-.Ltmp2, $4  }
0x22: {  	[tilespmem:s0+$0x2830] =	vst v0  }
0x23: {  	[tilespmem:s0+$0x2840] =	vst v0  }
0x24: {  	[tilespmem:s0+$0x2850] =	vst v0  }
0x25: {  	[tilespmem:s0+$0x2860] =	vst v0;
	s0 =	sshra.s32 s4, $0x2;
	s4 =	sadd.s32 $0x200, s4  }
0x26: {  	[tilespmem:s0+$0x2870] =	vst v0  }
0x27: {  	[tilespmem:s0+$0x2800] =	vst v0  }
0x28: {  	[tilespmem:s0+$0x2810] =	vst v0  }
0x29: {  	[tilespmem:s0+$0x2820] =	vst v0  }
0x2a: {  	[tilespmem:s0+$0x2830] =	vst v0  }
0x2b: {  	[tilespmem:s0+$0x2840] =	vst v0  }
0x2c: {  	[tilespmem:s0+$0x2850] =	vst v0  }
0x2d: {  	[tilespmem:s0+$0x2860] =	vst v0  }
0x2e: {  	[spmem:s7] =	stream.linear.scatter [tilespmem:s23], [sflag:$0x3], $0x4000, $0x38;
	[tilespmem:$0x1E800] =	vst v63  }
0x2f: {  	_ =	swait.ge [sflag:s24], $0x4000  }
0x30: {  	[sflag:s24] =	ssyncset.done $0x0  }
0x31: {  	[sflag:s24] =	ssyncadd.s32 $0xFFFFC000  }
0x32: {  	[spmem:s8] =	stream.linear.scatter [tilespmem:s23], [sflag:$0x3], $0x4000, $0x38;
	[tilespmem:$0x1E800] =	vst v63  }
0x33: {  	_ =	swait.ge [sflag:s24], $0x4000  }
0x34: {  	[sflag:s24] =	ssyncset.done $0x0  }
0x35: {  	[sflag:s24] =	ssyncadd.s32 $0xFFFFC000  }
0x36: {  	[spmem:s9] =	stream.linear.scatter [tilespmem:s23], [sflag:$0x3], $0x4000, $0x38;
	[tilespmem:$0x1E800] =	vst v63  }
0x37: {  	_ =	swait.ge [sflag:s24], $0x4000  }
0x38: {  	[sflag:s24] =	ssyncset.done $0x0  }
0x39: {  	[sflag:s24] =	ssyncadd.s32 $0xFFFFC000  }
0x3a: {  	[spmem:s10] =	stream.linear.scatter [tilespmem:s23], [sflag:$0x3], $0x4000, $0x38;
	[tilespmem:$0x1E800] =	vst v63  }
0x3b: {  	_ =	swait.ge [sflag:s24], $0x4000  }
0x3c: {  	[sflag:s24] =	ssyncset.done $0x0  }
0x3d: {  	[sflag:s24] =	ssyncadd.s32 $0xFFFFC000  }
0x3e: {  	[spmem:s12] =	stream.linear.scatter [tilespmem:s23], [sflag:$0x3], $0x4000, $0x38;
	[tilespmem:$0x1E800] =	vst v63  }
0x3f: {  	_ =	swait.ge [sflag:s24], $0x4000  }
0x40: {  	[sflag:s24] =	ssyncset.done $0x0  }
0x41: {  	[sflag:s24] =	ssyncadd.s32 $0xFFFFC000  }
0x42: {  	s0 =	simm.s32 @p0 $0x0;
	s4 =	simm.s32 @p0 $0x3;
	[bflag:$0x0] =	sbarrier.arrive $0xFFFF  }
0x43: {  	[tilespmem:s0], [sflag:$0x3] =	stream.linear.gather @p0 [hbm4b:s16+s0], $0x800, $0x38;
	[tilespmem:$0x1E800] =	vst v63  }
0x44: {  	_ =	swait.ge @p0 [sflag:s4], $0x800  }
0x45: {  	[sflag:s4] =	ssyncset.done @p0 $0x0  }
0x46: {  	s18 =	simm.s32 @p0 $0x1400;
	[sflag:s4] =	ssyncadd.s32 @p0 $0xFFFFF800  }
0x47: {  	[tilespmem:s18], [sflag:$0x3] =	stream.linear.gather @p0 [hbm4b:s17+s0], $0x800, $0x38;
	[tilespmem:$0x1E800] =	vst v63  }
0x48: {  	_ =	swait.ge @p0 [sflag:s4], $0x800  }
0x49: {  	[sflag:s4] =	ssyncset.done @p0 $0x0  }
0x4a: {  	s18 =	simm.s32 @p0 $0x800;
	[sflag:s4] =	ssyncadd.s32 @p0 $0xFFFFF800  }
0x4b: {  	[tilespmem:s18], [sflag:$0x3] =	stream.linear.gather @p0 [hbm4b:s5+s0], $0x200, $0x38;
	[tilespmem:$0x1E800] =	vst v63  }
0x4c: {  	_ =	swait.ge @p0 [sflag:s4], $0x200  }
0x4d: {  	[sflag:s4] =	ssyncset.done @p0 $0x0  }
0x4e: {  	s18 =	simm.s32 @p0 $0x1C00;
	[sflag:s4] =	ssyncadd.s32 @p0 $0xFFFFFE00  }
0x4f: {  	[tilespmem:s18], [sflag:$0x3] =	stream.linear.gather @p0 [hbm4b:s6+s0], $0x200, $0x38;
	[tilespmem:$0x1E800] =	vst v63  }
0x50: {  	_ =	swait.ge @p0 [sflag:s4], $0x200  }
0x51: {  	[sflag:s4] =	ssyncset.done @p0 $0x0  }
0x52: {  	s0 =	simm.s32 @!p0 $0x0;
	[sflag:s4] =	ssyncadd.s32 @p0 $0xFFFFFE00;
	s4 =	simm.s32 @!p0 $0x3  }
0x53: {  	[tilespmem:s0], [sflag:$0x3] =	stream.linear.gather @!p0 [hbm4b:s13+s0], $0x1400, $0x38;
	[tilespmem:$0x1E800] =	vst v63  }
0x54: {  	_ =	swait.ge @!p0 [sflag:s4], $0x1400  }
0x55: {  	[sflag:s4] =	ssyncset.done @!p0 $0x0  }
0x56: {  	s18 =	simm.s32 @!p0 $0x1400;
	[sflag:s4] =	ssyncadd.s32 @!p0 $0xFFFFEC00  }
0x57: {  	[tilespmem:s18], [sflag:$0x3] =	stream.linear.gather @!p0 [hbm4b:s14+s0], $0x1400, $0x38;
	[tilespmem:$0x1E800] =	vst v63  }
0x58: {  	_ =	swait.ge @!p0 [sflag:s4], $0x1400  }
0x59: {  	[sflag:s4] =	ssyncset.done @!p0 $0x0  }
0x5a: {  	s18 =	simm.s32 $0x0;
	[sflag:s4] =	ssyncadd.s32 @!p0 $0xFFFFEC00  }
0x5b: {  	[tilespmem:s23], [sflag:$0x1] =	stream.indirect.gather [hbm4b:s1+s25], $0x80, s18, s25, $0xb8;
	[tilespmem:$0x1E800] =	vst v63  }
0x5c: {  	s19 =	simm.s32 $0x6800  }
0x5d: {  	[tilespmem:s19], [sflag:$0x2] =	stream.indirect.gather [hbm4b:s1+s25], $0x80, s25, s25, $0xb8;
	[tilespmem:$0x1E800] =	vst v63  }
0x5e: {  	_ =	swait.ge [sflag:s28], $0x4000  }
0x5f: {  	[sflag:s28] =	ssyncset.done $0x0  }
0x60: {  	s26 =	simm.s32 $0x1400;
	[sflag:s28] =	ssyncadd.s32 $0xFFFFC000  }
0x61: {  	[spmem:s2] =	stream.indirect.scatter.add.f32 [tilespmem:s23], [sflag:$0x3], $0x80, s26, s25, $0xb8;
	[tilespmem:$0x1E800] =	vst v63  }
0x62: {  	_ =	swait.ge [sflag:s24], $0x4000  }
0x63: {  	p1 =	sle.u32 s11, $0x1;
	[sflag:s24] =	ssyncset.done $0x0  }
0x64: {  	s0 =	simm.s32 @p1 $0x2;
	[sflag:s24] =	ssyncadd.s32 $0xFFFFC000  }
0x65: {  	_ =	swait.ge @p1 [sflag:s0], $0x4000  }
0x66: {  	s29 =	simm.s32 $0x1480;
	s4 =	simm.s32 @p1 $0x3;
	[sflag:s0] =	ssyncset.done @p1 $0x0  }
0x67: {  	s18 =	simm.s32 @p1 $0x6800;
	[sflag:s0] =	ssyncadd.s32 @p1 $0xFFFFC000;
	s0 =	simm.s32 @p1 $0x80  }
0x68: {  	[spmem:s2] =	stream.indirect.scatter.add.f32 @p1 [tilespmem:s18], [sflag:$0x3], $0x80, s29, s0, $0xb8;
	[tilespmem:$0x1E800] =	vst v63  }
0x69: {  	_ =	swait.ge @p1 [sflag:s4], $0x4000  }
0x6a: {  	s30 =	simm.s32 @!p1 $0x100;
	s0 =	simm.s32 @!p1 $0x2800;
	[sflag:s4] =	ssyncset.done @p1 $0x0  }
0x6b: {  	s18 =	simm.s32 @!p1 $0x2;
	[sflag:s4] =	ssyncadd.s32 @p1 $0xFFFFC000;
	s4 =	simm.s32 @!p1 $0x80  }
0x6c: {  	[tilespmem:s0], [sflag:$0x1] =	stream.indirect.gather @!p1 [hbm4b:s1+s4], $0x80, s30, s4, $0xb8;
	[tilespmem:$0x1E800] =	vst v63  }
0x6d: {  	_ =	swait.ge @!p1 [sflag:s18], $0x4000  }
0x6e: {  	p2 =	sne.s32 s11, $0x1;
	s0 =	simm.s32 @!p1 $0x3;
	[sflag:s18] =	ssyncset.done @!p1 $0x0  }
.Ltmp3:
0x6f: {  	[sflag:s18] =	ssyncadd.s32 @!p1 $0xFFFFC000;
	s18 =	simm.s32 @!p1 $0x6800;
	(pc) =	sbr.rel @!p2 .LBB2_5-.Ltmp3, $4  }
0x70: {  	[spmem:s2] =	stream.indirect.scatter.add.f32 @!p1 [tilespmem:s18], [sflag:$0x3], $0x80, s29, s4, $0xb8;
	[tilespmem:$0x1E800] =	vst v63  }
0x71: {  	_ =	swait.ge @!p1 [sflag:s0], $0x4000  }
0x72: {  	s31 =	simm.s32 $0x180;
	s30 =	simm.s32 $0x1;
	[sflag:s0] =	ssyncset.done @!p1 $0x0  }
0x73: {  	s29 =	simm.s32 $0x1580;
	[sflag:s0] =	ssyncadd.s32 @!p1 $0xFFFFC000;
	s0 =	simm.s32 $0x280  }
.LBB2_4:
0x74: {  	[tilespmem:s18], [sflag:$0x2] =	stream.indirect.gather @!p1 [hbm4b:s1+s4], $0x80, s31, s4, $0xb8;
	[tilespmem:$0x1E800] =	vst v63  }
0x75: {  	s30 =	sadd.s32 $0x1, s30;
	s31 =	smov.u32 s0;
	_ =	swait.ge [sflag:s28], $0x4000  }
0x76: {  	p2 =	sne.s32 s11, s30;
	[sflag:s28] =	ssyncset.done $0x0  }
0x77: {  	s4 =	sadd.s32 $0xFFFFFF80, s29;
	[sflag:s28] =	ssyncadd.s32 $0xFFFFC000  }
0x78: {  	[spmem:s2] =	stream.indirect.scatter.add.f32 [tilespmem:s23], [sflag:$0x3], $0x80, s4, s25, $0xb8;
	[tilespmem:$0x1E800] =	vst v63  }
0x79: {  	_ =	swait.ge [sflag:s24], $0x4000  }
0x7a: {  	p1 =	sge.u32 s30, s11;
	[sflag:s24] =	ssyncset.done $0x0  }
0x7b: {  	s4 =	simm.s32 @p1 $0x2;
	[sflag:s24] =	ssyncadd.s32 $0xFFFFC000  }
0x7c: {  	_ =	swait.ge @p1 [sflag:s4], $0x4000  }
0x7d: {  	s18 =	simm.s32 @p1 $0x3;
	[sflag:s4] =	ssyncset.done @p1 $0x0  }
0x7e: {  	s19 =	simm.s32 @p1 $0x6800;
	[sflag:s4] =	ssyncadd.s32 @p1 $0xFFFFC000;
	s4 =	simm.s32 @p1 $0x80  }
0x7f: {  	[spmem:s2] =	stream.indirect.scatter.add.f32 @p1 [tilespmem:s19], [sflag:$0x3], $0x80, s29, s4, $0xb8;
	[tilespmem:$0x1E800] =	vst v63  }
0x80: {  	_ =	swait.ge @p1 [sflag:s18], $0x4000  }
0x81: {  	s26 =	simm.s32 @!p1 $0x2;
	s19 =	simm.s32 @!p1 $0x2800;
	[sflag:s18] =	ssyncset.done @p1 $0x0  }
0x82: {  	s4 =	simm.s32 @!p1 $0x80;
	[sflag:s18] =	ssyncadd.s32 @p1 $0xFFFFC000;
	s18 =	sadd.s32 @!p1 $0xFFFFFF80, s0  }
0x83: {  	[tilespmem:s19], [sflag:$0x1] =	stream.indirect.gather @!p1 [hbm4b:s1+s4], $0x80, s18, s4, $0xb8;
	[tilespmem:$0x1E800] =	vst v63  }
0x84: {  	_ =	swait.ge @!p1 [sflag:s26], $0x4000  }
0x85: {  	s19 =	simm.s32 @!p1 $0x3;
	[sflag:s26] =	ssyncset.done @!p1 $0x0  }
.Ltmp4:
0x86: {  	s18 =	simm.s32 @!p1 $0x6800;
	[sflag:s26] =	ssyncadd.s32 @!p1 $0xFFFFC000;
	(pc) =	sbr.rel @p2 .LBB2_4-.Ltmp4, $4  }
0x87: {  	[spmem:s2] =	stream.indirect.scatter.add.f32 @!p1 [tilespmem:s18], [sflag:$0x3], $0x80, s29, s4, $0xb8;
	[tilespmem:$0x1E800] =	vst v63  }
0x88: {  	_ =	swait.ge @!p1 [sflag:s19], $0x4000  }
0x89: {  	[sflag:s19] =	ssyncset.done @!p1 $0x0  }
0x8a: {  	s0 =	sadd.s32 $0x100, s0;
	s29 =	sadd.s32 $0x100, s29;
	[sflag:s19] =	ssyncadd.s32 @!p1 $0xFFFFC000  }
.LBB2_5:
.Ltmp5:
0x8b: {  	(pc) =	sbr.rel @p0 .LBB2_9-.Ltmp5, $2  }
0x8c: {  	_ =	sdelay $0x2  }
0x8d: {  	[tilespmem:s18], [sflag:$0x2] =	stream.indirect.gather @!p1 [hbm4b:s1+s4], $0x80, s31, s4, $0xb8;
	[tilespmem:$0x1E800] =	vst v63  }
0x8e: {  	s0 =	simm.s32 $0x0;
	s4 =	rddreg [dreg:$0x4]  }
0x8f: {  	[tilespmem:s0], [sflag:$0x3] =	stream.linear.gather [hbm4b:s4+s0], $0x1400, $0x38;
	[tilespmem:$0x1E800] =	vst v63  }
0x90: {  	_ =	swait.ge [sflag:s24], $0x1400  }
0x91: {  	[sflag:s24] =	ssyncset.done $0x0  }
0x92: {  	s18 =	simm.s32 $0x1400;
	s26 =	rddreg [dreg:$0x5];
	[sflag:s24] =	ssyncadd.s32 $0xFFFFEC00  }
0x93: {  	[tilespmem:s18], [sflag:$0x3] =	stream.linear.gather [hbm4b:s26+s0], $0x1400, $0x38;
	[tilespmem:$0x1E800] =	vst v63  }
0x94: {  	_ =	swait.ge [sflag:s24], $0x1400  }
0x95: {  	[sflag:s24] =	ssyncset.done $0x0  }
0x96: {  	[sflag:s24] =	ssyncadd.s32 $0xFFFFEC00  }
0x97: {  	[tilespmem:s23], [sflag:$0x1] =	stream.indirect.gather [hbm4b:s1+s25], $0x80, s0, s25, $0xb8;
	[tilespmem:$0x1E800] =	vst v63  }
0x98: {  	s19 =	simm.s32 $0x6800  }
0x99: {  	[tilespmem:s19], [sflag:$0x2] =	stream.indirect.gather [hbm4b:s1+s25], $0x80, s25, s25, $0xb8;
	[tilespmem:$0x1E800] =	vst v63  }
0x9a: {  	_ =	swait.ge [sflag:s28], $0x4000  }
0x9b: {  	[sflag:s28] =	ssyncset.done $0x0  }
0x9c: {  	s26 =	simm.s32 $0x1400;
	[sflag:s28] =	ssyncadd.s32 $0xFFFFC000  }
0x9d: {  	[spmem:s2] =	stream.indirect.scatter.add.f32 [tilespmem:s23], [sflag:$0x3], $0x80, s26, s25, $0xb8;
	[tilespmem:$0x1E800] =	vst v63  }
0x9e: {  	_ =	swait.ge [sflag:s24], $0x4000  }
0x9f: {  	p1 =	sle.u32 s15, $0x1;
	[sflag:s24] =	ssyncset.done $0x0  }
0xa0: {  	s0 =	simm.s32 @p1 $0x2;
	[sflag:s24] =	ssyncadd.s32 $0xFFFFC000  }
0xa1: {  	_ =	swait.ge @p1 [sflag:s0], $0x4000  }
0xa2: {  	s4 =	simm.s32 @p1 $0x3;
	s18 =	simm.s32 @p1 $0x6800;
	[sflag:s0] =	ssyncset.done @p1 $0x0  }
0xa3: {  	s19 =	simm.s32 $0x1480;
	[sflag:s0] =	ssyncadd.s32 @p1 $0xFFFFC000;
	s0 =	simm.s32 @p1 $0x80  }
0xa4: {  	[spmem:s2] =	stream.indirect.scatter.add.f32 @p1 [tilespmem:s18], [sflag:$0x3], $0x80, s19, s0, $0xb8;
	[tilespmem:$0x1E800] =	vst v63  }
0xa5: {  	_ =	swait.ge @p1 [sflag:s4], $0x4000  }
0xa6: {  	s26 =	simm.s32 @!p1 $0x100;
	s0 =	simm.s32 @!p1 $0x2800;
	[sflag:s4] =	ssyncset.done @p1 $0x0  }
0xa7: {  	s18 =	simm.s32 @!p1 $0x2;
	[sflag:s4] =	ssyncadd.s32 @p1 $0xFFFFC000;
	s4 =	simm.s32 @!p1 $0x80  }
0xa8: {  	[tilespmem:s0], [sflag:$0x1] =	stream.indirect.gather @!p1 [hbm4b:s1+s4], $0x80, s26, s4, $0xb8;
	[tilespmem:$0x1E800] =	vst v63  }
0xa9: {  	_ =	swait.ge @!p1 [sflag:s18], $0x4000  }
0xaa: {  	p2 =	sne.s32 s20, $0x1;
	s0 =	simm.s32 @!p1 $0x3;
	[sflag:s18] =	ssyncset.done @!p1 $0x0  }
.Ltmp6:
0xab: {  	[sflag:s18] =	ssyncadd.s32 @!p1 $0xFFFFC000;
	s18 =	simm.s32 @!p1 $0x6800;
	(pc) =	sbr.rel @!p2 .LBB2_8-.Ltmp6, $4  }
0xac: {  	[spmem:s2] =	stream.indirect.scatter.add.f32 @!p1 [tilespmem:s18], [sflag:$0x3], $0x80, s19, s4, $0xb8;
	[tilespmem:$0x1E800] =	vst v63  }
0xad: {  	_ =	swait.ge @!p1 [sflag:s0], $0x4000  }
0xae: {  	s31 =	simm.s32 $0x180;
	s30 =	simm.s32 $0x1;
	[sflag:s0] =	ssyncset.done @!p1 $0x0  }
0xaf: {  	s29 =	simm.s32 $0x1580;
	[sflag:s0] =	ssyncadd.s32 @!p1 $0xFFFFC000;
	s0 =	simm.s32 $0x280  }
.LBB2_7:
0xb0: {  	[tilespmem:s18], [sflag:$0x2] =	stream.indirect.gather @!p1 [hbm4b:s1+s4], $0x80, s31, s4, $0xb8;
	[tilespmem:$0x1E800] =	vst v63  }
0xb1: {  	s30 =	sadd.s32 $0x1, s30;
	s31 =	smov.u32 s0;
	_ =	swait.ge [sflag:s28], $0x4000  }
0xb2: {  	p2 =	sne.s32 s20, s30;
	[sflag:s28] =	ssyncset.done $0x0  }
0xb3: {  	s4 =	sadd.s32 $0xFFFFFF80, s29;
	[sflag:s28] =	ssyncadd.s32 $0xFFFFC000  }
0xb4: {  	[spmem:s2] =	stream.indirect.scatter.add.f32 [tilespmem:s23], [sflag:$0x3], $0x80, s4, s25, $0xb8;
	[tilespmem:$0x1E800] =	vst v63  }
0xb5: {  	_ =	swait.ge [sflag:s24], $0x4000  }
0xb6: {  	p1 =	sge.u32 s30, s15;
	[sflag:s24] =	ssyncset.done $0x0  }
0xb7: {  	s4 =	simm.s32 @p1 $0x2;
	[sflag:s24] =	ssyncadd.s32 $0xFFFFC000  }
0xb8: {  	_ =	swait.ge @p1 [sflag:s4], $0x4000  }
0xb9: {  	s18 =	simm.s32 @p1 $0x3;
	[sflag:s4] =	ssyncset.done @p1 $0x0  }
0xba: {  	s19 =	simm.s32 @p1 $0x6800;
	[sflag:s4] =	ssyncadd.s32 @p1 $0xFFFFC000;
	s4 =	simm.s32 @p1 $0x80  }
0xbb: {  	[spmem:s2] =	stream.indirect.scatter.add.f32 @p1 [tilespmem:s19], [sflag:$0x3], $0x80, s29, s4, $0xb8;
	[tilespmem:$0x1E800] =	vst v63  }
0xbc: {  	_ =	swait.ge @p1 [sflag:s18], $0x4000  }
0xbd: {  	s26 =	simm.s32 @!p1 $0x2;
	s19 =	simm.s32 @!p1 $0x2800;
	[sflag:s18] =	ssyncset.done @p1 $0x0  }
0xbe: {  	s4 =	simm.s32 @!p1 $0x80;
	[sflag:s18] =	ssyncadd.s32 @p1 $0xFFFFC000;
	s18 =	sadd.s32 @!p1 $0xFFFFFF80, s0  }
0xbf: {  	[tilespmem:s19], [sflag:$0x1] =	stream.indirect.gather @!p1 [hbm4b:s1+s4], $0x80, s18, s4, $0xb8;
	[tilespmem:$0x1E800] =	vst v63  }
0xc0: {  	_ =	swait.ge @!p1 [sflag:s26], $0x4000  }
0xc1: {  	s19 =	simm.s32 @!p1 $0x3;
	[sflag:s26] =	ssyncset.done @!p1 $0x0  }
.Ltmp7:
0xc2: {  	s18 =	simm.s32 @!p1 $0x6800;
	[sflag:s26] =	ssyncadd.s32 @!p1 $0xFFFFC000;
	(pc) =	sbr.rel @p2 .LBB2_7-.Ltmp7, $4  }
0xc3: {  	[spmem:s2] =	stream.indirect.scatter.add.f32 @!p1 [tilespmem:s18], [sflag:$0x3], $0x80, s29, s4, $0xb8;
	[tilespmem:$0x1E800] =	vst v63  }
0xc4: {  	_ =	swait.ge @!p1 [sflag:s19], $0x4000  }
0xc5: {  	[sflag:s19] =	ssyncset.done @!p1 $0x0  }
0xc6: {  	s0 =	sadd.s32 $0x100, s0;
	s29 =	sadd.s32 $0x100, s29;
	[sflag:s19] =	ssyncadd.s32 @!p1 $0xFFFFC000  }
.Ltmp8:
0xc7: {  	_ = 	snop;
	(pc) =	sbr.rel .LBB2_8-.Ltmp8, $1  }
0xc8: {  	_ =	sdelay $0x3  }
.LBB2_10:
0xc9: {  	_ =	sfence.sel $0x180000  }
0xca: {  	[bflag:$0x0] =	sbarrier.arrive $0xFFFF  }
0xcb: {  	_ =	strace $0x9000004D  }
0xcc: {  	s0 =	stileid.u32;
	[bflag:$0x2] =	sbarrier.arrive $0xFFFF  }
0xcd: {  	p0 =	sne.s32 s0, $0x0;
	s0 =	rddreg [dreg:$0x3]  }
0xce: {  	s0 =	sadd.s32 @!p0 $0x100000, s0  }
0xcf: {  	[sflag:s0] =	ssyncadd.tile.s32 @!p0 $0x1;
	_ =	shalt  }
.Lfunc_end2:
_tile_overlayer_lowered:
.L_overlay_start_2:
0xd0: {  	(tag) =	ssettag $0x2  }
0xd1: {  	s0 =	rddreg [dreg:$0x0];
	s2 =	stileid.u32  }
0xd2: {  	s1 =	rddreg [dreg:$0x1];
	p0 =	sne.s32 s2, $0x0  }
0xd3: {  	s3 =	rddreg [dreg:$0x2];
	[bflag:$0x3] =	sbarrier.arrive $0xFFFF;
	s2 =	simm.s32 @!p0 $0x1C03  }
0xd4: {  	[timem:s3], [sflag:s2] =	dma.local @!p0 [hbm:s0], s1  }
0xd5: {  	s0 =	simm.s32 @!p0 $0x3  }
0xd6: {  	_ =	swait.ge @!p0 [sflag:s0], s1  }
0xd7: {  	s1 =	ssub.s32 @!p0 $0x0, s1;
	[sflag:s0] =	ssyncset.done @!p0 $0x0  }
0xd8: {  	[sflag:s0] =	ssyncadd.s32 @!p0 s1  }
0xd9: {  	[bflag:$0x3] =	sbarrier.arrive $0xFFFF  }
0xda: {  	_ =	shalt  }

// kernel: kernel.19.cloned.1.call-start
scs
__scs_entry_jumppad:
0x0: {  	(pc) =	sbr.rel $0x88, $3  }
0x1: {  	(tag) =	ssettag $0x0;
	lr =	simm.s32 $0x1  }
0x2: {  	[smem:$0x3F99] =	sst lr;
	_ =	strace $0xD0000000  }
0x3: {  	_ = 	snop  }
0x4: {  	_ = 	snop  }
0x5: {  	_ = 	snop  }
0x6: {  	_ = 	snop  }
0x7: {  	_ = 	snop  }
__scs_overlays_trampoline_lowered:
0x8: {  	[smem:$0x3FA8] =	sst s0  }
0x9: {  	[smem:$0x3FA9] =	sst s1  }
0xa: {  	[smem:$0x3FAA] =	sst s2  }
0xb: {  	[smem:$0x3FAB] =	sst s3  }
0xc: {  	[smem:$0x3FAC] =	sst s4  }
0xd: {  	[smem:$0x3FAD] =	sst s5  }
0xe: {  	[smem:$0x3FAE] =	sst s6  }
0xf: {  	[smem:$0x3FAF] =	sst s7  }
0x10: {  	[smem:$0x3FB0] =	sst s8  }
0x11: {  	[smem:$0x3FB1] =	sst s9;
	s0 =	simm.s32 @!p0 $0x0  }
0x12: {  	s1 =	sld [smem:$0x3F97];
	s0 =	simm.s32 @p0 $0x1  }
0x13: {  	[smem:$0x3FB2] =	sst s0;
	s0 =	simm.s32 @!p1 $0x0  }
0x14: {  	s2 =	sld [smem:$0x3F96];
	s0 =	simm.s32 @p1 $0x1  }
0x15: {  	[smem:$0x3FB3] =	sst s0;
	s0 =	simm.s32 @!p2 $0x0  }
0x16: {  	s3 =	sld [smem:$0x3FDB];
	s0 =	simm.s32 @p2 $0x1  }
0x17: {  	s4 =	simm.s32 $0x1BF5;
	[smem:$0x3FB5] =	sst s0  }
0x18: {  	s0 =	sld [smem:$0x3F98];
	_ =	swait.ge [sflag:s4], $0x0  }
0x19: {  	s7 =	sld [smem:$0x3F99]  }
0x1a: {  	s8 =	sadd.s32 $0xFFFFE003, lr  }
0x1b: {  	s9 =	sadd.s32 $0xFFFFFEF7, lr;
	s5 =	simm.s32 $0xFFFFFFFF;
	p2 =	slt.u32 s8, $0xFFFFF086  }
0x1c: {  	p1 =	slt.u32 s9, $0xF7A;
	s5 =	simm.s32 @!p2 $0x0  }
0x1d: {  	s5 =	simm.s32 @p1 $0x1;
	p0 =	seq.s32 s7, s2  }
0x1e: {  	s7 =	smul.u32 @!p0 $0xF7A, s2;
	p2 =	seq.s32 @!p0 s5, $0x0  }
0x1f: {  	s9 =	smul.u32 $0xF7A, s1;
	s8 =	simm.s32 @!p0 $0x1BF5;
	p2 =	por !p2, p0  }
0x20: {  	[sflag:s8] =	ssyncset.s32 @!p0 $0xFFFFF086;
	s6 =	sadd.s32 @!p0 s3, s7;
	s7 =	simm.s32 @!p0 $0x108  }
0x21: {  	s3 =	sadd.s32 s3, s9;
	s6 =	sadd.s32 @!p0 $0x88, s6;
	s7 =	simm.s32 @p2 $0x1082  }
0x22: {  	[simem:s7], [sflag:s8] =	dma.local @!p0 [hbm:s6], $0xF7A  }
0x23: {  	s9 =	sor.u32 $0xD0000000, s2;
	s6 =	simm.s32 $0x108;
	_ =	swait.ge @!p0 [sflag:s8], $0x0  }
0x24: {  	s3 =	sadd.s32 $0x88, s3;
	s6 =	simm.s32 @!p1 $0x1082;
	[sflag:s4] =	ssyncset.s32 $0xFFFFF086  }
0x25: {  	[simem:s6], [sflag:s4] =	dma.local [hbm:s3], $0xF7A  }
0x26: {  	[smem:$0x3F99] =	sst s1;
	(tag) =	ssettag s2;
	_ =	strace s9  }
0x27: {  	s1 =	sld [smem:$0x3FA9]  }
0x28: {  	s2 =	sld [smem:$0x3FAA]  }
0x29: {  	s4 =	sld [smem:$0x3FAC]  }
0x2a: {  	p0 =	seq.s32 s5, $0x0;
	s5 =	sld [smem:$0x3FAD]  }
0x2b: {  	s6 =	sld [smem:$0x3FAE]  }
0x2c: {  	s7 =	sld [smem:$0x3FAF]  }
0x2d: {  	s3 =	simm.s32 $0x108;
	s8 =	sld [smem:$0x3FB0]  }
0x2e: {  	s3 =	simm.s32 @!p0 $0x1082;
	s9 =	sld [smem:$0x3FB1]  }
0x2f: {  	lr =	sadd.s32 s0, s3;
	s0 =	sld [smem:$0x3FA8]  }
0x30: {  	s3 =	sld [smem:$0x3FAB]  }
0x31: {  	[smem:$0x3FB4] =	sst s10  }
0x32: {  	s10 =	sld [smem:$0x3FB2];
	_ =	sdelay $0x3  }
0x33: {  	p0 =	seq.s32 s10, $0x1;
	s10 =	sld [smem:$0x3FB4];
	_ =	sdelay $0x3  }
0x34: {  	[smem:$0x3FB4] =	sst s10  }
0x35: {  	s10 =	sld [smem:$0x3FB3];
	_ =	sdelay $0x3  }
0x36: {  	p1 =	seq.s32 s10, $0x1;
	s10 =	sld [smem:$0x3FB4];
	_ =	sdelay $0x3  }
0x37: {  	[smem:$0x3FB4] =	sst s10  }
0x38: {  	s10 =	sld [smem:$0x3FB5]  }
0x39: {  	_ = 	snop;
	(pc) =	sbr.ind lr, $3  }
0x3a: {  	_ = 	snop  }
0x3b: {  	_ = 	snop  }
0x3c: {  	p2 =	seq.s32 s10, $0x1;
	s10 =	sld [smem:$0x3FB4]  }
0x3d: {  	_ =	shalt  }
0x3e: {  	_ =	shalt  }
0x3f: {  	_ =	shalt  }
0x40: {  	_ =	shalt  }
0x41: {  	_ =	shalt  }
0x42: {  	_ =	shalt  }
0x43: {  	_ =	shalt  }
0x44: {  	_ =	shalt  }
0x45: {  	_ =	shalt  }
0x46: {  	_ =	shalt  }
0x47: {  	_ =	shalt  }
0x48: {  	_ =	shalt  }
0x49: {  	_ =	shalt  }
0x4a: {  	_ =	shalt  }
0x4b: {  	_ =	shalt  }
0x4c: {  	_ =	shalt  }
0x4d: {  	_ =	shalt  }
0x4e: {  	_ =	shalt  }
0x4f: {  	_ =	shalt  }
0x50: {  	_ =	shalt  }
0x51: {  	_ =	shalt  }
0x52: {  	_ =	shalt  }
0x53: {  	_ =	shalt  }
0x54: {  	_ =	shalt  }
0x55: {  	_ =	shalt  }
0x56: {  	_ =	shalt  }
0x57: {  	_ =	shalt  }
0x58: {  	_ =	shalt  }
0x59: {  	_ =	shalt  }
0x5a: {  	_ =	shalt  }
0x5b: {  	_ =	shalt  }
0x5c: {  	_ =	shalt  }
0x5d: {  	_ =	shalt  }
0x5e: {  	_ =	shalt  }
0x5f: {  	_ =	shalt  }
0x60: {  	_ =	shalt  }
0x61: {  	_ =	shalt  }
0x62: {  	_ =	shalt  }
0x63: {  	_ =	shalt  }
0x64: {  	_ =	shalt  }
0x65: {  	_ =	shalt  }
0x66: {  	_ =	shalt  }
0x67: {  	_ =	shalt  }
0x68: {  	_ =	shalt  }
0x69: {  	_ =	shalt  }
0x6a: {  	_ =	shalt  }
0x6b: {  	_ =	shalt  }
0x6c: {  	_ =	shalt  }
0x6d: {  	_ =	shalt  }
0x6e: {  	_ =	shalt  }
0x6f: {  	_ =	shalt  }
0x70: {  	_ =	shalt  }
0x71: {  	_ =	shalt  }
0x72: {  	_ =	shalt  }
0x73: {  	_ =	shalt  }
0x74: {  	_ =	shalt  }
0x75: {  	_ =	shalt  }
0x76: {  	_ =	shalt  }
0x77: {  	_ =	shalt  }
0x78: {  	_ =	shalt  }
0x79: {  	_ =	shalt  }
0x7a: {  	_ =	shalt  }
0x7b: {  	_ =	shalt  }
0x7c: {  	_ =	shalt  }
0x7d: {  	_ =	shalt  }
0x7e: {  	_ =	shalt  }
0x7f: {  	_ =	shalt  }
0x80: {  	_ =	shalt  }
0x81: {  	_ =	shalt  }
0x82: {  	_ =	shalt  }
0x83: {  	_ =	shalt  }
0x84: {  	_ =	shalt  }
0x85: {  	_ =	shalt  }
0x86: {  	_ =	shalt  }
0x87: {  	_ =	shalt  }
.Lfunc_end0:
.L_simem_size_0:
called_computation.3_lowered:
.L_overlay_start_0:
0x88: {  	s2 =	sld [smem:$0x3FD9]  }
0x89: {  	s3 =	sld [smem:$0x3FFE];
	_ =	sdelay $0x1  }
0x8a: {  	s1 =	srdreg.scid  }
0x8b: {  	s0 =	sand.u32 $0x1, s1  }
0x8c: {  	s17 =	sshll.u32 s0, $0xA;
	s2 =	sadd.s32 s3, s2  }
0x8d: {  	s2 =	sadd.s32 s2, s17  }
0x8e: {  	[smem:$0x3FC0] =	sst s2  }
0x8f: {  	_ = 	snop  }
0x90: {  	s2 =	sld [smem:$0x3FD0];
	(tm) =	ssettm $0x1  }
0x91: {  	s18 =	sld [smem:$0x3FFB];
	_ =	sdelay $0x3  }
0x92: {  	_ =	strace s18  }
0x93: {  	s3 =	sld [smem:$0x3FFC];
	_ =	sdelay $0x3  }
0x94: {  	_ =	strace s3  }
0x95: {  	s3 =	sld [smem:$0x3FFD];
	_ =	sdelay $0x3  }
0x96: {  	_ =	strace s3  }
0x97: {  	_ =	strace $0x8FFFFFFF  }
0x98: {  	s19 =	sld [smem:$0x3FDB];
	_ =	sdelay $0x1  }
0x99: {  	s4 =	simm.s32 $_scs_section_size  }
0x9a: {  	s5 =	simm.s32 $_size__tile_overlayer_lowered;
	s6 =	simm.s32 $_tile_overlayer_lowered  }
0x9b: {  	s22 =	simm.s32 $0x1BFF;
	s21 =	sshll.u32 s6, $0x1;
	s3 =	sadd.s32 s4, s19  }
0x9c: {  	s7 =	simm.s32 $0x0;
	s20 =	sshll.u32 s5, $0x1;
	s5 =	sadd.s32 s21, s3  }
0x9d: {  	[timem:s7], [sflag:s22] =	dma.local [hbm:s5], s20  }
0x9e: {  	_ =	swait.ge [sflag:s22], s20  }
0x9f: {  	s4 =	ssub.s32 $0x0, s20;
	[sflag:s22] =	ssyncset.done $0x0  }
0xa0: {  	[sflag:s22] =	ssyncadd.s32 s4;
	_ =	sdelay $0x1  }
0xa1: {  	s23 =	simm.s32 $0x1B8B  }
0xa2: {  	_ =	swait.ge [sflag:s23], $0x1  }
0xa3: {  	[sflag:s23] =	ssyncset.done $0x0  }
0xa4: {  	s25 =	simm.s32 $0x1B8E;
	s24 =	sld [smem:$0x3FFE];
	[sflag:s23] =	ssyncadd.s32 $0xFFFFFFFF  }
0xa5: {  	s26 =	simm.s32 $execute0_lowered;
	[smem:$0x3FD2] =	sst s25  }
0xa6: {  	s5 =	sshll.u32 s26, $0x1;
	_ =	strace $0x8000004F;
	[dreg:$0x1] =	wrdreg $0xFFFFFFFF  }
0xa7: {  	s28 =	simm.s32 $_size_execute0_lowered;
	s3 =	sadd.s32 s3, s5;
	[dreg:$0x0] =	wrdreg $0x0  }
0xa8: {  	s5 =	sshll.u32 s28, $0x1;
	[dreg:$0x2] =	wrdreg s3  }
0xa9: {  	[dreg:$0x3] =	wrdreg s5  }
0xaa: {  	[dreg:$0x4] =	wrdreg $0xC0  }
0xab: {  	_ =	task [dreg:s7], $0x5FFFF  }
0xac: {  	[dreg:$0x1] =	wrdreg $0xFFFFFFFF  }
0xad: {  	[dreg:$0x0] =	wrdreg $0x60  }
0xae: {  	[dreg:$0x2] =	wrdreg s2  }
0xaf: {  	[dreg:$0x3] =	wrdreg s24  }
0xb0: {  	[dreg:$0x4] =	wrdreg $0xA8000  }
0xb1: {  	[dreg:$0x5] =	wrdreg $0x9  }
0xb2: {  	_ =	task.clear_ibuf [dreg:s7], $0x6FFFF;
	_ =	strace $0x9000004F  }
0xb3: {  	s29 =	simm.s32 $0x9;
	_ =	strace $0x80000051  }
0xb4: {  	_ =	swait.ge [sflag:s29], $0x1  }
0xb5: {  	[sflag:s29] =	ssyncadd.s32 $0xFFFFFFFF  }
0xb6: {  	_ =	strace $0x90000051  }
0xb7: {  	_ =	sfence  }
0xb8: {  	s30 =	sld [smem:$0x0];
	_ =	sdelay $0x2  }
0xb9: {  	s31 =	sshll.u32 s1, $0xD;
	s1 =	sshrl.u32 s1, $0x2  }
0xba: {  	s3 =	sand.u32 $0x4000, s31;
	s1 =	sadd.s32 s1, s30  }
0xbb: {  	s0 =	sor.u32 s3, s0;
	s1 =	sshll.u32 s1, $0x11  }
0xbc: {  	s0 =	sor.u32 s1, s0  }
0xbd: {  	s0 =	sadd.s32 $0x8F2B, s0  }
0xbe: {  	[sflag:s0] =	ssyncadd.remote.s32 $0x1  }
0xbf: {  	_ =	sfence.sel $0xFFFF  }
0xc0: {  	[dreg:$0x0] =	wrdreg $0xFFFFFFFF;
	(pc) =	sbr.abs _section_cstart, $3  }
0xc1: {  	[dreg:$0x1] =	wrdreg $0xFFFFFFFF  }
0xc2: {  	_ =	task.clear_ibuf [dreg:s7], $0x2FFFF;
	_ =	strace $0x9FFFFFFF  }
0xc3: {  	(tm) =	ssettm $0x7FFFFFFF  }
tec
execute0_lowered:
.L_overlay_start_1:
0x0: {  	(tag) =	ssettag $0x1  }
0x1: {  	s1 =	rddreg [dreg:$0x0]  }
0x2: {  	s0 =	rddreg [dreg:$0x1]  }
0x3: {  	s2 =	rddreg [dreg:$0x2];
	s3 =	simm.s32 $0x0  }
0x4: {  	s5 =	srdreg.scid;
	s23 =	stileid.u32;
	s11 =	simm.s32 $0xA  }
0x5: {  	s15 =	simm.s32 $0x0;
	s22 =	simm.s32 $0x91A00;
	s24 =	simm.s32 $0x3  }
0x6: {  	s25 =	simm.s32 $0x80;
	s28 =	simm.s32 $0x1;
	[smem:$0x7FF] =	sst s3  }
0x7: {  	s4 =	sadd.s32 $0x6200, s0;
	s18 =	sadd.s32 $0xFE00, s0;
	s19 =	sand.u32 $0x1, s5  }
0x8: {  	s7 =	smul.u32 $0x50000, s23;
	s5 =	sadd.s32 $0x5E00, s0;
	s6 =	sadd.s32 $0x6000, s0  }
0x9: {  	s17 =	sadd.s32 $0x19900, s0;
	_ =	strace $0x80000050;
	s8 =	ssub.s32 $0x2, s19  }
0xa: {  	s10 =	sshll.u32 s19, $0x4;
	p1 =	seq.s32 s19, $0x1;
	s9 =	sshrl.u32 s8, $0x1  }
0xb: {  	s7 =	sshrl.u32 s7, $0x2;
	s16 =	sor.u32 s23, s10;
	s23 =	smul.u32 $0x2800, s23  }
0xc: {  	s22 =	simm.s32 @!p1 $0x69A00;
	s21 =	ssub.s32 s8, s9;
	s14 =	smul.u32 $0x500, s16  }
0xd: {  	s7 =	sadd.s32 s7, s2;
	p0 =	seq.s32 s16, $0x1F;
	s20 =	smul.u32 $0x2800, s16  }
0xe: {  	s16 =	sadd.s32 $0xFD00, s0;
	s0 =	sadd.s32 s22, s0;
	s8 =	sadd.s32 $0x4000, s7  }
0xf: {  	s9 =	sadd.s32 $0x8000, s7;
	s10 =	sadd.s32 $0xC000, s7;
	s12 =	sadd.s32 $0x10000, s7  }
.Ltmp0:
0x10: {  	s11 =	simm.s32 @!p0 $0x14;
	s20 =	sshrl.u32 s20, $0x3;
	(pc) =	sbr.rel .LBB2_1-.Ltmp0, $4  }
0x11: {  	s15 =	simm.s32 @!p0 $0x14;
	s21 =	smax.u32 s21, $0x1;
	s30 =	sadd.s32 $0x280, s20  }
0x12: {  	s22 =	sadd.s32 s0, s23;
	s13 =	sadd.s32 s4, s14;
	s4 =	sadd.s32 s4, s30  }
0x13: {  	s23 =	simm.s32 $0x2800;
	s31 =	sadd.s32 s18, s30;
	[dreg:$0x4] =	wrdreg s4  }
0x14: {  	v0 =	vimm.f32 $0.0e+00;
	s14 =	sadd.s32 s18, s14;
	s20 =	smax.u32 s15, $0x1;
	[dreg:$0x5] =	wrdreg s31  }
.LBB2_8:
0x15: {  	[tilespmem:s18], [sflag:$0x2] =	stream.indirect.gather @!p1 [hbm4b:s1+s4], $0x80, s31, s4, $0xb8;
	[tilespmem:$0x1E800] =	vst v63  }
.LBB2_9:
0x16: {  	s0 =	stileid.u32;
	s3 =	sadd.s32 $0x1, s3  }
0x17: {  	[bflag:$0x0] =	sbarrier.arrive $0xFFFF;
	s0 =	sshll.u32 s0, $0x6;
	p1 =	sne.s32 s3, s21  }
.Ltmp1:
0x18: {  	s4 =	sshrl.u32 s7, $0x3;
	s0 =	sor.u32 $0x1C03, s0;
	(pc) =	sbr.rel @!p1 .LBB2_10-.Ltmp1, $4  }
0x19: {  	[hbm:s22], [sflag:s0] =	dma.local [spmem:s4], $0x2800  }
0x1a: {  	_ =	swait.ge [sflag:s24], $0x2800  }
0x1b: {  	[sflag:s24] =	ssyncset.done $0x0  }
0x1c: {  	[sflag:s24] =	ssyncadd.s32 $0xFFFFD800  }
.LBB2_1:
0x1d: {  	s0 =	simm.s32 $0x0;
	s4 =	simm.s32 $0x200  }
.LBB2_2:
0x1e: {  	p1 =	sne.s32 s4, $0xFE00;
	[tilespmem:s0+$0x2870] =	vst v0  }
0x1f: {  	[tilespmem:s0+$0x2800] =	vst v0  }
0x20: {  	[tilespmem:s0+$0x2810] =	vst v0  }
.Ltmp2:
0x21: {  	[tilespmem:s0+$0x2820] =	vst v0;
	(pc) =	sbr.rel @p1 .LBB2_2-.Ltmp2, $4  }
0x22: {  	[tilespmem:s0+$0x2830] =	vst v0  }
0x23: {  	[tilespmem:s0+$0x2840] =	vst v0  }
0x24: {  	[tilespmem:s0+$0x2850] =	vst v0  }
0x25: {  	[tilespmem:s0+$0x2860] =	vst v0;
	s0 =	sshra.s32 s4, $0x2;
	s4 =	sadd.s32 $0x200, s4  }
0x26: {  	[tilespmem:s0+$0x2870] =	vst v0  }
0x27: {  	[tilespmem:s0+$0x2800] =	vst v0  }
0x28: {  	[tilespmem:s0+$0x2810] =	vst v0  }
0x29: {  	[tilespmem:s0+$0x2820] =	vst v0  }
0x2a: {  	[tilespmem:s0+$0x2830] =	vst v0  }
0x2b: {  	[tilespmem:s0+$0x2840] =	vst v0  }
0x2c: {  	[tilespmem:s0+$0x2850] =	vst v0  }
0x2d: {  	[tilespmem:s0+$0x2860] =	vst v0  }
0x2e: {  	[spmem:s7] =	stream.linear.scatter [tilespmem:s23], [sflag:$0x3], $0x4000, $0x38;
	[tilespmem:$0x1E800] =	vst v63  }
0x2f: {  	_ =	swait.ge [sflag:s24], $0x4000  }
0x30: {  	[sflag:s24] =	ssyncset.done $0x0  }
0x31: {  	[sflag:s24] =	ssyncadd.s32 $0xFFFFC000  }
0x32: {  	[spmem:s8] =	stream.linear.scatter [tilespmem:s23], [sflag:$0x3], $0x4000, $0x38;
	[tilespmem:$0x1E800] =	vst v63  }
0x33: {  	_ =	swait.ge [sflag:s24], $0x4000  }
0x34: {  	[sflag:s24] =	ssyncset.done $0x0  }
0x35: {  	[sflag:s24] =	ssyncadd.s32 $0xFFFFC000  }
0x36: {  	[spmem:s9] =	stream.linear.scatter [tilespmem:s23], [sflag:$0x3], $0x4000, $0x38;
	[tilespmem:$0x1E800] =	vst v63  }
0x37: {  	_ =	swait.ge [sflag:s24], $0x4000  }
0x38: {  	[sflag:s24] =	ssyncset.done $0x0  }
0x39: {  	[sflag:s24] =	ssyncadd.s32 $0xFFFFC000  }
0x3a: {  	[spmem:s10] =	stream.linear.scatter [tilespmem:s23], [sflag:$0x3], $0x4000, $0x38;
	[tilespmem:$0x1E800] =	vst v63  }
0x3b: {  	_ =	swait.ge [sflag:s24], $0x4000  }
0x3c: {  	[sflag:s24] =	ssyncset.done $0x0  }
0x3d: {  	[sflag:s24] =	ssyncadd.s32 $0xFFFFC000  }
0x3e: {  	[spmem:s12] =	stream.linear.scatter [tilespmem:s23], [sflag:$0x3], $0x4000, $0x38;
	[tilespmem:$0x1E800] =	vst v63  }
0x3f: {  	_ =	swait.ge [sflag:s24], $0x4000  }
0x40: {  	[sflag:s24] =	ssyncset.done $0x0  }
0x41: {  	[sflag:s24] =	ssyncadd.s32 $0xFFFFC000  }
0x42: {  	s0 =	simm.s32 @p0 $0x0;
	s4 =	simm.s32 @p0 $0x3;
	[bflag:$0x0] =	sbarrier.arrive $0xFFFF  }
0x43: {  	[tilespmem:s0], [sflag:$0x3] =	stream.linear.gather @p0 [hbm4b:s16+s0], $0x800, $0x38;
	[tilespmem:$0x1E800] =	vst v63  }
0x44: {  	_ =	swait.ge @p0 [sflag:s4], $0x800  }
0x45: {  	[sflag:s4] =	ssyncset.done @p0 $0x0  }
0x46: {  	s18 =	simm.s32 @p0 $0x1400;
	[sflag:s4] =	ssyncadd.s32 @p0 $0xFFFFF800  }
0x47: {  	[tilespmem:s18], [sflag:$0x3] =	stream.linear.gather @p0 [hbm4b:s17+s0], $0x800, $0x38;
	[tilespmem:$0x1E800] =	vst v63  }
0x48: {  	_ =	swait.ge @p0 [sflag:s4], $0x800  }
0x49: {  	[sflag:s4] =	ssyncset.done @p0 $0x0  }
0x4a: {  	s18 =	simm.s32 @p0 $0x800;
	[sflag:s4] =	ssyncadd.s32 @p0 $0xFFFFF800  }
0x4b: {  	[tilespmem:s18], [sflag:$0x3] =	stream.linear.gather @p0 [hbm4b:s5+s0], $0x200, $0x38;
	[tilespmem:$0x1E800] =	vst v63  }
0x4c: {  	_ =	swait.ge @p0 [sflag:s4], $0x200  }
0x4d: {  	[sflag:s4] =	ssyncset.done @p0 $0x0  }
0x4e: {  	s18 =	simm.s32 @p0 $0x1C00;
	[sflag:s4] =	ssyncadd.s32 @p0 $0xFFFFFE00  }
0x4f: {  	[tilespmem:s18], [sflag:$0x3] =	stream.linear.gather @p0 [hbm4b:s6+s0], $0x200, $0x38;
	[tilespmem:$0x1E800] =	vst v63  }
0x50: {  	_ =	swait.ge @p0 [sflag:s4], $0x200  }
0x51: {  	[sflag:s4] =	ssyncset.done @p0 $0x0  }
0x52: {  	s0 =	simm.s32 @!p0 $0x0;
	[sflag:s4] =	ssyncadd.s32 @p0 $0xFFFFFE00;
	s4 =	simm.s32 @!p0 $0x3  }
0x53: {  	[tilespmem:s0], [sflag:$0x3] =	stream.linear.gather @!p0 [hbm4b:s13+s0], $0x1400, $0x38;
	[tilespmem:$0x1E800] =	vst v63  }
0x54: {  	_ =	swait.ge @!p0 [sflag:s4], $0x1400  }
0x55: {  	[sflag:s4] =	ssyncset.done @!p0 $0x0  }
0x56: {  	s18 =	simm.s32 @!p0 $0x1400;
	[sflag:s4] =	ssyncadd.s32 @!p0 $0xFFFFEC00  }
0x57: {  	[tilespmem:s18], [sflag:$0x3] =	stream.linear.gather @!p0 [hbm4b:s14+s0], $0x1400, $0x38;
	[tilespmem:$0x1E800] =	vst v63  }
0x58: {  	_ =	swait.ge @!p0 [sflag:s4], $0x1400  }
0x59: {  	[sflag:s4] =	ssyncset.done @!p0 $0x0  }
0x5a: {  	s18 =	simm.s32 $0x0;
	[sflag:s4] =	ssyncadd.s32 @!p0 $0xFFFFEC00  }
0x5b: {  	[tilespmem:s23], [sflag:$0x1] =	stream.indirect.gather [hbm4b:s1+s25], $0x80, s18, s25, $0xb8;
	[tilespmem:$0x1E800] =	vst v63  }
0x5c: {  	s19 =	simm.s32 $0x6800  }
0x5d: {  	[tilespmem:s19], [sflag:$0x2] =	stream.indirect.gather [hbm4b:s1+s25], $0x80, s25, s25, $0xb8;
	[tilespmem:$0x1E800] =	vst v63  }
0x5e: {  	_ =	swait.ge [sflag:s28], $0x4000  }
0x5f: {  	[sflag:s28] =	ssyncset.done $0x0  }
0x60: {  	s26 =	simm.s32 $0x1400;
	[sflag:s28] =	ssyncadd.s32 $0xFFFFC000  }
0x61: {  	[spmem:s2] =	stream.indirect.scatter.add.f32 [tilespmem:s23], [sflag:$0x3], $0x80, s26, s25, $0xb8;
	[tilespmem:$0x1E800] =	vst v63  }
0x62: {  	_ =	swait.ge [sflag:s24], $0x4000  }
0x63: {  	p1 =	sle.u32 s11, $0x1;
	[sflag:s24] =	ssyncset.done $0x0  }
0x64: {  	s0 =	simm.s32 @p1 $0x2;
	[sflag:s24] =	ssyncadd.s32 $0xFFFFC000  }
0x65: {  	_ =	swait.ge @p1 [sflag:s0], $0x4000  }
0x66: {  	s29 =	simm.s32 $0x1480;
	s4 =	simm.s32 @p1 $0x3;
	[sflag:s0] =	ssyncset.done @p1 $0x0  }
0x67: {  	s18 =	simm.s32 @p1 $0x6800;
	[sflag:s0] =	ssyncadd.s32 @p1 $0xFFFFC000;
	s0 =	simm.s32 @p1 $0x80  }
0x68: {  	[spmem:s2] =	stream.indirect.scatter.add.f32 @p1 [tilespmem:s18], [sflag:$0x3], $0x80, s29, s0, $0xb8;
	[tilespmem:$0x1E800] =	vst v63  }
0x69: {  	_ =	swait.ge @p1 [sflag:s4], $0x4000  }
0x6a: {  	s30 =	simm.s32 @!p1 $0x100;
	s0 =	simm.s32 @!p1 $0x2800;
	[sflag:s4] =	ssyncset.done @p1 $0x0  }
0x6b: {  	s18 =	simm.s32 @!p1 $0x2;
	[sflag:s4] =	ssyncadd.s32 @p1 $0xFFFFC000;
	s4 =	simm.s32 @!p1 $0x80  }
0x6c: {  	[tilespmem:s0], [sflag:$0x1] =	stream.indirect.gather @!p1 [hbm4b:s1+s4], $0x80, s30, s4, $0xb8;
	[tilespmem:$0x1E800] =	vst v63  }
0x6d: {  	_ =	swait.ge @!p1 [sflag:s18], $0x4000  }
0x6e: {  	p2 =	sne.s32 s11, $0x1;
	s0 =	simm.s32 @!p1 $0x3;
	[sflag:s18] =	ssyncset.done @!p1 $0x0  }
.Ltmp3:
0x6f: {  	[sflag:s18] =	ssyncadd.s32 @!p1 $0xFFFFC000;
	s18 =	simm.s32 @!p1 $0x6800;
	(pc) =	sbr.rel @!p2 .LBB2_5-.Ltmp3, $4  }
0x70: {  	[spmem:s2] =	stream.indirect.scatter.add.f32 @!p1 [tilespmem:s18], [sflag:$0x3], $0x80, s29, s4, $0xb8;
	[tilespmem:$0x1E800] =	vst v63  }
0x71: {  	_ =	swait.ge @!p1 [sflag:s0], $0x4000  }
0x72: {  	s31 =	simm.s32 $0x180;
	s30 =	simm.s32 $0x1;
	[sflag:s0] =	ssyncset.done @!p1 $0x0  }
0x73: {  	s29 =	simm.s32 $0x1580;
	[sflag:s0] =	ssyncadd.s32 @!p1 $0xFFFFC000;
	s0 =	simm.s32 $0x280  }
.LBB2_4:
0x74: {  	[tilespmem:s18], [sflag:$0x2] =	stream.indirect.gather @!p1 [hbm4b:s1+s4], $0x80, s31, s4, $0xb8;
	[tilespmem:$0x1E800] =	vst v63  }
0x75: {  	s30 =	sadd.s32 $0x1, s30;
	s31 =	smov.u32 s0;
	_ =	swait.ge [sflag:s28], $0x4000  }
0x76: {  	p2 =	sne.s32 s11, s30;
	[sflag:s28] =	ssyncset.done $0x0  }
0x77: {  	s4 =	sadd.s32 $0xFFFFFF80, s29;
	[sflag:s28] =	ssyncadd.s32 $0xFFFFC000  }
0x78: {  	[spmem:s2] =	stream.indirect.scatter.add.f32 [tilespmem:s23], [sflag:$0x3], $0x80, s4, s25, $0xb8;
	[tilespmem:$0x1E800] =	vst v63  }
0x79: {  	_ =	swait.ge [sflag:s24], $0x4000  }
0x7a: {  	p1 =	sge.u32 s30, s11;
	[sflag:s24] =	ssyncset.done $0x0  }
0x7b: {  	s4 =	simm.s32 @p1 $0x2;
	[sflag:s24] =	ssyncadd.s32 $0xFFFFC000  }
0x7c: {  	_ =	swait.ge @p1 [sflag:s4], $0x4000  }
0x7d: {  	s18 =	simm.s32 @p1 $0x3;
	[sflag:s4] =	ssyncset.done @p1 $0x0  }
0x7e: {  	s19 =	simm.s32 @p1 $0x6800;
	[sflag:s4] =	ssyncadd.s32 @p1 $0xFFFFC000;
	s4 =	simm.s32 @p1 $0x80  }
0x7f: {  	[spmem:s2] =	stream.indirect.scatter.add.f32 @p1 [tilespmem:s19], [sflag:$0x3], $0x80, s29, s4, $0xb8;
	[tilespmem:$0x1E800] =	vst v63  }
0x80: {  	_ =	swait.ge @p1 [sflag:s18], $0x4000  }
0x81: {  	s26 =	simm.s32 @!p1 $0x2;
	s19 =	simm.s32 @!p1 $0x2800;
	[sflag:s18] =	ssyncset.done @p1 $0x0  }
0x82: {  	s4 =	simm.s32 @!p1 $0x80;
	[sflag:s18] =	ssyncadd.s32 @p1 $0xFFFFC000;
	s18 =	sadd.s32 @!p1 $0xFFFFFF80, s0  }
0x83: {  	[tilespmem:s19], [sflag:$0x1] =	stream.indirect.gather @!p1 [hbm4b:s1+s4], $0x80, s18, s4, $0xb8;
	[tilespmem:$0x1E800] =	vst v63  }
0x84: {  	_ =	swait.ge @!p1 [sflag:s26], $0x4000  }
0x85: {  	s19 =	simm.s32 @!p1 $0x3;
	[sflag:s26] =	ssyncset.done @!p1 $0x0  }
.Ltmp4:
0x86: {  	s18 =	simm.s32 @!p1 $0x6800;
	[sflag:s26] =	ssyncadd.s32 @!p1 $0xFFFFC000;
	(pc) =	sbr.rel @p2 .LBB2_4-.Ltmp4, $4  }
0x87: {  	[spmem:s2] =	stream.indirect.scatter.add.f32 @!p1 [tilespmem:s18], [sflag:$0x3], $0x80, s29, s4, $0xb8;
	[tilespmem:$0x1E800] =	vst v63  }
0x88: {  	_ =	swait.ge @!p1 [sflag:s19], $0x4000  }
0x89: {  	[sflag:s19] =	ssyncset.done @!p1 $0x0  }
0x8a: {  	s0 =	sadd.s32 $0x100, s0;
	s29 =	sadd.s32 $0x100, s29;
	[sflag:s19] =	ssyncadd.s32 @!p1 $0xFFFFC000  }
.LBB2_5:
.Ltmp5:
0x8b: {  	(pc) =	sbr.rel @p0 .LBB2_9-.Ltmp5, $2  }
0x8c: {  	_ =	sdelay $0x2  }
0x8d: {  	[tilespmem:s18], [sflag:$0x2] =	stream.indirect.gather @!p1 [hbm4b:s1+s4], $0x80, s31, s4, $0xb8;
	[tilespmem:$0x1E800] =	vst v63  }
0x8e: {  	s0 =	simm.s32 $0x0;
	s4 =	rddreg [dreg:$0x4]  }
0x8f: {  	[tilespmem:s0], [sflag:$0x3] =	stream.linear.gather [hbm4b:s4+s0], $0x1400, $0x38;
	[tilespmem:$0x1E800] =	vst v63  }
0x90: {  	_ =	swait.ge [sflag:s24], $0x1400  }
0x91: {  	[sflag:s24] =	ssyncset.done $0x0  }
0x92: {  	s18 =	simm.s32 $0x1400;
	s26 =	rddreg [dreg:$0x5];
	[sflag:s24] =	ssyncadd.s32 $0xFFFFEC00  }
0x93: {  	[tilespmem:s18], [sflag:$0x3] =	stream.linear.gather [hbm4b:s26+s0], $0x1400, $0x38;
	[tilespmem:$0x1E800] =	vst v63  }
0x94: {  	_ =	swait.ge [sflag:s24], $0x1400  }
0x95: {  	[sflag:s24] =	ssyncset.done $0x0  }
0x96: {  	[sflag:s24] =	ssyncadd.s32 $0xFFFFEC00  }
0x97: {  	[tilespmem:s23], [sflag:$0x1] =	stream.indirect.gather [hbm4b:s1+s25], $0x80, s0, s25, $0xb8;
	[tilespmem:$0x1E800] =	vst v63  }
0x98: {  	s19 =	simm.s32 $0x6800  }
0x99: {  	[tilespmem:s19], [sflag:$0x2] =	stream.indirect.gather [hbm4b:s1+s25], $0x80, s25, s25, $0xb8;
	[tilespmem:$0x1E800] =	vst v63  }
0x9a: {  	_ =	swait.ge [sflag:s28], $0x4000  }
0x9b: {  	[sflag:s28] =	ssyncset.done $0x0  }
0x9c: {  	s26 =	simm.s32 $0x1400;
	[sflag:s28] =	ssyncadd.s32 $0xFFFFC000  }
0x9d: {  	[spmem:s2] =	stream.indirect.scatter.add.f32 [tilespmem:s23], [sflag:$0x3], $0x80, s26, s25, $0xb8;
	[tilespmem:$0x1E800] =	vst v63  }
0x9e: {  	_ =	swait.ge [sflag:s24], $0x4000  }
0x9f: {  	p1 =	sle.u32 s15, $0x1;
	[sflag:s24] =	ssyncset.done $0x0  }
0xa0: {  	s0 =	simm.s32 @p1 $0x2;
	[sflag:s24] =	ssyncadd.s32 $0xFFFFC000  }
0xa1: {  	_ =	swait.ge @p1 [sflag:s0], $0x4000  }
0xa2: {  	s4 =	simm.s32 @p1 $0x3;
	s18 =	simm.s32 @p1 $0x6800;
	[sflag:s0] =	ssyncset.done @p1 $0x0  }
0xa3: {  	s19 =	simm.s32 $0x1480;
	[sflag:s0] =	ssyncadd.s32 @p1 $0xFFFFC000;
	s0 =	simm.s32 @p1 $0x80  }
0xa4: {  	[spmem:s2] =	stream.indirect.scatter.add.f32 @p1 [tilespmem:s18], [sflag:$0x3], $0x80, s19, s0, $0xb8;
	[tilespmem:$0x1E800] =	vst v63  }
0xa5: {  	_ =	swait.ge @p1 [sflag:s4], $0x4000  }
0xa6: {  	s26 =	simm.s32 @!p1 $0x100;
	s0 =	simm.s32 @!p1 $0x2800;
	[sflag:s4] =	ssyncset.done @p1 $0x0  }
0xa7: {  	s18 =	simm.s32 @!p1 $0x2;
	[sflag:s4] =	ssyncadd.s32 @p1 $0xFFFFC000;
	s4 =	simm.s32 @!p1 $0x80  }
0xa8: {  	[tilespmem:s0], [sflag:$0x1] =	stream.indirect.gather @!p1 [hbm4b:s1+s4], $0x80, s26, s4, $0xb8;
	[tilespmem:$0x1E800] =	vst v63  }
0xa9: {  	_ =	swait.ge @!p1 [sflag:s18], $0x4000  }
0xaa: {  	p2 =	sne.s32 s20, $0x1;
	s0 =	simm.s32 @!p1 $0x3;
	[sflag:s18] =	ssyncset.done @!p1 $0x0  }
.Ltmp6:
0xab: {  	[sflag:s18] =	ssyncadd.s32 @!p1 $0xFFFFC000;
	s18 =	simm.s32 @!p1 $0x6800;
	(pc) =	sbr.rel @!p2 .LBB2_8-.Ltmp6, $4  }
0xac: {  	[spmem:s2] =	stream.indirect.scatter.add.f32 @!p1 [tilespmem:s18], [sflag:$0x3], $0x80, s19, s4, $0xb8;
	[tilespmem:$0x1E800] =	vst v63  }
0xad: {  	_ =	swait.ge @!p1 [sflag:s0], $0x4000  }
0xae: {  	s31 =	simm.s32 $0x180;
	s30 =	simm.s32 $0x1;
	[sflag:s0] =	ssyncset.done @!p1 $0x0  }
0xaf: {  	s29 =	simm.s32 $0x1580;
	[sflag:s0] =	ssyncadd.s32 @!p1 $0xFFFFC000;
	s0 =	simm.s32 $0x280  }
.LBB2_7:
0xb0: {  	[tilespmem:s18], [sflag:$0x2] =	stream.indirect.gather @!p1 [hbm4b:s1+s4], $0x80, s31, s4, $0xb8;
	[tilespmem:$0x1E800] =	vst v63  }
0xb1: {  	s30 =	sadd.s32 $0x1, s30;
	s31 =	smov.u32 s0;
	_ =	swait.ge [sflag:s28], $0x4000  }
0xb2: {  	p2 =	sne.s32 s20, s30;
	[sflag:s28] =	ssyncset.done $0x0  }
0xb3: {  	s4 =	sadd.s32 $0xFFFFFF80, s29;
	[sflag:s28] =	ssyncadd.s32 $0xFFFFC000  }
0xb4: {  	[spmem:s2] =	stream.indirect.scatter.add.f32 [tilespmem:s23], [sflag:$0x3], $0x80, s4, s25, $0xb8;
	[tilespmem:$0x1E800] =	vst v63  }
0xb5: {  	_ =	swait.ge [sflag:s24], $0x4000  }
0xb6: {  	p1 =	sge.u32 s30, s15;
	[sflag:s24] =	ssyncset.done $0x0  }
0xb7: {  	s4 =	simm.s32 @p1 $0x2;
	[sflag:s24] =	ssyncadd.s32 $0xFFFFC000  }
0xb8: {  	_ =	swait.ge @p1 [sflag:s4], $0x4000  }
0xb9: {  	s18 =	simm.s32 @p1 $0x3;
	[sflag:s4] =	ssyncset.done @p1 $0x0  }
0xba: {  	s19 =	simm.s32 @p1 $0x6800;
	[sflag:s4] =	ssyncadd.s32 @p1 $0xFFFFC000;
	s4 =	simm.s32 @p1 $0x80  }
0xbb: {  	[spmem:s2] =	stream.indirect.scatter.add.f32 @p1 [tilespmem:s19], [sflag:$0x3], $0x80, s29, s4, $0xb8;
	[tilespmem:$0x1E800] =	vst v63  }
0xbc: {  	_ =	swait.ge @p1 [sflag:s18], $0x4000  }
0xbd: {  	s26 =	simm.s32 @!p1 $0x2;
	s19 =	simm.s32 @!p1 $0x2800;
	[sflag:s18] =	ssyncset.done @p1 $0x0  }
0xbe: {  	s4 =	simm.s32 @!p1 $0x80;
	[sflag:s18] =	ssyncadd.s32 @p1 $0xFFFFC000;
	s18 =	sadd.s32 @!p1 $0xFFFFFF80, s0  }
0xbf: {  	[tilespmem:s19], [sflag:$0x1] =	stream.indirect.gather @!p1 [hbm4b:s1+s4], $0x80, s18, s4, $0xb8;
	[tilespmem:$0x1E800] =	vst v63  }
0xc0: {  	_ =	swait.ge @!p1 [sflag:s26], $0x4000  }
0xc1: {  	s19 =	simm.s32 @!p1 $0x3;
	[sflag:s26] =	ssyncset.done @!p1 $0x0  }
.Ltmp7:
0xc2: {  	s18 =	simm.s32 @!p1 $0x6800;
	[sflag:s26] =	ssyncadd.s32 @!p1 $0xFFFFC000;
	(pc) =	sbr.rel @p2 .LBB2_7-.Ltmp7, $4  }
0xc3: {  	[spmem:s2] =	stream.indirect.scatter.add.f32 @!p1 [tilespmem:s18], [sflag:$0x3], $0x80, s29, s4, $0xb8;
	[tilespmem:$0x1E800] =	vst v63  }
0xc4: {  	_ =	swait.ge @!p1 [sflag:s19], $0x4000  }
0xc5: {  	[sflag:s19] =	ssyncset.done @!p1 $0x0  }
0xc6: {  	s0 =	sadd.s32 $0x100, s0;
	s29 =	sadd.s32 $0x100, s29;
	[sflag:s19] =	ssyncadd.s32 @!p1 $0xFFFFC000  }
.Ltmp8:
0xc7: {  	_ = 	snop;
	(pc) =	sbr.rel .LBB2_8-.Ltmp8, $1  }
0xc8: {  	_ =	sdelay $0x3  }
.LBB2_10:
0xc9: {  	_ =	sfence.sel $0x180000  }
0xca: {  	[bflag:$0x0] =	sbarrier.arrive $0xFFFF  }
0xcb: {  	_ =	strace $0x90000050  }
0xcc: {  	s0 =	stileid.u32;
	[bflag:$0x2] =	sbarrier.arrive $0xFFFF  }
0xcd: {  	p0 =	sne.s32 s0, $0x0;
	s0 =	rddreg [dreg:$0x3]  }
0xce: {  	s0 =	sadd.s32 @!p0 $0x100000, s0  }
0xcf: {  	[sflag:s0] =	ssyncadd.tile.s32 @!p0 $0x1;
	_ =	shalt  }
.Lfunc_end2:
_tile_overlayer_lowered:
.L_overlay_start_2:
0xd0: {  	(tag) =	ssettag $0x2  }
0xd1: {  	s0 =	rddreg [dreg:$0x0];
	s2 =	stileid.u32  }
0xd2: {  	s1 =	rddreg [dreg:$0x1];
	p0 =	sne.s32 s2, $0x0  }
0xd3: {  	s3 =	rddreg [dreg:$0x2];
	[bflag:$0x3] =	sbarrier.arrive $0xFFFF;
	s2 =	simm.s32 @!p0 $0x1C03  }
0xd4: {  	[timem:s3], [sflag:s2] =	dma.local @!p0 [hbm:s0], s1  }
0xd5: {  	s0 =	simm.s32 @!p0 $0x3  }
0xd6: {  	_ =	swait.ge @!p0 [sflag:s0], s1  }
0xd7: {  	s1 =	ssub.s32 @!p0 $0x0, s1;
	[sflag:s0] =	ssyncset.done @!p0 $0x0  }
0xd8: {  	[sflag:s0] =	ssyncadd.s32 @!p0 s1  }
0xd9: {  	[bflag:$0x3] =	sbarrier.arrive $0xFFFF  }
0xda: {  	_ =	shalt  }

</sc_bundles>
